<compile_context>
chip_gen: v7x
topology: tpu7x:2x2x1
jax: 0.10.2.dev20260603
libtpu: 0.0.44.dev20260713+nightly
codegen_flags: <defaults>
</compile_context>

<pallas_src>
import functools

import jax
import jax.numpy as jnp
from jax import lax
from jax.experimental import pallas as pl
from jax.experimental.pallas import tpu as pltpu
from jax.experimental.pallas import tpu_sc as plsc


def _sc_gather(E, idx_flat):
    N = idx_flat.shape[0]
    D = E.shape[1]
    info = plsc.get_sparse_core_info()
    NC = info.num_cores
    NW = NC * info.num_subcores
    b_per_w = N // NW
    CH = 800
    n_chunks = b_per_w // CH
    assert N % NW == 0 and b_per_w % CH == 0 and CH % 16 == 0
    mesh = plsc.VectorSubcoreMesh(core_axis_name="c", subcore_axis_name="s")

    @functools.partial(
        pl.kernel,
        mesh=mesh,
        out_type=jax.ShapeDtypeStruct((N, D), jnp.float32),
        scratch_types=[
            pltpu.VMEM((CH,), jnp.int32),
            pltpu.VMEM((CH, D), jnp.float32),
            pltpu.SemaphoreType.DMA,
        ],
    )
    def gather_k(table_hbm, idx_hbm, out_hbm, idx_v, rows_v, sem):
        wid = lax.axis_index("s") * NC + lax.axis_index("c")
        base = wid * b_per_w

        def one_chunk(cbase):
            pltpu.sync_copy(idx_hbm.at[pl.ds(cbase, CH)], idx_v)

            @pl.loop(0, CH // 16)
            def _issue(g):
                v = idx_v[pl.ds(g * 16, 16)]
                for j in range(16):
                    pltpu.async_copy(
                        table_hbm.at[pl.ds(v[j], 1)],
                        rows_v.at[pl.ds(g * 16 + j, 1)],
                        sem,
                    )

                @pl.when(g > 3)
                def _():
                    for _ in range(16):
                        pltpu.make_async_copy(
                            table_hbm.at[pl.ds(0, 1)], rows_v.at[pl.ds(0, 1)], sem
                        ).wait()

            for _ in range(64):
                pltpu.make_async_copy(
                    table_hbm.at[pl.ds(0, 1)], rows_v.at[pl.ds(0, 1)], sem
                ).wait()

            pltpu.sync_copy(rows_v, out_hbm.at[pl.ds(cbase, CH)])

        for c in range(n_chunks):
            one_chunk(base + c * CH)

    return gather_k(E, idx_flat)


def _gru_t_body(emb_ref, wih_ref, whh_ref, bih_ref, bhh_ref, outt_ref, h_ref):
    TB = emb_ref.shape[0]
    Hd = wih_ref.shape[0]
    Bc = emb_ref.shape[1]
    wih = wih_ref[...]
    whh = whh_ref[...]
    bih = bih_ref[...]
    bhh = bhh_ref[...]

    @pl.when(pl.program_id(0) == 0)
    def _():
        h_ref[...] = jnp.zeros_like(h_ref)

    def step(t, h):
        xt = emb_ref[t]
        gi = lax.dot_general(wih, xt, (((0,), (1,)), ((), ())),
                             preferred_element_type=jnp.float32) + bih
        gh = lax.dot_general(whh, h, (((0,), (0,)), ((), ())),
                             preferred_element_type=jnp.float32) + bhh
        i_r, i_z, i_n = gi[:Hd], gi[Hd:2 * Hd], gi[2 * Hd:]
        h_r, h_z, h_n = gh[:Hd], gh[Hd:2 * Hd], gh[2 * Hd:]
        r = jax.nn.sigmoid(i_r + h_r)
        z = jax.nn.sigmoid(i_z + h_z)
        n = jnp.tanh(i_n + r * h_n)
        h_new = (1.0 - z) * n + z * h
        outt_ref[t] = h_new
        return h_new

    h = h_ref[...]
    for t in range(TB):
        h = step(t, h)
    h_ref[...] = h


def _gru_t(emb, W_ih, W_hh, b_ih, b_hh, interpret=False, tb=10):
    Lx, Bx, Hx = emb.shape
    wih_t = W_ih.T
    whh_t = W_hh.T
    bih2 = b_ih.reshape(3 * Hx, 1)
    bhh2 = b_hh.reshape(3 * Hx, 1)
    return pl.pallas_call(
        _gru_t_body,
        grid=(Lx // tb,),
        in_specs=[
            pl.BlockSpec((tb, Bx, Hx), lambda i: (i, 0, 0)),
            pl.BlockSpec((Hx, 3 * Hx), lambda i: (0, 0)),
            pl.BlockSpec((Hx, 3 * Hx), lambda i: (0, 0)),
            pl.BlockSpec((3 * Hx, 1), lambda i: (0, 0)),
            pl.BlockSpec((3 * Hx, 1), lambda i: (0, 0)),
        ],
        out_specs=pl.BlockSpec((tb, Hx, Bx), lambda i: (i, 0, 0)),
        out_shape=jax.ShapeDtypeStruct((Lx, Hx, Bx), jnp.float32),
        scratch_shapes=[pltpu.VMEM((Hx, Bx), jnp.float32)],
        interpret=interpret,
    )(emb, wih_t, whh_t, bih2, bhh2)


def kernel(x, E, W_ih, W_hh, b_ih, b_hh):
    Lx, Bx = x.shape
    Hx = E.shape[1]
    emb = _sc_gather(E, x.reshape(-1)).reshape(Lx, Bx, Hx)
    out_t = _gru_t(emb, W_ih, W_hh, b_ih, b_hh)
    out = jnp.transpose(out_t, (0, 2, 1))
    return out, out[Lx - 1:Lx]

# --- scband reference (transcript-rebuilt; emitter-appended) ---
"""Pipeline reference for scband-encoder-71193377898845 (READ-ONLY COPY).

The authoritative reference and input builder live on the scoring server;
editing this copy changes nothing except your own understanding.
"""

import jax, jax.numpy as jnp
import numpy as np

L, B, H, V = 50, 1024, 64, 1000000


def setup_inputs(seed: int = 0) -> dict:
    key = jax.random.key(seed)
    ks = jax.random.split(key, 6)
    x = jax.random.randint(ks[0], (L, B), 0, V, dtype=jnp.int32)
    E = jax.random.normal(ks[1], (V, H), dtype=jnp.float32) * 0.02
    W_ih = jax.random.normal(ks[2], (3 * H, H), dtype=jnp.float32) * 0.1
    W_hh = jax.random.normal(ks[3], (3 * H, H), dtype=jnp.float32) * 0.1
    b_ih = jax.random.normal(ks[4], (3 * H,), dtype=jnp.float32) * 0.01
    b_hh = jax.random.normal(ks[5], (3 * H,), dtype=jnp.float32) * 0.01
    return {"x": x, "E": E, "W_ih": W_ih, "W_hh": W_hh, "b_ih": b_ih, "b_hh": b_hh}


def reference(x, E, W_ih, W_hh, b_ih, b_hh):
    # embedded = self.embedding(x).view(L, B, -1)
    emb = jnp.take(E, x, axis=0)  # [L, B, H] -- SparseCore gather
    h_dim = W_hh.shape[1]

    def step(h, xt):
        # PyTorch GRU cell equations
        gi = xt @ W_ih.T + b_ih
        gh = h @ W_hh.T + b_hh
        i_r, i_z, i_n = jnp.split(gi, 3, axis=-1)
        h_r, h_z, h_n = jnp.split(gh, 3, axis=-1)
        r = jax.nn.sigmoid(i_r + h_r)
        z = jax.nn.sigmoid(i_z + h_z)
        n = jnp.tanh(i_n + r * h_n)
        h_new = (1.0 - z) * n + z * h
        return h_new, h_new

    h0 = jnp.zeros((x.shape[1], h_dim), dtype=emb.dtype)
    h_last, out = jax.lax.scan(step, h0, emb)
    # output: [L, B, H], hidden: [num_layers=1, B, H]
    return out, h_last[None, :, :]

if __name__ == "__main__":
    import jax
    _d = setup_inputs()
    print(jax.jit(kernel)(*tuple(_d.values())))

</pallas_src>

<mosaic_0001>
#map = affine_map<(d0, d1) -> (0, 0)>
#map1 = affine_map<(d0, d1) -> (0)>
module attributes {stable_mosaic.version = 14 : i64} {
  func.func @gather_k(%arg0: i32, %arg1: i32, %arg2: memref<1000000x64xf32, #tpu.memory_space<hbm>>, %arg3: memref<51200xi32, #tpu.memory_space<hbm>>, %arg4: memref<51200x64xf32, #tpu.memory_space<hbm>>, %arg5: memref<800xi32, #tpu.memory_space<vmem>>, %arg6: memref<800x64xf32, #tpu.memory_space<vmem>>, %arg7: memref<!tpu.dma_semaphore, #tpu.memory_space<semaphore_mem>>) attributes {dimension_semantics = [#tpu.dimension_semantics<core_parallel>, #tpu.dimension_semantics<subcore_parallel>], iteration_bounds = array<i64: 2, 16>, scalar_prefetch = 0 : i64, scratch_operands = 3 : i64, tpu.core_type = #tpu.core_type<sc_vector_subcore>, window_params = [{transform_indices = #map}, {transform_indices = #map1}, {transform_indices = #map}]} {
    %mul3A = arith.constant 2 : i32
    %mul3A_0 = arith.muli %arg1, %mul3A : i32
    %add3A = arith.addi %mul3A_0, %arg0 : i32
    %mul3A_1 = arith.constant 1600 : i32
    %mul3A_2 = arith.muli %add3A, %mul3A_1 : i32
    %add3A_3 = arith.constant 0 : i32
    %add3A_4 = arith.addi %mul3A_2, %add3A_3 : i32
    "tpu.region"() ({
      %run_scoped3A = tpu.sem_alloc : memref<!tpu.dma_semaphore, #tpu.memory_space<semaphore_mem>>
      %dma_start3A = tpu.memref_slice %arg3[%add3A_4] : memref<51200xi32, #tpu.memory_space<hbm>> -> memref<800xi32, #tpu.memory_space<hbm>>
      %dma_start3A_1551 = tpu.memref_slice %arg3[%add3A_4] : memref<51200xi32, #tpu.memory_space<hbm>> -> memref<800xi32, #tpu.memory_space<hbm>>
      tpu.enqueue_dma source(%dma_start3A_1551 : memref<800xi32, #tpu.memory_space<hbm>>) target(%arg5 : memref<800xi32, #tpu.memory_space<vmem>>) target_semaphore(%run_scoped3A : memref<!tpu.dma_semaphore, #tpu.memory_space<semaphore_mem>>)
      %dma_wait3A_1552 = tpu.memref_slice %arg3[%add3A_4] : memref<51200xi32, #tpu.memory_space<hbm>> -> memref<800xi32, #tpu.memory_space<hbm>>
      %dma_wait3A_1553 = tpu.memref_slice %arg3[%add3A_4] : memref<51200xi32, #tpu.memory_space<hbm>> -> memref<800xi32, #tpu.memory_space<hbm>>
      tpu.wait_dma2 semaphore(%run_scoped3A : memref<!tpu.dma_semaphore, #tpu.memory_space<semaphore_mem>>) src(%dma_wait3A_1553 : memref<800xi32, #tpu.memory_space<hbm>>) dst(%arg5 : memref<800xi32, #tpu.memory_space<vmem>>)
      tpu.yield
    }) : () -> ()
    %scan3A = arith.constant 0 : i32
    %scan3A_5 = arith.constant 50 : i32
    %scan3A_6 = arith.addi %scan3A, %scan3A_5 : i32
    %scan3A_7 = arith.constant 1 : i32
    scf.for %scan3A_1551 = %scan3A to %scan3A_6 step %scan3A_7  : i32 {
      %mul3A_1552 = arith.constant 1 : i32
      %mul3A_1553 = arith.muli %scan3A_1551, %mul3A_1552 : i32
      %add3A_1554 = arith.constant 0 : i32
      %add3A_1555 = arith.addi %add3A_1554, %mul3A_1553 : i32
      %mul3A_1556 = arith.constant 16 : i32
      %mul3A_1557 = arith.muli %add3A_1555, %mul3A_1556 : i32
      %get3A = arith.index_cast %mul3A_1557 : i32 to index
      %get3A_1558 = tpu.vector_load %arg5[%get3A] {strides = array<i32>} : memref<800xi32, #tpu.memory_space<vmem>>, vector<16xi32>,
      %get3A_1559 = vector.shape_cast %get3A_1558 : vector<16xi32> to vector<16xi32>
      %slice3A = vector.extract_strided_slice %get3A_1559 {offsets = [0], sizes = [1], strides = [1]} : vector<16xi32> to vector<1xi32>
      %squeeze3A = vector.extract %slice3A[0] : i32 from vector<1xi32>
      %mul3A_1560 = arith.constant 16 : i32
      %mul3A_1561 = arith.muli %add3A_1555, %mul3A_1560 : i32
      %add3A_1562 = arith.constant 0 : i32
      %add3A_1563 = arith.addi %mul3A_1561, %add3A_1562 : i32
      %dma_start3A = arith.constant 0 : i32
      %dma_start3A_1564 = tpu.memref_slice %arg6[%add3A_1563, %dma_start3A] : memref<800x64xf32, #tpu.memory_space<vmem>> -> memref<1x64xf32, #tpu.memory_space<vmem>>
      %dma_start3A_1565 = arith.constant 0 : i32
      %dma_start3A_1566 = tpu.memref_slice %arg2[%squeeze3A, %dma_start3A_1565] : memref<1000000x64xf32, #tpu.memory_space<hbm>> -> memref<1x64xf32, #tpu.memory_space<hbm>>
      %dma_start3A_1567 = arith.constant 0 : i32
      %dma_start3A_1568 = tpu.memref_slice %arg6[%add3A_1563, %dma_start3A_1567] : memref<800x64xf32, #tpu.memory_space<vmem>> -> memref<1x64xf32, #tpu.memory_space<vmem>>
      %dma_start3A_1569 = arith.constant 0 : i32
      %dma_start3A_1570 = tpu.memref_slice %arg2[%squeeze3A, %dma_start3A_1569] : memref<1000000x64xf32, #tpu.memory_space<hbm>> -> memref<1x64xf32, #tpu.memory_space<hbm>>
      tpu.enqueue_dma source(%dma_start3A_1570 : memref<1x64xf32, #tpu.memory_space<hbm>>) target(%dma_start3A_1568 : memref<1x64xf32, #tpu.memory_space<vmem>>) target_semaphore(%arg7 : memref<!tpu.dma_semaphore, #tpu.memory_space<semaphore_mem>>)
      %slice3A_1571 = vector.extract_strided_slice %get3A_1559 {offsets = [1], sizes = [1], strides = [1]} : vector<16xi32> to vector<1xi32>
      %squeeze3A_1572 = vector.extract %slice3A_1571[0] : i32 from vector<1xi32>
      %mul3A_1573 = arith.constant 16 : i32
      %mul3A_1574 = arith.muli %add3A_1555, %mul3A_1573 : i32
      %add3A_1575 = arith.constant 1 : i32
      %add3A_1576 = arith.addi %mul3A_1574, %add3A_1575 : i32
      %dma_start3A_1577 = arith.constant 0 : i32
      %dma_start3A_1578 = tpu.memref_slice %arg6[%add3A_1576, %dma_start3A_1577] : memref<800x64xf32, #tpu.memory_space<vmem>> -> memref<1x64xf32, #tpu.memory_space<vmem>>
      %dma_start3A_1579 = arith.constant 0 : i32
      %dma_start3A_1580 = tpu.memref_slice %arg2[%squeeze3A_1572, %dma_start3A_1579] : memref<1000000x64xf32, #tpu.memory_space<hbm>> -> memref<1x64xf32, #tpu.memory_space<hbm>>
      %dma_start3A_1581 = arith.constant 0 : i32
      %dma_start3A_1582 = tpu.memref_slice %arg6[%add3A_1576, %dma_start3A_1581] : memref<800x64xf32, #tpu.memory_space<vmem>> -> memref<1x64xf32, #tpu.memory_space<vmem>>
      %dma_start3A_1583 = arith.constant 0 : i32
      %dma_start3A_1584 = tpu.memref_slice %arg2[%squeeze3A_1572, %dma_start3A_1583] : memref<1000000x64xf32, #tpu.memory_space<hbm>> -> memref<1x64xf32, #tpu.memory_space<hbm>>
      tpu.enqueue_dma source(%dma_start3A_1584 : memref<1x64xf32, #tpu.memory_space<hbm>>) target(%dma_start3A_1582 : memref<1x64xf32, #tpu.memory_space<vmem>>) target_semaphore(%arg7 : memref<!tpu.dma_semaphore, #tpu.memory_space<semaphore_mem>>)
      %slice3A_1585 = vector.extract_strided_slice %get3A_1559 {offsets = [2], sizes = [1], strides = [1]} : vector<16xi32> to vector<1xi32>
      %squeeze3A_1586 = vector.extract %slice3A_1585[0] : i32 from vector<1xi32>
      %mul3A_1587 = arith.constant 16 : i32
      %mul3A_1588 = arith.muli %add3A_1555, %mul3A_1587 : i32
      %add3A_1589 = arith.constant 2 : i32
      %add3A_1590 = arith.addi %mul3A_1588, %add3A_1589 : i32
      %dma_start3A_1591 = arith.constant 0 : i32
      %dma_start3A_1592 = tpu.memref_slice %arg6[%add3A_1590, %dma_start3A_1591] : memref<800x64xf32, #tpu.memory_space<vmem>> -> memref<1x64xf32, #tpu.memory_space<vmem>>
      %dma_start3A_1593 = arith.constant 0 : i32
      %dma_start3A_1594 = tpu.memref_slice %arg2[%squeeze3A_1586, %dma_start3A_1593] : memref<1000000x64xf32, #tpu.memory_space<hbm>> -> memref<1x64xf32, #tpu.memory_space<hbm>>
      %dma_start3A_1595 = arith.constant 0 : i32
      %dma_start3A_1596 = tpu.memref_slice %arg6[%add3A_1590, %dma_start3A_1595] : memref<800x64xf32, #tpu.memory_space<vmem>> -> memref<1x64xf32, #tpu.memory_space<vmem>>
      %dma_start3A_1597 = arith.constant 0 : i32
      %dma_start3A_1598 = tpu.memref_slice %arg2[%squeeze3A_1586, %dma_start3A_1597] : memref<1000000x64xf32, #tpu.memory_space<hbm>> -> memref<1x64xf32, #tpu.memory_space<hbm>>
      tpu.enqueue_dma source(%dma_start3A_1598 : memref<1x64xf32, #tpu.memory_space<hbm>>) target(%dma_start3A_1596 : memref<1x64xf32, #tpu.memory_space<vmem>>) target_semaphore(%arg7 : memref<!tpu.dma_semaphore, #tpu.memory_space<semaphore_mem>>)
      %slice3A_1599 = vector.extract_strided_slice %get3A_1559 {offsets = [3], sizes = [1], strides = [1]} : vector<16xi32> to vector<1xi32>
      %squeeze3A_1600 = vector.extract %slice3A_1599[0] : i32 from vector<1xi32>
      %mul3A_1601 = arith.constant 16 : i32
      %mul3A_1602 = arith.muli %add3A_1555, %mul3A_1601 : i32
      %add3A_1603 = arith.constant 3 : i32
      %add3A_1604 = arith.addi %mul3A_1602, %add3A_1603 : i32
      %dma_start3A_1605 = arith.constant 0 : i32
      %dma_start3A_1606 = tpu.memref_slice %arg6[%add3A_1604, %dma_start3A_1605] : memref<800x64xf32, #tpu.memory_space<vmem>> -> memref<1x64xf32, #tpu.memory_space<vmem>>
      %dma_start3A_1607 = arith.constant 0 : i32
      %dma_start3A_1608 = tpu.memref_slice %arg2[%squeeze3A_1600, %dma_start3A_1607] : memref<1000000x64xf32, #tpu.memory_space<hbm>> -> memref<1x64xf32, #tpu.memory_space<hbm>>
      %dma_start3A_1609 = arith.constant 0 : i32
      %dma_start3A_1610 = tpu.memref_slice %arg6[%add3A_1604, %dma_start3A_1609] : memref<800x64xf32, #tpu.memory_space<vmem>> -> memref<1x64xf32, #tpu.memory_space<vmem>>
      %dma_start3A_1611 = arith.constant 0 : i32
      %dma_start3A_1612 = tpu.memref_slice %arg2[%squeeze3A_1600, %dma_start3A_1611] : memref<1000000x64xf32, #tpu.memory_space<hbm>> -> memref<1x64xf32, #tpu.memory_space<hbm>>
      tpu.enqueue_dma source(%dma_start3A_1612 : memref<1x64xf32, #tpu.memory_space<hbm>>) target(%dma_start3A_1610 : memref<1x64xf32, #tpu.memory_space<vmem>>) target_semaphore(%arg7 : memref<!tpu.dma_semaphore, #tpu.memory_space<semaphore_mem>>)
      %slice3A_1613 = vector.extract_strided_slice %get3A_1559 {offsets = [4], sizes = [1], strides = [1]} : vector<16xi32> to vector<1xi32>
      %squeeze3A_1614 = vector.extract %slice3A_1613[0] : i32 from vector<1xi32>
      %mul3A_1615 = arith.constant 16 : i32
      %mul3A_1616 = arith.muli %add3A_1555, %mul3A_1615 : i32
      %add3A_1617 = arith.constant 4 : i32
      %add3A_1618 = arith.addi %mul3A_1616, %add3A_1617 : i32
      %dma_start3A_1619 = arith.constant 0 : i32
      %dma_start3A_1620 = tpu.memref_slice %arg6[%add3A_1618, %dma_start3A_1619] : memref<800x64xf32, #tpu.memory_space<vmem>> -> memref<1x64xf32, #tpu.memory_space<vmem>>
      %dma_start3A_1621 = arith.constant 0 : i32
      %dma_start3A_1622 = tpu.memref_slice %arg2[%squeeze3A_1614, %dma_start3A_1621] : memref<1000000x64xf32, #tpu.memory_space<hbm>> -> memref<1x64xf32, #tpu.memory_space<hbm>>
      %dma_start3A_1623 = arith.constant 0 : i32
      %dma_start3A_1624 = tpu.memref_slice %arg6[%add3A_1618, %dma_start3A_1623] : memref<800x64xf32, #tpu.memory_space<vmem>> -> memref<1x64xf32, #tpu.memory_space<vmem>>
      %dma_start3A_1625 = arith.constant 0 : i32
      %dma_start3A_1626 = tpu.memref_slice %arg2[%squeeze3A_1614, %dma_start3A_1625] : memref<1000000x64xf32, #tpu.memory_space<hbm>> -> memref<1x64xf32, #tpu.memory_space<hbm>>
      tpu.enqueue_dma source(%dma_start3A_1626 : memref<1x64xf32, #tpu.memory_space<hbm>>) target(%dma_start3A_1624 : memref<1x64xf32, #tpu.memory_space<vmem>>) target_semaphore(%arg7 : memref<!tpu.dma_semaphore, #tpu.memory_space<semaphore_mem>>)
      %slice3A_1627 = vector.extract_strided_slice %get3A_1559 {offsets = [5], sizes = [1], strides = [1]} : vector<16xi32> to vector<1xi32>
      %squeeze3A_1628 = vector.extract %slice3A_1627[0] : i32 from vector<1xi32>
      %mul3A_1629 = arith.constant 16 : i32
      %mul3A_1630 = arith.muli %add3A_1555, %mul3A_1629 : i32
      %add3A_1631 = arith.constant 5 : i32
      %add3A_1632 = arith.addi %mul3A_1630, %add3A_1631 : i32
      %dma_start3A_1633 = arith.constant 0 : i32
      %dma_start3A_1634 = tpu.memref_slice %arg6[%add3A_1632, %dma_start3A_1633] : memref<800x64xf32, #tpu.memory_space<vmem>> -> memref<1x64xf32, #tpu.memory_space<vmem>>
      %dma_start3A_1635 = arith.constant 0 : i32
      %dma_start3A_1636 = tpu.memref_slice %arg2[%squeeze3A_1628, %dma_start3A_1635] : memref<1000000x64xf32, #tpu.memory_space<hbm>> -> memref<1x64xf32, #tpu.memory_space<hbm>>
      %dma_start3A_1637 = arith.constant 0 : i32
      %dma_start3A_1638 = tpu.memref_slice %arg6[%add3A_1632, %dma_start3A_1637] : memref<800x64xf32, #tpu.memory_space<vmem>> -> memref<1x64xf32, #tpu.memory_space<vmem>>
      %dma_start3A_1639 = arith.constant 0 : i32
      %dma_start3A_1640 = tpu.memref_slice %arg2[%squeeze3A_1628, %dma_start3A_1639] : memref<1000000x64xf32, #tpu.memory_space<hbm>> -> memref<1x64xf32, #tpu.memory_space<hbm>>
      tpu.enqueue_dma source(%dma_start3A_1640 : memref<1x64xf32, #tpu.memory_space<hbm>>) target(%dma_start3A_1638 : memref<1x64xf32, #tpu.memory_space<vmem>>) target_semaphore(%arg7 : memref<!tpu.dma_semaphore, #tpu.memory_space<semaphore_mem>>)
      %slice3A_1641 = vector.extract_strided_slice %get3A_1559 {offsets = [6], sizes = [1], strides = [1]} : vector<16xi32> to vector<1xi32>
      %squeeze3A_1642 = vector.extract %slice3A_1641[0] : i32 from vector<1xi32>
      %mul3A_1643 = arith.constant 16 : i32
      %mul3A_1644 = arith.muli %add3A_1555, %mul3A_1643 : i32
      %add3A_1645 = arith.constant 6 : i32
      %add3A_1646 = arith.addi %mul3A_1644, %add3A_1645 : i32
      %dma_start3A_1647 = arith.constant 0 : i32
      %dma_start3A_1648 = tpu.memref_slice %arg6[%add3A_1646, %dma_start3A_1647] : memref<800x64xf32, #tpu.memory_space<vmem>> -> memref<1x64xf32, #tpu.memory_space<vmem>>
      %dma_start3A_1649 = arith.constant 0 : i32
      %dma_start3A_1650 = tpu.memref_slice %arg2[%squeeze3A_1642, %dma_start3A_1649] : memref<1000000x64xf32, #tpu.memory_space<hbm>> -> memref<1x64xf32, #tpu.memory_space<hbm>>
      %dma_start3A_1651 = arith.constant 0 : i32
      %dma_start3A_1652 = tpu.memref_slice %arg6[%add3A_1646, %dma_start3A_1651] : memref<800x64xf32, #tpu.memory_space<vmem>> -> memref<1x64xf32, #tpu.memory_space<vmem>>
      %dma_start3A_1653 = arith.constant 0 : i32
      %dma_start3A_1654 = tpu.memref_slice %arg2[%squeeze3A_1642, %dma_start3A_1653] : memref<1000000x64xf32, #tpu.memory_space<hbm>> -> memref<1x64xf32, #tpu.memory_space<hbm>>
      tpu.enqueue_dma source(%dma_start3A_1654 : memref<1x64xf32, #tpu.memory_space<hbm>>) target(%dma_start3A_1652 : memref<1x64xf32, #tpu.memory_space<vmem>>) target_semaphore(%arg7 : memref<!tpu.dma_semaphore, #tpu.memory_space<semaphore_mem>>)
      %slice3A_1655 = vector.extract_strided_slice %get3A_1559 {offsets = [7], sizes = [1], strides = [1]} : vector<16xi32> to vector<1xi32>
      %squeeze3A_1656 = vector.extract %slice3A_1655[0] : i32 from vector<1xi32>
      %mul3A_1657 = arith.constant 16 : i32
      %mul3A_1658 = arith.muli %add3A_1555, %mul3A_1657 : i32
      %add3A_1659 = arith.constant 7 : i32
      %add3A_1660 = arith.addi %mul3A_1658, %add3A_1659 : i32
      %dma_start3A_1661 = arith.constant 0 : i32
      %dma_start3A_1662 = tpu.memref_slice %arg6[%add3A_1660, %dma_start3A_1661] : memref<800x64xf32, #tpu.memory_space<vmem>> -> memref<1x64xf32, #tpu.memory_space<vmem>>
      %dma_start3A_1663 = arith.constant 0 : i32
      %dma_start3A_1664 = tpu.memref_slice %arg2[%squeeze3A_1656, %dma_start3A_1663] : memref<1000000x64xf32, #tpu.memory_space<hbm>> -> memref<1x64xf32, #tpu.memory_space<hbm>>
      %dma_start3A_1665 = arith.constant 0 : i32
      %dma_start3A_1666 = tpu.memref_slice %arg6[%add3A_1660, %dma_start3A_1665] : memref<800x64xf32, #tpu.memory_space<vmem>> -> memref<1x64xf32, #tpu.memory_space<vmem>>
      %dma_start3A_1667 = arith.constant 0 : i32
      %dma_start3A_1668 = tpu.memref_slice %arg2[%squeeze3A_1656, %dma_start3A_1667] : memref<1000000x64xf32, #tpu.memory_space<hbm>> -> memref<1x64xf32, #tpu.memory_space<hbm>>
      tpu.enqueue_dma source(%dma_start3A_1668 : memref<1x64xf32, #tpu.memory_space<hbm>>) target(%dma_start3A_1666 : memref<1x64xf32, #tpu.memory_space<vmem>>) target_semaphore(%arg7 : memref<!tpu.dma_semaphore, #tpu.memory_space<semaphore_mem>>)
      %slice3A_1669 = vector.extract_strided_slice %get3A_1559 {offsets = [8], sizes = [1], strides = [1]} : vector<16xi32> to vector<1xi32>
      %squeeze3A_1670 = vector.extract %slice3A_1669[0] : i32 from vector<1xi32>
      %mul3A_1671 = arith.constant 16 : i32
      %mul3A_1672 = arith.muli %add3A_1555, %mul3A_1671 : i32
      %add3A_1673 = arith.constant 8 : i32
      %add3A_1674 = arith.addi %mul3A_1672, %add3A_1673 : i32
      %dma_start3A_1675 = arith.constant 0 : i32
      %dma_start3A_1676 = tpu.memref_slice %arg6[%add3A_1674, %dma_start3A_1675] : memref<800x64xf32, #tpu.memory_space<vmem>> -> memref<1x64xf32, #tpu.memory_space<vmem>>
      %dma_start3A_1677 = arith.constant 0 : i32
      %dma_start3A_1678 = tpu.memref_slice %arg2[%squeeze3A_1670, %dma_start3A_1677] : memref<1000000x64xf32, #tpu.memory_space<hbm>> -> memref<1x64xf32, #tpu.memory_space<hbm>>
      %dma_start3A_1679 = arith.constant 0 : i32
      %dma_start3A_1680 = tpu.memref_slice %arg6[%add3A_1674, %dma_start3A_1679] : memref<800x64xf32, #tpu.memory_space<vmem>> -> memref<1x64xf32, #tpu.memory_space<vmem>>
      %dma_start3A_1681 = arith.constant 0 : i32
      %dma_start3A_1682 = tpu.memref_slice %arg2[%squeeze3A_1670, %dma_start3A_1681] : memref<1000000x64xf32, #tpu.memory_space<hbm>> -> memref<1x64xf32, #tpu.memory_space<hbm>>
      tpu.enqueue_dma source(%dma_start3A_1682 : memref<1x64xf32, #tpu.memory_space<hbm>>) target(%dma_start3A_1680 : memref<1x64xf32, #tpu.memory_space<vmem>>) target_semaphore(%arg7 : memref<!tpu.dma_semaphore, #tpu.memory_space<semaphore_mem>>)
      %slice3A_1683 = vector.extract_strided_slice %get3A_1559 {offsets = [9], sizes = [1], strides = [1]} : vector<16xi32> to vector<1xi32>
      %squeeze3A_1684 = vector.extract %slice3A_1683[0] : i32 from vector<1xi32>
      %mul3A_1685 = arith.constant 16 : i32
      %mul3A_1686 = arith.muli %add3A_1555, %mul3A_1685 : i32
      %add3A_1687 = arith.constant 9 : i32
      %add3A_1688 = arith.addi %mul3A_1686, %add3A_1687 : i32
      %dma_start3A_1689 = arith.constant 0 : i32
      %dma_start3A_1690 = tpu.memref_slice %arg6[%add3A_1688, %dma_start3A_1689] : memref<800x64xf32, #tpu.memory_space<vmem>> -> memref<1x64xf32, #tpu.memory_space<vmem>>
      %dma_start3A_1691 = arith.constant 0 : i32
      %dma_start3A_1692 = tpu.memref_slice %arg2[%squeeze3A_1684, %dma_start3A_1691] : memref<1000000x64xf32, #tpu.memory_space<hbm>> -> memref<1x64xf32, #tpu.memory_space<hbm>>
      %dma_start3A_1693 = arith.constant 0 : i32
      %dma_start3A_1694 = tpu.memref_slice %arg6[%add3A_1688, %dma_start3A_1693] : memref<800x64xf32, #tpu.memory_space<vmem>> -> memref<1x64xf32, #tpu.memory_space<vmem>>
      %dma_start3A_1695 = arith.constant 0 : i32
      %dma_start3A_1696 = tpu.memref_slice %arg2[%squeeze3A_1684, %dma_start3A_1695] : memref<1000000x64xf32, #tpu.memory_space<hbm>> -> memref<1x64xf32, #tpu.memory_space<hbm>>
      tpu.enqueue_dma source(%dma_start3A_1696 : memref<1x64xf32, #tpu.memory_space<hbm>>) target(%dma_start3A_1694 : memref<1x64xf32, #tpu.memory_space<vmem>>) target_semaphore(%arg7 : memref<!tpu.dma_semaphore, #tpu.memory_space<semaphore_mem>>)
      %slice3A_1697 = vector.extract_strided_slice %get3A_1559 {offsets = [10], sizes = [1], strides = [1]} : vector<16xi32> to vector<1xi32>
      %squeeze3A_1698 = vector.extract %slice3A_1697[0] : i32 from vector<1xi32>
      %mul3A_1699 = arith.constant 16 : i32
      %mul3A_1700 = arith.muli %add3A_1555, %mul3A_1699 : i32
      %add3A_1701 = arith.constant 10 : i32
      %add3A_1702 = arith.addi %mul3A_1700, %add3A_1701 : i32
      %dma_start3A_1703 = arith.constant 0 : i32
      %dma_start3A_1704 = tpu.memref_slice %arg6[%add3A_1702, %dma_start3A_1703] : memref<800x64xf32, #tpu.memory_space<vmem>> -> memref<1x64xf32, #tpu.memory_space<vmem>>
      %dma_start3A_1705 = arith.constant 0 : i32
      %dma_start3A_1706 = tpu.memref_slice %arg2[%squeeze3A_1698, %dma_start3A_1705] : memref<1000000x64xf32, #tpu.memory_space<hbm>> -> memref<1x64xf32, #tpu.memory_space<hbm>>
      %dma_start3A_1707 = arith.constant 0 : i32
      %dma_start3A_1708 = tpu.memref_slice %arg6[%add3A_1702, %dma_start3A_1707] : memref<800x64xf32, #tpu.memory_space<vmem>> -> memref<1x64xf32, #tpu.memory_space<vmem>>
      %dma_start3A_1709 = arith.constant 0 : i32
      %dma_start3A_1710 = tpu.memref_slice %arg2[%squeeze3A_1698, %dma_start3A_1709] : memref<1000000x64xf32, #tpu.memory_space<hbm>> -> memref<1x64xf32, #tpu.memory_space<hbm>>
      tpu.enqueue_dma source(%dma_start3A_1710 : memref<1x64xf32, #tpu.memory_space<hbm>>) target(%dma_start3A_1708 : memref<1x64xf32, #tpu.memory_space<vmem>>) target_semaphore(%arg7 : memref<!tpu.dma_semaphore, #tpu.memory_space<semaphore_mem>>)
      %slice3A_1711 = vector.extract_strided_slice %get3A_1559 {offsets = [11], sizes = [1], strides = [1]} : vector<16xi32> to vector<1xi32>
      %squeeze3A_1712 = vector.extract %slice3A_1711[0] : i32 from vector<1xi32>
      %mul3A_1713 = arith.constant 16 : i32
      %mul3A_1714 = arith.muli %add3A_1555, %mul3A_1713 : i32
      %add3A_1715 = arith.constant 11 : i32
      %add3A_1716 = arith.addi %mul3A_1714, %add3A_1715 : i32
      %dma_start3A_1717 = arith.constant 0 : i32
      %dma_start3A_1718 = tpu.memref_slice %arg6[%add3A_1716, %dma_start3A_1717] : memref<800x64xf32, #tpu.memory_space<vmem>> -> memref<1x64xf32, #tpu.memory_space<vmem>>
      %dma_start3A_1719 = arith.constant 0 : i32
      %dma_start3A_1720 = tpu.memref_slice %arg2[%squeeze3A_1712, %dma_start3A_1719] : memref<1000000x64xf32, #tpu.memory_space<hbm>> -> memref<1x64xf32, #tpu.memory_space<hbm>>
      %dma_start3A_1721 = arith.constant 0 : i32
      %dma_start3A_1722 = tpu.memref_slice %arg6[%add3A_1716, %dma_start3A_1721] : memref<800x64xf32, #tpu.memory_space<vmem>> -> memref<1x64xf32, #tpu.memory_space<vmem>>
      %dma_start3A_1723 = arith.constant 0 : i32
      %dma_start3A_1724 = tpu.memref_slice %arg2[%squeeze3A_1712, %dma_start3A_1723] : memref<1000000x64xf32, #tpu.memory_space<hbm>> -> memref<1x64xf32, #tpu.memory_space<hbm>>
      tpu.enqueue_dma source(%dma_start3A_1724 : memref<1x64xf32, #tpu.memory_space<hbm>>) target(%dma_start3A_1722 : memref<1x64xf32, #tpu.memory_space<vmem>>) target_semaphore(%arg7 : memref<!tpu.dma_semaphore, #tpu.memory_space<semaphore_mem>>)
      %slice3A_1725 = vector.extract_strided_slice %get3A_1559 {offsets = [12], sizes = [1], strides = [1]} : vector<16xi32> to vector<1xi32>
      %squeeze3A_1726 = vector.extract %slice3A_1725[0] : i32 from vector<1xi32>
      %mul3A_1727 = arith.constant 16 : i32
      %mul3A_1728 = arith.muli %add3A_1555, %mul3A_1727 : i32
      %add3A_1729 = arith.constant 12 : i32
      %add3A_1730 = arith.addi %mul3A_1728, %add3A_1729 : i32
      %dma_start3A_1731 = arith.constant 0 : i32
      %dma_start3A_1732 = tpu.memref_slice %arg6[%add3A_1730, %dma_start3A_1731] : memref<800x64xf32, #tpu.memory_space<vmem>> -> memref<1x64xf32, #tpu.memory_space<vmem>>
      %dma_start3A_1733 = arith.constant 0 : i32
      %dma_start3A_1734 = tpu.memref_slice %arg2[%squeeze3A_1726, %dma_start3A_1733] : memref<1000000x64xf32, #tpu.memory_space<hbm>> -> memref<1x64xf32, #tpu.memory_space<hbm>>
      %dma_start3A_1735 = arith.constant 0 : i32
      %dma_start3A_1736 = tpu.memref_slice %arg6[%add3A_1730, %dma_start3A_1735] : memref<800x64xf32, #tpu.memory_space<vmem>> -> memref<1x64xf32, #tpu.memory_space<vmem>>
      %dma_start3A_1737 = arith.constant 0 : i32
      %dma_start3A_1738 = tpu.memref_slice %arg2[%squeeze3A_1726, %dma_start3A_1737] : memref<1000000x64xf32, #tpu.memory_space<hbm>> -> memref<1x64xf32, #tpu.memory_space<hbm>>
      tpu.enqueue_dma source(%dma_start3A_1738 : memref<1x64xf32, #tpu.memory_space<hbm>>) target(%dma_start3A_1736 : memref<1x64xf32, #tpu.memory_space<vmem>>) target_semaphore(%arg7 : memref<!tpu.dma_semaphore, #tpu.memory_space<semaphore_mem>>)
      %slice3A_1739 = vector.extract_strided_slice %get3A_1559 {offsets = [13], sizes = [1], strides = [1]} : vector<16xi32> to vector<1xi32>
      %squeeze3A_1740 = vector.extract %slice3A_1739[0] : i32 from vector<1xi32>
      %mul3A_1741 = arith.constant 16 : i32
      %mul3A_1742 = arith.muli %add3A_1555, %mul3A_1741 : i32
      %add3A_1743 = arith.constant 13 : i32
      %add3A_1744 = arith.addi %mul3A_1742, %add3A_1743 : i32
      %dma_start3A_1745 = arith.constant 0 : i32
      %dma_start3A_1746 = tpu.memref_slice %arg6[%add3A_1744, %dma_start3A_1745] : memref<800x64xf32, #tpu.memory_space<vmem>> -> memref<1x64xf32, #tpu.memory_space<vmem>>
      %dma_start3A_1747 = arith.constant 0 : i32
      %dma_start3A_1748 = tpu.memref_slice %arg2[%squeeze3A_1740, %dma_start3A_1747] : memref<1000000x64xf32, #tpu.memory_space<hbm>> -> memref<1x64xf32, #tpu.memory_space<hbm>>
      %dma_start3A_1749 = arith.constant 0 : i32
      %dma_start3A_1750 = tpu.memref_slice %arg6[%add3A_1744, %dma_start3A_1749] : memref<800x64xf32, #tpu.memory_space<vmem>> -> memref<1x64xf32, #tpu.memory_space<vmem>>
      %dma_start3A_1751 = arith.constant 0 : i32
      %dma_start3A_1752 = tpu.memref_slice %arg2[%squeeze3A_1740, %dma_start3A_1751] : memref<1000000x64xf32, #tpu.memory_space<hbm>> -> memref<1x64xf32, #tpu.memory_space<hbm>>
      tpu.enqueue_dma source(%dma_start3A_1752 : memref<1x64xf32, #tpu.memory_space<hbm>>) target(%dma_start3A_1750 : memref<1x64xf32, #tpu.memory_space<vmem>>) target_semaphore(%arg7 : memref<!tpu.dma_semaphore, #tpu.memory_space<semaphore_mem>>)
      %slice3A_1753 = vector.extract_strided_slice %get3A_1559 {offsets = [14], sizes = [1], strides = [1]} : vector<16xi32> to vector<1xi32>
      %squeeze3A_1754 = vector.extract %slice3A_1753[0] : i32 from vector<1xi32>
      %mul3A_1755 = arith.constant 16 : i32
      %mul3A_1756 = arith.muli %add3A_1555, %mul3A_1755 : i32
      %add3A_1757 = arith.constant 14 : i32
      %add3A_1758 = arith.addi %mul3A_1756, %add3A_1757 : i32
      %dma_start3A_1759 = arith.constant 0 : i32
      %dma_start3A_1760 = tpu.memref_slice %arg6[%add3A_1758, %dma_start3A_1759] : memref<800x64xf32, #tpu.memory_space<vmem>> -> memref<1x64xf32, #tpu.memory_space<vmem>>
      %dma_start3A_1761 = arith.constant 0 : i32
      %dma_start3A_1762 = tpu.memref_slice %arg2[%squeeze3A_1754, %dma_start3A_1761] : memref<1000000x64xf32, #tpu.memory_space<hbm>> -> memref<1x64xf32, #tpu.memory_space<hbm>>
      %dma_start3A_1763 = arith.constant 0 : i32
      %dma_start3A_1764 = tpu.memref_slice %arg6[%add3A_1758, %dma_start3A_1763] : memref<800x64xf32, #tpu.memory_space<vmem>> -> memref<1x64xf32, #tpu.memory_space<vmem>>
      %dma_start3A_1765 = arith.constant 0 : i32
      %dma_start3A_1766 = tpu.memref_slice %arg2[%squeeze3A_1754, %dma_start3A_1765] : memref<1000000x64xf32, #tpu.memory_space<hbm>> -> memref<1x64xf32, #tpu.memory_space<hbm>>
      tpu.enqueue_dma source(%dma_start3A_1766 : memref<1x64xf32, #tpu.memory_space<hbm>>) target(%dma_start3A_1764 : memref<1x64xf32, #tpu.memory_space<vmem>>) target_semaphore(%arg7 : memref<!tpu.dma_semaphore, #tpu.memory_space<semaphore_mem>>)
      %slice3A_1767 = vector.extract_strided_slice %get3A_1559 {offsets = [15], sizes = [1], strides = [1]} : vector<16xi32> to vector<1xi32>
      %squeeze3A_1768 = vector.extract %slice3A_1767[0] : i32 from vector<1xi32>
      %mul3A_1769 = arith.constant 16 : i32
      %mul3A_1770 = arith.muli %add3A_1555, %mul3A_1769 : i32
      %add3A_1771 = arith.constant 15 : i32
      %add3A_1772 = arith.addi %mul3A_1770, %add3A_1771 : i32
      %dma_start3A_1773 = arith.constant 0 : i32
      %dma_start3A_1774 = tpu.memref_slice %arg6[%add3A_1772, %dma_start3A_1773] : memref<800x64xf32, #tpu.memory_space<vmem>> -> memref<1x64xf32, #tpu.memory_space<vmem>>
      %dma_start3A_1775 = arith.constant 0 : i32
      %dma_start3A_1776 = tpu.memref_slice %arg2[%squeeze3A_1768, %dma_start3A_1775] : memref<1000000x64xf32, #tpu.memory_space<hbm>> -> memref<1x64xf32, #tpu.memory_space<hbm>>
      %dma_start3A_1777 = arith.constant 0 : i32
      %dma_start3A_1778 = tpu.memref_slice %arg6[%add3A_1772, %dma_start3A_1777] : memref<800x64xf32, #tpu.memory_space<vmem>> -> memref<1x64xf32, #tpu.memory_space<vmem>>
      %dma_start3A_1779 = arith.constant 0 : i32
      %dma_start3A_1780 = tpu.memref_slice %arg2[%squeeze3A_1768, %dma_start3A_1779] : memref<1000000x64xf32, #tpu.memory_space<hbm>> -> memref<1x64xf32, #tpu.memory_space<hbm>>
      tpu.enqueue_dma source(%dma_start3A_1780 : memref<1x64xf32, #tpu.memory_space<hbm>>) target(%dma_start3A_1778 : memref<1x64xf32, #tpu.memory_space<vmem>>) target_semaphore(%arg7 : memref<!tpu.dma_semaphore, #tpu.memory_space<semaphore_mem>>)
      %gt3A = arith.constant 3 : i32
      %gt3A_1781 = arith.cmpi sgt, %add3A_1555, %gt3A : i32
      %convert_element_type3A = arith.extui %gt3A_1781 : i1 to i32
      %cond3A = arith.constant 0 : i32
      %cond3A_1782 = arith.cmpi ne, %convert_element_type3A, %cond3A : i32
      scf.if %cond3A_1782 {
        %dma_wait3A_1783 = arith.constant 0 : i32
        %dma_wait3A_1784 = arith.constant 0 : i32
        %dma_wait3A_1785 = tpu.memref_slice %arg6[%dma_wait3A_1783, %dma_wait3A_1784] : memref<800x64xf32, #tpu.memory_space<vmem>> -> memref<1x64xf32, #tpu.memory_space<vmem>>
        %dma_wait3A_1786 = arith.constant 0 : i32
        %dma_wait3A_1787 = arith.constant 0 : i32
        %dma_wait3A_1788 = tpu.memref_slice %arg2[%dma_wait3A_1786, %dma_wait3A_1787] : memref<1000000x64xf32, #tpu.memory_space<hbm>> -> memref<1x64xf32, #tpu.memory_space<hbm>>
        %dma_wait3A_1789 = arith.constant 0 : i32
        %dma_wait3A_1790 = arith.constant 0 : i32
        %dma_wait3A_1791 = tpu.memref_slice %arg6[%dma_wait3A_1789, %dma_wait3A_1790] : memref<800x64xf32, #tpu.memory_space<vmem>> -> memref<1x64xf32, #tpu.memory_space<vmem>>
        %dma_wait3A_1792 = arith.constant 0 : i32
        %dma_wait3A_1793 = arith.constant 0 : i32
        %dma_wait3A_1794 = tpu.memref_slice %arg2[%dma_wait3A_1792, %dma_wait3A_1793] : memref<1000000x64xf32, #tpu.memory_space<hbm>> -> memref<1x64xf32, #tpu.memory_space<hbm>>
        tpu.wait_dma2 semaphore(%arg7 : memref<!tpu.dma_semaphore, #tpu.memory_space<semaphore_mem>>) src(%dma_wait3A_1794 : memref<1x64xf32, #tpu.memory_space<hbm>>) dst(%dma_wait3A_1791 : memref<1x64xf32, #tpu.memory_space<vmem>>)
        %dma_wait3A_1795 = arith.constant 0 : i32
        %dma_wait3A_1796 = arith.constant 0 : i32
        %dma_wait3A_1797 = tpu.memref_slice %arg6[%dma_wait3A_1795, %dma_wait3A_1796] : memref<800x64xf32, #tpu.memory_space<vmem>> -> memref<1x64xf32, #tpu.memory_space<vmem>>
        %dma_wait3A_1798 = arith.constant 0 : i32
        %dma_wait3A_1799 = arith.constant 0 : i32
        %dma_wait3A_1800 = tpu.memref_slice %arg2[%dma_wait3A_1798, %dma_wait3A_1799] : memref<1000000x64xf32, #tpu.memory_space<hbm>> -> memref<1x64xf32, #tpu.memory_space<hbm>>
        %dma_wait3A_1801 = arith.constant 0 : i32
        %dma_wait3A_1802 = arith.constant 0 : i32
        %dma_wait3A_1803 = tpu.memref_slice %arg6[%dma_wait3A_1801, %dma_wait3A_1802] : memref<800x64xf32, #tpu.memory_space<vmem>> -> memref<1x64xf32, #tpu.memory_space<vmem>>
        %dma_wait3A_1804 = arith.constant 0 : i32
        %dma_wait3A_1805 = arith.constant 0 : i32
        %dma_wait3A_1806 = tpu.memref_slice %arg2[%dma_wait3A_1804, %dma_wait3A_1805] : memref<1000000x64xf32, #tpu.memory_space<hbm>> -> memref<1x64xf32, #tpu.memory_space<hbm>>
        tpu.wait_dma2 semaphore(%arg7 : memref<!tpu.dma_semaphore, #tpu.memory_space<semaphore_mem>>) src(%dma_wait3A_1806 : memref<1x64xf32, #tpu.memory_space<hbm>>) dst(%dma_wait3A_1803 : memref<1x64xf32, #tpu.memory_space<vmem>>)
        %dma_wait3A_1807 = arith.constant 0 : i32
        %dma_wait3A_1808 = arith.constant 0 : i32
        %dma_wait3A_1809 = tpu.memref_slice %arg6[%dma_wait3A_1807, %dma_wait3A_1808] : memref<800x64xf32, #tpu.memory_space<vmem>> -> memref<1x64xf32, #tpu.memory_space<vmem>>
        %dma_wait3A_1810 = arith.constant 0 : i32
        %dma_wait3A_1811 = arith.constant 0 : i32
        %dma_wait3A_1812 = tpu.memref_slice %arg2[%dma_wait3A_1810, %dma_wait3A_1811] : memref<1000000x64xf32, #tpu.memory_space<hbm>> -> memref<1x64xf32, #tpu.memory_space<hbm>>
        %dma_wait3A_1813 = arith.constant 0 : i32
        %dma_wait3A_1814 = arith.constant 0 : i32
        %dma_wait3A_1815 = tpu.memref_slice %arg6[%dma_wait3A_1813, %dma_wait3A_1814] : memref<800x64xf32, #tpu.memory_space<vmem>> -> memref<1x64xf32, #tpu.memory_space<vmem>>
        %dma_wait3A_1816 = arith.constant 0 : i32
        %dma_wait3A_1817 = arith.constant 0 : i32
        %dma_wait3A_1818 = tpu.memref_slice %arg2[%dma_wait3A_1816, %dma_wait3A_1817] : memref<1000000x64xf32, #tpu.memory_space<hbm>> -> memref<1x64xf32, #tpu.memory_space<hbm>>
        tpu.wait_dma2 semaphore(%arg7 : memref<!tpu.dma_semaphore, #tpu.memory_space<semaphore_mem>>) src(%dma_wait3A_1818 : memref<1x64xf32, #tpu.memory_space<hbm>>) dst(%dma_wait3A_1815 : memref<1x64xf32, #tpu.memory_space<vmem>>)
        %dma_wait3A_1819 = arith.constant 0 : i32
        %dma_wait3A_1820 = arith.constant 0 : i32
        %dma_wait3A_1821 = tpu.memref_slice %arg6[%dma_wait3A_1819, %dma_wait3A_1820] : memref<800x64xf32, #tpu.memory_space<vmem>> -> memref<1x64xf32, #tpu.memory_space<vmem>>
        %dma_wait3A_1822 = arith.constant 0 : i32
        %dma_wait3A_1823 = arith.constant 0 : i32
        %dma_wait3A_1824 = tpu.memref_slice %arg2[%dma_wait3A_1822, %dma_wait3A_1823] : memref<1000000x64xf32, #tpu.memory_space<hbm>> -> memref<1x64xf32, #tpu.memory_space<hbm>>
        %dma_wait3A_1825 = arith.constant 0 : i32
        %dma_wait3A_1826 = arith.constant 0 : i32
        %dma_wait3A_1827 = tpu.memref_slice %arg6[%dma_wait3A_1825, %dma_wait3A_1826] : memref<800x64xf32, #tpu.memory_space<vmem>> -> memref<1x64xf32, #tpu.memory_space<vmem>>
        %dma_wait3A_1828 = arith.constant 0 : i32
        %dma_wait3A_1829 = arith.constant 0 : i32
        %dma_wait3A_1830 = tpu.memref_slice %arg2[%dma_wait3A_1828, %dma_wait3A_1829] : memref<1000000x64xf32, #tpu.memory_space<hbm>> -> memref<1x64xf32, #tpu.memory_space<hbm>>
        tpu.wait_dma2 semaphore(%arg7 : memref<!tpu.dma_semaphore, #tpu.memory_space<semaphore_mem>>) src(%dma_wait3A_1830 : memref<1x64xf32, #tpu.memory_space<hbm>>) dst(%dma_wait3A_1827 : memref<1x64xf32, #tpu.memory_space<vmem>>)
        %dma_wait3A_1831 = arith.constant 0 : i32
        %dma_wait3A_1832 = arith.constant 0 : i32
        %dma_wait3A_1833 = tpu.memref_slice %arg6[%dma_wait3A_1831, %dma_wait3A_1832] : memref<800x64xf32, #tpu.memory_space<vmem>> -> memref<1x64xf32, #tpu.memory_space<vmem>>
        %dma_wait3A_1834 = arith.constant 0 : i32
        %dma_wait3A_1835 = arith.constant 0 : i32
        %dma_wait3A_1836 = tpu.memref_slice %arg2[%dma_wait3A_1834, %dma_wait3A_1835] : memref<1000000x64xf32, #tpu.memory_space<hbm>> -> memref<1x64xf32, #tpu.memory_space<hbm>>
        %dma_wait3A_1837 = arith.constant 0 : i32
        %dma_wait3A_1838 = arith.constant 0 : i32
        %dma_wait3A_1839 = tpu.memref_slice %arg6[%dma_wait3A_1837, %dma_wait3A_1838] : memref<800x64xf32, #tpu.memory_space<vmem>> -> memref<1x64xf32, #tpu.memory_space<vmem>>
        %dma_wait3A_1840 = arith.constant 0 : i32
        %dma_wait3A_1841 = arith.constant 0 : i32
        %dma_wait3A_1842 = tpu.memref_slice %arg2[%dma_wait3A_1840, %dma_wait3A_1841] : memref<1000000x64xf32, #tpu.memory_space<hbm>> -> memref<1x64xf32, #tpu.memory_space<hbm>>
        tpu.wait_dma2 semaphore(%arg7 : memref<!tpu.dma_semaphore, #tpu.memory_space<semaphore_mem>>) src(%dma_wait3A_1842 : memref<1x64xf32, #tpu.memory_space<hbm>>) dst(%dma_wait3A_1839 : memref<1x64xf32, #tpu.memory_space<vmem>>)
        %dma_wait3A_1843 = arith.constant 0 : i32
        %dma_wait3A_1844 = arith.constant 0 : i32
        %dma_wait3A_1845 = tpu.memref_slice %arg6[%dma_wait3A_1843, %dma_wait3A_1844] : memref<800x64xf32, #tpu.memory_space<vmem>> -> memref<1x64xf32, #tpu.memory_space<vmem>>
        %dma_wait3A_1846 = arith.constant 0 : i32
        %dma_wait3A_1847 = arith.constant 0 : i32
        %dma_wait3A_1848 = tpu.memref_slice %arg2[%dma_wait3A_1846, %dma_wait3A_1847] : memref<1000000x64xf32, #tpu.memory_space<hbm>> -> memref<1x64xf32, #tpu.memory_space<hbm>>
        %dma_wait3A_1849 = arith.constant 0 : i32
        %dma_wait3A_1850 = arith.constant 0 : i32
        %dma_wait3A_1851 = tpu.memref_slice %arg6[%dma_wait3A_1849, %dma_wait3A_1850] : memref<800x64xf32, #tpu.memory_space<vmem>> -> memref<1x64xf32, #tpu.memory_space<vmem>>
        %dma_wait3A_1852 = arith.constant 0 : i32
        %dma_wait3A_1853 = arith.constant 0 : i32
        %dma_wait3A_1854 = tpu.memref_slice %arg2[%dma_wait3A_1852, %dma_wait3A_1853] : memref<1000000x64xf32, #tpu.memory_space<hbm>> -> memref<1x64xf32, #tpu.memory_space<hbm>>
        tpu.wait_dma2 semaphore(%arg7 : memref<!tpu.dma_semaphore, #tpu.memory_space<semaphore_mem>>) src(%dma_wait3A_1854 : memref<1x64xf32, #tpu.memory_space<hbm>>) dst(%dma_wait3A_1851 : memref<1x64xf32, #tpu.memory_space<vmem>>)
        %dma_wait3A_1855 = arith.constant 0 : i32
        %dma_wait3A_1856 = arith.constant 0 : i32
        %dma_wait3A_1857 = tpu.memref_slice %arg6[%dma_wait3A_1855, %dma_wait3A_1856] : memref<800x64xf32, #tpu.memory_space<vmem>> -> memref<1x64xf32, #tpu.memory_space<vmem>>
        %dma_wait3A_1858 = arith.constant 0 : i32
        %dma_wait3A_1859 = arith.constant 0 : i32
        %dma_wait3A_1860 = tpu.memref_slice %arg2[%dma_wait3A_1858, %dma_wait3A_1859] : memref<1000000x64xf32, #tpu.memory_space<hbm>> -> memref<1x64xf32, #tpu.memory_space<hbm>>
        %dma_wait3A_1861 = arith.constant 0 : i32
        %dma_wait3A_1862 = arith.constant 0 : i32
        %dma_wait3A_1863 = tpu.memref_slice %arg6[%dma_wait3A_1861, %dma_wait3A_1862] : memref<800x64xf32, #tpu.memory_space<vmem>> -> memref<1x64xf32, #tpu.memory_space<vmem>>
        %dma_wait3A_1864 = arith.constant 0 : i32
        %dma_wait3A_1865 = arith.constant 0 : i32
        %dma_wait3A_1866 = tpu.memref_slice %arg2[%dma_wait3A_1864, %dma_wait3A_1865] : memref<1000000x64xf32, #tpu.memory_space<hbm>> -> memref<1x64xf32, #tpu.memory_space<hbm>>
        tpu.wait_dma2 semaphore(%arg7 : memref<!tpu.dma_semaphore, #tpu.memory_space<semaphore_mem>>) src(%dma_wait3A_1866 : memref<1x64xf32, #tpu.memory_space<hbm>>) dst(%dma_wait3A_1863 : memref<1x64xf32, #tpu.memory_space<vmem>>)
        %dma_wait3A_1867 = arith.constant 0 : i32
        %dma_wait3A_1868 = arith.constant 0 : i32
        %dma_wait3A_1869 = tpu.memref_slice %arg6[%dma_wait3A_1867, %dma_wait3A_1868] : memref<800x64xf32, #tpu.memory_space<vmem>> -> memref<1x64xf32, #tpu.memory_space<vmem>>
        %dma_wait3A_1870 = arith.constant 0 : i32
        %dma_wait3A_1871 = arith.constant 0 : i32
        %dma_wait3A_1872 = tpu.memref_slice %arg2[%dma_wait3A_1870, %dma_wait3A_1871] : memref<1000000x64xf32, #tpu.memory_space<hbm>> -> memref<1x64xf32, #tpu.memory_space<hbm>>
        %dma_wait3A_1873 = arith.constant 0 : i32
        %dma_wait3A_1874 = arith.constant 0 : i32
        %dma_wait3A_1875 = tpu.memref_slice %arg6[%dma_wait3A_1873, %dma_wait3A_1874] : memref<800x64xf32, #tpu.memory_space<vmem>> -> memref<1x64xf32, #tpu.memory_space<vmem>>
        %dma_wait3A_1876 = arith.constant 0 : i32
        %dma_wait3A_1877 = arith.constant 0 : i32
        %dma_wait3A_1878 = tpu.memref_slice %arg2[%dma_wait3A_1876, %dma_wait3A_1877] : memref<1000000x64xf32, #tpu.memory_space<hbm>> -> memref<1x64xf32, #tpu.memory_space<hbm>>
        tpu.wait_dma2 semaphore(%arg7 : memref<!tpu.dma_semaphore, #tpu.memory_space<semaphore_mem>>) src(%dma_wait3A_1878 : memref<1x64xf32, #tpu.memory_space<hbm>>) dst(%dma_wait3A_1875 : memref<1x64xf32, #tpu.memory_space<vmem>>)
        %dma_wait3A_1879 = arith.constant 0 : i32
        %dma_wait3A_1880 = arith.constant 0 : i32
        %dma_wait3A_1881 = tpu.memref_slice %arg6[%dma_wait3A_1879, %dma_wait3A_1880] : memref<800x64xf32, #tpu.memory_space<vmem>> -> memref<1x64xf32, #tpu.memory_space<vmem>>
        %dma_wait3A_1882 = arith.constant 0 : i32
        %dma_wait3A_1883 = arith.constant 0 : i32
        %dma_wait3A_1884 = tpu.memref_slice %arg2[%dma_wait3A_1882, %dma_wait3A_1883] : memref<1000000x64xf32, #tpu.memory_space<hbm>> -> memref<1x64xf32, #tpu.memory_space<hbm>>
        %dma_wait3A_1885 = arith.constant 0 : i32
        %dma_wait3A_1886 = arith.constant 0 : i32
        %dma_wait3A_1887 = tpu.memref_slice %arg6[%dma_wait3A_1885, %dma_wait3A_1886] : memref<800x64xf32, #tpu.memory_space<vmem>> -> memref<1x64xf32, #tpu.memory_space<vmem>>
        %dma_wait3A_1888 = arith.constant 0 : i32
        %dma_wait3A_1889 = arith.constant 0 : i32
        %dma_wait3A_1890 = tpu.memref_slice %arg2[%dma_wait3A_1888, %dma_wait3A_1889] : memref<1000000x64xf32, #tpu.memory_space<hbm>> -> memref<1x64xf32, #tpu.memory_space<hbm>>
        tpu.wait_dma2 semaphore(%arg7 : memref<!tpu.dma_semaphore, #tpu.memory_space<semaphore_mem>>) src(%dma_wait3A_1890 : memref<1x64xf32, #tpu.memory_space<hbm>>) dst(%dma_wait3A_1887 : memref<1x64xf32, #tpu.memory_space<vmem>>)
        %dma_wait3A_1891 = arith.constant 0 : i32
        %dma_wait3A_1892 = arith.constant 0 : i32
        %dma_wait3A_1893 = tpu.memref_slice %arg6[%dma_wait3A_1891, %dma_wait3A_1892] : memref<800x64xf32, #tpu.memory_space<vmem>> -> memref<1x64xf32, #tpu.memory_space<vmem>>
        %dma_wait3A_1894 = arith.constant 0 : i32
        %dma_wait3A_1895 = arith.constant 0 : i32
        %dma_wait3A_1896 = tpu.memref_slice %arg2[%dma_wait3A_1894, %dma_wait3A_1895] : memref<1000000x64xf32, #tpu.memory_space<hbm>> -> memref<1x64xf32, #tpu.memory_space<hbm>>
        %dma_wait3A_1897 = arith.constant 0 : i32
        %dma_wait3A_1898 = arith.constant 0 : i32
        %dma_wait3A_1899 = tpu.memref_slice %arg6[%dma_wait3A_1897, %dma_wait3A_1898] : memref<800x64xf32, #tpu.memory_space<vmem>> -> memref<1x64xf32, #tpu.memory_space<vmem>>
        %dma_wait3A_1900 = arith.constant 0 : i32
        %dma_wait3A_1901 = arith.constant 0 : i32
        %dma_wait3A_1902 = tpu.memref_slice %arg2[%dma_wait3A_1900, %dma_wait3A_1901] : memref<1000000x64xf32, #tpu.memory_space<hbm>> -> memref<1x64xf32, #tpu.memory_space<hbm>>
        tpu.wait_dma2 semaphore(%arg7 : memref<!tpu.dma_semaphore, #tpu.memory_space<semaphore_mem>>) src(%dma_wait3A_1902 : memref<1x64xf32, #tpu.memory_space<hbm>>) dst(%dma_wait3A_1899 : memref<1x64xf32, #tpu.memory_space<vmem>>)
        %dma_wait3A_1903 = arith.constant 0 : i32
        %dma_wait3A_1904 = arith.constant 0 : i32
        %dma_wait3A_1905 = tpu.memref_slice %arg6[%dma_wait3A_1903, %dma_wait3A_1904] : memref<800x64xf32, #tpu.memory_space<vmem>> -> memref<1x64xf32, #tpu.memory_space<vmem>>
        %dma_wait3A_1906 = arith.constant 0 : i32
        %dma_wait3A_1907 = arith.constant 0 : i32
        %dma_wait3A_1908 = tpu.memref_slice %arg2[%dma_wait3A_1906, %dma_wait3A_1907] : memref<1000000x64xf32, #tpu.memory_space<hbm>> -> memref<1x64xf32, #tpu.memory_space<hbm>>
        %dma_wait3A_1909 = arith.constant 0 : i32
        %dma_wait3A_1910 = arith.constant 0 : i32
        %dma_wait3A_1911 = tpu.memref_slice %arg6[%dma_wait3A_1909, %dma_wait3A_1910] : memref<800x64xf32, #tpu.memory_space<vmem>> -> memref<1x64xf32, #tpu.memory_space<vmem>>
        %dma_wait3A_1912 = arith.constant 0 : i32
        %dma_wait3A_1913 = arith.constant 0 : i32
        %dma_wait3A_1914 = tpu.memref_slice %arg2[%dma_wait3A_1912, %dma_wait3A_1913] : memref<1000000x64xf32, #tpu.memory_space<hbm>> -> memref<1x64xf32, #tpu.memory_space<hbm>>
        tpu.wait_dma2 semaphore(%arg7 : memref<!tpu.dma_semaphore, #tpu.memory_space<semaphore_mem>>) src(%dma_wait3A_1914 : memref<1x64xf32, #tpu.memory_space<hbm>>) dst(%dma_wait3A_1911 : memref<1x64xf32, #tpu.memory_space<vmem>>)
        %dma_wait3A_1915 = arith.constant 0 : i32
        %dma_wait3A_1916 = arith.constant 0 : i32
        %dma_wait3A_1917 = tpu.memref_slice %arg6[%dma_wait3A_1915, %dma_wait3A_1916] : memref<800x64xf32, #tpu.memory_space<vmem>> -> memref<1x64xf32, #tpu.memory_space<vmem>>
        %dma_wait3A_1918 = arith.constant 0 : i32
        %dma_wait3A_1919 = arith.constant 0 : i32
        %dma_wait3A_1920 = tpu.memref_slice %arg2[%dma_wait3A_1918, %dma_wait3A_1919] : memref<1000000x64xf32, #tpu.memory_space<hbm>> -> memref<1x64xf32, #tpu.memory_space<hbm>>
        %dma_wait3A_1921 = arith.constant 0 : i32
        %dma_wait3A_1922 = arith.constant 0 : i32
        %dma_wait3A_1923 = tpu.memref_slice %arg6[%dma_wait3A_1921, %dma_wait3A_1922] : memref<800x64xf32, #tpu.memory_space<vmem>> -> memref<1x64xf32, #tpu.memory_space<vmem>>
        %dma_wait3A_1924 = arith.constant 0 : i32
        %dma_wait3A_1925 = arith.constant 0 : i32
        %dma_wait3A_1926 = tpu.memref_slice %arg2[%dma_wait3A_1924, %dma_wait3A_1925] : memref<1000000x64xf32, #tpu.memory_space<hbm>> -> memref<1x64xf32, #tpu.memory_space<hbm>>
        tpu.wait_dma2 semaphore(%arg7 : memref<!tpu.dma_semaphore, #tpu.memory_space<semaphore_mem>>) src(%dma_wait3A_1926 : memref<1x64xf32, #tpu.memory_space<hbm>>) dst(%dma_wait3A_1923 : memref<1x64xf32, #tpu.memory_space<vmem>>)
        %dma_wait3A_1927 = arith.constant 0 : i32
        %dma_wait3A_1928 = arith.constant 0 : i32
        %dma_wait3A_1929 = tpu.memref_slice %arg6[%dma_wait3A_1927, %dma_wait3A_1928] : memref<800x64xf32, #tpu.memory_space<vmem>> -> memref<1x64xf32, #tpu.memory_space<vmem>>
        %dma_wait3A_1930 = arith.constant 0 : i32
        %dma_wait3A_1931 = arith.constant 0 : i32
        %dma_wait3A_1932 = tpu.memref_slice %arg2[%dma_wait3A_1930, %dma_wait3A_1931] : memref<1000000x64xf32, #tpu.memory_space<hbm>> -> memref<1x64xf32, #tpu.memory_space<hbm>>
        %dma_wait3A_1933 = arith.constant 0 : i32
        %dma_wait3A_1934 = arith.constant 0 : i32
        %dma_wait3A_1935 = tpu.memref_slice %arg6[%dma_wait3A_1933, %dma_wait3A_1934] : memref<800x64xf32, #tpu.memory_space<vmem>> -> memref<1x64xf32, #tpu.memory_space<vmem>>
        %dma_wait3A_1936 = arith.constant 0 : i32
        %dma_wait3A_1937 = arith.constant 0 : i32
        %dma_wait3A_1938 = tpu.memref_slice %arg2[%dma_wait3A_1936, %dma_wait3A_1937] : memref<1000000x64xf32, #tpu.memory_space<hbm>> -> memref<1x64xf32, #tpu.memory_space<hbm>>
        tpu.wait_dma2 semaphore(%arg7 : memref<!tpu.dma_semaphore, #tpu.memory_space<semaphore_mem>>) src(%dma_wait3A_1938 : memref<1x64xf32, #tpu.memory_space<hbm>>) dst(%dma_wait3A_1935 : memref<1x64xf32, #tpu.memory_space<vmem>>)
        %dma_wait3A_1939 = arith.constant 0 : i32
        %dma_wait3A_1940 = arith.constant 0 : i32
        %dma_wait3A_1941 = tpu.memref_slice %arg6[%dma_wait3A_1939, %dma_wait3A_1940] : memref<800x64xf32, #tpu.memory_space<vmem>> -> memref<1x64xf32, #tpu.memory_space<vmem>>
        %dma_wait3A_1942 = arith.constant 0 : i32
        %dma_wait3A_1943 = arith.constant 0 : i32
        %dma_wait3A_1944 = tpu.memref_slice %arg2[%dma_wait3A_1942, %dma_wait3A_1943] : memref<1000000x64xf32, #tpu.memory_space<hbm>> -> memref<1x64xf32, #tpu.memory_space<hbm>>
        %dma_wait3A_1945 = arith.constant 0 : i32
        %dma_wait3A_1946 = arith.constant 0 : i32
        %dma_wait3A_1947 = tpu.memref_slice %arg6[%dma_wait3A_1945, %dma_wait3A_1946] : memref<800x64xf32, #tpu.memory_space<vmem>> -> memref<1x64xf32, #tpu.memory_space<vmem>>
        %dma_wait3A_1948 = arith.constant 0 : i32
        %dma_wait3A_1949 = arith.constant 0 : i32
        %dma_wait3A_1950 = tpu.memref_slice %arg2[%dma_wait3A_1948, %dma_wait3A_1949] : memref<1000000x64xf32, #tpu.memory_space<hbm>> -> memref<1x64xf32, #tpu.memory_space<hbm>>
        tpu.wait_dma2 semaphore(%arg7 : memref<!tpu.dma_semaphore, #tpu.memory_space<semaphore_mem>>) src(%dma_wait3A_1950 : memref<1x64xf32, #tpu.memory_space<hbm>>) dst(%dma_wait3A_1947 : memref<1x64xf32, #tpu.memory_space<vmem>>)
        %dma_wait3A_1951 = arith.constant 0 : i32
        %dma_wait3A_1952 = arith.constant 0 : i32
        %dma_wait3A_1953 = tpu.memref_slice %arg6[%dma_wait3A_1951, %dma_wait3A_1952] : memref<800x64xf32, #tpu.memory_space<vmem>> -> memref<1x64xf32, #tpu.memory_space<vmem>>
        %dma_wait3A_1954 = arith.constant 0 : i32
        %dma_wait3A_1955 = arith.constant 0 : i32
        %dma_wait3A_1956 = tpu.memref_slice %arg2[%dma_wait3A_1954, %dma_wait3A_1955] : memref<1000000x64xf32, #tpu.memory_space<hbm>> -> memref<1x64xf32, #tpu.memory_space<hbm>>
        %dma_wait3A_1957 = arith.constant 0 : i32
        %dma_wait3A_1958 = arith.constant 0 : i32
        %dma_wait3A_1959 = tpu.memref_slice %arg6[%dma_wait3A_1957, %dma_wait3A_1958] : memref<800x64xf32, #tpu.memory_space<vmem>> -> memref<1x64xf32, #tpu.memory_space<vmem>>
        %dma_wait3A_1960 = arith.constant 0 : i32
        %dma_wait3A_1961 = arith.constant 0 : i32
        %dma_wait3A_1962 = tpu.memref_slice %arg2[%dma_wait3A_1960, %dma_wait3A_1961] : memref<1000000x64xf32, #tpu.memory_space<hbm>> -> memref<1x64xf32, #tpu.memory_space<hbm>>
        tpu.wait_dma2 semaphore(%arg7 : memref<!tpu.dma_semaphore, #tpu.memory_space<semaphore_mem>>) src(%dma_wait3A_1962 : memref<1x64xf32, #tpu.memory_space<hbm>>) dst(%dma_wait3A_1959 : memref<1x64xf32, #tpu.memory_space<vmem>>)
        %dma_wait3A_1963 = arith.constant 0 : i32
        %dma_wait3A_1964 = arith.constant 0 : i32
        %dma_wait3A_1965 = tpu.memref_slice %arg6[%dma_wait3A_1963, %dma_wait3A_1964] : memref<800x64xf32, #tpu.memory_space<vmem>> -> memref<1x64xf32, #tpu.memory_space<vmem>>
        %dma_wait3A_1966 = arith.constant 0 : i32
        %dma_wait3A_1967 = arith.constant 0 : i32
        %dma_wait3A_1968 = tpu.memref_slice %arg2[%dma_wait3A_1966, %dma_wait3A_1967] : memref<1000000x64xf32, #tpu.memory_space<hbm>> -> memref<1x64xf32, #tpu.memory_space<hbm>>
        %dma_wait3A_1969 = arith.constant 0 : i32
        %dma_wait3A_1970 = arith.constant 0 : i32
        %dma_wait3A_1971 = tpu.memref_slice %arg6[%dma_wait3A_1969, %dma_wait3A_1970] : memref<800x64xf32, #tpu.memory_space<vmem>> -> memref<1x64xf32, #tpu.memory_space<vmem>>
        %dma_wait3A_1972 = arith.constant 0 : i32
        %dma_wait3A_1973 = arith.constant 0 : i32
        %dma_wait3A_1974 = tpu.memref_slice %arg2[%dma_wait3A_1972, %dma_wait3A_1973] : memref<1000000x64xf32, #tpu.memory_space<hbm>> -> memref<1x64xf32, #tpu.memory_space<hbm>>
        tpu.wait_dma2 semaphore(%arg7 : memref<!tpu.dma_semaphore, #tpu.memory_space<semaphore_mem>>) src(%dma_wait3A_1974 : memref<1x64xf32, #tpu.memory_space<hbm>>) dst(%dma_wait3A_1971 : memref<1x64xf32, #tpu.memory_space<vmem>>)
      } else {
      }
    }
    %scan3A_8 = arith.constant 50 : i32
    %dma_wait3A = arith.constant 0 : i32
    %dma_wait3A_9 = arith.constant 0 : i32
    %dma_wait3A_10 = tpu.memref_slice %arg6[%dma_wait3A, %dma_wait3A_9] : memref<800x64xf32, #tpu.memory_space<vmem>> -> memref<1x64xf32, #tpu.memory_space<vmem>>
    %dma_wait3A_11 = arith.constant 0 : i32
    %dma_wait3A_12 = arith.constant 0 : i32
    %dma_wait3A_13 = tpu.memref_slice %arg2[%dma_wait3A_11, %dma_wait3A_12] : memref<1000000x64xf32, #tpu.memory_space<hbm>> -> memref<1x64xf32, #tpu.memory_space<hbm>>
    %dma_wait3A_14 = arith.constant 0 : i32
    %dma_wait3A_15 = arith.constant 0 : i32
    %dma_wait3A_16 = tpu.memref_slice %arg6[%dma_wait3A_14, %dma_wait3A_15] : memref<800x64xf32, #tpu.memory_space<vmem>> -> memref<1x64xf32, #tpu.memory_space<vmem>>
    %dma_wait3A_17 = arith.constant 0 : i32
    %dma_wait3A_18 = arith.constant 0 : i32
    %dma_wait3A_19 = tpu.memref_slice %arg2[%dma_wait3A_17, %dma_wait3A_18] : memref<1000000x64xf32, #tpu.memory_space<hbm>> -> memref<1x64xf32, #tpu.memory_space<hbm>>
    tpu.wait_dma2 semaphore(%arg7 : memref<!tpu.dma_semaphore, #tpu.memory_space<semaphore_mem>>) src(%dma_wait3A_19 : memref<1x64xf32, #tpu.memory_space<hbm>>) dst(%dma_wait3A_16 : memref<1x64xf32, #tpu.memory_space<vmem>>)
    %dma_wait3A_20 = arith.constant 0 : i32
    %dma_wait3A_21 = arith.constant 0 : i32
    %dma_wait3A_22 = tpu.memref_slice %arg6[%dma_wait3A_20, %dma_wait3A_21] : memref<800x64xf32, #tpu.memory_space<vmem>> -> memref<1x64xf32, #tpu.memory_space<vmem>>
    %dma_wait3A_23 = arith.constant 0 : i32
    %dma_wait3A_24 = arith.constant 0 : i32
    %dma_wait3A_25 = tpu.memref_slice %arg2[%dma_wait3A_23, %dma_wait3A_24] : memref<1000000x64xf32, #tpu.memory_space<hbm>> -> memref<1x64xf32, #tpu.memory_space<hbm>>
    %dma_wait3A_26 = arith.constant 0 : i32
    %dma_wait3A_27 = arith.constant 0 : i32
    %dma_wait3A_28 = tpu.memref_slice %arg6[%dma_wait3A_26, %dma_wait3A_27] : memref<800x64xf32, #tpu.memory_space<vmem>> -> memref<1x64xf32, #tpu.memory_space<vmem>>
    %dma_wait3A_29 = arith.constant 0 : i32
    %dma_wait3A_30 = arith.constant 0 : i32
    %dma_wait3A_31 = tpu.memref_slice %arg2[%dma_wait3A_29, %dma_wait3A_30] : memref<1000000x64xf32, #tpu.memory_space<hbm>> -> memref<1x64xf32, #tpu.memory_space<hbm>>
    tpu.wait_dma2 semaphore(%arg7 : memref<!tpu.dma_semaphore, #tpu.memory_space<semaphore_mem>>) src(%dma_wait3A_31 : memref<1x64xf32, #tpu.memory_space<hbm>>) dst(%dma_wait3A_28 : memref<1x64xf32, #tpu.memory_space<vmem>>)
    %dma_wait3A_32 = arith.constant 0 : i32
    %dma_wait3A_33 = arith.constant 0 : i32
    %dma_wait3A_34 = tpu.memref_slice %arg6[%dma_wait3A_32, %dma_wait3A_33] : memref<800x64xf32, #tpu.memory_space<vmem>> -> memref<1x64xf32, #tpu.memory_space<vmem>>
    %dma_wait3A_35 = arith.constant 0 : i32
    %dma_wait3A_36 = arith.constant 0 : i32
    %dma_wait3A_37 = tpu.memref_slice %arg2[%dma_wait3A_35, %dma_wait3A_36] : memref<1000000x64xf32, #tpu.memory_space<hbm>> -> memref<1x64xf32, #tpu.memory_space<hbm>>
    %dma_wait3A_38 = arith.constant 0 : i32
    %dma_wait3A_39 = arith.constant 0 : i32
    %dma_wait3A_40 = tpu.memref_slice %arg6[%dma_wait3A_38, %dma_wait3A_39] : memref<800x64xf32, #tpu.memory_space<vmem>> -> memref<1x64xf32, #tpu.memory_space<vmem>>
    %dma_wait3A_41 = arith.constant 0 : i32
    %dma_wait3A_42 = arith.constant 0 : i32
    %dma_wait3A_43 = tpu.memref_slice %arg2[%dma_wait3A_41, %dma_wait3A_42] : memref<1000000x64xf32, #tpu.memory_space<hbm>> -> memref<1x64xf32, #tpu.memory_space<hbm>>
    tpu.wait_dma2 semaphore(%arg7 : memref<!tpu.dma_semaphore, #tpu.memory_space<semaphore_mem>>) src(%dma_wait3A_43 : memref<1x64xf32, #tpu.memory_space<hbm>>) dst(%dma_wait3A_40 : memref<1x64xf32, #tpu.memory_space<vmem>>)
    %dma_wait3A_44 = arith.constant 0 : i32
    %dma_wait3A_45 = arith.constant 0 : i32
    %dma_wait3A_46 = tpu.memref_slice %arg6[%dma_wait3A_44, %dma_wait3A_45] : memref<800x64xf32, #tpu.memory_space<vmem>> -> memref<1x64xf32, #tpu.memory_space<vmem>>
    %dma_wait3A_47 = arith.constant 0 : i32
    %dma_wait3A_48 = arith.constant 0 : i32
    %dma_wait3A_49 = tpu.memref_slice %arg2[%dma_wait3A_47, %dma_wait3A_48] : memref<1000000x64xf32, #tpu.memory_space<hbm>> -> memref<1x64xf32, #tpu.memory_space<hbm>>
    %dma_wait3A_50 = arith.constant 0 : i32
    %dma_wait3A_51 = arith.constant 0 : i32
    %dma_wait3A_52 = tpu.memref_slice %arg6[%dma_wait3A_50, %dma_wait3A_51] : memref<800x64xf32, #tpu.memory_space<vmem>> -> memref<1x64xf32, #tpu.memory_space<vmem>>
    %dma_wait3A_53 = arith.constant 0 : i32
    %dma_wait3A_54 = arith.constant 0 : i32
    %dma_wait3A_55 = tpu.memref_slice %arg2[%dma_wait3A_53, %dma_wait3A_54] : memref<1000000x64xf32, #tpu.memory_space<hbm>> -> memref<1x64xf32, #tpu.memory_space<hbm>>
    tpu.wait_dma2 semaphore(%arg7 : memref<!tpu.dma_semaphore, #tpu.memory_space<semaphore_mem>>) src(%dma_wait3A_55 : memref<1x64xf32, #tpu.memory_space<hbm>>) dst(%dma_wait3A_52 : memref<1x64xf32, #tpu.memory_space<vmem>>)
    %dma_wait3A_56 = arith.constant 0 : i32
    %dma_wait3A_57 = arith.constant 0 : i32
    %dma_wait3A_58 = tpu.memref_slice %arg6[%dma_wait3A_56, %dma_wait3A_57] : memref<800x64xf32, #tpu.memory_space<vmem>> -> memref<1x64xf32, #tpu.memory_space<vmem>>
    %dma_wait3A_59 = arith.constant 0 : i32
    %dma_wait3A_60 = arith.constant 0 : i32
    %dma_wait3A_61 = tpu.memref_slice %arg2[%dma_wait3A_59, %dma_wait3A_60] : memref<1000000x64xf32, #tpu.memory_space<hbm>> -> memref<1x64xf32, #tpu.memory_space<hbm>>
    %dma_wait3A_62 = arith.constant 0 : i32
    %dma_wait3A_63 = arith.constant 0 : i32
    %dma_wait3A_64 = tpu.memref_slice %arg6[%dma_wait3A_62, %dma_wait3A_63] : memref<800x64xf32, #tpu.memory_space<vmem>> -> memref<1x64xf32, #tpu.memory_space<vmem>>
    %dma_wait3A_65 = arith.constant 0 : i32
    %dma_wait3A_66 = arith.constant 0 : i32
    %dma_wait3A_67 = tpu.memref_slice %arg2[%dma_wait3A_65, %dma_wait3A_66] : memref<1000000x64xf32, #tpu.memory_space<hbm>> -> memref<1x64xf32, #tpu.memory_space<hbm>>
    tpu.wait_dma2 semaphore(%arg7 : memref<!tpu.dma_semaphore, #tpu.memory_space<semaphore_mem>>) src(%dma_wait3A_67 : memref<1x64xf32, #tpu.memory_space<hbm>>) dst(%dma_wait3A_64 : memref<1x64xf32, #tpu.memory_space<vmem>>)
    %dma_wait3A_68 = arith.constant 0 : i32
    %dma_wait3A_69 = arith.constant 0 : i32
    %dma_wait3A_70 = tpu.memref_slice %arg6[%dma_wait3A_68, %dma_wait3A_69] : memref<800x64xf32, #tpu.memory_space<vmem>> -> memref<1x64xf32, #tpu.memory_space<vmem>>
    %dma_wait3A_71 = arith.constant 0 : i32
    %dma_wait3A_72 = arith.constant 0 : i32
    %dma_wait3A_73 = tpu.memref_slice %arg2[%dma_wait3A_71, %dma_wait3A_72] : memref<1000000x64xf32, #tpu.memory_space<hbm>> -> memref<1x64xf32, #tpu.memory_space<hbm>>
    %dma_wait3A_74 = arith.constant 0 : i32
    %dma_wait3A_75 = arith.constant 0 : i32
    %dma_wait3A_76 = tpu.memref_slice %arg6[%dma_wait3A_74, %dma_wait3A_75] : memref<800x64xf32, #tpu.memory_space<vmem>> -> memref<1x64xf32, #tpu.memory_space<vmem>>
    %dma_wait3A_77 = arith.constant 0 : i32
    %dma_wait3A_78 = arith.constant 0 : i32
    %dma_wait3A_79 = tpu.memref_slice %arg2[%dma_wait3A_77, %dma_wait3A_78] : memref<1000000x64xf32, #tpu.memory_space<hbm>> -> memref<1x64xf32, #tpu.memory_space<hbm>>
    tpu.wait_dma2 semaphore(%arg7 : memref<!tpu.dma_semaphore, #tpu.memory_space<semaphore_mem>>) src(%dma_wait3A_79 : memref<1x64xf32, #tpu.memory_space<hbm>>) dst(%dma_wait3A_76 : memref<1x64xf32, #tpu.memory_space<vmem>>)
    %dma_wait3A_80 = arith.constant 0 : i32
    %dma_wait3A_81 = arith.constant 0 : i32
    %dma_wait3A_82 = tpu.memref_slice %arg6[%dma_wait3A_80, %dma_wait3A_81] : memref<800x64xf32, #tpu.memory_space<vmem>> -> memref<1x64xf32, #tpu.memory_space<vmem>>
    %dma_wait3A_83 = arith.constant 0 : i32
    %dma_wait3A_84 = arith.constant 0 : i32
    %dma_wait3A_85 = tpu.memref_slice %arg2[%dma_wait3A_83, %dma_wait3A_84] : memref<1000000x64xf32, #tpu.memory_space<hbm>> -> memref<1x64xf32, #tpu.memory_space<hbm>>
    %dma_wait3A_86 = arith.constant 0 : i32
    %dma_wait3A_87 = arith.constant 0 : i32
    %dma_wait3A_88 = tpu.memref_slice %arg6[%dma_wait3A_86, %dma_wait3A_87] : memref<800x64xf32, #tpu.memory_space<vmem>> -> memref<1x64xf32, #tpu.memory_space<vmem>>
    %dma_wait3A_89 = arith.constant 0 : i32
    %dma_wait3A_90 = arith.constant 0 : i32
    %dma_wait3A_91 = tpu.memref_slice %arg2[%dma_wait3A_89, %dma_wait3A_90] : memref<1000000x64xf32, #tpu.memory_space<hbm>> -> memref<1x64xf32, #tpu.memory_space<hbm>>
    tpu.wait_dma2 semaphore(%arg7 : memref<!tpu.dma_semaphore, #tpu.memory_space<semaphore_mem>>) src(%dma_wait3A_91 : memref<1x64xf32, #tpu.memory_space<hbm>>) dst(%dma_wait3A_88 : memref<1x64xf32, #tpu.memory_space<vmem>>)
    %dma_wait3A_92 = arith.constant 0 : i32
    %dma_wait3A_93 = arith.constant 0 : i32
    %dma_wait3A_94 = tpu.memref_slice %arg6[%dma_wait3A_92, %dma_wait3A_93] : memref<800x64xf32, #tpu.memory_space<vmem>> -> memref<1x64xf32, #tpu.memory_space<vmem>>
    %dma_wait3A_95 = arith.constant 0 : i32
    %dma_wait3A_96 = arith.constant 0 : i32
    %dma_wait3A_97 = tpu.memref_slice %arg2[%dma_wait3A_95, %dma_wait3A_96] : memref<1000000x64xf32, #tpu.memory_space<hbm>> -> memref<1x64xf32, #tpu.memory_space<hbm>>
    %dma_wait3A_98 = arith.constant 0 : i32
    %dma_wait3A_99 = arith.constant 0 : i32
    %dma_wait3A_100 = tpu.memref_slice %arg6[%dma_wait3A_98, %dma_wait3A_99] : memref<800x64xf32, #tpu.memory_space<vmem>> -> memref<1x64xf32, #tpu.memory_space<vmem>>
    %dma_wait3A_101 = arith.constant 0 : i32
    %dma_wait3A_102 = arith.constant 0 : i32
    %dma_wait3A_103 = tpu.memref_slice %arg2[%dma_wait3A_101, %dma_wait3A_102] : memref<1000000x64xf32, #tpu.memory_space<hbm>> -> memref<1x64xf32, #tpu.memory_space<hbm>>
    tpu.wait_dma2 semaphore(%arg7 : memref<!tpu.dma_semaphore, #tpu.memory_space<semaphore_mem>>) src(%dma_wait3A_103 : memref<1x64xf32, #tpu.memory_space<hbm>>) dst(%dma_wait3A_100 : memref<1x64xf32, #tpu.memory_space<vmem>>)
    %dma_wait3A_104 = arith.constant 0 : i32
    %dma_wait3A_105 = arith.constant 0 : i32
    %dma_wait3A_106 = tpu.memref_slice %arg6[%dma_wait3A_104, %dma_wait3A_105] : memref<800x64xf32, #tpu.memory_space<vmem>> -> memref<1x64xf32, #tpu.memory_space<vmem>>
    %dma_wait3A_107 = arith.constant 0 : i32
    %dma_wait3A_108 = arith.constant 0 : i32
    %dma_wait3A_109 = tpu.memref_slice %arg2[%dma_wait3A_107, %dma_wait3A_108] : memref<1000000x64xf32, #tpu.memory_space<hbm>> -> memref<1x64xf32, #tpu.memory_space<hbm>>
    %dma_wait3A_110 = arith.constant 0 : i32
    %dma_wait3A_111 = arith.constant 0 : i32
    %dma_wait3A_112 = tpu.memref_slice %arg6[%dma_wait3A_110, %dma_wait3A_111] : memref<800x64xf32, #tpu.memory_space<vmem>> -> memref<1x64xf32, #tpu.memory_space<vmem>>
    %dma_wait3A_113 = arith.constant 0 : i32
    %dma_wait3A_114 = arith.constant 0 : i32
    %dma_wait3A_115 = tpu.memref_slice %arg2[%dma_wait3A_113, %dma_wait3A_114] : memref<1000000x64xf32, #tpu.memory_space<hbm>> -> memref<1x64xf32, #tpu.memory_space<hbm>>
    tpu.wait_dma2 semaphore(%arg7 : memref<!tpu.dma_semaphore, #tpu.memory_space<semaphore_mem>>) src(%dma_wait3A_115 : memref<1x64xf32, #tpu.memory_space<hbm>>) dst(%dma_wait3A_112 : memref<1x64xf32, #tpu.memory_space<vmem>>)
    %dma_wait3A_116 = arith.constant 0 : i32
    %dma_wait3A_117 = arith.constant 0 : i32
    %dma_wait3A_118 = tpu.memref_slice %arg6[%dma_wait3A_116, %dma_wait3A_117] : memref<800x64xf32, #tpu.memory_space<vmem>> -> memref<1x64xf32, #tpu.memory_space<vmem>>
    %dma_wait3A_119 = arith.constant 0 : i32
    %dma_wait3A_120 = arith.constant 0 : i32
    %dma_wait3A_121 = tpu.memref_slice %arg2[%dma_wait3A_119, %dma_wait3A_120] : memref<1000000x64xf32, #tpu.memory_space<hbm>> -> memref<1x64xf32, #tpu.memory_space<hbm>>
    %dma_wait3A_122 = arith.constant 0 : i32
    %dma_wait3A_123 = arith.constant 0 : i32
    %dma_wait3A_124 = tpu.memref_slice %arg6[%dma_wait3A_122, %dma_wait3A_123] : memref<800x64xf32, #tpu.memory_space<vmem>> -> memref<1x64xf32, #tpu.memory_space<vmem>>
    %dma_wait3A_125 = arith.constant 0 : i32
    %dma_wait3A_126 = arith.constant 0 : i32
    %dma_wait3A_127 = tpu.memref_slice %arg2[%dma_wait3A_125, %dma_wait3A_126] : memref<1000000x64xf32, #tpu.memory_space<hbm>> -> memref<1x64xf32, #tpu.memory_space<hbm>>
    tpu.wait_dma2 semaphore(%arg7 : memref<!tpu.dma_semaphore, #tpu.memory_space<semaphore_mem>>) src(%dma_wait3A_127 : memref<1x64xf32, #tpu.memory_space<hbm>>) dst(%dma_wait3A_124 : memref<1x64xf32, #tpu.memory_space<vmem>>)
    %dma_wait3A_128 = arith.constant 0 : i32
    %dma_wait3A_129 = arith.constant 0 : i32
    %dma_wait3A_130 = tpu.memref_slice %arg6[%dma_wait3A_128, %dma_wait3A_129] : memref<800x64xf32, #tpu.memory_space<vmem>> -> memref<1x64xf32, #tpu.memory_space<vmem>>
    %dma_wait3A_131 = arith.constant 0 : i32
    %dma_wait3A_132 = arith.constant 0 : i32
    %dma_wait3A_133 = tpu.memref_slice %arg2[%dma_wait3A_131, %dma_wait3A_132] : memref<1000000x64xf32, #tpu.memory_space<hbm>> -> memref<1x64xf32, #tpu.memory_space<hbm>>
    %dma_wait3A_134 = arith.constant 0 : i32
    %dma_wait3A_135 = arith.constant 0 : i32
    %dma_wait3A_136 = tpu.memref_slice %arg6[%dma_wait3A_134, %dma_wait3A_135] : memref<800x64xf32, #tpu.memory_space<vmem>> -> memref<1x64xf32, #tpu.memory_space<vmem>>
    %dma_wait3A_137 = arith.constant 0 : i32
    %dma_wait3A_138 = arith.constant 0 : i32
    %dma_wait3A_139 = tpu.memref_slice %arg2[%dma_wait3A_137, %dma_wait3A_138] : memref<1000000x64xf32, #tpu.memory_space<hbm>> -> memref<1x64xf32, #tpu.memory_space<hbm>>
    tpu.wait_dma2 semaphore(%arg7 : memref<!tpu.dma_semaphore, #tpu.memory_space<semaphore_mem>>) src(%dma_wait3A_139 : memref<1x64xf32, #tpu.memory_space<hbm>>) dst(%dma_wait3A_136 : memref<1x64xf32, #tpu.memory_space<vmem>>)
    %dma_wait3A_140 = arith.constant 0 : i32
    %dma_wait3A_141 = arith.constant 0 : i32
    %dma_wait3A_142 = tpu.memref_slice %arg6[%dma_wait3A_140, %dma_wait3A_141] : memref<800x64xf32, #tpu.memory_space<vmem>> -> memref<1x64xf32, #tpu.memory_space<vmem>>
    %dma_wait3A_143 = arith.constant 0 : i32
    %dma_wait3A_144 = arith.constant 0 : i32
    %dma_wait3A_145 = tpu.memref_slice %arg2[%dma_wait3A_143, %dma_wait3A_144] : memref<1000000x64xf32, #tpu.memory_space<hbm>> -> memref<1x64xf32, #tpu.memory_space<hbm>>
    %dma_wait3A_146 = arith.constant 0 : i32
    %dma_wait3A_147 = arith.constant 0 : i32
    %dma_wait3A_148 = tpu.memref_slice %arg6[%dma_wait3A_146, %dma_wait3A_147] : memref<800x64xf32, #tpu.memory_space<vmem>> -> memref<1x64xf32, #tpu.memory_space<vmem>>
    %dma_wait3A_149 = arith.constant 0 : i32
    %dma_wait3A_150 = arith.constant 0 : i32
    %dma_wait3A_151 = tpu.memref_slice %arg2[%dma_wait3A_149, %dma_wait3A_150] : memref<1000000x64xf32, #tpu.memory_space<hbm>> -> memref<1x64xf32, #tpu.memory_space<hbm>>
    tpu.wait_dma2 semaphore(%arg7 : memref<!tpu.dma_semaphore, #tpu.memory_space<semaphore_mem>>) src(%dma_wait3A_151 : memref<1x64xf32, #tpu.memory_space<hbm>>) dst(%dma_wait3A_148 : memref<1x64xf32, #tpu.memory_space<vmem>>)
    %dma_wait3A_152 = arith.constant 0 : i32
    %dma_wait3A_153 = arith.constant 0 : i32
    %dma_wait3A_154 = tpu.memref_slice %arg6[%dma_wait3A_152, %dma_wait3A_153] : memref<800x64xf32, #tpu.memory_space<vmem>> -> memref<1x64xf32, #tpu.memory_space<vmem>>
    %dma_wait3A_155 = arith.constant 0 : i32
    %dma_wait3A_156 = arith.constant 0 : i32
    %dma_wait3A_157 = tpu.memref_slice %arg2[%dma_wait3A_155, %dma_wait3A_156] : memref<1000000x64xf32, #tpu.memory_space<hbm>> -> memref<1x64xf32, #tpu.memory_space<hbm>>
    %dma_wait3A_158 = arith.constant 0 : i32
    %dma_wait3A_159 = arith.constant 0 : i32
    %dma_wait3A_160 = tpu.memref_slice %arg6[%dma_wait3A_158, %dma_wait3A_159] : memref<800x64xf32, #tpu.memory_space<vmem>> -> memref<1x64xf32, #tpu.memory_space<vmem>>
    %dma_wait3A_161 = arith.constant 0 : i32
    %dma_wait3A_162 = arith.constant 0 : i32
    %dma_wait3A_163 = tpu.memref_slice %arg2[%dma_wait3A_161, %dma_wait3A_162] : memref<1000000x64xf32, #tpu.memory_space<hbm>> -> memref<1x64xf32, #tpu.memory_space<hbm>>
    tpu.wait_dma2 semaphore(%arg7 : memref<!tpu.dma_semaphore, #tpu.memory_space<semaphore_mem>>) src(%dma_wait3A_163 : memref<1x64xf32, #tpu.memory_space<hbm>>) dst(%dma_wait3A_160 : memref<1x64xf32, #tpu.memory_space<vmem>>)
    %dma_wait3A_164 = arith.constant 0 : i32
    %dma_wait3A_165 = arith.constant 0 : i32
    %dma_wait3A_166 = tpu.memref_slice %arg6[%dma_wait3A_164, %dma_wait3A_165] : memref<800x64xf32, #tpu.memory_space<vmem>> -> memref<1x64xf32, #tpu.memory_space<vmem>>
    %dma_wait3A_167 = arith.constant 0 : i32
    %dma_wait3A_168 = arith.constant 0 : i32
    %dma_wait3A_169 = tpu.memref_slice %arg2[%dma_wait3A_167, %dma_wait3A_168] : memref<1000000x64xf32, #tpu.memory_space<hbm>> -> memref<1x64xf32, #tpu.memory_space<hbm>>
    %dma_wait3A_170 = arith.constant 0 : i32
    %dma_wait3A_171 = arith.constant 0 : i32
    %dma_wait3A_172 = tpu.memref_slice %arg6[%dma_wait3A_170, %dma_wait3A_171] : memref<800x64xf32, #tpu.memory_space<vmem>> -> memref<1x64xf32, #tpu.memory_space<vmem>>
    %dma_wait3A_173 = arith.constant 0 : i32
    %dma_wait3A_174 = arith.constant 0 : i32
    %dma_wait3A_175 = tpu.memref_slice %arg2[%dma_wait3A_173, %dma_wait3A_174] : memref<1000000x64xf32, #tpu.memory_space<hbm>> -> memref<1x64xf32, #tpu.memory_space<hbm>>
    tpu.wait_dma2 semaphore(%arg7 : memref<!tpu.dma_semaphore, #tpu.memory_space<semaphore_mem>>) src(%dma_wait3A_175 : memref<1x64xf32, #tpu.memory_space<hbm>>) dst(%dma_wait3A_172 : memref<1x64xf32, #tpu.memory_space<vmem>>)
    %dma_wait3A_176 = arith.constant 0 : i32
    %dma_wait3A_177 = arith.constant 0 : i32
    %dma_wait3A_178 = tpu.memref_slice %arg6[%dma_wait3A_176, %dma_wait3A_177] : memref<800x64xf32, #tpu.memory_space<vmem>> -> memref<1x64xf32, #tpu.memory_space<vmem>>
    %dma_wait3A_179 = arith.constant 0 : i32
    %dma_wait3A_180 = arith.constant 0 : i32
    %dma_wait3A_181 = tpu.memref_slice %arg2[%dma_wait3A_179, %dma_wait3A_180] : memref<1000000x64xf32, #tpu.memory_space<hbm>> -> memref<1x64xf32, #tpu.memory_space<hbm>>
    %dma_wait3A_182 = arith.constant 0 : i32
    %dma_wait3A_183 = arith.constant 0 : i32
    %dma_wait3A_184 = tpu.memref_slice %arg6[%dma_wait3A_182, %dma_wait3A_183] : memref<800x64xf32, #tpu.memory_space<vmem>> -> memref<1x64xf32, #tpu.memory_space<vmem>>
    %dma_wait3A_185 = arith.constant 0 : i32
    %dma_wait3A_186 = arith.constant 0 : i32
    %dma_wait3A_187 = tpu.memref_slice %arg2[%dma_wait3A_185, %dma_wait3A_186] : memref<1000000x64xf32, #tpu.memory_space<hbm>> -> memref<1x64xf32, #tpu.memory_space<hbm>>
    tpu.wait_dma2 semaphore(%arg7 : memref<!tpu.dma_semaphore, #tpu.memory_space<semaphore_mem>>) src(%dma_wait3A_187 : memref<1x64xf32, #tpu.memory_space<hbm>>) dst(%dma_wait3A_184 : memref<1x64xf32, #tpu.memory_space<vmem>>)
    %dma_wait3A_188 = arith.constant 0 : i32
    %dma_wait3A_189 = arith.constant 0 : i32
    %dma_wait3A_190 = tpu.memref_slice %arg6[%dma_wait3A_188, %dma_wait3A_189] : memref<800x64xf32, #tpu.memory_space<vmem>> -> memref<1x64xf32, #tpu.memory_space<vmem>>
    %dma_wait3A_191 = arith.constant 0 : i32
    %dma_wait3A_192 = arith.constant 0 : i32
    %dma_wait3A_193 = tpu.memref_slice %arg2[%dma_wait3A_191, %dma_wait3A_192] : memref<1000000x64xf32, #tpu.memory_space<hbm>> -> memref<1x64xf32, #tpu.memory_space<hbm>>
    %dma_wait3A_194 = arith.constant 0 : i32
    %dma_wait3A_195 = arith.constant 0 : i32
    %dma_wait3A_196 = tpu.memref_slice %arg6[%dma_wait3A_194, %dma_wait3A_195] : memref<800x64xf32, #tpu.memory_space<vmem>> -> memref<1x64xf32, #tpu.memory_space<vmem>>
    %dma_wait3A_197 = arith.constant 0 : i32
    %dma_wait3A_198 = arith.constant 0 : i32
    %dma_wait3A_199 = tpu.memref_slice %arg2[%dma_wait3A_197, %dma_wait3A_198] : memref<1000000x64xf32, #tpu.memory_space<hbm>> -> memref<1x64xf32, #tpu.memory_space<hbm>>
    tpu.wait_dma2 semaphore(%arg7 : memref<!tpu.dma_semaphore, #tpu.memory_space<semaphore_mem>>) src(%dma_wait3A_199 : memref<1x64xf32, #tpu.memory_space<hbm>>) dst(%dma_wait3A_196 : memref<1x64xf32, #tpu.memory_space<vmem>>)
    %dma_wait3A_200 = arith.constant 0 : i32
    %dma_wait3A_201 = arith.constant 0 : i32
    %dma_wait3A_202 = tpu.memref_slice %arg6[%dma_wait3A_200, %dma_wait3A_201] : memref<800x64xf32, #tpu.memory_space<vmem>> -> memref<1x64xf32, #tpu.memory_space<vmem>>
    %dma_wait3A_203 = arith.constant 0 : i32
    %dma_wait3A_204 = arith.constant 0 : i32
    %dma_wait3A_205 = tpu.memref_slice %arg2[%dma_wait3A_203, %dma_wait3A_204] : memref<1000000x64xf32, #tpu.memory_space<hbm>> -> memref<1x64xf32, #tpu.memory_space<hbm>>
    %dma_wait3A_206 = arith.constant 0 : i32
    %dma_wait3A_207 = arith.constant 0 : i32
    %dma_wait3A_208 = tpu.memref_slice %arg6[%dma_wait3A_206, %dma_wait3A_207] : memref<800x64xf32, #tpu.memory_space<vmem>> -> memref<1x64xf32, #tpu.memory_space<vmem>>
    %dma_wait3A_209 = arith.constant 0 : i32
    %dma_wait3A_210 = arith.constant 0 : i32
    %dma_wait3A_211 = tpu.memref_slice %arg2[%dma_wait3A_209, %dma_wait3A_210] : memref<1000000x64xf32, #tpu.memory_space<hbm>> -> memref<1x64xf32, #tpu.memory_space<hbm>>
    tpu.wait_dma2 semaphore(%arg7 : memref<!tpu.dma_semaphore, #tpu.memory_space<semaphore_mem>>) src(%dma_wait3A_211 : memref<1x64xf32, #tpu.memory_space<hbm>>) dst(%dma_wait3A_208 : memref<1x64xf32, #tpu.memory_space<vmem>>)
    %dma_wait3A_212 = arith.constant 0 : i32
    %dma_wait3A_213 = arith.constant 0 : i32
    %dma_wait3A_214 = tpu.memref_slice %arg6[%dma_wait3A_212, %dma_wait3A_213] : memref<800x64xf32, #tpu.memory_space<vmem>> -> memref<1x64xf32, #tpu.memory_space<vmem>>
    %dma_wait3A_215 = arith.constant 0 : i32
    %dma_wait3A_216 = arith.constant 0 : i32
    %dma_wait3A_217 = tpu.memref_slice %arg2[%dma_wait3A_215, %dma_wait3A_216] : memref<1000000x64xf32, #tpu.memory_space<hbm>> -> memref<1x64xf32, #tpu.memory_space<hbm>>
    %dma_wait3A_218 = arith.constant 0 : i32
    %dma_wait3A_219 = arith.constant 0 : i32
    %dma_wait3A_220 = tpu.memref_slice %arg6[%dma_wait3A_218, %dma_wait3A_219] : memref<800x64xf32, #tpu.memory_space<vmem>> -> memref<1x64xf32, #tpu.memory_space<vmem>>
    %dma_wait3A_221 = arith.constant 0 : i32
    %dma_wait3A_222 = arith.constant 0 : i32
    %dma_wait3A_223 = tpu.memref_slice %arg2[%dma_wait3A_221, %dma_wait3A_222] : memref<1000000x64xf32, #tpu.memory_space<hbm>> -> memref<1x64xf32, #tpu.memory_space<hbm>>
    tpu.wait_dma2 semaphore(%arg7 : memref<!tpu.dma_semaphore, #tpu.memory_space<semaphore_mem>>) src(%dma_wait3A_223 : memref<1x64xf32, #tpu.memory_space<hbm>>) dst(%dma_wait3A_220 : memref<1x64xf32, #tpu.memory_space<vmem>>)
    %dma_wait3A_224 = arith.constant 0 : i32
    %dma_wait3A_225 = arith.constant 0 : i32
    %dma_wait3A_226 = tpu.memref_slice %arg6[%dma_wait3A_224, %dma_wait3A_225] : memref<800x64xf32, #tpu.memory_space<vmem>> -> memref<1x64xf32, #tpu.memory_space<vmem>>
    %dma_wait3A_227 = arith.constant 0 : i32
    %dma_wait3A_228 = arith.constant 0 : i32
    %dma_wait3A_229 = tpu.memref_slice %arg2[%dma_wait3A_227, %dma_wait3A_228] : memref<1000000x64xf32, #tpu.memory_space<hbm>> -> memref<1x64xf32, #tpu.memory_space<hbm>>
    %dma_wait3A_230 = arith.constant 0 : i32
    %dma_wait3A_231 = arith.constant 0 : i32
    %dma_wait3A_232 = tpu.memref_slice %arg6[%dma_wait3A_230, %dma_wait3A_231] : memref<800x64xf32, #tpu.memory_space<vmem>> -> memref<1x64xf32, #tpu.memory_space<vmem>>
    %dma_wait3A_233 = arith.constant 0 : i32
    %dma_wait3A_234 = arith.constant 0 : i32
    %dma_wait3A_235 = tpu.memref_slice %arg2[%dma_wait3A_233, %dma_wait3A_234] : memref<1000000x64xf32, #tpu.memory_space<hbm>> -> memref<1x64xf32, #tpu.memory_space<hbm>>
    tpu.wait_dma2 semaphore(%arg7 : memref<!tpu.dma_semaphore, #tpu.memory_space<semaphore_mem>>) src(%dma_wait3A_235 : memref<1x64xf32, #tpu.memory_space<hbm>>) dst(%dma_wait3A_232 : memref<1x64xf32, #tpu.memory_space<vmem>>)
    %dma_wait3A_236 = arith.constant 0 : i32
    %dma_wait3A_237 = arith.constant 0 : i32
    %dma_wait3A_238 = tpu.memref_slice %arg6[%dma_wait3A_236, %dma_wait3A_237] : memref<800x64xf32, #tpu.memory_space<vmem>> -> memref<1x64xf32, #tpu.memory_space<vmem>>
    %dma_wait3A_239 = arith.constant 0 : i32
    %dma_wait3A_240 = arith.constant 0 : i32
    %dma_wait3A_241 = tpu.memref_slice %arg2[%dma_wait3A_239, %dma_wait3A_240] : memref<1000000x64xf32, #tpu.memory_space<hbm>> -> memref<1x64xf32, #tpu.memory_space<hbm>>
    %dma_wait3A_242 = arith.constant 0 : i32
    %dma_wait3A_243 = arith.constant 0 : i32
    %dma_wait3A_244 = tpu.memref_slice %arg6[%dma_wait3A_242, %dma_wait3A_243] : memref<800x64xf32, #tpu.memory_space<vmem>> -> memref<1x64xf32, #tpu.memory_space<vmem>>
    %dma_wait3A_245 = arith.constant 0 : i32
    %dma_wait3A_246 = arith.constant 0 : i32
    %dma_wait3A_247 = tpu.memref_slice %arg2[%dma_wait3A_245, %dma_wait3A_246] : memref<1000000x64xf32, #tpu.memory_space<hbm>> -> memref<1x64xf32, #tpu.memory_space<hbm>>
    tpu.wait_dma2 semaphore(%arg7 : memref<!tpu.dma_semaphore, #tpu.memory_space<semaphore_mem>>) src(%dma_wait3A_247 : memref<1x64xf32, #tpu.memory_space<hbm>>) dst(%dma_wait3A_244 : memref<1x64xf32, #tpu.memory_space<vmem>>)
    %dma_wait3A_248 = arith.constant 0 : i32
    %dma_wait3A_249 = arith.constant 0 : i32
    %dma_wait3A_250 = tpu.memref_slice %arg6[%dma_wait3A_248, %dma_wait3A_249] : memref<800x64xf32, #tpu.memory_space<vmem>> -> memref<1x64xf32, #tpu.memory_space<vmem>>
    %dma_wait3A_251 = arith.constant 0 : i32
    %dma_wait3A_252 = arith.constant 0 : i32
    %dma_wait3A_253 = tpu.memref_slice %arg2[%dma_wait3A_251, %dma_wait3A_252] : memref<1000000x64xf32, #tpu.memory_space<hbm>> -> memref<1x64xf32, #tpu.memory_space<hbm>>
    %dma_wait3A_254 = arith.constant 0 : i32
    %dma_wait3A_255 = arith.constant 0 : i32
    %dma_wait3A_256 = tpu.memref_slice %arg6[%dma_wait3A_254, %dma_wait3A_255] : memref<800x64xf32, #tpu.memory_space<vmem>> -> memref<1x64xf32, #tpu.memory_space<vmem>>
    %dma_wait3A_257 = arith.constant 0 : i32
    %dma_wait3A_258 = arith.constant 0 : i32
    %dma_wait3A_259 = tpu.memref_slice %arg2[%dma_wait3A_257, %dma_wait3A_258] : memref<1000000x64xf32, #tpu.memory_space<hbm>> -> memref<1x64xf32, #tpu.memory_space<hbm>>
    tpu.wait_dma2 semaphore(%arg7 : memref<!tpu.dma_semaphore, #tpu.memory_space<semaphore_mem>>) src(%dma_wait3A_259 : memref<1x64xf32, #tpu.memory_space<hbm>>) dst(%dma_wait3A_256 : memref<1x64xf32, #tpu.memory_space<vmem>>)
    %dma_wait3A_260 = arith.constant 0 : i32
    %dma_wait3A_261 = arith.constant 0 : i32
    %dma_wait3A_262 = tpu.memref_slice %arg6[%dma_wait3A_260, %dma_wait3A_261] : memref<800x64xf32, #tpu.memory_space<vmem>> -> memref<1x64xf32, #tpu.memory_space<vmem>>
    %dma_wait3A_263 = arith.constant 0 : i32
    %dma_wait3A_264 = arith.constant 0 : i32
    %dma_wait3A_265 = tpu.memref_slice %arg2[%dma_wait3A_263, %dma_wait3A_264] : memref<1000000x64xf32, #tpu.memory_space<hbm>> -> memref<1x64xf32, #tpu.memory_space<hbm>>
    %dma_wait3A_266 = arith.constant 0 : i32
    %dma_wait3A_267 = arith.constant 0 : i32
    %dma_wait3A_268 = tpu.memref_slice %arg6[%dma_wait3A_266, %dma_wait3A_267] : memref<800x64xf32, #tpu.memory_space<vmem>> -> memref<1x64xf32, #tpu.memory_space<vmem>>
    %dma_wait3A_269 = arith.constant 0 : i32
    %dma_wait3A_270 = arith.constant 0 : i32
    %dma_wait3A_271 = tpu.memref_slice %arg2[%dma_wait3A_269, %dma_wait3A_270] : memref<1000000x64xf32, #tpu.memory_space<hbm>> -> memref<1x64xf32, #tpu.memory_space<hbm>>
    tpu.wait_dma2 semaphore(%arg7 : memref<!tpu.dma_semaphore, #tpu.memory_space<semaphore_mem>>) src(%dma_wait3A_271 : memref<1x64xf32, #tpu.memory_space<hbm>>) dst(%dma_wait3A_268 : memref<1x64xf32, #tpu.memory_space<vmem>>)
    %dma_wait3A_272 = arith.constant 0 : i32
    %dma_wait3A_273 = arith.constant 0 : i32
    %dma_wait3A_274 = tpu.memref_slice %arg6[%dma_wait3A_272, %dma_wait3A_273] : memref<800x64xf32, #tpu.memory_space<vmem>> -> memref<1x64xf32, #tpu.memory_space<vmem>>
    %dma_wait3A_275 = arith.constant 0 : i32
    %dma_wait3A_276 = arith.constant 0 : i32
    %dma_wait3A_277 = tpu.memref_slice %arg2[%dma_wait3A_275, %dma_wait3A_276] : memref<1000000x64xf32, #tpu.memory_space<hbm>> -> memref<1x64xf32, #tpu.memory_space<hbm>>
    %dma_wait3A_278 = arith.constant 0 : i32
    %dma_wait3A_279 = arith.constant 0 : i32
    %dma_wait3A_280 = tpu.memref_slice %arg6[%dma_wait3A_278, %dma_wait3A_279] : memref<800x64xf32, #tpu.memory_space<vmem>> -> memref<1x64xf32, #tpu.memory_space<vmem>>
    %dma_wait3A_281 = arith.constant 0 : i32
    %dma_wait3A_282 = arith.constant 0 : i32
    %dma_wait3A_283 = tpu.memref_slice %arg2[%dma_wait3A_281, %dma_wait3A_282] : memref<1000000x64xf32, #tpu.memory_space<hbm>> -> memref<1x64xf32, #tpu.memory_space<hbm>>
    tpu.wait_dma2 semaphore(%arg7 : memref<!tpu.dma_semaphore, #tpu.memory_space<semaphore_mem>>) src(%dma_wait3A_283 : memref<1x64xf32, #tpu.memory_space<hbm>>) dst(%dma_wait3A_280 : memref<1x64xf32, #tpu.memory_space<vmem>>)
    %dma_wait3A_284 = arith.constant 0 : i32
    %dma_wait3A_285 = arith.constant 0 : i32
    %dma_wait3A_286 = tpu.memref_slice %arg6[%dma_wait3A_284, %dma_wait3A_285] : memref<800x64xf32, #tpu.memory_space<vmem>> -> memref<1x64xf32, #tpu.memory_space<vmem>>
    %dma_wait3A_287 = arith.constant 0 : i32
    %dma_wait3A_288 = arith.constant 0 : i32
    %dma_wait3A_289 = tpu.memref_slice %arg2[%dma_wait3A_287, %dma_wait3A_288] : memref<1000000x64xf32, #tpu.memory_space<hbm>> -> memref<1x64xf32, #tpu.memory_space<hbm>>
    %dma_wait3A_290 = arith.constant 0 : i32
    %dma_wait3A_291 = arith.constant 0 : i32
    %dma_wait3A_292 = tpu.memref_slice %arg6[%dma_wait3A_290, %dma_wait3A_291] : memref<800x64xf32, #tpu.memory_space<vmem>> -> memref<1x64xf32, #tpu.memory_space<vmem>>
    %dma_wait3A_293 = arith.constant 0 : i32
    %dma_wait3A_294 = arith.constant 0 : i32
    %dma_wait3A_295 = tpu.memref_slice %arg2[%dma_wait3A_293, %dma_wait3A_294] : memref<1000000x64xf32, #tpu.memory_space<hbm>> -> memref<1x64xf32, #tpu.memory_space<hbm>>
    tpu.wait_dma2 semaphore(%arg7 : memref<!tpu.dma_semaphore, #tpu.memory_space<semaphore_mem>>) src(%dma_wait3A_295 : memref<1x64xf32, #tpu.memory_space<hbm>>) dst(%dma_wait3A_292 : memref<1x64xf32, #tpu.memory_space<vmem>>)
    %dma_wait3A_296 = arith.constant 0 : i32
    %dma_wait3A_297 = arith.constant 0 : i32
    %dma_wait3A_298 = tpu.memref_slice %arg6[%dma_wait3A_296, %dma_wait3A_297] : memref<800x64xf32, #tpu.memory_space<vmem>> -> memref<1x64xf32, #tpu.memory_space<vmem>>
    %dma_wait3A_299 = arith.constant 0 : i32
    %dma_wait3A_300 = arith.constant 0 : i32
    %dma_wait3A_301 = tpu.memref_slice %arg2[%dma_wait3A_299, %dma_wait3A_300] : memref<1000000x64xf32, #tpu.memory_space<hbm>> -> memref<1x64xf32, #tpu.memory_space<hbm>>
    %dma_wait3A_302 = arith.constant 0 : i32
    %dma_wait3A_303 = arith.constant 0 : i32
    %dma_wait3A_304 = tpu.memref_slice %arg6[%dma_wait3A_302, %dma_wait3A_303] : memref<800x64xf32, #tpu.memory_space<vmem>> -> memref<1x64xf32, #tpu.memory_space<vmem>>
    %dma_wait3A_305 = arith.constant 0 : i32
    %dma_wait3A_306 = arith.constant 0 : i32
    %dma_wait3A_307 = tpu.memref_slice %arg2[%dma_wait3A_305, %dma_wait3A_306] : memref<1000000x64xf32, #tpu.memory_space<hbm>> -> memref<1x64xf32, #tpu.memory_space<hbm>>
    tpu.wait_dma2 semaphore(%arg7 : memref<!tpu.dma_semaphore, #tpu.memory_space<semaphore_mem>>) src(%dma_wait3A_307 : memref<1x64xf32, #tpu.memory_space<hbm>>) dst(%dma_wait3A_304 : memref<1x64xf32, #tpu.memory_space<vmem>>)
    %dma_wait3A_308 = arith.constant 0 : i32
    %dma_wait3A_309 = arith.constant 0 : i32
    %dma_wait3A_310 = tpu.memref_slice %arg6[%dma_wait3A_308, %dma_wait3A_309] : memref<800x64xf32, #tpu.memory_space<vmem>> -> memref<1x64xf32, #tpu.memory_space<vmem>>
    %dma_wait3A_311 = arith.constant 0 : i32
    %dma_wait3A_312 = arith.constant 0 : i32
    %dma_wait3A_313 = tpu.memref_slice %arg2[%dma_wait3A_311, %dma_wait3A_312] : memref<1000000x64xf32, #tpu.memory_space<hbm>> -> memref<1x64xf32, #tpu.memory_space<hbm>>
    %dma_wait3A_314 = arith.constant 0 : i32
    %dma_wait3A_315 = arith.constant 0 : i32
    %dma_wait3A_316 = tpu.memref_slice %arg6[%dma_wait3A_314, %dma_wait3A_315] : memref<800x64xf32, #tpu.memory_space<vmem>> -> memref<1x64xf32, #tpu.memory_space<vmem>>
    %dma_wait3A_317 = arith.constant 0 : i32
    %dma_wait3A_318 = arith.constant 0 : i32
    %dma_wait3A_319 = tpu.memref_slice %arg2[%dma_wait3A_317, %dma_wait3A_318] : memref<1000000x64xf32, #tpu.memory_space<hbm>> -> memref<1x64xf32, #tpu.memory_space<hbm>>
    tpu.wait_dma2 semaphore(%arg7 : memref<!tpu.dma_semaphore, #tpu.memory_space<semaphore_mem>>) src(%dma_wait3A_319 : memref<1x64xf32, #tpu.memory_space<hbm>>) dst(%dma_wait3A_316 : memref<1x64xf32, #tpu.memory_space<vmem>>)
    %dma_wait3A_320 = arith.constant 0 : i32
    %dma_wait3A_321 = arith.constant 0 : i32
    %dma_wait3A_322 = tpu.memref_slice %arg6[%dma_wait3A_320, %dma_wait3A_321] : memref<800x64xf32, #tpu.memory_space<vmem>> -> memref<1x64xf32, #tpu.memory_space<vmem>>
    %dma_wait3A_323 = arith.constant 0 : i32
    %dma_wait3A_324 = arith.constant 0 : i32
    %dma_wait3A_325 = tpu.memref_slice %arg2[%dma_wait3A_323, %dma_wait3A_324] : memref<1000000x64xf32, #tpu.memory_space<hbm>> -> memref<1x64xf32, #tpu.memory_space<hbm>>
    %dma_wait3A_326 = arith.constant 0 : i32
    %dma_wait3A_327 = arith.constant 0 : i32
    %dma_wait3A_328 = tpu.memref_slice %arg6[%dma_wait3A_326, %dma_wait3A_327] : memref<800x64xf32, #tpu.memory_space<vmem>> -> memref<1x64xf32, #tpu.memory_space<vmem>>
    %dma_wait3A_329 = arith.constant 0 : i32
    %dma_wait3A_330 = arith.constant 0 : i32
    %dma_wait3A_331 = tpu.memref_slice %arg2[%dma_wait3A_329, %dma_wait3A_330] : memref<1000000x64xf32, #tpu.memory_space<hbm>> -> memref<1x64xf32, #tpu.memory_space<hbm>>
    tpu.wait_dma2 semaphore(%arg7 : memref<!tpu.dma_semaphore, #tpu.memory_space<semaphore_mem>>) src(%dma_wait3A_331 : memref<1x64xf32, #tpu.memory_space<hbm>>) dst(%dma_wait3A_328 : memref<1x64xf32, #tpu.memory_space<vmem>>)
    %dma_wait3A_332 = arith.constant 0 : i32
    %dma_wait3A_333 = arith.constant 0 : i32
    %dma_wait3A_334 = tpu.memref_slice %arg6[%dma_wait3A_332, %dma_wait3A_333] : memref<800x64xf32, #tpu.memory_space<vmem>> -> memref<1x64xf32, #tpu.memory_space<vmem>>
    %dma_wait3A_335 = arith.constant 0 : i32
    %dma_wait3A_336 = arith.constant 0 : i32
    %dma_wait3A_337 = tpu.memref_slice %arg2[%dma_wait3A_335, %dma_wait3A_336] : memref<1000000x64xf32, #tpu.memory_space<hbm>> -> memref<1x64xf32, #tpu.memory_space<hbm>>
    %dma_wait3A_338 = arith.constant 0 : i32
    %dma_wait3A_339 = arith.constant 0 : i32
    %dma_wait3A_340 = tpu.memref_slice %arg6[%dma_wait3A_338, %dma_wait3A_339] : memref<800x64xf32, #tpu.memory_space<vmem>> -> memref<1x64xf32, #tpu.memory_space<vmem>>
    %dma_wait3A_341 = arith.constant 0 : i32
    %dma_wait3A_342 = arith.constant 0 : i32
    %dma_wait3A_343 = tpu.memref_slice %arg2[%dma_wait3A_341, %dma_wait3A_342] : memref<1000000x64xf32, #tpu.memory_space<hbm>> -> memref<1x64xf32, #tpu.memory_space<hbm>>
    tpu.wait_dma2 semaphore(%arg7 : memref<!tpu.dma_semaphore, #tpu.memory_space<semaphore_mem>>) src(%dma_wait3A_343 : memref<1x64xf32, #tpu.memory_space<hbm>>) dst(%dma_wait3A_340 : memref<1x64xf32, #tpu.memory_space<vmem>>)
    %dma_wait3A_344 = arith.constant 0 : i32
    %dma_wait3A_345 = arith.constant 0 : i32
    %dma_wait3A_346 = tpu.memref_slice %arg6[%dma_wait3A_344, %dma_wait3A_345] : memref<800x64xf32, #tpu.memory_space<vmem>> -> memref<1x64xf32, #tpu.memory_space<vmem>>
    %dma_wait3A_347 = arith.constant 0 : i32
    %dma_wait3A_348 = arith.constant 0 : i32
    %dma_wait3A_349 = tpu.memref_slice %arg2[%dma_wait3A_347, %dma_wait3A_348] : memref<1000000x64xf32, #tpu.memory_space<hbm>> -> memref<1x64xf32, #tpu.memory_space<hbm>>
    %dma_wait3A_350 = arith.constant 0 : i32
    %dma_wait3A_351 = arith.constant 0 : i32
    %dma_wait3A_352 = tpu.memref_slice %arg6[%dma_wait3A_350, %dma_wait3A_351] : memref<800x64xf32, #tpu.memory_space<vmem>> -> memref<1x64xf32, #tpu.memory_space<vmem>>
    %dma_wait3A_353 = arith.constant 0 : i32
    %dma_wait3A_354 = arith.constant 0 : i32
    %dma_wait3A_355 = tpu.memref_slice %arg2[%dma_wait3A_353, %dma_wait3A_354] : memref<1000000x64xf32, #tpu.memory_space<hbm>> -> memref<1x64xf32, #tpu.memory_space<hbm>>
    tpu.wait_dma2 semaphore(%arg7 : memref<!tpu.dma_semaphore, #tpu.memory_space<semaphore_mem>>) src(%dma_wait3A_355 : memref<1x64xf32, #tpu.memory_space<hbm>>) dst(%dma_wait3A_352 : memref<1x64xf32, #tpu.memory_space<vmem>>)
    %dma_wait3A_356 = arith.constant 0 : i32
    %dma_wait3A_357 = arith.constant 0 : i32
    %dma_wait3A_358 = tpu.memref_slice %arg6[%dma_wait3A_356, %dma_wait3A_357] : memref<800x64xf32, #tpu.memory_space<vmem>> -> memref<1x64xf32, #tpu.memory_space<vmem>>
    %dma_wait3A_359 = arith.constant 0 : i32
    %dma_wait3A_360 = arith.constant 0 : i32
    %dma_wait3A_361 = tpu.memref_slice %arg2[%dma_wait3A_359, %dma_wait3A_360] : memref<1000000x64xf32, #tpu.memory_space<hbm>> -> memref<1x64xf32, #tpu.memory_space<hbm>>
    %dma_wait3A_362 = arith.constant 0 : i32
    %dma_wait3A_363 = arith.constant 0 : i32
    %dma_wait3A_364 = tpu.memref_slice %arg6[%dma_wait3A_362, %dma_wait3A_363] : memref<800x64xf32, #tpu.memory_space<vmem>> -> memref<1x64xf32, #tpu.memory_space<vmem>>
    %dma_wait3A_365 = arith.constant 0 : i32
    %dma_wait3A_366 = arith.constant 0 : i32
    %dma_wait3A_367 = tpu.memref_slice %arg2[%dma_wait3A_365, %dma_wait3A_366] : memref<1000000x64xf32, #tpu.memory_space<hbm>> -> memref<1x64xf32, #tpu.memory_space<hbm>>
    tpu.wait_dma2 semaphore(%arg7 : memref<!tpu.dma_semaphore, #tpu.memory_space<semaphore_mem>>) src(%dma_wait3A_367 : memref<1x64xf32, #tpu.memory_space<hbm>>) dst(%dma_wait3A_364 : memref<1x64xf32, #tpu.memory_space<vmem>>)
    %dma_wait3A_368 = arith.constant 0 : i32
    %dma_wait3A_369 = arith.constant 0 : i32
    %dma_wait3A_370 = tpu.memref_slice %arg6[%dma_wait3A_368, %dma_wait3A_369] : memref<800x64xf32, #tpu.memory_space<vmem>> -> memref<1x64xf32, #tpu.memory_space<vmem>>
    %dma_wait3A_371 = arith.constant 0 : i32
    %dma_wait3A_372 = arith.constant 0 : i32
    %dma_wait3A_373 = tpu.memref_slice %arg2[%dma_wait3A_371, %dma_wait3A_372] : memref<1000000x64xf32, #tpu.memory_space<hbm>> -> memref<1x64xf32, #tpu.memory_space<hbm>>
    %dma_wait3A_374 = arith.constant 0 : i32
    %dma_wait3A_375 = arith.constant 0 : i32
    %dma_wait3A_376 = tpu.memref_slice %arg6[%dma_wait3A_374, %dma_wait3A_375] : memref<800x64xf32, #tpu.memory_space<vmem>> -> memref<1x64xf32, #tpu.memory_space<vmem>>
    %dma_wait3A_377 = arith.constant 0 : i32
    %dma_wait3A_378 = arith.constant 0 : i32
    %dma_wait3A_379 = tpu.memref_slice %arg2[%dma_wait3A_377, %dma_wait3A_378] : memref<1000000x64xf32, #tpu.memory_space<hbm>> -> memref<1x64xf32, #tpu.memory_space<hbm>>
    tpu.wait_dma2 semaphore(%arg7 : memref<!tpu.dma_semaphore, #tpu.memory_space<semaphore_mem>>) src(%dma_wait3A_379 : memref<1x64xf32, #tpu.memory_space<hbm>>) dst(%dma_wait3A_376 : memref<1x64xf32, #tpu.memory_space<vmem>>)
    %dma_wait3A_380 = arith.constant 0 : i32
    %dma_wait3A_381 = arith.constant 0 : i32
    %dma_wait3A_382 = tpu.memref_slice %arg6[%dma_wait3A_380, %dma_wait3A_381] : memref<800x64xf32, #tpu.memory_space<vmem>> -> memref<1x64xf32, #tpu.memory_space<vmem>>
    %dma_wait3A_383 = arith.constant 0 : i32
    %dma_wait3A_384 = arith.constant 0 : i32
    %dma_wait3A_385 = tpu.memref_slice %arg2[%dma_wait3A_383, %dma_wait3A_384] : memref<1000000x64xf32, #tpu.memory_space<hbm>> -> memref<1x64xf32, #tpu.memory_space<hbm>>
    %dma_wait3A_386 = arith.constant 0 : i32
    %dma_wait3A_387 = arith.constant 0 : i32
    %dma_wait3A_388 = tpu.memref_slice %arg6[%dma_wait3A_386, %dma_wait3A_387] : memref<800x64xf32, #tpu.memory_space<vmem>> -> memref<1x64xf32, #tpu.memory_space<vmem>>
    %dma_wait3A_389 = arith.constant 0 : i32
    %dma_wait3A_390 = arith.constant 0 : i32
    %dma_wait3A_391 = tpu.memref_slice %arg2[%dma_wait3A_389, %dma_wait3A_390] : memref<1000000x64xf32, #tpu.memory_space<hbm>> -> memref<1x64xf32, #tpu.memory_space<hbm>>
    tpu.wait_dma2 semaphore(%arg7 : memref<!tpu.dma_semaphore, #tpu.memory_space<semaphore_mem>>) src(%dma_wait3A_391 : memref<1x64xf32, #tpu.memory_space<hbm>>) dst(%dma_wait3A_388 : memref<1x64xf32, #tpu.memory_space<vmem>>)
    %dma_wait3A_392 = arith.constant 0 : i32
    %dma_wait3A_393 = arith.constant 0 : i32
    %dma_wait3A_394 = tpu.memref_slice %arg6[%dma_wait3A_392, %dma_wait3A_393] : memref<800x64xf32, #tpu.memory_space<vmem>> -> memref<1x64xf32, #tpu.memory_space<vmem>>
    %dma_wait3A_395 = arith.constant 0 : i32
    %dma_wait3A_396 = arith.constant 0 : i32
    %dma_wait3A_397 = tpu.memref_slice %arg2[%dma_wait3A_395, %dma_wait3A_396] : memref<1000000x64xf32, #tpu.memory_space<hbm>> -> memref<1x64xf32, #tpu.memory_space<hbm>>
    %dma_wait3A_398 = arith.constant 0 : i32
    %dma_wait3A_399 = arith.constant 0 : i32
    %dma_wait3A_400 = tpu.memref_slice %arg6[%dma_wait3A_398, %dma_wait3A_399] : memref<800x64xf32, #tpu.memory_space<vmem>> -> memref<1x64xf32, #tpu.memory_space<vmem>>
    %dma_wait3A_401 = arith.constant 0 : i32
    %dma_wait3A_402 = arith.constant 0 : i32
    %dma_wait3A_403 = tpu.memref_slice %arg2[%dma_wait3A_401, %dma_wait3A_402] : memref<1000000x64xf32, #tpu.memory_space<hbm>> -> memref<1x64xf32, #tpu.memory_space<hbm>>
    tpu.wait_dma2 semaphore(%arg7 : memref<!tpu.dma_semaphore, #tpu.memory_space<semaphore_mem>>) src(%dma_wait3A_403 : memref<1x64xf32, #tpu.memory_space<hbm>>) dst(%dma_wait3A_400 : memref<1x64xf32, #tpu.memory_space<vmem>>)
    %dma_wait3A_404 = arith.constant 0 : i32
    %dma_wait3A_405 = arith.constant 0 : i32
    %dma_wait3A_406 = tpu.memref_slice %arg6[%dma_wait3A_404, %dma_wait3A_405] : memref<800x64xf32, #tpu.memory_space<vmem>> -> memref<1x64xf32, #tpu.memory_space<vmem>>
    %dma_wait3A_407 = arith.constant 0 : i32
    %dma_wait3A_408 = arith.constant 0 : i32
    %dma_wait3A_409 = tpu.memref_slice %arg2[%dma_wait3A_407, %dma_wait3A_408] : memref<1000000x64xf32, #tpu.memory_space<hbm>> -> memref<1x64xf32, #tpu.memory_space<hbm>>
    %dma_wait3A_410 = arith.constant 0 : i32
    %dma_wait3A_411 = arith.constant 0 : i32
    %dma_wait3A_412 = tpu.memref_slice %arg6[%dma_wait3A_410, %dma_wait3A_411] : memref<800x64xf32, #tpu.memory_space<vmem>> -> memref<1x64xf32, #tpu.memory_space<vmem>>
    %dma_wait3A_413 = arith.constant 0 : i32
    %dma_wait3A_414 = arith.constant 0 : i32
    %dma_wait3A_415 = tpu.memref_slice %arg2[%dma_wait3A_413, %dma_wait3A_414] : memref<1000000x64xf32, #tpu.memory_space<hbm>> -> memref<1x64xf32, #tpu.memory_space<hbm>>
    tpu.wait_dma2 semaphore(%arg7 : memref<!tpu.dma_semaphore, #tpu.memory_space<semaphore_mem>>) src(%dma_wait3A_415 : memref<1x64xf32, #tpu.memory_space<hbm>>) dst(%dma_wait3A_412 : memref<1x64xf32, #tpu.memory_space<vmem>>)
    %dma_wait3A_416 = arith.constant 0 : i32
    %dma_wait3A_417 = arith.constant 0 : i32
    %dma_wait3A_418 = tpu.memref_slice %arg6[%dma_wait3A_416, %dma_wait3A_417] : memref<800x64xf32, #tpu.memory_space<vmem>> -> memref<1x64xf32, #tpu.memory_space<vmem>>
    %dma_wait3A_419 = arith.constant 0 : i32
    %dma_wait3A_420 = arith.constant 0 : i32
    %dma_wait3A_421 = tpu.memref_slice %arg2[%dma_wait3A_419, %dma_wait3A_420] : memref<1000000x64xf32, #tpu.memory_space<hbm>> -> memref<1x64xf32, #tpu.memory_space<hbm>>
    %dma_wait3A_422 = arith.constant 0 : i32
    %dma_wait3A_423 = arith.constant 0 : i32
    %dma_wait3A_424 = tpu.memref_slice %arg6[%dma_wait3A_422, %dma_wait3A_423] : memref<800x64xf32, #tpu.memory_space<vmem>> -> memref<1x64xf32, #tpu.memory_space<vmem>>
    %dma_wait3A_425 = arith.constant 0 : i32
    %dma_wait3A_426 = arith.constant 0 : i32
    %dma_wait3A_427 = tpu.memref_slice %arg2[%dma_wait3A_425, %dma_wait3A_426] : memref<1000000x64xf32, #tpu.memory_space<hbm>> -> memref<1x64xf32, #tpu.memory_space<hbm>>
    tpu.wait_dma2 semaphore(%arg7 : memref<!tpu.dma_semaphore, #tpu.memory_space<semaphore_mem>>) src(%dma_wait3A_427 : memref<1x64xf32, #tpu.memory_space<hbm>>) dst(%dma_wait3A_424 : memref<1x64xf32, #tpu.memory_space<vmem>>)
    %dma_wait3A_428 = arith.constant 0 : i32
    %dma_wait3A_429 = arith.constant 0 : i32
    %dma_wait3A_430 = tpu.memref_slice %arg6[%dma_wait3A_428, %dma_wait3A_429] : memref<800x64xf32, #tpu.memory_space<vmem>> -> memref<1x64xf32, #tpu.memory_space<vmem>>
    %dma_wait3A_431 = arith.constant 0 : i32
    %dma_wait3A_432 = arith.constant 0 : i32
    %dma_wait3A_433 = tpu.memref_slice %arg2[%dma_wait3A_431, %dma_wait3A_432] : memref<1000000x64xf32, #tpu.memory_space<hbm>> -> memref<1x64xf32, #tpu.memory_space<hbm>>
    %dma_wait3A_434 = arith.constant 0 : i32
    %dma_wait3A_435 = arith.constant 0 : i32
    %dma_wait3A_436 = tpu.memref_slice %arg6[%dma_wait3A_434, %dma_wait3A_435] : memref<800x64xf32, #tpu.memory_space<vmem>> -> memref<1x64xf32, #tpu.memory_space<vmem>>
    %dma_wait3A_437 = arith.constant 0 : i32
    %dma_wait3A_438 = arith.constant 0 : i32
    %dma_wait3A_439 = tpu.memref_slice %arg2[%dma_wait3A_437, %dma_wait3A_438] : memref<1000000x64xf32, #tpu.memory_space<hbm>> -> memref<1x64xf32, #tpu.memory_space<hbm>>
    tpu.wait_dma2 semaphore(%arg7 : memref<!tpu.dma_semaphore, #tpu.memory_space<semaphore_mem>>) src(%dma_wait3A_439 : memref<1x64xf32, #tpu.memory_space<hbm>>) dst(%dma_wait3A_436 : memref<1x64xf32, #tpu.memory_space<vmem>>)
    %dma_wait3A_440 = arith.constant 0 : i32
    %dma_wait3A_441 = arith.constant 0 : i32
    %dma_wait3A_442 = tpu.memref_slice %arg6[%dma_wait3A_440, %dma_wait3A_441] : memref<800x64xf32, #tpu.memory_space<vmem>> -> memref<1x64xf32, #tpu.memory_space<vmem>>
    %dma_wait3A_443 = arith.constant 0 : i32
    %dma_wait3A_444 = arith.constant 0 : i32
    %dma_wait3A_445 = tpu.memref_slice %arg2[%dma_wait3A_443, %dma_wait3A_444] : memref<1000000x64xf32, #tpu.memory_space<hbm>> -> memref<1x64xf32, #tpu.memory_space<hbm>>
    %dma_wait3A_446 = arith.constant 0 : i32
    %dma_wait3A_447 = arith.constant 0 : i32
    %dma_wait3A_448 = tpu.memref_slice %arg6[%dma_wait3A_446, %dma_wait3A_447] : memref<800x64xf32, #tpu.memory_space<vmem>> -> memref<1x64xf32, #tpu.memory_space<vmem>>
    %dma_wait3A_449 = arith.constant 0 : i32
    %dma_wait3A_450 = arith.constant 0 : i32
    %dma_wait3A_451 = tpu.memref_slice %arg2[%dma_wait3A_449, %dma_wait3A_450] : memref<1000000x64xf32, #tpu.memory_space<hbm>> -> memref<1x64xf32, #tpu.memory_space<hbm>>
    tpu.wait_dma2 semaphore(%arg7 : memref<!tpu.dma_semaphore, #tpu.memory_space<semaphore_mem>>) src(%dma_wait3A_451 : memref<1x64xf32, #tpu.memory_space<hbm>>) dst(%dma_wait3A_448 : memref<1x64xf32, #tpu.memory_space<vmem>>)
    %dma_wait3A_452 = arith.constant 0 : i32
    %dma_wait3A_453 = arith.constant 0 : i32
    %dma_wait3A_454 = tpu.memref_slice %arg6[%dma_wait3A_452, %dma_wait3A_453] : memref<800x64xf32, #tpu.memory_space<vmem>> -> memref<1x64xf32, #tpu.memory_space<vmem>>
    %dma_wait3A_455 = arith.constant 0 : i32
    %dma_wait3A_456 = arith.constant 0 : i32
    %dma_wait3A_457 = tpu.memref_slice %arg2[%dma_wait3A_455, %dma_wait3A_456] : memref<1000000x64xf32, #tpu.memory_space<hbm>> -> memref<1x64xf32, #tpu.memory_space<hbm>>
    %dma_wait3A_458 = arith.constant 0 : i32
    %dma_wait3A_459 = arith.constant 0 : i32
    %dma_wait3A_460 = tpu.memref_slice %arg6[%dma_wait3A_458, %dma_wait3A_459] : memref<800x64xf32, #tpu.memory_space<vmem>> -> memref<1x64xf32, #tpu.memory_space<vmem>>
    %dma_wait3A_461 = arith.constant 0 : i32
    %dma_wait3A_462 = arith.constant 0 : i32
    %dma_wait3A_463 = tpu.memref_slice %arg2[%dma_wait3A_461, %dma_wait3A_462] : memref<1000000x64xf32, #tpu.memory_space<hbm>> -> memref<1x64xf32, #tpu.memory_space<hbm>>
    tpu.wait_dma2 semaphore(%arg7 : memref<!tpu.dma_semaphore, #tpu.memory_space<semaphore_mem>>) src(%dma_wait3A_463 : memref<1x64xf32, #tpu.memory_space<hbm>>) dst(%dma_wait3A_460 : memref<1x64xf32, #tpu.memory_space<vmem>>)
    %dma_wait3A_464 = arith.constant 0 : i32
    %dma_wait3A_465 = arith.constant 0 : i32
    %dma_wait3A_466 = tpu.memref_slice %arg6[%dma_wait3A_464, %dma_wait3A_465] : memref<800x64xf32, #tpu.memory_space<vmem>> -> memref<1x64xf32, #tpu.memory_space<vmem>>
    %dma_wait3A_467 = arith.constant 0 : i32
    %dma_wait3A_468 = arith.constant 0 : i32
    %dma_wait3A_469 = tpu.memref_slice %arg2[%dma_wait3A_467, %dma_wait3A_468] : memref<1000000x64xf32, #tpu.memory_space<hbm>> -> memref<1x64xf32, #tpu.memory_space<hbm>>
    %dma_wait3A_470 = arith.constant 0 : i32
    %dma_wait3A_471 = arith.constant 0 : i32
    %dma_wait3A_472 = tpu.memref_slice %arg6[%dma_wait3A_470, %dma_wait3A_471] : memref<800x64xf32, #tpu.memory_space<vmem>> -> memref<1x64xf32, #tpu.memory_space<vmem>>
    %dma_wait3A_473 = arith.constant 0 : i32
    %dma_wait3A_474 = arith.constant 0 : i32
    %dma_wait3A_475 = tpu.memref_slice %arg2[%dma_wait3A_473, %dma_wait3A_474] : memref<1000000x64xf32, #tpu.memory_space<hbm>> -> memref<1x64xf32, #tpu.memory_space<hbm>>
    tpu.wait_dma2 semaphore(%arg7 : memref<!tpu.dma_semaphore, #tpu.memory_space<semaphore_mem>>) src(%dma_wait3A_475 : memref<1x64xf32, #tpu.memory_space<hbm>>) dst(%dma_wait3A_472 : memref<1x64xf32, #tpu.memory_space<vmem>>)
    %dma_wait3A_476 = arith.constant 0 : i32
    %dma_wait3A_477 = arith.constant 0 : i32
    %dma_wait3A_478 = tpu.memref_slice %arg6[%dma_wait3A_476, %dma_wait3A_477] : memref<800x64xf32, #tpu.memory_space<vmem>> -> memref<1x64xf32, #tpu.memory_space<vmem>>
    %dma_wait3A_479 = arith.constant 0 : i32
    %dma_wait3A_480 = arith.constant 0 : i32
    %dma_wait3A_481 = tpu.memref_slice %arg2[%dma_wait3A_479, %dma_wait3A_480] : memref<1000000x64xf32, #tpu.memory_space<hbm>> -> memref<1x64xf32, #tpu.memory_space<hbm>>
    %dma_wait3A_482 = arith.constant 0 : i32
    %dma_wait3A_483 = arith.constant 0 : i32
    %dma_wait3A_484 = tpu.memref_slice %arg6[%dma_wait3A_482, %dma_wait3A_483] : memref<800x64xf32, #tpu.memory_space<vmem>> -> memref<1x64xf32, #tpu.memory_space<vmem>>
    %dma_wait3A_485 = arith.constant 0 : i32
    %dma_wait3A_486 = arith.constant 0 : i32
    %dma_wait3A_487 = tpu.memref_slice %arg2[%dma_wait3A_485, %dma_wait3A_486] : memref<1000000x64xf32, #tpu.memory_space<hbm>> -> memref<1x64xf32, #tpu.memory_space<hbm>>
    tpu.wait_dma2 semaphore(%arg7 : memref<!tpu.dma_semaphore, #tpu.memory_space<semaphore_mem>>) src(%dma_wait3A_487 : memref<1x64xf32, #tpu.memory_space<hbm>>) dst(%dma_wait3A_484 : memref<1x64xf32, #tpu.memory_space<vmem>>)
    %dma_wait3A_488 = arith.constant 0 : i32
    %dma_wait3A_489 = arith.constant 0 : i32
    %dma_wait3A_490 = tpu.memref_slice %arg6[%dma_wait3A_488, %dma_wait3A_489] : memref<800x64xf32, #tpu.memory_space<vmem>> -> memref<1x64xf32, #tpu.memory_space<vmem>>
    %dma_wait3A_491 = arith.constant 0 : i32
    %dma_wait3A_492 = arith.constant 0 : i32
    %dma_wait3A_493 = tpu.memref_slice %arg2[%dma_wait3A_491, %dma_wait3A_492] : memref<1000000x64xf32, #tpu.memory_space<hbm>> -> memref<1x64xf32, #tpu.memory_space<hbm>>
    %dma_wait3A_494 = arith.constant 0 : i32
    %dma_wait3A_495 = arith.constant 0 : i32
    %dma_wait3A_496 = tpu.memref_slice %arg6[%dma_wait3A_494, %dma_wait3A_495] : memref<800x64xf32, #tpu.memory_space<vmem>> -> memref<1x64xf32, #tpu.memory_space<vmem>>
    %dma_wait3A_497 = arith.constant 0 : i32
    %dma_wait3A_498 = arith.constant 0 : i32
    %dma_wait3A_499 = tpu.memref_slice %arg2[%dma_wait3A_497, %dma_wait3A_498] : memref<1000000x64xf32, #tpu.memory_space<hbm>> -> memref<1x64xf32, #tpu.memory_space<hbm>>
    tpu.wait_dma2 semaphore(%arg7 : memref<!tpu.dma_semaphore, #tpu.memory_space<semaphore_mem>>) src(%dma_wait3A_499 : memref<1x64xf32, #tpu.memory_space<hbm>>) dst(%dma_wait3A_496 : memref<1x64xf32, #tpu.memory_space<vmem>>)
    %dma_wait3A_500 = arith.constant 0 : i32
    %dma_wait3A_501 = arith.constant 0 : i32
    %dma_wait3A_502 = tpu.memref_slice %arg6[%dma_wait3A_500, %dma_wait3A_501] : memref<800x64xf32, #tpu.memory_space<vmem>> -> memref<1x64xf32, #tpu.memory_space<vmem>>
    %dma_wait3A_503 = arith.constant 0 : i32
    %dma_wait3A_504 = arith.constant 0 : i32
    %dma_wait3A_505 = tpu.memref_slice %arg2[%dma_wait3A_503, %dma_wait3A_504] : memref<1000000x64xf32, #tpu.memory_space<hbm>> -> memref<1x64xf32, #tpu.memory_space<hbm>>
    %dma_wait3A_506 = arith.constant 0 : i32
    %dma_wait3A_507 = arith.constant 0 : i32
    %dma_wait3A_508 = tpu.memref_slice %arg6[%dma_wait3A_506, %dma_wait3A_507] : memref<800x64xf32, #tpu.memory_space<vmem>> -> memref<1x64xf32, #tpu.memory_space<vmem>>
    %dma_wait3A_509 = arith.constant 0 : i32
    %dma_wait3A_510 = arith.constant 0 : i32
    %dma_wait3A_511 = tpu.memref_slice %arg2[%dma_wait3A_509, %dma_wait3A_510] : memref<1000000x64xf32, #tpu.memory_space<hbm>> -> memref<1x64xf32, #tpu.memory_space<hbm>>
    tpu.wait_dma2 semaphore(%arg7 : memref<!tpu.dma_semaphore, #tpu.memory_space<semaphore_mem>>) src(%dma_wait3A_511 : memref<1x64xf32, #tpu.memory_space<hbm>>) dst(%dma_wait3A_508 : memref<1x64xf32, #tpu.memory_space<vmem>>)
    %dma_wait3A_512 = arith.constant 0 : i32
    %dma_wait3A_513 = arith.constant 0 : i32
    %dma_wait3A_514 = tpu.memref_slice %arg6[%dma_wait3A_512, %dma_wait3A_513] : memref<800x64xf32, #tpu.memory_space<vmem>> -> memref<1x64xf32, #tpu.memory_space<vmem>>
    %dma_wait3A_515 = arith.constant 0 : i32
    %dma_wait3A_516 = arith.constant 0 : i32
    %dma_wait3A_517 = tpu.memref_slice %arg2[%dma_wait3A_515, %dma_wait3A_516] : memref<1000000x64xf32, #tpu.memory_space<hbm>> -> memref<1x64xf32, #tpu.memory_space<hbm>>
    %dma_wait3A_518 = arith.constant 0 : i32
    %dma_wait3A_519 = arith.constant 0 : i32
    %dma_wait3A_520 = tpu.memref_slice %arg6[%dma_wait3A_518, %dma_wait3A_519] : memref<800x64xf32, #tpu.memory_space<vmem>> -> memref<1x64xf32, #tpu.memory_space<vmem>>
    %dma_wait3A_521 = arith.constant 0 : i32
    %dma_wait3A_522 = arith.constant 0 : i32
    %dma_wait3A_523 = tpu.memref_slice %arg2[%dma_wait3A_521, %dma_wait3A_522] : memref<1000000x64xf32, #tpu.memory_space<hbm>> -> memref<1x64xf32, #tpu.memory_space<hbm>>
    tpu.wait_dma2 semaphore(%arg7 : memref<!tpu.dma_semaphore, #tpu.memory_space<semaphore_mem>>) src(%dma_wait3A_523 : memref<1x64xf32, #tpu.memory_space<hbm>>) dst(%dma_wait3A_520 : memref<1x64xf32, #tpu.memory_space<vmem>>)
    %dma_wait3A_524 = arith.constant 0 : i32
    %dma_wait3A_525 = arith.constant 0 : i32
    %dma_wait3A_526 = tpu.memref_slice %arg6[%dma_wait3A_524, %dma_wait3A_525] : memref<800x64xf32, #tpu.memory_space<vmem>> -> memref<1x64xf32, #tpu.memory_space<vmem>>
    %dma_wait3A_527 = arith.constant 0 : i32
    %dma_wait3A_528 = arith.constant 0 : i32
    %dma_wait3A_529 = tpu.memref_slice %arg2[%dma_wait3A_527, %dma_wait3A_528] : memref<1000000x64xf32, #tpu.memory_space<hbm>> -> memref<1x64xf32, #tpu.memory_space<hbm>>
    %dma_wait3A_530 = arith.constant 0 : i32
    %dma_wait3A_531 = arith.constant 0 : i32
    %dma_wait3A_532 = tpu.memref_slice %arg6[%dma_wait3A_530, %dma_wait3A_531] : memref<800x64xf32, #tpu.memory_space<vmem>> -> memref<1x64xf32, #tpu.memory_space<vmem>>
    %dma_wait3A_533 = arith.constant 0 : i32
    %dma_wait3A_534 = arith.constant 0 : i32
    %dma_wait3A_535 = tpu.memref_slice %arg2[%dma_wait3A_533, %dma_wait3A_534] : memref<1000000x64xf32, #tpu.memory_space<hbm>> -> memref<1x64xf32, #tpu.memory_space<hbm>>
    tpu.wait_dma2 semaphore(%arg7 : memref<!tpu.dma_semaphore, #tpu.memory_space<semaphore_mem>>) src(%dma_wait3A_535 : memref<1x64xf32, #tpu.memory_space<hbm>>) dst(%dma_wait3A_532 : memref<1x64xf32, #tpu.memory_space<vmem>>)
    %dma_wait3A_536 = arith.constant 0 : i32
    %dma_wait3A_537 = arith.constant 0 : i32
    %dma_wait3A_538 = tpu.memref_slice %arg6[%dma_wait3A_536, %dma_wait3A_537] : memref<800x64xf32, #tpu.memory_space<vmem>> -> memref<1x64xf32, #tpu.memory_space<vmem>>
    %dma_wait3A_539 = arith.constant 0 : i32
    %dma_wait3A_540 = arith.constant 0 : i32
    %dma_wait3A_541 = tpu.memref_slice %arg2[%dma_wait3A_539, %dma_wait3A_540] : memref<1000000x64xf32, #tpu.memory_space<hbm>> -> memref<1x64xf32, #tpu.memory_space<hbm>>
    %dma_wait3A_542 = arith.constant 0 : i32
    %dma_wait3A_543 = arith.constant 0 : i32
    %dma_wait3A_544 = tpu.memref_slice %arg6[%dma_wait3A_542, %dma_wait3A_543] : memref<800x64xf32, #tpu.memory_space<vmem>> -> memref<1x64xf32, #tpu.memory_space<vmem>>
    %dma_wait3A_545 = arith.constant 0 : i32
    %dma_wait3A_546 = arith.constant 0 : i32
    %dma_wait3A_547 = tpu.memref_slice %arg2[%dma_wait3A_545, %dma_wait3A_546] : memref<1000000x64xf32, #tpu.memory_space<hbm>> -> memref<1x64xf32, #tpu.memory_space<hbm>>
    tpu.wait_dma2 semaphore(%arg7 : memref<!tpu.dma_semaphore, #tpu.memory_space<semaphore_mem>>) src(%dma_wait3A_547 : memref<1x64xf32, #tpu.memory_space<hbm>>) dst(%dma_wait3A_544 : memref<1x64xf32, #tpu.memory_space<vmem>>)
    %dma_wait3A_548 = arith.constant 0 : i32
    %dma_wait3A_549 = arith.constant 0 : i32
    %dma_wait3A_550 = tpu.memref_slice %arg6[%dma_wait3A_548, %dma_wait3A_549] : memref<800x64xf32, #tpu.memory_space<vmem>> -> memref<1x64xf32, #tpu.memory_space<vmem>>
    %dma_wait3A_551 = arith.constant 0 : i32
    %dma_wait3A_552 = arith.constant 0 : i32
    %dma_wait3A_553 = tpu.memref_slice %arg2[%dma_wait3A_551, %dma_wait3A_552] : memref<1000000x64xf32, #tpu.memory_space<hbm>> -> memref<1x64xf32, #tpu.memory_space<hbm>>
    %dma_wait3A_554 = arith.constant 0 : i32
    %dma_wait3A_555 = arith.constant 0 : i32
    %dma_wait3A_556 = tpu.memref_slice %arg6[%dma_wait3A_554, %dma_wait3A_555] : memref<800x64xf32, #tpu.memory_space<vmem>> -> memref<1x64xf32, #tpu.memory_space<vmem>>
    %dma_wait3A_557 = arith.constant 0 : i32
    %dma_wait3A_558 = arith.constant 0 : i32
    %dma_wait3A_559 = tpu.memref_slice %arg2[%dma_wait3A_557, %dma_wait3A_558] : memref<1000000x64xf32, #tpu.memory_space<hbm>> -> memref<1x64xf32, #tpu.memory_space<hbm>>
    tpu.wait_dma2 semaphore(%arg7 : memref<!tpu.dma_semaphore, #tpu.memory_space<semaphore_mem>>) src(%dma_wait3A_559 : memref<1x64xf32, #tpu.memory_space<hbm>>) dst(%dma_wait3A_556 : memref<1x64xf32, #tpu.memory_space<vmem>>)
    %dma_wait3A_560 = arith.constant 0 : i32
    %dma_wait3A_561 = arith.constant 0 : i32
    %dma_wait3A_562 = tpu.memref_slice %arg6[%dma_wait3A_560, %dma_wait3A_561] : memref<800x64xf32, #tpu.memory_space<vmem>> -> memref<1x64xf32, #tpu.memory_space<vmem>>
    %dma_wait3A_563 = arith.constant 0 : i32
    %dma_wait3A_564 = arith.constant 0 : i32
    %dma_wait3A_565 = tpu.memref_slice %arg2[%dma_wait3A_563, %dma_wait3A_564] : memref<1000000x64xf32, #tpu.memory_space<hbm>> -> memref<1x64xf32, #tpu.memory_space<hbm>>
    %dma_wait3A_566 = arith.constant 0 : i32
    %dma_wait3A_567 = arith.constant 0 : i32
    %dma_wait3A_568 = tpu.memref_slice %arg6[%dma_wait3A_566, %dma_wait3A_567] : memref<800x64xf32, #tpu.memory_space<vmem>> -> memref<1x64xf32, #tpu.memory_space<vmem>>
    %dma_wait3A_569 = arith.constant 0 : i32
    %dma_wait3A_570 = arith.constant 0 : i32
    %dma_wait3A_571 = tpu.memref_slice %arg2[%dma_wait3A_569, %dma_wait3A_570] : memref<1000000x64xf32, #tpu.memory_space<hbm>> -> memref<1x64xf32, #tpu.memory_space<hbm>>
    tpu.wait_dma2 semaphore(%arg7 : memref<!tpu.dma_semaphore, #tpu.memory_space<semaphore_mem>>) src(%dma_wait3A_571 : memref<1x64xf32, #tpu.memory_space<hbm>>) dst(%dma_wait3A_568 : memref<1x64xf32, #tpu.memory_space<vmem>>)
    %dma_wait3A_572 = arith.constant 0 : i32
    %dma_wait3A_573 = arith.constant 0 : i32
    %dma_wait3A_574 = tpu.memref_slice %arg6[%dma_wait3A_572, %dma_wait3A_573] : memref<800x64xf32, #tpu.memory_space<vmem>> -> memref<1x64xf32, #tpu.memory_space<vmem>>
    %dma_wait3A_575 = arith.constant 0 : i32
    %dma_wait3A_576 = arith.constant 0 : i32
    %dma_wait3A_577 = tpu.memref_slice %arg2[%dma_wait3A_575, %dma_wait3A_576] : memref<1000000x64xf32, #tpu.memory_space<hbm>> -> memref<1x64xf32, #tpu.memory_space<hbm>>
    %dma_wait3A_578 = arith.constant 0 : i32
    %dma_wait3A_579 = arith.constant 0 : i32
    %dma_wait3A_580 = tpu.memref_slice %arg6[%dma_wait3A_578, %dma_wait3A_579] : memref<800x64xf32, #tpu.memory_space<vmem>> -> memref<1x64xf32, #tpu.memory_space<vmem>>
    %dma_wait3A_581 = arith.constant 0 : i32
    %dma_wait3A_582 = arith.constant 0 : i32
    %dma_wait3A_583 = tpu.memref_slice %arg2[%dma_wait3A_581, %dma_wait3A_582] : memref<1000000x64xf32, #tpu.memory_space<hbm>> -> memref<1x64xf32, #tpu.memory_space<hbm>>
    tpu.wait_dma2 semaphore(%arg7 : memref<!tpu.dma_semaphore, #tpu.memory_space<semaphore_mem>>) src(%dma_wait3A_583 : memref<1x64xf32, #tpu.memory_space<hbm>>) dst(%dma_wait3A_580 : memref<1x64xf32, #tpu.memory_space<vmem>>)
    %dma_wait3A_584 = arith.constant 0 : i32
    %dma_wait3A_585 = arith.constant 0 : i32
    %dma_wait3A_586 = tpu.memref_slice %arg6[%dma_wait3A_584, %dma_wait3A_585] : memref<800x64xf32, #tpu.memory_space<vmem>> -> memref<1x64xf32, #tpu.memory_space<vmem>>
    %dma_wait3A_587 = arith.constant 0 : i32
    %dma_wait3A_588 = arith.constant 0 : i32
    %dma_wait3A_589 = tpu.memref_slice %arg2[%dma_wait3A_587, %dma_wait3A_588] : memref<1000000x64xf32, #tpu.memory_space<hbm>> -> memref<1x64xf32, #tpu.memory_space<hbm>>
    %dma_wait3A_590 = arith.constant 0 : i32
    %dma_wait3A_591 = arith.constant 0 : i32
    %dma_wait3A_592 = tpu.memref_slice %arg6[%dma_wait3A_590, %dma_wait3A_591] : memref<800x64xf32, #tpu.memory_space<vmem>> -> memref<1x64xf32, #tpu.memory_space<vmem>>
    %dma_wait3A_593 = arith.constant 0 : i32
    %dma_wait3A_594 = arith.constant 0 : i32
    %dma_wait3A_595 = tpu.memref_slice %arg2[%dma_wait3A_593, %dma_wait3A_594] : memref<1000000x64xf32, #tpu.memory_space<hbm>> -> memref<1x64xf32, #tpu.memory_space<hbm>>
    tpu.wait_dma2 semaphore(%arg7 : memref<!tpu.dma_semaphore, #tpu.memory_space<semaphore_mem>>) src(%dma_wait3A_595 : memref<1x64xf32, #tpu.memory_space<hbm>>) dst(%dma_wait3A_592 : memref<1x64xf32, #tpu.memory_space<vmem>>)
    %dma_wait3A_596 = arith.constant 0 : i32
    %dma_wait3A_597 = arith.constant 0 : i32
    %dma_wait3A_598 = tpu.memref_slice %arg6[%dma_wait3A_596, %dma_wait3A_597] : memref<800x64xf32, #tpu.memory_space<vmem>> -> memref<1x64xf32, #tpu.memory_space<vmem>>
    %dma_wait3A_599 = arith.constant 0 : i32
    %dma_wait3A_600 = arith.constant 0 : i32
    %dma_wait3A_601 = tpu.memref_slice %arg2[%dma_wait3A_599, %dma_wait3A_600] : memref<1000000x64xf32, #tpu.memory_space<hbm>> -> memref<1x64xf32, #tpu.memory_space<hbm>>
    %dma_wait3A_602 = arith.constant 0 : i32
    %dma_wait3A_603 = arith.constant 0 : i32
    %dma_wait3A_604 = tpu.memref_slice %arg6[%dma_wait3A_602, %dma_wait3A_603] : memref<800x64xf32, #tpu.memory_space<vmem>> -> memref<1x64xf32, #tpu.memory_space<vmem>>
    %dma_wait3A_605 = arith.constant 0 : i32
    %dma_wait3A_606 = arith.constant 0 : i32
    %dma_wait3A_607 = tpu.memref_slice %arg2[%dma_wait3A_605, %dma_wait3A_606] : memref<1000000x64xf32, #tpu.memory_space<hbm>> -> memref<1x64xf32, #tpu.memory_space<hbm>>
    tpu.wait_dma2 semaphore(%arg7 : memref<!tpu.dma_semaphore, #tpu.memory_space<semaphore_mem>>) src(%dma_wait3A_607 : memref<1x64xf32, #tpu.memory_space<hbm>>) dst(%dma_wait3A_604 : memref<1x64xf32, #tpu.memory_space<vmem>>)
    %dma_wait3A_608 = arith.constant 0 : i32
    %dma_wait3A_609 = arith.constant 0 : i32
    %dma_wait3A_610 = tpu.memref_slice %arg6[%dma_wait3A_608, %dma_wait3A_609] : memref<800x64xf32, #tpu.memory_space<vmem>> -> memref<1x64xf32, #tpu.memory_space<vmem>>
    %dma_wait3A_611 = arith.constant 0 : i32
    %dma_wait3A_612 = arith.constant 0 : i32
    %dma_wait3A_613 = tpu.memref_slice %arg2[%dma_wait3A_611, %dma_wait3A_612] : memref<1000000x64xf32, #tpu.memory_space<hbm>> -> memref<1x64xf32, #tpu.memory_space<hbm>>
    %dma_wait3A_614 = arith.constant 0 : i32
    %dma_wait3A_615 = arith.constant 0 : i32
    %dma_wait3A_616 = tpu.memref_slice %arg6[%dma_wait3A_614, %dma_wait3A_615] : memref<800x64xf32, #tpu.memory_space<vmem>> -> memref<1x64xf32, #tpu.memory_space<vmem>>
    %dma_wait3A_617 = arith.constant 0 : i32
    %dma_wait3A_618 = arith.constant 0 : i32
    %dma_wait3A_619 = tpu.memref_slice %arg2[%dma_wait3A_617, %dma_wait3A_618] : memref<1000000x64xf32, #tpu.memory_space<hbm>> -> memref<1x64xf32, #tpu.memory_space<hbm>>
    tpu.wait_dma2 semaphore(%arg7 : memref<!tpu.dma_semaphore, #tpu.memory_space<semaphore_mem>>) src(%dma_wait3A_619 : memref<1x64xf32, #tpu.memory_space<hbm>>) dst(%dma_wait3A_616 : memref<1x64xf32, #tpu.memory_space<vmem>>)
    %dma_wait3A_620 = arith.constant 0 : i32
    %dma_wait3A_621 = arith.constant 0 : i32
    %dma_wait3A_622 = tpu.memref_slice %arg6[%dma_wait3A_620, %dma_wait3A_621] : memref<800x64xf32, #tpu.memory_space<vmem>> -> memref<1x64xf32, #tpu.memory_space<vmem>>
    %dma_wait3A_623 = arith.constant 0 : i32
    %dma_wait3A_624 = arith.constant 0 : i32
    %dma_wait3A_625 = tpu.memref_slice %arg2[%dma_wait3A_623, %dma_wait3A_624] : memref<1000000x64xf32, #tpu.memory_space<hbm>> -> memref<1x64xf32, #tpu.memory_space<hbm>>
    %dma_wait3A_626 = arith.constant 0 : i32
    %dma_wait3A_627 = arith.constant 0 : i32
    %dma_wait3A_628 = tpu.memref_slice %arg6[%dma_wait3A_626, %dma_wait3A_627] : memref<800x64xf32, #tpu.memory_space<vmem>> -> memref<1x64xf32, #tpu.memory_space<vmem>>
    %dma_wait3A_629 = arith.constant 0 : i32
    %dma_wait3A_630 = arith.constant 0 : i32
    %dma_wait3A_631 = tpu.memref_slice %arg2[%dma_wait3A_629, %dma_wait3A_630] : memref<1000000x64xf32, #tpu.memory_space<hbm>> -> memref<1x64xf32, #tpu.memory_space<hbm>>
    tpu.wait_dma2 semaphore(%arg7 : memref<!tpu.dma_semaphore, #tpu.memory_space<semaphore_mem>>) src(%dma_wait3A_631 : memref<1x64xf32, #tpu.memory_space<hbm>>) dst(%dma_wait3A_628 : memref<1x64xf32, #tpu.memory_space<vmem>>)
    %dma_wait3A_632 = arith.constant 0 : i32
    %dma_wait3A_633 = arith.constant 0 : i32
    %dma_wait3A_634 = tpu.memref_slice %arg6[%dma_wait3A_632, %dma_wait3A_633] : memref<800x64xf32, #tpu.memory_space<vmem>> -> memref<1x64xf32, #tpu.memory_space<vmem>>
    %dma_wait3A_635 = arith.constant 0 : i32
    %dma_wait3A_636 = arith.constant 0 : i32
    %dma_wait3A_637 = tpu.memref_slice %arg2[%dma_wait3A_635, %dma_wait3A_636] : memref<1000000x64xf32, #tpu.memory_space<hbm>> -> memref<1x64xf32, #tpu.memory_space<hbm>>
    %dma_wait3A_638 = arith.constant 0 : i32
    %dma_wait3A_639 = arith.constant 0 : i32
    %dma_wait3A_640 = tpu.memref_slice %arg6[%dma_wait3A_638, %dma_wait3A_639] : memref<800x64xf32, #tpu.memory_space<vmem>> -> memref<1x64xf32, #tpu.memory_space<vmem>>
    %dma_wait3A_641 = arith.constant 0 : i32
    %dma_wait3A_642 = arith.constant 0 : i32
    %dma_wait3A_643 = tpu.memref_slice %arg2[%dma_wait3A_641, %dma_wait3A_642] : memref<1000000x64xf32, #tpu.memory_space<hbm>> -> memref<1x64xf32, #tpu.memory_space<hbm>>
    tpu.wait_dma2 semaphore(%arg7 : memref<!tpu.dma_semaphore, #tpu.memory_space<semaphore_mem>>) src(%dma_wait3A_643 : memref<1x64xf32, #tpu.memory_space<hbm>>) dst(%dma_wait3A_640 : memref<1x64xf32, #tpu.memory_space<vmem>>)
    %dma_wait3A_644 = arith.constant 0 : i32
    %dma_wait3A_645 = arith.constant 0 : i32
    %dma_wait3A_646 = tpu.memref_slice %arg6[%dma_wait3A_644, %dma_wait3A_645] : memref<800x64xf32, #tpu.memory_space<vmem>> -> memref<1x64xf32, #tpu.memory_space<vmem>>
    %dma_wait3A_647 = arith.constant 0 : i32
    %dma_wait3A_648 = arith.constant 0 : i32
    %dma_wait3A_649 = tpu.memref_slice %arg2[%dma_wait3A_647, %dma_wait3A_648] : memref<1000000x64xf32, #tpu.memory_space<hbm>> -> memref<1x64xf32, #tpu.memory_space<hbm>>
    %dma_wait3A_650 = arith.constant 0 : i32
    %dma_wait3A_651 = arith.constant 0 : i32
    %dma_wait3A_652 = tpu.memref_slice %arg6[%dma_wait3A_650, %dma_wait3A_651] : memref<800x64xf32, #tpu.memory_space<vmem>> -> memref<1x64xf32, #tpu.memory_space<vmem>>
    %dma_wait3A_653 = arith.constant 0 : i32
    %dma_wait3A_654 = arith.constant 0 : i32
    %dma_wait3A_655 = tpu.memref_slice %arg2[%dma_wait3A_653, %dma_wait3A_654] : memref<1000000x64xf32, #tpu.memory_space<hbm>> -> memref<1x64xf32, #tpu.memory_space<hbm>>
    tpu.wait_dma2 semaphore(%arg7 : memref<!tpu.dma_semaphore, #tpu.memory_space<semaphore_mem>>) src(%dma_wait3A_655 : memref<1x64xf32, #tpu.memory_space<hbm>>) dst(%dma_wait3A_652 : memref<1x64xf32, #tpu.memory_space<vmem>>)
    %dma_wait3A_656 = arith.constant 0 : i32
    %dma_wait3A_657 = arith.constant 0 : i32
    %dma_wait3A_658 = tpu.memref_slice %arg6[%dma_wait3A_656, %dma_wait3A_657] : memref<800x64xf32, #tpu.memory_space<vmem>> -> memref<1x64xf32, #tpu.memory_space<vmem>>
    %dma_wait3A_659 = arith.constant 0 : i32
    %dma_wait3A_660 = arith.constant 0 : i32
    %dma_wait3A_661 = tpu.memref_slice %arg2[%dma_wait3A_659, %dma_wait3A_660] : memref<1000000x64xf32, #tpu.memory_space<hbm>> -> memref<1x64xf32, #tpu.memory_space<hbm>>
    %dma_wait3A_662 = arith.constant 0 : i32
    %dma_wait3A_663 = arith.constant 0 : i32
    %dma_wait3A_664 = tpu.memref_slice %arg6[%dma_wait3A_662, %dma_wait3A_663] : memref<800x64xf32, #tpu.memory_space<vmem>> -> memref<1x64xf32, #tpu.memory_space<vmem>>
    %dma_wait3A_665 = arith.constant 0 : i32
    %dma_wait3A_666 = arith.constant 0 : i32
    %dma_wait3A_667 = tpu.memref_slice %arg2[%dma_wait3A_665, %dma_wait3A_666] : memref<1000000x64xf32, #tpu.memory_space<hbm>> -> memref<1x64xf32, #tpu.memory_space<hbm>>
    tpu.wait_dma2 semaphore(%arg7 : memref<!tpu.dma_semaphore, #tpu.memory_space<semaphore_mem>>) src(%dma_wait3A_667 : memref<1x64xf32, #tpu.memory_space<hbm>>) dst(%dma_wait3A_664 : memref<1x64xf32, #tpu.memory_space<vmem>>)
    %dma_wait3A_668 = arith.constant 0 : i32
    %dma_wait3A_669 = arith.constant 0 : i32
    %dma_wait3A_670 = tpu.memref_slice %arg6[%dma_wait3A_668, %dma_wait3A_669] : memref<800x64xf32, #tpu.memory_space<vmem>> -> memref<1x64xf32, #tpu.memory_space<vmem>>
    %dma_wait3A_671 = arith.constant 0 : i32
    %dma_wait3A_672 = arith.constant 0 : i32
    %dma_wait3A_673 = tpu.memref_slice %arg2[%dma_wait3A_671, %dma_wait3A_672] : memref<1000000x64xf32, #tpu.memory_space<hbm>> -> memref<1x64xf32, #tpu.memory_space<hbm>>
    %dma_wait3A_674 = arith.constant 0 : i32
    %dma_wait3A_675 = arith.constant 0 : i32
    %dma_wait3A_676 = tpu.memref_slice %arg6[%dma_wait3A_674, %dma_wait3A_675] : memref<800x64xf32, #tpu.memory_space<vmem>> -> memref<1x64xf32, #tpu.memory_space<vmem>>
    %dma_wait3A_677 = arith.constant 0 : i32
    %dma_wait3A_678 = arith.constant 0 : i32
    %dma_wait3A_679 = tpu.memref_slice %arg2[%dma_wait3A_677, %dma_wait3A_678] : memref<1000000x64xf32, #tpu.memory_space<hbm>> -> memref<1x64xf32, #tpu.memory_space<hbm>>
    tpu.wait_dma2 semaphore(%arg7 : memref<!tpu.dma_semaphore, #tpu.memory_space<semaphore_mem>>) src(%dma_wait3A_679 : memref<1x64xf32, #tpu.memory_space<hbm>>) dst(%dma_wait3A_676 : memref<1x64xf32, #tpu.memory_space<vmem>>)
    %dma_wait3A_680 = arith.constant 0 : i32
    %dma_wait3A_681 = arith.constant 0 : i32
    %dma_wait3A_682 = tpu.memref_slice %arg6[%dma_wait3A_680, %dma_wait3A_681] : memref<800x64xf32, #tpu.memory_space<vmem>> -> memref<1x64xf32, #tpu.memory_space<vmem>>
    %dma_wait3A_683 = arith.constant 0 : i32
    %dma_wait3A_684 = arith.constant 0 : i32
    %dma_wait3A_685 = tpu.memref_slice %arg2[%dma_wait3A_683, %dma_wait3A_684] : memref<1000000x64xf32, #tpu.memory_space<hbm>> -> memref<1x64xf32, #tpu.memory_space<hbm>>
    %dma_wait3A_686 = arith.constant 0 : i32
    %dma_wait3A_687 = arith.constant 0 : i32
    %dma_wait3A_688 = tpu.memref_slice %arg6[%dma_wait3A_686, %dma_wait3A_687] : memref<800x64xf32, #tpu.memory_space<vmem>> -> memref<1x64xf32, #tpu.memory_space<vmem>>
    %dma_wait3A_689 = arith.constant 0 : i32
    %dma_wait3A_690 = arith.constant 0 : i32
    %dma_wait3A_691 = tpu.memref_slice %arg2[%dma_wait3A_689, %dma_wait3A_690] : memref<1000000x64xf32, #tpu.memory_space<hbm>> -> memref<1x64xf32, #tpu.memory_space<hbm>>
    tpu.wait_dma2 semaphore(%arg7 : memref<!tpu.dma_semaphore, #tpu.memory_space<semaphore_mem>>) src(%dma_wait3A_691 : memref<1x64xf32, #tpu.memory_space<hbm>>) dst(%dma_wait3A_688 : memref<1x64xf32, #tpu.memory_space<vmem>>)
    %dma_wait3A_692 = arith.constant 0 : i32
    %dma_wait3A_693 = arith.constant 0 : i32
    %dma_wait3A_694 = tpu.memref_slice %arg6[%dma_wait3A_692, %dma_wait3A_693] : memref<800x64xf32, #tpu.memory_space<vmem>> -> memref<1x64xf32, #tpu.memory_space<vmem>>
    %dma_wait3A_695 = arith.constant 0 : i32
    %dma_wait3A_696 = arith.constant 0 : i32
    %dma_wait3A_697 = tpu.memref_slice %arg2[%dma_wait3A_695, %dma_wait3A_696] : memref<1000000x64xf32, #tpu.memory_space<hbm>> -> memref<1x64xf32, #tpu.memory_space<hbm>>
    %dma_wait3A_698 = arith.constant 0 : i32
    %dma_wait3A_699 = arith.constant 0 : i32
    %dma_wait3A_700 = tpu.memref_slice %arg6[%dma_wait3A_698, %dma_wait3A_699] : memref<800x64xf32, #tpu.memory_space<vmem>> -> memref<1x64xf32, #tpu.memory_space<vmem>>
    %dma_wait3A_701 = arith.constant 0 : i32
    %dma_wait3A_702 = arith.constant 0 : i32
    %dma_wait3A_703 = tpu.memref_slice %arg2[%dma_wait3A_701, %dma_wait3A_702] : memref<1000000x64xf32, #tpu.memory_space<hbm>> -> memref<1x64xf32, #tpu.memory_space<hbm>>
    tpu.wait_dma2 semaphore(%arg7 : memref<!tpu.dma_semaphore, #tpu.memory_space<semaphore_mem>>) src(%dma_wait3A_703 : memref<1x64xf32, #tpu.memory_space<hbm>>) dst(%dma_wait3A_700 : memref<1x64xf32, #tpu.memory_space<vmem>>)
    %dma_wait3A_704 = arith.constant 0 : i32
    %dma_wait3A_705 = arith.constant 0 : i32
    %dma_wait3A_706 = tpu.memref_slice %arg6[%dma_wait3A_704, %dma_wait3A_705] : memref<800x64xf32, #tpu.memory_space<vmem>> -> memref<1x64xf32, #tpu.memory_space<vmem>>
    %dma_wait3A_707 = arith.constant 0 : i32
    %dma_wait3A_708 = arith.constant 0 : i32
    %dma_wait3A_709 = tpu.memref_slice %arg2[%dma_wait3A_707, %dma_wait3A_708] : memref<1000000x64xf32, #tpu.memory_space<hbm>> -> memref<1x64xf32, #tpu.memory_space<hbm>>
    %dma_wait3A_710 = arith.constant 0 : i32
    %dma_wait3A_711 = arith.constant 0 : i32
    %dma_wait3A_712 = tpu.memref_slice %arg6[%dma_wait3A_710, %dma_wait3A_711] : memref<800x64xf32, #tpu.memory_space<vmem>> -> memref<1x64xf32, #tpu.memory_space<vmem>>
    %dma_wait3A_713 = arith.constant 0 : i32
    %dma_wait3A_714 = arith.constant 0 : i32
    %dma_wait3A_715 = tpu.memref_slice %arg2[%dma_wait3A_713, %dma_wait3A_714] : memref<1000000x64xf32, #tpu.memory_space<hbm>> -> memref<1x64xf32, #tpu.memory_space<hbm>>
    tpu.wait_dma2 semaphore(%arg7 : memref<!tpu.dma_semaphore, #tpu.memory_space<semaphore_mem>>) src(%dma_wait3A_715 : memref<1x64xf32, #tpu.memory_space<hbm>>) dst(%dma_wait3A_712 : memref<1x64xf32, #tpu.memory_space<vmem>>)
    %dma_wait3A_716 = arith.constant 0 : i32
    %dma_wait3A_717 = arith.constant 0 : i32
    %dma_wait3A_718 = tpu.memref_slice %arg6[%dma_wait3A_716, %dma_wait3A_717] : memref<800x64xf32, #tpu.memory_space<vmem>> -> memref<1x64xf32, #tpu.memory_space<vmem>>
    %dma_wait3A_719 = arith.constant 0 : i32
    %dma_wait3A_720 = arith.constant 0 : i32
    %dma_wait3A_721 = tpu.memref_slice %arg2[%dma_wait3A_719, %dma_wait3A_720] : memref<1000000x64xf32, #tpu.memory_space<hbm>> -> memref<1x64xf32, #tpu.memory_space<hbm>>
    %dma_wait3A_722 = arith.constant 0 : i32
    %dma_wait3A_723 = arith.constant 0 : i32
    %dma_wait3A_724 = tpu.memref_slice %arg6[%dma_wait3A_722, %dma_wait3A_723] : memref<800x64xf32, #tpu.memory_space<vmem>> -> memref<1x64xf32, #tpu.memory_space<vmem>>
    %dma_wait3A_725 = arith.constant 0 : i32
    %dma_wait3A_726 = arith.constant 0 : i32
    %dma_wait3A_727 = tpu.memref_slice %arg2[%dma_wait3A_725, %dma_wait3A_726] : memref<1000000x64xf32, #tpu.memory_space<hbm>> -> memref<1x64xf32, #tpu.memory_space<hbm>>
    tpu.wait_dma2 semaphore(%arg7 : memref<!tpu.dma_semaphore, #tpu.memory_space<semaphore_mem>>) src(%dma_wait3A_727 : memref<1x64xf32, #tpu.memory_space<hbm>>) dst(%dma_wait3A_724 : memref<1x64xf32, #tpu.memory_space<vmem>>)
    %dma_wait3A_728 = arith.constant 0 : i32
    %dma_wait3A_729 = arith.constant 0 : i32
    %dma_wait3A_730 = tpu.memref_slice %arg6[%dma_wait3A_728, %dma_wait3A_729] : memref<800x64xf32, #tpu.memory_space<vmem>> -> memref<1x64xf32, #tpu.memory_space<vmem>>
    %dma_wait3A_731 = arith.constant 0 : i32
    %dma_wait3A_732 = arith.constant 0 : i32
    %dma_wait3A_733 = tpu.memref_slice %arg2[%dma_wait3A_731, %dma_wait3A_732] : memref<1000000x64xf32, #tpu.memory_space<hbm>> -> memref<1x64xf32, #tpu.memory_space<hbm>>
    %dma_wait3A_734 = arith.constant 0 : i32
    %dma_wait3A_735 = arith.constant 0 : i32
    %dma_wait3A_736 = tpu.memref_slice %arg6[%dma_wait3A_734, %dma_wait3A_735] : memref<800x64xf32, #tpu.memory_space<vmem>> -> memref<1x64xf32, #tpu.memory_space<vmem>>
    %dma_wait3A_737 = arith.constant 0 : i32
    %dma_wait3A_738 = arith.constant 0 : i32
    %dma_wait3A_739 = tpu.memref_slice %arg2[%dma_wait3A_737, %dma_wait3A_738] : memref<1000000x64xf32, #tpu.memory_space<hbm>> -> memref<1x64xf32, #tpu.memory_space<hbm>>
    tpu.wait_dma2 semaphore(%arg7 : memref<!tpu.dma_semaphore, #tpu.memory_space<semaphore_mem>>) src(%dma_wait3A_739 : memref<1x64xf32, #tpu.memory_space<hbm>>) dst(%dma_wait3A_736 : memref<1x64xf32, #tpu.memory_space<vmem>>)
    %dma_wait3A_740 = arith.constant 0 : i32
    %dma_wait3A_741 = arith.constant 0 : i32
    %dma_wait3A_742 = tpu.memref_slice %arg6[%dma_wait3A_740, %dma_wait3A_741] : memref<800x64xf32, #tpu.memory_space<vmem>> -> memref<1x64xf32, #tpu.memory_space<vmem>>
    %dma_wait3A_743 = arith.constant 0 : i32
    %dma_wait3A_744 = arith.constant 0 : i32
    %dma_wait3A_745 = tpu.memref_slice %arg2[%dma_wait3A_743, %dma_wait3A_744] : memref<1000000x64xf32, #tpu.memory_space<hbm>> -> memref<1x64xf32, #tpu.memory_space<hbm>>
    %dma_wait3A_746 = arith.constant 0 : i32
    %dma_wait3A_747 = arith.constant 0 : i32
    %dma_wait3A_748 = tpu.memref_slice %arg6[%dma_wait3A_746, %dma_wait3A_747] : memref<800x64xf32, #tpu.memory_space<vmem>> -> memref<1x64xf32, #tpu.memory_space<vmem>>
    %dma_wait3A_749 = arith.constant 0 : i32
    %dma_wait3A_750 = arith.constant 0 : i32
    %dma_wait3A_751 = tpu.memref_slice %arg2[%dma_wait3A_749, %dma_wait3A_750] : memref<1000000x64xf32, #tpu.memory_space<hbm>> -> memref<1x64xf32, #tpu.memory_space<hbm>>
    tpu.wait_dma2 semaphore(%arg7 : memref<!tpu.dma_semaphore, #tpu.memory_space<semaphore_mem>>) src(%dma_wait3A_751 : memref<1x64xf32, #tpu.memory_space<hbm>>) dst(%dma_wait3A_748 : memref<1x64xf32, #tpu.memory_space<vmem>>)
    %dma_wait3A_752 = arith.constant 0 : i32
    %dma_wait3A_753 = arith.constant 0 : i32
    %dma_wait3A_754 = tpu.memref_slice %arg6[%dma_wait3A_752, %dma_wait3A_753] : memref<800x64xf32, #tpu.memory_space<vmem>> -> memref<1x64xf32, #tpu.memory_space<vmem>>
    %dma_wait3A_755 = arith.constant 0 : i32
    %dma_wait3A_756 = arith.constant 0 : i32
    %dma_wait3A_757 = tpu.memref_slice %arg2[%dma_wait3A_755, %dma_wait3A_756] : memref<1000000x64xf32, #tpu.memory_space<hbm>> -> memref<1x64xf32, #tpu.memory_space<hbm>>
    %dma_wait3A_758 = arith.constant 0 : i32
    %dma_wait3A_759 = arith.constant 0 : i32
    %dma_wait3A_760 = tpu.memref_slice %arg6[%dma_wait3A_758, %dma_wait3A_759] : memref<800x64xf32, #tpu.memory_space<vmem>> -> memref<1x64xf32, #tpu.memory_space<vmem>>
    %dma_wait3A_761 = arith.constant 0 : i32
    %dma_wait3A_762 = arith.constant 0 : i32
    %dma_wait3A_763 = tpu.memref_slice %arg2[%dma_wait3A_761, %dma_wait3A_762] : memref<1000000x64xf32, #tpu.memory_space<hbm>> -> memref<1x64xf32, #tpu.memory_space<hbm>>
    tpu.wait_dma2 semaphore(%arg7 : memref<!tpu.dma_semaphore, #tpu.memory_space<semaphore_mem>>) src(%dma_wait3A_763 : memref<1x64xf32, #tpu.memory_space<hbm>>) dst(%dma_wait3A_760 : memref<1x64xf32, #tpu.memory_space<vmem>>)
    %dma_wait3A_764 = arith.constant 0 : i32
    %dma_wait3A_765 = arith.constant 0 : i32
    %dma_wait3A_766 = tpu.memref_slice %arg6[%dma_wait3A_764, %dma_wait3A_765] : memref<800x64xf32, #tpu.memory_space<vmem>> -> memref<1x64xf32, #tpu.memory_space<vmem>>
    %dma_wait3A_767 = arith.constant 0 : i32
    %dma_wait3A_768 = arith.constant 0 : i32
    %dma_wait3A_769 = tpu.memref_slice %arg2[%dma_wait3A_767, %dma_wait3A_768] : memref<1000000x64xf32, #tpu.memory_space<hbm>> -> memref<1x64xf32, #tpu.memory_space<hbm>>
    %dma_wait3A_770 = arith.constant 0 : i32
    %dma_wait3A_771 = arith.constant 0 : i32
    %dma_wait3A_772 = tpu.memref_slice %arg6[%dma_wait3A_770, %dma_wait3A_771] : memref<800x64xf32, #tpu.memory_space<vmem>> -> memref<1x64xf32, #tpu.memory_space<vmem>>
    %dma_wait3A_773 = arith.constant 0 : i32
    %dma_wait3A_774 = arith.constant 0 : i32
    %dma_wait3A_775 = tpu.memref_slice %arg2[%dma_wait3A_773, %dma_wait3A_774] : memref<1000000x64xf32, #tpu.memory_space<hbm>> -> memref<1x64xf32, #tpu.memory_space<hbm>>
    tpu.wait_dma2 semaphore(%arg7 : memref<!tpu.dma_semaphore, #tpu.memory_space<semaphore_mem>>) src(%dma_wait3A_775 : memref<1x64xf32, #tpu.memory_space<hbm>>) dst(%dma_wait3A_772 : memref<1x64xf32, #tpu.memory_space<vmem>>)
    "tpu.region"() ({
      %run_scoped3A = tpu.sem_alloc : memref<!tpu.dma_semaphore, #tpu.memory_space<semaphore_mem>>
      %dma_start3A = arith.constant 0 : i32
      %dma_start3A_1551 = tpu.memref_slice %arg4[%add3A_4, %dma_start3A] : memref<51200x64xf32, #tpu.memory_space<hbm>> -> memref<800x64xf32, #tpu.memory_space<hbm>>
      %dma_start3A_1552 = arith.constant 0 : i32
      %dma_start3A_1553 = tpu.memref_slice %arg4[%add3A_4, %dma_start3A_1552] : memref<51200x64xf32, #tpu.memory_space<hbm>> -> memref<800x64xf32, #tpu.memory_space<hbm>>
      tpu.enqueue_dma source(%arg6 : memref<800x64xf32, #tpu.memory_space<vmem>>) target(%dma_start3A_1553 : memref<800x64xf32, #tpu.memory_space<hbm>>) target_semaphore(%run_scoped3A : memref<!tpu.dma_semaphore, #tpu.memory_space<semaphore_mem>>)
      %dma_wait3A_1554 = arith.constant 0 : i32
      %dma_wait3A_1555 = tpu.memref_slice %arg4[%add3A_4, %dma_wait3A_1554] : memref<51200x64xf32, #tpu.memory_space<hbm>> -> memref<800x64xf32, #tpu.memory_space<hbm>>
      %dma_wait3A_1556 = arith.constant 0 : i32
      %dma_wait3A_1557 = tpu.memref_slice %arg4[%add3A_4, %dma_wait3A_1556] : memref<51200x64xf32, #tpu.memory_space<hbm>> -> memref<800x64xf32, #tpu.memory_space<hbm>>
      tpu.wait_dma2 semaphore(%run_scoped3A : memref<!tpu.dma_semaphore, #tpu.memory_space<semaphore_mem>>) src(%arg6 : memref<800x64xf32, #tpu.memory_space<vmem>>) dst(%dma_wait3A_1557 : memref<800x64xf32, #tpu.memory_space<hbm>>)
      tpu.yield
    }) : () -> ()
    %add3A_776 = arith.constant 800 : i32
    %add3A_777 = arith.addi %mul3A_2, %add3A_776 : i32
    "tpu.region"() ({
      %run_scoped3A = tpu.sem_alloc : memref<!tpu.dma_semaphore, #tpu.memory_space<semaphore_mem>>
      %dma_start3A = tpu.memref_slice %arg3[%add3A_777] : memref<51200xi32, #tpu.memory_space<hbm>> -> memref<800xi32, #tpu.memory_space<hbm>>
      %dma_start3A_1551 = tpu.memref_slice %arg3[%add3A_777] : memref<51200xi32, #tpu.memory_space<hbm>> -> memref<800xi32, #tpu.memory_space<hbm>>
      tpu.enqueue_dma source(%dma_start3A_1551 : memref<800xi32, #tpu.memory_space<hbm>>) target(%arg5 : memref<800xi32, #tpu.memory_space<vmem>>) target_semaphore(%run_scoped3A : memref<!tpu.dma_semaphore, #tpu.memory_space<semaphore_mem>>)
      %dma_wait3A_1552 = tpu.memref_slice %arg3[%add3A_777] : memref<51200xi32, #tpu.memory_space<hbm>> -> memref<800xi32, #tpu.memory_space<hbm>>
      %dma_wait3A_1553 = tpu.memref_slice %arg3[%add3A_777] : memref<51200xi32, #tpu.memory_space<hbm>> -> memref<800xi32, #tpu.memory_space<hbm>>
      tpu.wait_dma2 semaphore(%run_scoped3A : memref<!tpu.dma_semaphore, #tpu.memory_space<semaphore_mem>>) src(%dma_wait3A_1553 : memref<800xi32, #tpu.memory_space<hbm>>) dst(%arg5 : memref<800xi32, #tpu.memory_space<vmem>>)
      tpu.yield
    }) : () -> ()
    %scan3A_778 = arith.constant 0 : i32
    %scan3A_779 = arith.constant 50 : i32
    %scan3A_780 = arith.addi %scan3A_778, %scan3A_779 : i32
    %scan3A_781 = arith.constant 1 : i32
    scf.for %scan3A_1551 = %scan3A_778 to %scan3A_780 step %scan3A_781  : i32 {
      %mul3A_1552 = arith.constant 1 : i32
      %mul3A_1553 = arith.muli %scan3A_1551, %mul3A_1552 : i32
      %add3A_1554 = arith.constant 0 : i32
      %add3A_1555 = arith.addi %add3A_1554, %mul3A_1553 : i32
      %mul3A_1556 = arith.constant 16 : i32
      %mul3A_1557 = arith.muli %add3A_1555, %mul3A_1556 : i32
      %get3A = arith.index_cast %mul3A_1557 : i32 to index
      %get3A_1558 = tpu.vector_load %arg5[%get3A] {strides = array<i32>} : memref<800xi32, #tpu.memory_space<vmem>>, vector<16xi32>,
      %get3A_1559 = vector.shape_cast %get3A_1558 : vector<16xi32> to vector<16xi32>
      %slice3A = vector.extract_strided_slice %get3A_1559 {offsets = [0], sizes = [1], strides = [1]} : vector<16xi32> to vector<1xi32>
      %squeeze3A = vector.extract %slice3A[0] : i32 from vector<1xi32>
      %mul3A_1560 = arith.constant 16 : i32
      %mul3A_1561 = arith.muli %add3A_1555, %mul3A_1560 : i32
      %add3A_1562 = arith.constant 0 : i32
      %add3A_1563 = arith.addi %mul3A_1561, %add3A_1562 : i32
      %dma_start3A = arith.constant 0 : i32
      %dma_start3A_1564 = tpu.memref_slice %arg6[%add3A_1563, %dma_start3A] : memref<800x64xf32, #tpu.memory_space<vmem>> -> memref<1x64xf32, #tpu.memory_space<vmem>>
      %dma_start3A_1565 = arith.constant 0 : i32
      %dma_start3A_1566 = tpu.memref_slice %arg2[%squeeze3A, %dma_start3A_1565] : memref<1000000x64xf32, #tpu.memory_space<hbm>> -> memref<1x64xf32, #tpu.memory_space<hbm>>
      %dma_start3A_1567 = arith.constant 0 : i32
      %dma_start3A_1568 = tpu.memref_slice %arg6[%add3A_1563, %dma_start3A_1567] : memref<800x64xf32, #tpu.memory_space<vmem>> -> memref<1x64xf32, #tpu.memory_space<vmem>>
      %dma_start3A_1569 = arith.constant 0 : i32
      %dma_start3A_1570 = tpu.memref_slice %arg2[%squeeze3A, %dma_start3A_1569] : memref<1000000x64xf32, #tpu.memory_space<hbm>> -> memref<1x64xf32, #tpu.memory_space<hbm>>
      tpu.enqueue_dma source(%dma_start3A_1570 : memref<1x64xf32, #tpu.memory_space<hbm>>) target(%dma_start3A_1568 : memref<1x64xf32, #tpu.memory_space<vmem>>) target_semaphore(%arg7 : memref<!tpu.dma_semaphore, #tpu.memory_space<semaphore_mem>>)
      %slice3A_1571 = vector.extract_strided_slice %get3A_1559 {offsets = [1], sizes = [1], strides = [1]} : vector<16xi32> to vector<1xi32>
      %squeeze3A_1572 = vector.extract %slice3A_1571[0] : i32 from vector<1xi32>
      %mul3A_1573 = arith.constant 16 : i32
      %mul3A_1574 = arith.muli %add3A_1555, %mul3A_1573 : i32
      %add3A_1575 = arith.constant 1 : i32
      %add3A_1576 = arith.addi %mul3A_1574, %add3A_1575 : i32
      %dma_start3A_1577 = arith.constant 0 : i32
      %dma_start3A_1578 = tpu.memref_slice %arg6[%add3A_1576, %dma_start3A_1577] : memref<800x64xf32, #tpu.memory_space<vmem>> -> memref<1x64xf32, #tpu.memory_space<vmem>>
      %dma_start3A_1579 = arith.constant 0 : i32
      %dma_start3A_1580 = tpu.memref_slice %arg2[%squeeze3A_1572, %dma_start3A_1579] : memref<1000000x64xf32, #tpu.memory_space<hbm>> -> memref<1x64xf32, #tpu.memory_space<hbm>>
      %dma_start3A_1581 = arith.constant 0 : i32
      %dma_start3A_1582 = tpu.memref_slice %arg6[%add3A_1576, %dma_start3A_1581] : memref<800x64xf32, #tpu.memory_space<vmem>> -> memref<1x64xf32, #tpu.memory_space<vmem>>
      %dma_start3A_1583 = arith.constant 0 : i32
      %dma_start3A_1584 = tpu.memref_slice %arg2[%squeeze3A_1572, %dma_start3A_1583] : memref<1000000x64xf32, #tpu.memory_space<hbm>> -> memref<1x64xf32, #tpu.memory_space<hbm>>
      tpu.enqueue_dma source(%dma_start3A_1584 : memref<1x64xf32, #tpu.memory_space<hbm>>) target(%dma_start3A_1582 : memref<1x64xf32, #tpu.memory_space<vmem>>) target_semaphore(%arg7 : memref<!tpu.dma_semaphore, #tpu.memory_space<semaphore_mem>>)
      %slice3A_1585 = vector.extract_strided_slice %get3A_1559 {offsets = [2], sizes = [1], strides = [1]} : vector<16xi32> to vector<1xi32>
      %squeeze3A_1586 = vector.extract %slice3A_1585[0] : i32 from vector<1xi32>
      %mul3A_1587 = arith.constant 16 : i32
      %mul3A_1588 = arith.muli %add3A_1555, %mul3A_1587 : i32
      %add3A_1589 = arith.constant 2 : i32
      %add3A_1590 = arith.addi %mul3A_1588, %add3A_1589 : i32
      %dma_start3A_1591 = arith.constant 0 : i32
      %dma_start3A_1592 = tpu.memref_slice %arg6[%add3A_1590, %dma_start3A_1591] : memref<800x64xf32, #tpu.memory_space<vmem>> -> memref<1x64xf32, #tpu.memory_space<vmem>>
      %dma_start3A_1593 = arith.constant 0 : i32
      %dma_start3A_1594 = tpu.memref_slice %arg2[%squeeze3A_1586, %dma_start3A_1593] : memref<1000000x64xf32, #tpu.memory_space<hbm>> -> memref<1x64xf32, #tpu.memory_space<hbm>>
      %dma_start3A_1595 = arith.constant 0 : i32
      %dma_start3A_1596 = tpu.memref_slice %arg6[%add3A_1590, %dma_start3A_1595] : memref<800x64xf32, #tpu.memory_space<vmem>> -> memref<1x64xf32, #tpu.memory_space<vmem>>
      %dma_start3A_1597 = arith.constant 0 : i32
      %dma_start3A_1598 = tpu.memref_slice %arg2[%squeeze3A_1586, %dma_start3A_1597] : memref<1000000x64xf32, #tpu.memory_space<hbm>> -> memref<1x64xf32, #tpu.memory_space<hbm>>
      tpu.enqueue_dma source(%dma_start3A_1598 : memref<1x64xf32, #tpu.memory_space<hbm>>) target(%dma_start3A_1596 : memref<1x64xf32, #tpu.memory_space<vmem>>) target_semaphore(%arg7 : memref<!tpu.dma_semaphore, #tpu.memory_space<semaphore_mem>>)
      %slice3A_1599 = vector.extract_strided_slice %get3A_1559 {offsets = [3], sizes = [1], strides = [1]} : vector<16xi32> to vector<1xi32>
      %squeeze3A_1600 = vector.extract %slice3A_1599[0] : i32 from vector<1xi32>
      %mul3A_1601 = arith.constant 16 : i32
      %mul3A_1602 = arith.muli %add3A_1555, %mul3A_1601 : i32
      %add3A_1603 = arith.constant 3 : i32
      %add3A_1604 = arith.addi %mul3A_1602, %add3A_1603 : i32
      %dma_start3A_1605 = arith.constant 0 : i32
      %dma_start3A_1606 = tpu.memref_slice %arg6[%add3A_1604, %dma_start3A_1605] : memref<800x64xf32, #tpu.memory_space<vmem>> -> memref<1x64xf32, #tpu.memory_space<vmem>>
      %dma_start3A_1607 = arith.constant 0 : i32
      %dma_start3A_1608 = tpu.memref_slice %arg2[%squeeze3A_1600, %dma_start3A_1607] : memref<1000000x64xf32, #tpu.memory_space<hbm>> -> memref<1x64xf32, #tpu.memory_space<hbm>>
      %dma_start3A_1609 = arith.constant 0 : i32
      %dma_start3A_1610 = tpu.memref_slice %arg6[%add3A_1604, %dma_start3A_1609] : memref<800x64xf32, #tpu.memory_space<vmem>> -> memref<1x64xf32, #tpu.memory_space<vmem>>
      %dma_start3A_1611 = arith.constant 0 : i32
      %dma_start3A_1612 = tpu.memref_slice %arg2[%squeeze3A_1600, %dma_start3A_1611] : memref<1000000x64xf32, #tpu.memory_space<hbm>> -> memref<1x64xf32, #tpu.memory_space<hbm>>
      tpu.enqueue_dma source(%dma_start3A_1612 : memref<1x64xf32, #tpu.memory_space<hbm>>) target(%dma_start3A_1610 : memref<1x64xf32, #tpu.memory_space<vmem>>) target_semaphore(%arg7 : memref<!tpu.dma_semaphore, #tpu.memory_space<semaphore_mem>>)
      %slice3A_1613 = vector.extract_strided_slice %get3A_1559 {offsets = [4], sizes = [1], strides = [1]} : vector<16xi32> to vector<1xi32>
      %squeeze3A_1614 = vector.extract %slice3A_1613[0] : i32 from vector<1xi32>
      %mul3A_1615 = arith.constant 16 : i32
      %mul3A_1616 = arith.muli %add3A_1555, %mul3A_1615 : i32
      %add3A_1617 = arith.constant 4 : i32
      %add3A_1618 = arith.addi %mul3A_1616, %add3A_1617 : i32
      %dma_start3A_1619 = arith.constant 0 : i32
      %dma_start3A_1620 = tpu.memref_slice %arg6[%add3A_1618, %dma_start3A_1619] : memref<800x64xf32, #tpu.memory_space<vmem>> -> memref<1x64xf32, #tpu.memory_space<vmem>>
      %dma_start3A_1621 = arith.constant 0 : i32
      %dma_start3A_1622 = tpu.memref_slice %arg2[%squeeze3A_1614, %dma_start3A_1621] : memref<1000000x64xf32, #tpu.memory_space<hbm>> -> memref<1x64xf32, #tpu.memory_space<hbm>>
      %dma_start3A_1623 = arith.constant 0 : i32
      %dma_start3A_1624 = tpu.memref_slice %arg6[%add3A_1618, %dma_start3A_1623] : memref<800x64xf32, #tpu.memory_space<vmem>> -> memref<1x64xf32, #tpu.memory_space<vmem>>
      %dma_start3A_1625 = arith.constant 0 : i32
      %dma_start3A_1626 = tpu.memref_slice %arg2[%squeeze3A_1614, %dma_start3A_1625] : memref<1000000x64xf32, #tpu.memory_space<hbm>> -> memref<1x64xf32, #tpu.memory_space<hbm>>
      tpu.enqueue_dma source(%dma_start3A_1626 : memref<1x64xf32, #tpu.memory_space<hbm>>) target(%dma_start3A_1624 : memref<1x64xf32, #tpu.memory_space<vmem>>) target_semaphore(%arg7 : memref<!tpu.dma_semaphore, #tpu.memory_space<semaphore_mem>>)
      %slice3A_1627 = vector.extract_strided_slice %get3A_1559 {offsets = [5], sizes = [1], strides = [1]} : vector<16xi32> to vector<1xi32>
      %squeeze3A_1628 = vector.extract %slice3A_1627[0] : i32 from vector<1xi32>
      %mul3A_1629 = arith.constant 16 : i32
      %mul3A_1630 = arith.muli %add3A_1555, %mul3A_1629 : i32
      %add3A_1631 = arith.constant 5 : i32
      %add3A_1632 = arith.addi %mul3A_1630, %add3A_1631 : i32
      %dma_start3A_1633 = arith.constant 0 : i32
      %dma_start3A_1634 = tpu.memref_slice %arg6[%add3A_1632, %dma_start3A_1633] : memref<800x64xf32, #tpu.memory_space<vmem>> -> memref<1x64xf32, #tpu.memory_space<vmem>>
      %dma_start3A_1635 = arith.constant 0 : i32
      %dma_start3A_1636 = tpu.memref_slice %arg2[%squeeze3A_1628, %dma_start3A_1635] : memref<1000000x64xf32, #tpu.memory_space<hbm>> -> memref<1x64xf32, #tpu.memory_space<hbm>>
      %dma_start3A_1637 = arith.constant 0 : i32
      %dma_start3A_1638 = tpu.memref_slice %arg6[%add3A_1632, %dma_start3A_1637] : memref<800x64xf32, #tpu.memory_space<vmem>> -> memref<1x64xf32, #tpu.memory_space<vmem>>
      %dma_start3A_1639 = arith.constant 0 : i32
      %dma_start3A_1640 = tpu.memref_slice %arg2[%squeeze3A_1628, %dma_start3A_1639] : memref<1000000x64xf32, #tpu.memory_space<hbm>> -> memref<1x64xf32, #tpu.memory_space<hbm>>
      tpu.enqueue_dma source(%dma_start3A_1640 : memref<1x64xf32, #tpu.memory_space<hbm>>) target(%dma_start3A_1638 : memref<1x64xf32, #tpu.memory_space<vmem>>) target_semaphore(%arg7 : memref<!tpu.dma_semaphore, #tpu.memory_space<semaphore_mem>>)
      %slice3A_1641 = vector.extract_strided_slice %get3A_1559 {offsets = [6], sizes = [1], strides = [1]} : vector<16xi32> to vector<1xi32>
      %squeeze3A_1642 = vector.extract %slice3A_1641[0] : i32 from vector<1xi32>
      %mul3A_1643 = arith.constant 16 : i32
      %mul3A_1644 = arith.muli %add3A_1555, %mul3A_1643 : i32
      %add3A_1645 = arith.constant 6 : i32
      %add3A_1646 = arith.addi %mul3A_1644, %add3A_1645 : i32
      %dma_start3A_1647 = arith.constant 0 : i32
      %dma_start3A_1648 = tpu.memref_slice %arg6[%add3A_1646, %dma_start3A_1647] : memref<800x64xf32, #tpu.memory_space<vmem>> -> memref<1x64xf32, #tpu.memory_space<vmem>>
      %dma_start3A_1649 = arith.constant 0 : i32
      %dma_start3A_1650 = tpu.memref_slice %arg2[%squeeze3A_1642, %dma_start3A_1649] : memref<1000000x64xf32, #tpu.memory_space<hbm>> -> memref<1x64xf32, #tpu.memory_space<hbm>>
      %dma_start3A_1651 = arith.constant 0 : i32
      %dma_start3A_1652 = tpu.memref_slice %arg6[%add3A_1646, %dma_start3A_1651] : memref<800x64xf32, #tpu.memory_space<vmem>> -> memref<1x64xf32, #tpu.memory_space<vmem>>
      %dma_start3A_1653 = arith.constant 0 : i32
      %dma_start3A_1654 = tpu.memref_slice %arg2[%squeeze3A_1642, %dma_start3A_1653] : memref<1000000x64xf32, #tpu.memory_space<hbm>> -> memref<1x64xf32, #tpu.memory_space<hbm>>
      tpu.enqueue_dma source(%dma_start3A_1654 : memref<1x64xf32, #tpu.memory_space<hbm>>) target(%dma_start3A_1652 : memref<1x64xf32, #tpu.memory_space<vmem>>) target_semaphore(%arg7 : memref<!tpu.dma_semaphore, #tpu.memory_space<semaphore_mem>>)
      %slice3A_1655 = vector.extract_strided_slice %get3A_1559 {offsets = [7], sizes = [1], strides = [1]} : vector<16xi32> to vector<1xi32>
      %squeeze3A_1656 = vector.extract %slice3A_1655[0] : i32 from vector<1xi32>
      %mul3A_1657 = arith.constant 16 : i32
      %mul3A_1658 = arith.muli %add3A_1555, %mul3A_1657 : i32
      %add3A_1659 = arith.constant 7 : i32
      %add3A_1660 = arith.addi %mul3A_1658, %add3A_1659 : i32
      %dma_start3A_1661 = arith.constant 0 : i32
      %dma_start3A_1662 = tpu.memref_slice %arg6[%add3A_1660, %dma_start3A_1661] : memref<800x64xf32, #tpu.memory_space<vmem>> -> memref<1x64xf32, #tpu.memory_space<vmem>>
      %dma_start3A_1663 = arith.constant 0 : i32
      %dma_start3A_1664 = tpu.memref_slice %arg2[%squeeze3A_1656, %dma_start3A_1663] : memref<1000000x64xf32, #tpu.memory_space<hbm>> -> memref<1x64xf32, #tpu.memory_space<hbm>>
      %dma_start3A_1665 = arith.constant 0 : i32
      %dma_start3A_1666 = tpu.memref_slice %arg6[%add3A_1660, %dma_start3A_1665] : memref<800x64xf32, #tpu.memory_space<vmem>> -> memref<1x64xf32, #tpu.memory_space<vmem>>
      %dma_start3A_1667 = arith.constant 0 : i32
      %dma_start3A_1668 = tpu.memref_slice %arg2[%squeeze3A_1656, %dma_start3A_1667] : memref<1000000x64xf32, #tpu.memory_space<hbm>> -> memref<1x64xf32, #tpu.memory_space<hbm>>
      tpu.enqueue_dma source(%dma_start3A_1668 : memref<1x64xf32, #tpu.memory_space<hbm>>) target(%dma_start3A_1666 : memref<1x64xf32, #tpu.memory_space<vmem>>) target_semaphore(%arg7 : memref<!tpu.dma_semaphore, #tpu.memory_space<semaphore_mem>>)
      %slice3A_1669 = vector.extract_strided_slice %get3A_1559 {offsets = [8], sizes = [1], strides = [1]} : vector<16xi32> to vector<1xi32>
      %squeeze3A_1670 = vector.extract %slice3A_1669[0] : i32 from vector<1xi32>
      %mul3A_1671 = arith.constant 16 : i32
      %mul3A_1672 = arith.muli %add3A_1555, %mul3A_1671 : i32
      %add3A_1673 = arith.constant 8 : i32
      %add3A_1674 = arith.addi %mul3A_1672, %add3A_1673 : i32
      %dma_start3A_1675 = arith.constant 0 : i32
      %dma_start3A_1676 = tpu.memref_slice %arg6[%add3A_1674, %dma_start3A_1675] : memref<800x64xf32, #tpu.memory_space<vmem>> -> memref<1x64xf32, #tpu.memory_space<vmem>>
      %dma_start3A_1677 = arith.constant 0 : i32
      %dma_start3A_1678 = tpu.memref_slice %arg2[%squeeze3A_1670, %dma_start3A_1677] : memref<1000000x64xf32, #tpu.memory_space<hbm>> -> memref<1x64xf32, #tpu.memory_space<hbm>>
      %dma_start3A_1679 = arith.constant 0 : i32
      %dma_start3A_1680 = tpu.memref_slice %arg6[%add3A_1674, %dma_start3A_1679] : memref<800x64xf32, #tpu.memory_space<vmem>> -> memref<1x64xf32, #tpu.memory_space<vmem>>
      %dma_start3A_1681 = arith.constant 0 : i32
      %dma_start3A_1682 = tpu.memref_slice %arg2[%squeeze3A_1670, %dma_start3A_1681] : memref<1000000x64xf32, #tpu.memory_space<hbm>> -> memref<1x64xf32, #tpu.memory_space<hbm>>
      tpu.enqueue_dma source(%dma_start3A_1682 : memref<1x64xf32, #tpu.memory_space<hbm>>) target(%dma_start3A_1680 : memref<1x64xf32, #tpu.memory_space<vmem>>) target_semaphore(%arg7 : memref<!tpu.dma_semaphore, #tpu.memory_space<semaphore_mem>>)
      %slice3A_1683 = vector.extract_strided_slice %get3A_1559 {offsets = [9], sizes = [1], strides = [1]} : vector<16xi32> to vector<1xi32>
      %squeeze3A_1684 = vector.extract %slice3A_1683[0] : i32 from vector<1xi32>
      %mul3A_1685 = arith.constant 16 : i32
      %mul3A_1686 = arith.muli %add3A_1555, %mul3A_1685 : i32
      %add3A_1687 = arith.constant 9 : i32
      %add3A_1688 = arith.addi %mul3A_1686, %add3A_1687 : i32
      %dma_start3A_1689 = arith.constant 0 : i32
      %dma_start3A_1690 = tpu.memref_slice %arg6[%add3A_1688, %dma_start3A_1689] : memref<800x64xf32, #tpu.memory_space<vmem>> -> memref<1x64xf32, #tpu.memory_space<vmem>>
      %dma_start3A_1691 = arith.constant 0 : i32
      %dma_start3A_1692 = tpu.memref_slice %arg2[%squeeze3A_1684, %dma_start3A_1691] : memref<1000000x64xf32, #tpu.memory_space<hbm>> -> memref<1x64xf32, #tpu.memory_space<hbm>>
      %dma_start3A_1693 = arith.constant 0 : i32
      %dma_start3A_1694 = tpu.memref_slice %arg6[%add3A_1688, %dma_start3A_1693] : memref<800x64xf32, #tpu.memory_space<vmem>> -> memref<1x64xf32, #tpu.memory_space<vmem>>
      %dma_start3A_1695 = arith.constant 0 : i32
      %dma_start3A_1696 = tpu.memref_slice %arg2[%squeeze3A_1684, %dma_start3A_1695] : memref<1000000x64xf32, #tpu.memory_space<hbm>> -> memref<1x64xf32, #tpu.memory_space<hbm>>
      tpu.enqueue_dma source(%dma_start3A_1696 : memref<1x64xf32, #tpu.memory_space<hbm>>) target(%dma_start3A_1694 : memref<1x64xf32, #tpu.memory_space<vmem>>) target_semaphore(%arg7 : memref<!tpu.dma_semaphore, #tpu.memory_space<semaphore_mem>>)
      %slice3A_1697 = vector.extract_strided_slice %get3A_1559 {offsets = [10], sizes = [1], strides = [1]} : vector<16xi32> to vector<1xi32>
      %squeeze3A_1698 = vector.extract %slice3A_1697[0] : i32 from vector<1xi32>
      %mul3A_1699 = arith.constant 16 : i32
      %mul3A_1700 = arith.muli %add3A_1555, %mul3A_1699 : i32
      %add3A_1701 = arith.constant 10 : i32
      %add3A_1702 = arith.addi %mul3A_1700, %add3A_1701 : i32
      %dma_start3A_1703 = arith.constant 0 : i32
      %dma_start3A_1704 = tpu.memref_slice %arg6[%add3A_1702, %dma_start3A_1703] : memref<800x64xf32, #tpu.memory_space<vmem>> -> memref<1x64xf32, #tpu.memory_space<vmem>>
      %dma_start3A_1705 = arith.constant 0 : i32
      %dma_start3A_1706 = tpu.memref_slice %arg2[%squeeze3A_1698, %dma_start3A_1705] : memref<1000000x64xf32, #tpu.memory_space<hbm>> -> memref<1x64xf32, #tpu.memory_space<hbm>>
      %dma_start3A_1707 = arith.constant 0 : i32
      %dma_start3A_1708 = tpu.memref_slice %arg6[%add3A_1702, %dma_start3A_1707] : memref<800x64xf32, #tpu.memory_space<vmem>> -> memref<1x64xf32, #tpu.memory_space<vmem>>
      %dma_start3A_1709 = arith.constant 0 : i32
      %dma_start3A_1710 = tpu.memref_slice %arg2[%squeeze3A_1698, %dma_start3A_1709] : memref<1000000x64xf32, #tpu.memory_space<hbm>> -> memref<1x64xf32, #tpu.memory_space<hbm>>
      tpu.enqueue_dma source(%dma_start3A_1710 : memref<1x64xf32, #tpu.memory_space<hbm>>) target(%dma_start3A_1708 : memref<1x64xf32, #tpu.memory_space<vmem>>) target_semaphore(%arg7 : memref<!tpu.dma_semaphore, #tpu.memory_space<semaphore_mem>>)
      %slice3A_1711 = vector.extract_strided_slice %get3A_1559 {offsets = [11], sizes = [1], strides = [1]} : vector<16xi32> to vector<1xi32>
      %squeeze3A_1712 = vector.extract %slice3A_1711[0] : i32 from vector<1xi32>
      %mul3A_1713 = arith.constant 16 : i32
      %mul3A_1714 = arith.muli %add3A_1555, %mul3A_1713 : i32
      %add3A_1715 = arith.constant 11 : i32
      %add3A_1716 = arith.addi %mul3A_1714, %add3A_1715 : i32
      %dma_start3A_1717 = arith.constant 0 : i32
      %dma_start3A_1718 = tpu.memref_slice %arg6[%add3A_1716, %dma_start3A_1717] : memref<800x64xf32, #tpu.memory_space<vmem>> -> memref<1x64xf32, #tpu.memory_space<vmem>>
      %dma_start3A_1719 = arith.constant 0 : i32
      %dma_start3A_1720 = tpu.memref_slice %arg2[%squeeze3A_1712, %dma_start3A_1719] : memref<1000000x64xf32, #tpu.memory_space<hbm>> -> memref<1x64xf32, #tpu.memory_space<hbm>>
      %dma_start3A_1721 = arith.constant 0 : i32
      %dma_start3A_1722 = tpu.memref_slice %arg6[%add3A_1716, %dma_start3A_1721] : memref<800x64xf32, #tpu.memory_space<vmem>> -> memref<1x64xf32, #tpu.memory_space<vmem>>
      %dma_start3A_1723 = arith.constant 0 : i32
      %dma_start3A_1724 = tpu.memref_slice %arg2[%squeeze3A_1712, %dma_start3A_1723] : memref<1000000x64xf32, #tpu.memory_space<hbm>> -> memref<1x64xf32, #tpu.memory_space<hbm>>
      tpu.enqueue_dma source(%dma_start3A_1724 : memref<1x64xf32, #tpu.memory_space<hbm>>) target(%dma_start3A_1722 : memref<1x64xf32, #tpu.memory_space<vmem>>) target_semaphore(%arg7 : memref<!tpu.dma_semaphore, #tpu.memory_space<semaphore_mem>>)
      %slice3A_1725 = vector.extract_strided_slice %get3A_1559 {offsets = [12], sizes = [1], strides = [1]} : vector<16xi32> to vector<1xi32>
      %squeeze3A_1726 = vector.extract %slice3A_1725[0] : i32 from vector<1xi32>
      %mul3A_1727 = arith.constant 16 : i32
      %mul3A_1728 = arith.muli %add3A_1555, %mul3A_1727 : i32
      %add3A_1729 = arith.constant 12 : i32
      %add3A_1730 = arith.addi %mul3A_1728, %add3A_1729 : i32
      %dma_start3A_1731 = arith.constant 0 : i32
      %dma_start3A_1732 = tpu.memref_slice %arg6[%add3A_1730, %dma_start3A_1731] : memref<800x64xf32, #tpu.memory_space<vmem>> -> memref<1x64xf32, #tpu.memory_space<vmem>>
      %dma_start3A_1733 = arith.constant 0 : i32
      %dma_start3A_1734 = tpu.memref_slice %arg2[%squeeze3A_1726, %dma_start3A_1733] : memref<1000000x64xf32, #tpu.memory_space<hbm>> -> memref<1x64xf32, #tpu.memory_space<hbm>>
      %dma_start3A_1735 = arith.constant 0 : i32
      %dma_start3A_1736 = tpu.memref_slice %arg6[%add3A_1730, %dma_start3A_1735] : memref<800x64xf32, #tpu.memory_space<vmem>> -> memref<1x64xf32, #tpu.memory_space<vmem>>
      %dma_start3A_1737 = arith.constant 0 : i32
      %dma_start3A_1738 = tpu.memref_slice %arg2[%squeeze3A_1726, %dma_start3A_1737] : memref<1000000x64xf32, #tpu.memory_space<hbm>> -> memref<1x64xf32, #tpu.memory_space<hbm>>
      tpu.enqueue_dma source(%dma_start3A_1738 : memref<1x64xf32, #tpu.memory_space<hbm>>) target(%dma_start3A_1736 : memref<1x64xf32, #tpu.memory_space<vmem>>) target_semaphore(%arg7 : memref<!tpu.dma_semaphore, #tpu.memory_space<semaphore_mem>>)
      %slice3A_1739 = vector.extract_strided_slice %get3A_1559 {offsets = [13], sizes = [1], strides = [1]} : vector<16xi32> to vector<1xi32>
      %squeeze3A_1740 = vector.extract %slice3A_1739[0] : i32 from vector<1xi32>
      %mul3A_1741 = arith.constant 16 : i32
      %mul3A_1742 = arith.muli %add3A_1555, %mul3A_1741 : i32
      %add3A_1743 = arith.constant 13 : i32
      %add3A_1744 = arith.addi %mul3A_1742, %add3A_1743 : i32
      %dma_start3A_1745 = arith.constant 0 : i32
      %dma_start3A_1746 = tpu.memref_slice %arg6[%add3A_1744, %dma_start3A_1745] : memref<800x64xf32, #tpu.memory_space<vmem>> -> memref<1x64xf32, #tpu.memory_space<vmem>>
      %dma_start3A_1747 = arith.constant 0 : i32
      %dma_start3A_1748 = tpu.memref_slice %arg2[%squeeze3A_1740, %dma_start3A_1747] : memref<1000000x64xf32, #tpu.memory_space<hbm>> -> memref<1x64xf32, #tpu.memory_space<hbm>>
      %dma_start3A_1749 = arith.constant 0 : i32
      %dma_start3A_1750 = tpu.memref_slice %arg6[%add3A_1744, %dma_start3A_1749] : memref<800x64xf32, #tpu.memory_space<vmem>> -> memref<1x64xf32, #tpu.memory_space<vmem>>
      %dma_start3A_1751 = arith.constant 0 : i32
      %dma_start3A_1752 = tpu.memref_slice %arg2[%squeeze3A_1740, %dma_start3A_1751] : memref<1000000x64xf32, #tpu.memory_space<hbm>> -> memref<1x64xf32, #tpu.memory_space<hbm>>
      tpu.enqueue_dma source(%dma_start3A_1752 : memref<1x64xf32, #tpu.memory_space<hbm>>) target(%dma_start3A_1750 : memref<1x64xf32, #tpu.memory_space<vmem>>) target_semaphore(%arg7 : memref<!tpu.dma_semaphore, #tpu.memory_space<semaphore_mem>>)
      %slice3A_1753 = vector.extract_strided_slice %get3A_1559 {offsets = [14], sizes = [1], strides = [1]} : vector<16xi32> to vector<1xi32>
      %squeeze3A_1754 = vector.extract %slice3A_1753[0] : i32 from vector<1xi32>
      %mul3A_1755 = arith.constant 16 : i32
      %mul3A_1756 = arith.muli %add3A_1555, %mul3A_1755 : i32
      %add3A_1757 = arith.constant 14 : i32
      %add3A_1758 = arith.addi %mul3A_1756, %add3A_1757 : i32
      %dma_start3A_1759 = arith.constant 0 : i32
      %dma_start3A_1760 = tpu.memref_slice %arg6[%add3A_1758, %dma_start3A_1759] : memref<800x64xf32, #tpu.memory_space<vmem>> -> memref<1x64xf32, #tpu.memory_space<vmem>>
      %dma_start3A_1761 = arith.constant 0 : i32
      %dma_start3A_1762 = tpu.memref_slice %arg2[%squeeze3A_1754, %dma_start3A_1761] : memref<1000000x64xf32, #tpu.memory_space<hbm>> -> memref<1x64xf32, #tpu.memory_space<hbm>>
      %dma_start3A_1763 = arith.constant 0 : i32
      %dma_start3A_1764 = tpu.memref_slice %arg6[%add3A_1758, %dma_start3A_1763] : memref<800x64xf32, #tpu.memory_space<vmem>> -> memref<1x64xf32, #tpu.memory_space<vmem>>
      %dma_start3A_1765 = arith.constant 0 : i32
      %dma_start3A_1766 = tpu.memref_slice %arg2[%squeeze3A_1754, %dma_start3A_1765] : memref<1000000x64xf32, #tpu.memory_space<hbm>> -> memref<1x64xf32, #tpu.memory_space<hbm>>
      tpu.enqueue_dma source(%dma_start3A_1766 : memref<1x64xf32, #tpu.memory_space<hbm>>) target(%dma_start3A_1764 : memref<1x64xf32, #tpu.memory_space<vmem>>) target_semaphore(%arg7 : memref<!tpu.dma_semaphore, #tpu.memory_space<semaphore_mem>>)
      %slice3A_1767 = vector.extract_strided_slice %get3A_1559 {offsets = [15], sizes = [1], strides = [1]} : vector<16xi32> to vector<1xi32>
      %squeeze3A_1768 = vector.extract %slice3A_1767[0] : i32 from vector<1xi32>
      %mul3A_1769 = arith.constant 16 : i32
      %mul3A_1770 = arith.muli %add3A_1555, %mul3A_1769 : i32
      %add3A_1771 = arith.constant 15 : i32
      %add3A_1772 = arith.addi %mul3A_1770, %add3A_1771 : i32
      %dma_start3A_1773 = arith.constant 0 : i32
      %dma_start3A_1774 = tpu.memref_slice %arg6[%add3A_1772, %dma_start3A_1773] : memref<800x64xf32, #tpu.memory_space<vmem>> -> memref<1x64xf32, #tpu.memory_space<vmem>>
      %dma_start3A_1775 = arith.constant 0 : i32
      %dma_start3A_1776 = tpu.memref_slice %arg2[%squeeze3A_1768, %dma_start3A_1775] : memref<1000000x64xf32, #tpu.memory_space<hbm>> -> memref<1x64xf32, #tpu.memory_space<hbm>>
      %dma_start3A_1777 = arith.constant 0 : i32
      %dma_start3A_1778 = tpu.memref_slice %arg6[%add3A_1772, %dma_start3A_1777] : memref<800x64xf32, #tpu.memory_space<vmem>> -> memref<1x64xf32, #tpu.memory_space<vmem>>
      %dma_start3A_1779 = arith.constant 0 : i32
      %dma_start3A_1780 = tpu.memref_slice %arg2[%squeeze3A_1768, %dma_start3A_1779] : memref<1000000x64xf32, #tpu.memory_space<hbm>> -> memref<1x64xf32, #tpu.memory_space<hbm>>
      tpu.enqueue_dma source(%dma_start3A_1780 : memref<1x64xf32, #tpu.memory_space<hbm>>) target(%dma_start3A_1778 : memref<1x64xf32, #tpu.memory_space<vmem>>) target_semaphore(%arg7 : memref<!tpu.dma_semaphore, #tpu.memory_space<semaphore_mem>>)
      %gt3A = arith.constant 3 : i32
      %gt3A_1781 = arith.cmpi sgt, %add3A_1555, %gt3A : i32
      %convert_element_type3A = arith.extui %gt3A_1781 : i1 to i32
      %cond3A = arith.constant 0 : i32
      %cond3A_1782 = arith.cmpi ne, %convert_element_type3A, %cond3A : i32
      scf.if %cond3A_1782 {
        %dma_wait3A_1783 = arith.constant 0 : i32
        %dma_wait3A_1784 = arith.constant 0 : i32
        %dma_wait3A_1785 = tpu.memref_slice %arg6[%dma_wait3A_1783, %dma_wait3A_1784] : memref<800x64xf32, #tpu.memory_space<vmem>> -> memref<1x64xf32, #tpu.memory_space<vmem>>
        %dma_wait3A_1786 = arith.constant 0 : i32
        %dma_wait3A_1787 = arith.constant 0 : i32
        %dma_wait3A_1788 = tpu.memref_slice %arg2[%dma_wait3A_1786, %dma_wait3A_1787] : memref<1000000x64xf32, #tpu.memory_space<hbm>> -> memref<1x64xf32, #tpu.memory_space<hbm>>
        %dma_wait3A_1789 = arith.constant 0 : i32
        %dma_wait3A_1790 = arith.constant 0 : i32
        %dma_wait3A_1791 = tpu.memref_slice %arg6[%dma_wait3A_1789, %dma_wait3A_1790] : memref<800x64xf32, #tpu.memory_space<vmem>> -> memref<1x64xf32, #tpu.memory_space<vmem>>
        %dma_wait3A_1792 = arith.constant 0 : i32
        %dma_wait3A_1793 = arith.constant 0 : i32
        %dma_wait3A_1794 = tpu.memref_slice %arg2[%dma_wait3A_1792, %dma_wait3A_1793] : memref<1000000x64xf32, #tpu.memory_space<hbm>> -> memref<1x64xf32, #tpu.memory_space<hbm>>
        tpu.wait_dma2 semaphore(%arg7 : memref<!tpu.dma_semaphore, #tpu.memory_space<semaphore_mem>>) src(%dma_wait3A_1794 : memref<1x64xf32, #tpu.memory_space<hbm>>) dst(%dma_wait3A_1791 : memref<1x64xf32, #tpu.memory_space<vmem>>)
        %dma_wait3A_1795 = arith.constant 0 : i32
        %dma_wait3A_1796 = arith.constant 0 : i32
        %dma_wait3A_1797 = tpu.memref_slice %arg6[%dma_wait3A_1795, %dma_wait3A_1796] : memref<800x64xf32, #tpu.memory_space<vmem>> -> memref<1x64xf32, #tpu.memory_space<vmem>>
        %dma_wait3A_1798 = arith.constant 0 : i32
        %dma_wait3A_1799 = arith.constant 0 : i32
        %dma_wait3A_1800 = tpu.memref_slice %arg2[%dma_wait3A_1798, %dma_wait3A_1799] : memref<1000000x64xf32, #tpu.memory_space<hbm>> -> memref<1x64xf32, #tpu.memory_space<hbm>>
        %dma_wait3A_1801 = arith.constant 0 : i32
        %dma_wait3A_1802 = arith.constant 0 : i32
        %dma_wait3A_1803 = tpu.memref_slice %arg6[%dma_wait3A_1801, %dma_wait3A_1802] : memref<800x64xf32, #tpu.memory_space<vmem>> -> memref<1x64xf32, #tpu.memory_space<vmem>>
        %dma_wait3A_1804 = arith.constant 0 : i32
        %dma_wait3A_1805 = arith.constant 0 : i32
        %dma_wait3A_1806 = tpu.memref_slice %arg2[%dma_wait3A_1804, %dma_wait3A_1805] : memref<1000000x64xf32, #tpu.memory_space<hbm>> -> memref<1x64xf32, #tpu.memory_space<hbm>>
        tpu.wait_dma2 semaphore(%arg7 : memref<!tpu.dma_semaphore, #tpu.memory_space<semaphore_mem>>) src(%dma_wait3A_1806 : memref<1x64xf32, #tpu.memory_space<hbm>>) dst(%dma_wait3A_1803 : memref<1x64xf32, #tpu.memory_space<vmem>>)
        %dma_wait3A_1807 = arith.constant 0 : i32
        %dma_wait3A_1808 = arith.constant 0 : i32
        %dma_wait3A_1809 = tpu.memref_slice %arg6[%dma_wait3A_1807, %dma_wait3A_1808] : memref<800x64xf32, #tpu.memory_space<vmem>> -> memref<1x64xf32, #tpu.memory_space<vmem>>
        %dma_wait3A_1810 = arith.constant 0 : i32
        %dma_wait3A_1811 = arith.constant 0 : i32
        %dma_wait3A_1812 = tpu.memref_slice %arg2[%dma_wait3A_1810, %dma_wait3A_1811] : memref<1000000x64xf32, #tpu.memory_space<hbm>> -> memref<1x64xf32, #tpu.memory_space<hbm>>
        %dma_wait3A_1813 = arith.constant 0 : i32
        %dma_wait3A_1814 = arith.constant 0 : i32
        %dma_wait3A_1815 = tpu.memref_slice %arg6[%dma_wait3A_1813, %dma_wait3A_1814] : memref<800x64xf32, #tpu.memory_space<vmem>> -> memref<1x64xf32, #tpu.memory_space<vmem>>
        %dma_wait3A_1816 = arith.constant 0 : i32
        %dma_wait3A_1817 = arith.constant 0 : i32
        %dma_wait3A_1818 = tpu.memref_slice %arg2[%dma_wait3A_1816, %dma_wait3A_1817] : memref<1000000x64xf32, #tpu.memory_space<hbm>> -> memref<1x64xf32, #tpu.memory_space<hbm>>
        tpu.wait_dma2 semaphore(%arg7 : memref<!tpu.dma_semaphore, #tpu.memory_space<semaphore_mem>>) src(%dma_wait3A_1818 : memref<1x64xf32, #tpu.memory_space<hbm>>) dst(%dma_wait3A_1815 : memref<1x64xf32, #tpu.memory_space<vmem>>)
        %dma_wait3A_1819 = arith.constant 0 : i32
        %dma_wait3A_1820 = arith.constant 0 : i32
        %dma_wait3A_1821 = tpu.memref_slice %arg6[%dma_wait3A_1819, %dma_wait3A_1820] : memref<800x64xf32, #tpu.memory_space<vmem>> -> memref<1x64xf32, #tpu.memory_space<vmem>>
        %dma_wait3A_1822 = arith.constant 0 : i32
        %dma_wait3A_1823 = arith.constant 0 : i32
        %dma_wait3A_1824 = tpu.memref_slice %arg2[%dma_wait3A_1822, %dma_wait3A_1823] : memref<1000000x64xf32, #tpu.memory_space<hbm>> -> memref<1x64xf32, #tpu.memory_space<hbm>>
        %dma_wait3A_1825 = arith.constant 0 : i32
        %dma_wait3A_1826 = arith.constant 0 : i32
        %dma_wait3A_1827 = tpu.memref_slice %arg6[%dma_wait3A_1825, %dma_wait3A_1826] : memref<800x64xf32, #tpu.memory_space<vmem>> -> memref<1x64xf32, #tpu.memory_space<vmem>>
        %dma_wait3A_1828 = arith.constant 0 : i32
        %dma_wait3A_1829 = arith.constant 0 : i32
        %dma_wait3A_1830 = tpu.memref_slice %arg2[%dma_wait3A_1828, %dma_wait3A_1829] : memref<1000000x64xf32, #tpu.memory_space<hbm>> -> memref<1x64xf32, #tpu.memory_space<hbm>>
        tpu.wait_dma2 semaphore(%arg7 : memref<!tpu.dma_semaphore, #tpu.memory_space<semaphore_mem>>) src(%dma_wait3A_1830 : memref<1x64xf32, #tpu.memory_space<hbm>>) dst(%dma_wait3A_1827 : memref<1x64xf32, #tpu.memory_space<vmem>>)
        %dma_wait3A_1831 = arith.constant 0 : i32
        %dma_wait3A_1832 = arith.constant 0 : i32
        %dma_wait3A_1833 = tpu.memref_slice %arg6[%dma_wait3A_1831, %dma_wait3A_1832] : memref<800x64xf32, #tpu.memory_space<vmem>> -> memref<1x64xf32, #tpu.memory_space<vmem>>
        %dma_wait3A_1834 = arith.constant 0 : i32
        %dma_wait3A_1835 = arith.constant 0 : i32
        %dma_wait3A_1836 = tpu.memref_slice %arg2[%dma_wait3A_1834, %dma_wait3A_1835] : memref<1000000x64xf32, #tpu.memory_space<hbm>> -> memref<1x64xf32, #tpu.memory_space<hbm>>
        %dma_wait3A_1837 = arith.constant 0 : i32
        %dma_wait3A_1838 = arith.constant 0 : i32
        %dma_wait3A_1839 = tpu.memref_slice %arg6[%dma_wait3A_1837, %dma_wait3A_1838] : memref<800x64xf32, #tpu.memory_space<vmem>> -> memref<1x64xf32, #tpu.memory_space<vmem>>
        %dma_wait3A_1840 = arith.constant 0 : i32
        %dma_wait3A_1841 = arith.constant 0 : i32
        %dma_wait3A_1842 = tpu.memref_slice %arg2[%dma_wait3A_1840, %dma_wait3A_1841] : memref<1000000x64xf32, #tpu.memory_space<hbm>> -> memref<1x64xf32, #tpu.memory_space<hbm>>
        tpu.wait_dma2 semaphore(%arg7 : memref<!tpu.dma_semaphore, #tpu.memory_space<semaphore_mem>>) src(%dma_wait3A_1842 : memref<1x64xf32, #tpu.memory_space<hbm>>) dst(%dma_wait3A_1839 : memref<1x64xf32, #tpu.memory_space<vmem>>)
        %dma_wait3A_1843 = arith.constant 0 : i32
        %dma_wait3A_1844 = arith.constant 0 : i32
        %dma_wait3A_1845 = tpu.memref_slice %arg6[%dma_wait3A_1843, %dma_wait3A_1844] : memref<800x64xf32, #tpu.memory_space<vmem>> -> memref<1x64xf32, #tpu.memory_space<vmem>>
        %dma_wait3A_1846 = arith.constant 0 : i32
        %dma_wait3A_1847 = arith.constant 0 : i32
        %dma_wait3A_1848 = tpu.memref_slice %arg2[%dma_wait3A_1846, %dma_wait3A_1847] : memref<1000000x64xf32, #tpu.memory_space<hbm>> -> memref<1x64xf32, #tpu.memory_space<hbm>>
        %dma_wait3A_1849 = arith.constant 0 : i32
        %dma_wait3A_1850 = arith.constant 0 : i32
        %dma_wait3A_1851 = tpu.memref_slice %arg6[%dma_wait3A_1849, %dma_wait3A_1850] : memref<800x64xf32, #tpu.memory_space<vmem>> -> memref<1x64xf32, #tpu.memory_space<vmem>>
        %dma_wait3A_1852 = arith.constant 0 : i32
        %dma_wait3A_1853 = arith.constant 0 : i32
        %dma_wait3A_1854 = tpu.memref_slice %arg2[%dma_wait3A_1852, %dma_wait3A_1853] : memref<1000000x64xf32, #tpu.memory_space<hbm>> -> memref<1x64xf32, #tpu.memory_space<hbm>>
        tpu.wait_dma2 semaphore(%arg7 : memref<!tpu.dma_semaphore, #tpu.memory_space<semaphore_mem>>) src(%dma_wait3A_1854 : memref<1x64xf32, #tpu.memory_space<hbm>>) dst(%dma_wait3A_1851 : memref<1x64xf32, #tpu.memory_space<vmem>>)
        %dma_wait3A_1855 = arith.constant 0 : i32
        %dma_wait3A_1856 = arith.constant 0 : i32
        %dma_wait3A_1857 = tpu.memref_slice %arg6[%dma_wait3A_1855, %dma_wait3A_1856] : memref<800x64xf32, #tpu.memory_space<vmem>> -> memref<1x64xf32, #tpu.memory_space<vmem>>
        %dma_wait3A_1858 = arith.constant 0 : i32
        %dma_wait3A_1859 = arith.constant 0 : i32
        %dma_wait3A_1860 = tpu.memref_slice %arg2[%dma_wait3A_1858, %dma_wait3A_1859] : memref<1000000x64xf32, #tpu.memory_space<hbm>> -> memref<1x64xf32, #tpu.memory_space<hbm>>
        %dma_wait3A_1861 = arith.constant 0 : i32
        %dma_wait3A_1862 = arith.constant 0 : i32
        %dma_wait3A_1863 = tpu.memref_slice %arg6[%dma_wait3A_1861, %dma_wait3A_1862] : memref<800x64xf32, #tpu.memory_space<vmem>> -> memref<1x64xf32, #tpu.memory_space<vmem>>
        %dma_wait3A_1864 = arith.constant 0 : i32
        %dma_wait3A_1865 = arith.constant 0 : i32
        %dma_wait3A_1866 = tpu.memref_slice %arg2[%dma_wait3A_1864, %dma_wait3A_1865] : memref<1000000x64xf32, #tpu.memory_space<hbm>> -> memref<1x64xf32, #tpu.memory_space<hbm>>
        tpu.wait_dma2 semaphore(%arg7 : memref<!tpu.dma_semaphore, #tpu.memory_space<semaphore_mem>>) src(%dma_wait3A_1866 : memref<1x64xf32, #tpu.memory_space<hbm>>) dst(%dma_wait3A_1863 : memref<1x64xf32, #tpu.memory_space<vmem>>)
        %dma_wait3A_1867 = arith.constant 0 : i32
        %dma_wait3A_1868 = arith.constant 0 : i32
        %dma_wait3A_1869 = tpu.memref_slice %arg6[%dma_wait3A_1867, %dma_wait3A_1868] : memref<800x64xf32, #tpu.memory_space<vmem>> -> memref<1x64xf32, #tpu.memory_space<vmem>>
        %dma_wait3A_1870 = arith.constant 0 : i32
        %dma_wait3A_1871 = arith.constant 0 : i32
        %dma_wait3A_1872 = tpu.memref_slice %arg2[%dma_wait3A_1870, %dma_wait3A_1871] : memref<1000000x64xf32, #tpu.memory_space<hbm>> -> memref<1x64xf32, #tpu.memory_space<hbm>>
        %dma_wait3A_1873 = arith.constant 0 : i32
        %dma_wait3A_1874 = arith.constant 0 : i32
        %dma_wait3A_1875 = tpu.memref_slice %arg6[%dma_wait3A_1873, %dma_wait3A_1874] : memref<800x64xf32, #tpu.memory_space<vmem>> -> memref<1x64xf32, #tpu.memory_space<vmem>>
        %dma_wait3A_1876 = arith.constant 0 : i32
        %dma_wait3A_1877 = arith.constant 0 : i32
        %dma_wait3A_1878 = tpu.memref_slice %arg2[%dma_wait3A_1876, %dma_wait3A_1877] : memref<1000000x64xf32, #tpu.memory_space<hbm>> -> memref<1x64xf32, #tpu.memory_space<hbm>>
        tpu.wait_dma2 semaphore(%arg7 : memref<!tpu.dma_semaphore, #tpu.memory_space<semaphore_mem>>) src(%dma_wait3A_1878 : memref<1x64xf32, #tpu.memory_space<hbm>>) dst(%dma_wait3A_1875 : memref<1x64xf32, #tpu.memory_space<vmem>>)
        %dma_wait3A_1879 = arith.constant 0 : i32
        %dma_wait3A_1880 = arith.constant 0 : i32
        %dma_wait3A_1881 = tpu.memref_slice %arg6[%dma_wait3A_1879, %dma_wait3A_1880] : memref<800x64xf32, #tpu.memory_space<vmem>> -> memref<1x64xf32, #tpu.memory_space<vmem>>
        %dma_wait3A_1882 = arith.constant 0 : i32
        %dma_wait3A_1883 = arith.constant 0 : i32
        %dma_wait3A_1884 = tpu.memref_slice %arg2[%dma_wait3A_1882, %dma_wait3A_1883] : memref<1000000x64xf32, #tpu.memory_space<hbm>> -> memref<1x64xf32, #tpu.memory_space<hbm>>
        %dma_wait3A_1885 = arith.constant 0 : i32
        %dma_wait3A_1886 = arith.constant 0 : i32
        %dma_wait3A_1887 = tpu.memref_slice %arg6[%dma_wait3A_1885, %dma_wait3A_1886] : memref<800x64xf32, #tpu.memory_space<vmem>> -> memref<1x64xf32, #tpu.memory_space<vmem>>
        %dma_wait3A_1888 = arith.constant 0 : i32
        %dma_wait3A_1889 = arith.constant 0 : i32
        %dma_wait3A_1890 = tpu.memref_slice %arg2[%dma_wait3A_1888, %dma_wait3A_1889] : memref<1000000x64xf32, #tpu.memory_space<hbm>> -> memref<1x64xf32, #tpu.memory_space<hbm>>
        tpu.wait_dma2 semaphore(%arg7 : memref<!tpu.dma_semaphore, #tpu.memory_space<semaphore_mem>>) src(%dma_wait3A_1890 : memref<1x64xf32, #tpu.memory_space<hbm>>) dst(%dma_wait3A_1887 : memref<1x64xf32, #tpu.memory_space<vmem>>)
        %dma_wait3A_1891 = arith.constant 0 : i32
        %dma_wait3A_1892 = arith.constant 0 : i32
        %dma_wait3A_1893 = tpu.memref_slice %arg6[%dma_wait3A_1891, %dma_wait3A_1892] : memref<800x64xf32, #tpu.memory_space<vmem>> -> memref<1x64xf32, #tpu.memory_space<vmem>>
        %dma_wait3A_1894 = arith.constant 0 : i32
        %dma_wait3A_1895 = arith.constant 0 : i32
        %dma_wait3A_1896 = tpu.memref_slice %arg2[%dma_wait3A_1894, %dma_wait3A_1895] : memref<1000000x64xf32, #tpu.memory_space<hbm>> -> memref<1x64xf32, #tpu.memory_space<hbm>>
        %dma_wait3A_1897 = arith.constant 0 : i32
        %dma_wait3A_1898 = arith.constant 0 : i32
        %dma_wait3A_1899 = tpu.memref_slice %arg6[%dma_wait3A_1897, %dma_wait3A_1898] : memref<800x64xf32, #tpu.memory_space<vmem>> -> memref<1x64xf32, #tpu.memory_space<vmem>>
        %dma_wait3A_1900 = arith.constant 0 : i32
        %dma_wait3A_1901 = arith.constant 0 : i32
        %dma_wait3A_1902 = tpu.memref_slice %arg2[%dma_wait3A_1900, %dma_wait3A_1901] : memref<1000000x64xf32, #tpu.memory_space<hbm>> -> memref<1x64xf32, #tpu.memory_space<hbm>>
        tpu.wait_dma2 semaphore(%arg7 : memref<!tpu.dma_semaphore, #tpu.memory_space<semaphore_mem>>) src(%dma_wait3A_1902 : memref<1x64xf32, #tpu.memory_space<hbm>>) dst(%dma_wait3A_1899 : memref<1x64xf32, #tpu.memory_space<vmem>>)
        %dma_wait3A_1903 = arith.constant 0 : i32
        %dma_wait3A_1904 = arith.constant 0 : i32
        %dma_wait3A_1905 = tpu.memref_slice %arg6[%dma_wait3A_1903, %dma_wait3A_1904] : memref<800x64xf32, #tpu.memory_space<vmem>> -> memref<1x64xf32, #tpu.memory_space<vmem>>
        %dma_wait3A_1906 = arith.constant 0 : i32
        %dma_wait3A_1907 = arith.constant 0 : i32
        %dma_wait3A_1908 = tpu.memref_slice %arg2[%dma_wait3A_1906, %dma_wait3A_1907] : memref<1000000x64xf32, #tpu.memory_space<hbm>> -> memref<1x64xf32, #tpu.memory_space<hbm>>
        %dma_wait3A_1909 = arith.constant 0 : i32
        %dma_wait3A_1910 = arith.constant 0 : i32
        %dma_wait3A_1911 = tpu.memref_slice %arg6[%dma_wait3A_1909, %dma_wait3A_1910] : memref<800x64xf32, #tpu.memory_space<vmem>> -> memref<1x64xf32, #tpu.memory_space<vmem>>
        %dma_wait3A_1912 = arith.constant 0 : i32
        %dma_wait3A_1913 = arith.constant 0 : i32
        %dma_wait3A_1914 = tpu.memref_slice %arg2[%dma_wait3A_1912, %dma_wait3A_1913] : memref<1000000x64xf32, #tpu.memory_space<hbm>> -> memref<1x64xf32, #tpu.memory_space<hbm>>
        tpu.wait_dma2 semaphore(%arg7 : memref<!tpu.dma_semaphore, #tpu.memory_space<semaphore_mem>>) src(%dma_wait3A_1914 : memref<1x64xf32, #tpu.memory_space<hbm>>) dst(%dma_wait3A_1911 : memref<1x64xf32, #tpu.memory_space<vmem>>)
        %dma_wait3A_1915 = arith.constant 0 : i32
        %dma_wait3A_1916 = arith.constant 0 : i32
        %dma_wait3A_1917 = tpu.memref_slice %arg6[%dma_wait3A_1915, %dma_wait3A_1916] : memref<800x64xf32, #tpu.memory_space<vmem>> -> memref<1x64xf32, #tpu.memory_space<vmem>>
        %dma_wait3A_1918 = arith.constant 0 : i32
        %dma_wait3A_1919 = arith.constant 0 : i32
        %dma_wait3A_1920 = tpu.memref_slice %arg2[%dma_wait3A_1918, %dma_wait3A_1919] : memref<1000000x64xf32, #tpu.memory_space<hbm>> -> memref<1x64xf32, #tpu.memory_space<hbm>>
        %dma_wait3A_1921 = arith.constant 0 : i32
        %dma_wait3A_1922 = arith.constant 0 : i32
        %dma_wait3A_1923 = tpu.memref_slice %arg6[%dma_wait3A_1921, %dma_wait3A_1922] : memref<800x64xf32, #tpu.memory_space<vmem>> -> memref<1x64xf32, #tpu.memory_space<vmem>>
        %dma_wait3A_1924 = arith.constant 0 : i32
        %dma_wait3A_1925 = arith.constant 0 : i32
        %dma_wait3A_1926 = tpu.memref_slice %arg2[%dma_wait3A_1924, %dma_wait3A_1925] : memref<1000000x64xf32, #tpu.memory_space<hbm>> -> memref<1x64xf32, #tpu.memory_space<hbm>>
        tpu.wait_dma2 semaphore(%arg7 : memref<!tpu.dma_semaphore, #tpu.memory_space<semaphore_mem>>) src(%dma_wait3A_1926 : memref<1x64xf32, #tpu.memory_space<hbm>>) dst(%dma_wait3A_1923 : memref<1x64xf32, #tpu.memory_space<vmem>>)
        %dma_wait3A_1927 = arith.constant 0 : i32
        %dma_wait3A_1928 = arith.constant 0 : i32
        %dma_wait3A_1929 = tpu.memref_slice %arg6[%dma_wait3A_1927, %dma_wait3A_1928] : memref<800x64xf32, #tpu.memory_space<vmem>> -> memref<1x64xf32, #tpu.memory_space<vmem>>
        %dma_wait3A_1930 = arith.constant 0 : i32
        %dma_wait3A_1931 = arith.constant 0 : i32
        %dma_wait3A_1932 = tpu.memref_slice %arg2[%dma_wait3A_1930, %dma_wait3A_1931] : memref<1000000x64xf32, #tpu.memory_space<hbm>> -> memref<1x64xf32, #tpu.memory_space<hbm>>
        %dma_wait3A_1933 = arith.constant 0 : i32
        %dma_wait3A_1934 = arith.constant 0 : i32
        %dma_wait3A_1935 = tpu.memref_slice %arg6[%dma_wait3A_1933, %dma_wait3A_1934] : memref<800x64xf32, #tpu.memory_space<vmem>> -> memref<1x64xf32, #tpu.memory_space<vmem>>
        %dma_wait3A_1936 = arith.constant 0 : i32
        %dma_wait3A_1937 = arith.constant 0 : i32
        %dma_wait3A_1938 = tpu.memref_slice %arg2[%dma_wait3A_1936, %dma_wait3A_1937] : memref<1000000x64xf32, #tpu.memory_space<hbm>> -> memref<1x64xf32, #tpu.memory_space<hbm>>
        tpu.wait_dma2 semaphore(%arg7 : memref<!tpu.dma_semaphore, #tpu.memory_space<semaphore_mem>>) src(%dma_wait3A_1938 : memref<1x64xf32, #tpu.memory_space<hbm>>) dst(%dma_wait3A_1935 : memref<1x64xf32, #tpu.memory_space<vmem>>)
        %dma_wait3A_1939 = arith.constant 0 : i32
        %dma_wait3A_1940 = arith.constant 0 : i32
        %dma_wait3A_1941 = tpu.memref_slice %arg6[%dma_wait3A_1939, %dma_wait3A_1940] : memref<800x64xf32, #tpu.memory_space<vmem>> -> memref<1x64xf32, #tpu.memory_space<vmem>>
        %dma_wait3A_1942 = arith.constant 0 : i32
        %dma_wait3A_1943 = arith.constant 0 : i32
        %dma_wait3A_1944 = tpu.memref_slice %arg2[%dma_wait3A_1942, %dma_wait3A_1943] : memref<1000000x64xf32, #tpu.memory_space<hbm>> -> memref<1x64xf32, #tpu.memory_space<hbm>>
        %dma_wait3A_1945 = arith.constant 0 : i32
        %dma_wait3A_1946 = arith.constant 0 : i32
        %dma_wait3A_1947 = tpu.memref_slice %arg6[%dma_wait3A_1945, %dma_wait3A_1946] : memref<800x64xf32, #tpu.memory_space<vmem>> -> memref<1x64xf32, #tpu.memory_space<vmem>>
        %dma_wait3A_1948 = arith.constant 0 : i32
        %dma_wait3A_1949 = arith.constant 0 : i32
        %dma_wait3A_1950 = tpu.memref_slice %arg2[%dma_wait3A_1948, %dma_wait3A_1949] : memref<1000000x64xf32, #tpu.memory_space<hbm>> -> memref<1x64xf32, #tpu.memory_space<hbm>>
        tpu.wait_dma2 semaphore(%arg7 : memref<!tpu.dma_semaphore, #tpu.memory_space<semaphore_mem>>) src(%dma_wait3A_1950 : memref<1x64xf32, #tpu.memory_space<hbm>>) dst(%dma_wait3A_1947 : memref<1x64xf32, #tpu.memory_space<vmem>>)
        %dma_wait3A_1951 = arith.constant 0 : i32
        %dma_wait3A_1952 = arith.constant 0 : i32
        %dma_wait3A_1953 = tpu.memref_slice %arg6[%dma_wait3A_1951, %dma_wait3A_1952] : memref<800x64xf32, #tpu.memory_space<vmem>> -> memref<1x64xf32, #tpu.memory_space<vmem>>
        %dma_wait3A_1954 = arith.constant 0 : i32
        %dma_wait3A_1955 = arith.constant 0 : i32
        %dma_wait3A_1956 = tpu.memref_slice %arg2[%dma_wait3A_1954, %dma_wait3A_1955] : memref<1000000x64xf32, #tpu.memory_space<hbm>> -> memref<1x64xf32, #tpu.memory_space<hbm>>
        %dma_wait3A_1957 = arith.constant 0 : i32
        %dma_wait3A_1958 = arith.constant 0 : i32
        %dma_wait3A_1959 = tpu.memref_slice %arg6[%dma_wait3A_1957, %dma_wait3A_1958] : memref<800x64xf32, #tpu.memory_space<vmem>> -> memref<1x64xf32, #tpu.memory_space<vmem>>
        %dma_wait3A_1960 = arith.constant 0 : i32
        %dma_wait3A_1961 = arith.constant 0 : i32
        %dma_wait3A_1962 = tpu.memref_slice %arg2[%dma_wait3A_1960, %dma_wait3A_1961] : memref<1000000x64xf32, #tpu.memory_space<hbm>> -> memref<1x64xf32, #tpu.memory_space<hbm>>
        tpu.wait_dma2 semaphore(%arg7 : memref<!tpu.dma_semaphore, #tpu.memory_space<semaphore_mem>>) src(%dma_wait3A_1962 : memref<1x64xf32, #tpu.memory_space<hbm>>) dst(%dma_wait3A_1959 : memref<1x64xf32, #tpu.memory_space<vmem>>)
        %dma_wait3A_1963 = arith.constant 0 : i32
        %dma_wait3A_1964 = arith.constant 0 : i32
        %dma_wait3A_1965 = tpu.memref_slice %arg6[%dma_wait3A_1963, %dma_wait3A_1964] : memref<800x64xf32, #tpu.memory_space<vmem>> -> memref<1x64xf32, #tpu.memory_space<vmem>>
        %dma_wait3A_1966 = arith.constant 0 : i32
        %dma_wait3A_1967 = arith.constant 0 : i32
        %dma_wait3A_1968 = tpu.memref_slice %arg2[%dma_wait3A_1966, %dma_wait3A_1967] : memref<1000000x64xf32, #tpu.memory_space<hbm>> -> memref<1x64xf32, #tpu.memory_space<hbm>>
        %dma_wait3A_1969 = arith.constant 0 : i32
        %dma_wait3A_1970 = arith.constant 0 : i32
        %dma_wait3A_1971 = tpu.memref_slice %arg6[%dma_wait3A_1969, %dma_wait3A_1970] : memref<800x64xf32, #tpu.memory_space<vmem>> -> memref<1x64xf32, #tpu.memory_space<vmem>>
        %dma_wait3A_1972 = arith.constant 0 : i32
        %dma_wait3A_1973 = arith.constant 0 : i32
        %dma_wait3A_1974 = tpu.memref_slice %arg2[%dma_wait3A_1972, %dma_wait3A_1973] : memref<1000000x64xf32, #tpu.memory_space<hbm>> -> memref<1x64xf32, #tpu.memory_space<hbm>>
        tpu.wait_dma2 semaphore(%arg7 : memref<!tpu.dma_semaphore, #tpu.memory_space<semaphore_mem>>) src(%dma_wait3A_1974 : memref<1x64xf32, #tpu.memory_space<hbm>>) dst(%dma_wait3A_1971 : memref<1x64xf32, #tpu.memory_space<vmem>>)
      } else {
      }
    }
    %scan3A_782 = arith.constant 50 : i32
    %dma_wait3A_783 = arith.constant 0 : i32
    %dma_wait3A_784 = arith.constant 0 : i32
    %dma_wait3A_785 = tpu.memref_slice %arg6[%dma_wait3A_783, %dma_wait3A_784] : memref<800x64xf32, #tpu.memory_space<vmem>> -> memref<1x64xf32, #tpu.memory_space<vmem>>
    %dma_wait3A_786 = arith.constant 0 : i32
    %dma_wait3A_787 = arith.constant 0 : i32
    %dma_wait3A_788 = tpu.memref_slice %arg2[%dma_wait3A_786, %dma_wait3A_787] : memref<1000000x64xf32, #tpu.memory_space<hbm>> -> memref<1x64xf32, #tpu.memory_space<hbm>>
    %dma_wait3A_789 = arith.constant 0 : i32
    %dma_wait3A_790 = arith.constant 0 : i32
    %dma_wait3A_791 = tpu.memref_slice %arg6[%dma_wait3A_789, %dma_wait3A_790] : memref<800x64xf32, #tpu.memory_space<vmem>> -> memref<1x64xf32, #tpu.memory_space<vmem>>
    %dma_wait3A_792 = arith.constant 0 : i32
    %dma_wait3A_793 = arith.constant 0 : i32
    %dma_wait3A_794 = tpu.memref_slice %arg2[%dma_wait3A_792, %dma_wait3A_793] : memref<1000000x64xf32, #tpu.memory_space<hbm>> -> memref<1x64xf32, #tpu.memory_space<hbm>>
    tpu.wait_dma2 semaphore(%arg7 : memref<!tpu.dma_semaphore, #tpu.memory_space<semaphore_mem>>) src(%dma_wait3A_794 : memref<1x64xf32, #tpu.memory_space<hbm>>) dst(%dma_wait3A_791 : memref<1x64xf32, #tpu.memory_space<vmem>>)
    %dma_wait3A_795 = arith.constant 0 : i32
    %dma_wait3A_796 = arith.constant 0 : i32
    %dma_wait3A_797 = tpu.memref_slice %arg6[%dma_wait3A_795, %dma_wait3A_796] : memref<800x64xf32, #tpu.memory_space<vmem>> -> memref<1x64xf32, #tpu.memory_space<vmem>>
    %dma_wait3A_798 = arith.constant 0 : i32
    %dma_wait3A_799 = arith.constant 0 : i32
    %dma_wait3A_800 = tpu.memref_slice %arg2[%dma_wait3A_798, %dma_wait3A_799] : memref<1000000x64xf32, #tpu.memory_space<hbm>> -> memref<1x64xf32, #tpu.memory_space<hbm>>
    %dma_wait3A_801 = arith.constant 0 : i32
    %dma_wait3A_802 = arith.constant 0 : i32
    %dma_wait3A_803 = tpu.memref_slice %arg6[%dma_wait3A_801, %dma_wait3A_802] : memref<800x64xf32, #tpu.memory_space<vmem>> -> memref<1x64xf32, #tpu.memory_space<vmem>>
    %dma_wait3A_804 = arith.constant 0 : i32
    %dma_wait3A_805 = arith.constant 0 : i32
    %dma_wait3A_806 = tpu.memref_slice %arg2[%dma_wait3A_804, %dma_wait3A_805] : memref<1000000x64xf32, #tpu.memory_space<hbm>> -> memref<1x64xf32, #tpu.memory_space<hbm>>
    tpu.wait_dma2 semaphore(%arg7 : memref<!tpu.dma_semaphore, #tpu.memory_space<semaphore_mem>>) src(%dma_wait3A_806 : memref<1x64xf32, #tpu.memory_space<hbm>>) dst(%dma_wait3A_803 : memref<1x64xf32, #tpu.memory_space<vmem>>)
    %dma_wait3A_807 = arith.constant 0 : i32
    %dma_wait3A_808 = arith.constant 0 : i32
    %dma_wait3A_809 = tpu.memref_slice %arg6[%dma_wait3A_807, %dma_wait3A_808] : memref<800x64xf32, #tpu.memory_space<vmem>> -> memref<1x64xf32, #tpu.memory_space<vmem>>
    %dma_wait3A_810 = arith.constant 0 : i32
    %dma_wait3A_811 = arith.constant 0 : i32
    %dma_wait3A_812 = tpu.memref_slice %arg2[%dma_wait3A_810, %dma_wait3A_811] : memref<1000000x64xf32, #tpu.memory_space<hbm>> -> memref<1x64xf32, #tpu.memory_space<hbm>>
    %dma_wait3A_813 = arith.constant 0 : i32
    %dma_wait3A_814 = arith.constant 0 : i32
    %dma_wait3A_815 = tpu.memref_slice %arg6[%dma_wait3A_813, %dma_wait3A_814] : memref<800x64xf32, #tpu.memory_space<vmem>> -> memref<1x64xf32, #tpu.memory_space<vmem>>
    %dma_wait3A_816 = arith.constant 0 : i32
    %dma_wait3A_817 = arith.constant 0 : i32
    %dma_wait3A_818 = tpu.memref_slice %arg2[%dma_wait3A_816, %dma_wait3A_817] : memref<1000000x64xf32, #tpu.memory_space<hbm>> -> memref<1x64xf32, #tpu.memory_space<hbm>>
    tpu.wait_dma2 semaphore(%arg7 : memref<!tpu.dma_semaphore, #tpu.memory_space<semaphore_mem>>) src(%dma_wait3A_818 : memref<1x64xf32, #tpu.memory_space<hbm>>) dst(%dma_wait3A_815 : memref<1x64xf32, #tpu.memory_space<vmem>>)
    %dma_wait3A_819 = arith.constant 0 : i32
    %dma_wait3A_820 = arith.constant 0 : i32
    %dma_wait3A_821 = tpu.memref_slice %arg6[%dma_wait3A_819, %dma_wait3A_820] : memref<800x64xf32, #tpu.memory_space<vmem>> -> memref<1x64xf32, #tpu.memory_space<vmem>>
    %dma_wait3A_822 = arith.constant 0 : i32
    %dma_wait3A_823 = arith.constant 0 : i32
    %dma_wait3A_824 = tpu.memref_slice %arg2[%dma_wait3A_822, %dma_wait3A_823] : memref<1000000x64xf32, #tpu.memory_space<hbm>> -> memref<1x64xf32, #tpu.memory_space<hbm>>
    %dma_wait3A_825 = arith.constant 0 : i32
    %dma_wait3A_826 = arith.constant 0 : i32
    %dma_wait3A_827 = tpu.memref_slice %arg6[%dma_wait3A_825, %dma_wait3A_826] : memref<800x64xf32, #tpu.memory_space<vmem>> -> memref<1x64xf32, #tpu.memory_space<vmem>>
    %dma_wait3A_828 = arith.constant 0 : i32
    %dma_wait3A_829 = arith.constant 0 : i32
    %dma_wait3A_830 = tpu.memref_slice %arg2[%dma_wait3A_828, %dma_wait3A_829] : memref<1000000x64xf32, #tpu.memory_space<hbm>> -> memref<1x64xf32, #tpu.memory_space<hbm>>
    tpu.wait_dma2 semaphore(%arg7 : memref<!tpu.dma_semaphore, #tpu.memory_space<semaphore_mem>>) src(%dma_wait3A_830 : memref<1x64xf32, #tpu.memory_space<hbm>>) dst(%dma_wait3A_827 : memref<1x64xf32, #tpu.memory_space<vmem>>)
    %dma_wait3A_831 = arith.constant 0 : i32
    %dma_wait3A_832 = arith.constant 0 : i32
    %dma_wait3A_833 = tpu.memref_slice %arg6[%dma_wait3A_831, %dma_wait3A_832] : memref<800x64xf32, #tpu.memory_space<vmem>> -> memref<1x64xf32, #tpu.memory_space<vmem>>
    %dma_wait3A_834 = arith.constant 0 : i32
    %dma_wait3A_835 = arith.constant 0 : i32
    %dma_wait3A_836 = tpu.memref_slice %arg2[%dma_wait3A_834, %dma_wait3A_835] : memref<1000000x64xf32, #tpu.memory_space<hbm>> -> memref<1x64xf32, #tpu.memory_space<hbm>>
    %dma_wait3A_837 = arith.constant 0 : i32
    %dma_wait3A_838 = arith.constant 0 : i32
    %dma_wait3A_839 = tpu.memref_slice %arg6[%dma_wait3A_837, %dma_wait3A_838] : memref<800x64xf32, #tpu.memory_space<vmem>> -> memref<1x64xf32, #tpu.memory_space<vmem>>
    %dma_wait3A_840 = arith.constant 0 : i32
    %dma_wait3A_841 = arith.constant 0 : i32
    %dma_wait3A_842 = tpu.memref_slice %arg2[%dma_wait3A_840, %dma_wait3A_841] : memref<1000000x64xf32, #tpu.memory_space<hbm>> -> memref<1x64xf32, #tpu.memory_space<hbm>>
    tpu.wait_dma2 semaphore(%arg7 : memref<!tpu.dma_semaphore, #tpu.memory_space<semaphore_mem>>) src(%dma_wait3A_842 : memref<1x64xf32, #tpu.memory_space<hbm>>) dst(%dma_wait3A_839 : memref<1x64xf32, #tpu.memory_space<vmem>>)
    %dma_wait3A_843 = arith.constant 0 : i32
    %dma_wait3A_844 = arith.constant 0 : i32
    %dma_wait3A_845 = tpu.memref_slice %arg6[%dma_wait3A_843, %dma_wait3A_844] : memref<800x64xf32, #tpu.memory_space<vmem>> -> memref<1x64xf32, #tpu.memory_space<vmem>>
    %dma_wait3A_846 = arith.constant 0 : i32
    %dma_wait3A_847 = arith.constant 0 : i32
    %dma_wait3A_848 = tpu.memref_slice %arg2[%dma_wait3A_846, %dma_wait3A_847] : memref<1000000x64xf32, #tpu.memory_space<hbm>> -> memref<1x64xf32, #tpu.memory_space<hbm>>
    %dma_wait3A_849 = arith.constant 0 : i32
    %dma_wait3A_850 = arith.constant 0 : i32
    %dma_wait3A_851 = tpu.memref_slice %arg6[%dma_wait3A_849, %dma_wait3A_850] : memref<800x64xf32, #tpu.memory_space<vmem>> -> memref<1x64xf32, #tpu.memory_space<vmem>>
    %dma_wait3A_852 = arith.constant 0 : i32
    %dma_wait3A_853 = arith.constant 0 : i32
    %dma_wait3A_854 = tpu.memref_slice %arg2[%dma_wait3A_852, %dma_wait3A_853] : memref<1000000x64xf32, #tpu.memory_space<hbm>> -> memref<1x64xf32, #tpu.memory_space<hbm>>
    tpu.wait_dma2 semaphore(%arg7 : memref<!tpu.dma_semaphore, #tpu.memory_space<semaphore_mem>>) src(%dma_wait3A_854 : memref<1x64xf32, #tpu.memory_space<hbm>>) dst(%dma_wait3A_851 : memref<1x64xf32, #tpu.memory_space<vmem>>)
    %dma_wait3A_855 = arith.constant 0 : i32
    %dma_wait3A_856 = arith.constant 0 : i32
    %dma_wait3A_857 = tpu.memref_slice %arg6[%dma_wait3A_855, %dma_wait3A_856] : memref<800x64xf32, #tpu.memory_space<vmem>> -> memref<1x64xf32, #tpu.memory_space<vmem>>
    %dma_wait3A_858 = arith.constant 0 : i32
    %dma_wait3A_859 = arith.constant 0 : i32
    %dma_wait3A_860 = tpu.memref_slice %arg2[%dma_wait3A_858, %dma_wait3A_859] : memref<1000000x64xf32, #tpu.memory_space<hbm>> -> memref<1x64xf32, #tpu.memory_space<hbm>>
    %dma_wait3A_861 = arith.constant 0 : i32
    %dma_wait3A_862 = arith.constant 0 : i32
    %dma_wait3A_863 = tpu.memref_slice %arg6[%dma_wait3A_861, %dma_wait3A_862] : memref<800x64xf32, #tpu.memory_space<vmem>> -> memref<1x64xf32, #tpu.memory_space<vmem>>
    %dma_wait3A_864 = arith.constant 0 : i32
    %dma_wait3A_865 = arith.constant 0 : i32
    %dma_wait3A_866 = tpu.memref_slice %arg2[%dma_wait3A_864, %dma_wait3A_865] : memref<1000000x64xf32, #tpu.memory_space<hbm>> -> memref<1x64xf32, #tpu.memory_space<hbm>>
    tpu.wait_dma2 semaphore(%arg7 : memref<!tpu.dma_semaphore, #tpu.memory_space<semaphore_mem>>) src(%dma_wait3A_866 : memref<1x64xf32, #tpu.memory_space<hbm>>) dst(%dma_wait3A_863 : memref<1x64xf32, #tpu.memory_space<vmem>>)
    %dma_wait3A_867 = arith.constant 0 : i32
    %dma_wait3A_868 = arith.constant 0 : i32
    %dma_wait3A_869 = tpu.memref_slice %arg6[%dma_wait3A_867, %dma_wait3A_868] : memref<800x64xf32, #tpu.memory_space<vmem>> -> memref<1x64xf32, #tpu.memory_space<vmem>>
    %dma_wait3A_870 = arith.constant 0 : i32
    %dma_wait3A_871 = arith.constant 0 : i32
    %dma_wait3A_872 = tpu.memref_slice %arg2[%dma_wait3A_870, %dma_wait3A_871] : memref<1000000x64xf32, #tpu.memory_space<hbm>> -> memref<1x64xf32, #tpu.memory_space<hbm>>
    %dma_wait3A_873 = arith.constant 0 : i32
    %dma_wait3A_874 = arith.constant 0 : i32
    %dma_wait3A_875 = tpu.memref_slice %arg6[%dma_wait3A_873, %dma_wait3A_874] : memref<800x64xf32, #tpu.memory_space<vmem>> -> memref<1x64xf32, #tpu.memory_space<vmem>>
    %dma_wait3A_876 = arith.constant 0 : i32
    %dma_wait3A_877 = arith.constant 0 : i32
    %dma_wait3A_878 = tpu.memref_slice %arg2[%dma_wait3A_876, %dma_wait3A_877] : memref<1000000x64xf32, #tpu.memory_space<hbm>> -> memref<1x64xf32, #tpu.memory_space<hbm>>
    tpu.wait_dma2 semaphore(%arg7 : memref<!tpu.dma_semaphore, #tpu.memory_space<semaphore_mem>>) src(%dma_wait3A_878 : memref<1x64xf32, #tpu.memory_space<hbm>>) dst(%dma_wait3A_875 : memref<1x64xf32, #tpu.memory_space<vmem>>)
    %dma_wait3A_879 = arith.constant 0 : i32
    %dma_wait3A_880 = arith.constant 0 : i32
    %dma_wait3A_881 = tpu.memref_slice %arg6[%dma_wait3A_879, %dma_wait3A_880] : memref<800x64xf32, #tpu.memory_space<vmem>> -> memref<1x64xf32, #tpu.memory_space<vmem>>
    %dma_wait3A_882 = arith.constant 0 : i32
    %dma_wait3A_883 = arith.constant 0 : i32
    %dma_wait3A_884 = tpu.memref_slice %arg2[%dma_wait3A_882, %dma_wait3A_883] : memref<1000000x64xf32, #tpu.memory_space<hbm>> -> memref<1x64xf32, #tpu.memory_space<hbm>>
    %dma_wait3A_885 = arith.constant 0 : i32
    %dma_wait3A_886 = arith.constant 0 : i32
    %dma_wait3A_887 = tpu.memref_slice %arg6[%dma_wait3A_885, %dma_wait3A_886] : memref<800x64xf32, #tpu.memory_space<vmem>> -> memref<1x64xf32, #tpu.memory_space<vmem>>
    %dma_wait3A_888 = arith.constant 0 : i32
    %dma_wait3A_889 = arith.constant 0 : i32
    %dma_wait3A_890 = tpu.memref_slice %arg2[%dma_wait3A_888, %dma_wait3A_889] : memref<1000000x64xf32, #tpu.memory_space<hbm>> -> memref<1x64xf32, #tpu.memory_space<hbm>>
    tpu.wait_dma2 semaphore(%arg7 : memref<!tpu.dma_semaphore, #tpu.memory_space<semaphore_mem>>) src(%dma_wait3A_890 : memref<1x64xf32, #tpu.memory_space<hbm>>) dst(%dma_wait3A_887 : memref<1x64xf32, #tpu.memory_space<vmem>>)
    %dma_wait3A_891 = arith.constant 0 : i32
    %dma_wait3A_892 = arith.constant 0 : i32
    %dma_wait3A_893 = tpu.memref_slice %arg6[%dma_wait3A_891, %dma_wait3A_892] : memref<800x64xf32, #tpu.memory_space<vmem>> -> memref<1x64xf32, #tpu.memory_space<vmem>>
    %dma_wait3A_894 = arith.constant 0 : i32
    %dma_wait3A_895 = arith.constant 0 : i32
    %dma_wait3A_896 = tpu.memref_slice %arg2[%dma_wait3A_894, %dma_wait3A_895] : memref<1000000x64xf32, #tpu.memory_space<hbm>> -> memref<1x64xf32, #tpu.memory_space<hbm>>
    %dma_wait3A_897 = arith.constant 0 : i32
    %dma_wait3A_898 = arith.constant 0 : i32
    %dma_wait3A_899 = tpu.memref_slice %arg6[%dma_wait3A_897, %dma_wait3A_898] : memref<800x64xf32, #tpu.memory_space<vmem>> -> memref<1x64xf32, #tpu.memory_space<vmem>>
    %dma_wait3A_900 = arith.constant 0 : i32
    %dma_wait3A_901 = arith.constant 0 : i32
    %dma_wait3A_902 = tpu.memref_slice %arg2[%dma_wait3A_900, %dma_wait3A_901] : memref<1000000x64xf32, #tpu.memory_space<hbm>> -> memref<1x64xf32, #tpu.memory_space<hbm>>
    tpu.wait_dma2 semaphore(%arg7 : memref<!tpu.dma_semaphore, #tpu.memory_space<semaphore_mem>>) src(%dma_wait3A_902 : memref<1x64xf32, #tpu.memory_space<hbm>>) dst(%dma_wait3A_899 : memref<1x64xf32, #tpu.memory_space<vmem>>)
    %dma_wait3A_903 = arith.constant 0 : i32
    %dma_wait3A_904 = arith.constant 0 : i32
    %dma_wait3A_905 = tpu.memref_slice %arg6[%dma_wait3A_903, %dma_wait3A_904] : memref<800x64xf32, #tpu.memory_space<vmem>> -> memref<1x64xf32, #tpu.memory_space<vmem>>
    %dma_wait3A_906 = arith.constant 0 : i32
    %dma_wait3A_907 = arith.constant 0 : i32
    %dma_wait3A_908 = tpu.memref_slice %arg2[%dma_wait3A_906, %dma_wait3A_907] : memref<1000000x64xf32, #tpu.memory_space<hbm>> -> memref<1x64xf32, #tpu.memory_space<hbm>>
    %dma_wait3A_909 = arith.constant 0 : i32
    %dma_wait3A_910 = arith.constant 0 : i32
    %dma_wait3A_911 = tpu.memref_slice %arg6[%dma_wait3A_909, %dma_wait3A_910] : memref<800x64xf32, #tpu.memory_space<vmem>> -> memref<1x64xf32, #tpu.memory_space<vmem>>
    %dma_wait3A_912 = arith.constant 0 : i32
    %dma_wait3A_913 = arith.constant 0 : i32
    %dma_wait3A_914 = tpu.memref_slice %arg2[%dma_wait3A_912, %dma_wait3A_913] : memref<1000000x64xf32, #tpu.memory_space<hbm>> -> memref<1x64xf32, #tpu.memory_space<hbm>>
    tpu.wait_dma2 semaphore(%arg7 : memref<!tpu.dma_semaphore, #tpu.memory_space<semaphore_mem>>) src(%dma_wait3A_914 : memref<1x64xf32, #tpu.memory_space<hbm>>) dst(%dma_wait3A_911 : memref<1x64xf32, #tpu.memory_space<vmem>>)
    %dma_wait3A_915 = arith.constant 0 : i32
    %dma_wait3A_916 = arith.constant 0 : i32
    %dma_wait3A_917 = tpu.memref_slice %arg6[%dma_wait3A_915, %dma_wait3A_916] : memref<800x64xf32, #tpu.memory_space<vmem>> -> memref<1x64xf32, #tpu.memory_space<vmem>>
    %dma_wait3A_918 = arith.constant 0 : i32
    %dma_wait3A_919 = arith.constant 0 : i32
    %dma_wait3A_920 = tpu.memref_slice %arg2[%dma_wait3A_918, %dma_wait3A_919] : memref<1000000x64xf32, #tpu.memory_space<hbm>> -> memref<1x64xf32, #tpu.memory_space<hbm>>
    %dma_wait3A_921 = arith.constant 0 : i32
    %dma_wait3A_922 = arith.constant 0 : i32
    %dma_wait3A_923 = tpu.memref_slice %arg6[%dma_wait3A_921, %dma_wait3A_922] : memref<800x64xf32, #tpu.memory_space<vmem>> -> memref<1x64xf32, #tpu.memory_space<vmem>>
    %dma_wait3A_924 = arith.constant 0 : i32
    %dma_wait3A_925 = arith.constant 0 : i32
    %dma_wait3A_926 = tpu.memref_slice %arg2[%dma_wait3A_924, %dma_wait3A_925] : memref<1000000x64xf32, #tpu.memory_space<hbm>> -> memref<1x64xf32, #tpu.memory_space<hbm>>
    tpu.wait_dma2 semaphore(%arg7 : memref<!tpu.dma_semaphore, #tpu.memory_space<semaphore_mem>>) src(%dma_wait3A_926 : memref<1x64xf32, #tpu.memory_space<hbm>>) dst(%dma_wait3A_923 : memref<1x64xf32, #tpu.memory_space<vmem>>)
    %dma_wait3A_927 = arith.constant 0 : i32
    %dma_wait3A_928 = arith.constant 0 : i32
    %dma_wait3A_929 = tpu.memref_slice %arg6[%dma_wait3A_927, %dma_wait3A_928] : memref<800x64xf32, #tpu.memory_space<vmem>> -> memref<1x64xf32, #tpu.memory_space<vmem>>
    %dma_wait3A_930 = arith.constant 0 : i32
    %dma_wait3A_931 = arith.constant 0 : i32
    %dma_wait3A_932 = tpu.memref_slice %arg2[%dma_wait3A_930, %dma_wait3A_931] : memref<1000000x64xf32, #tpu.memory_space<hbm>> -> memref<1x64xf32, #tpu.memory_space<hbm>>
    %dma_wait3A_933 = arith.constant 0 : i32
    %dma_wait3A_934 = arith.constant 0 : i32
    %dma_wait3A_935 = tpu.memref_slice %arg6[%dma_wait3A_933, %dma_wait3A_934] : memref<800x64xf32, #tpu.memory_space<vmem>> -> memref<1x64xf32, #tpu.memory_space<vmem>>
    %dma_wait3A_936 = arith.constant 0 : i32
    %dma_wait3A_937 = arith.constant 0 : i32
    %dma_wait3A_938 = tpu.memref_slice %arg2[%dma_wait3A_936, %dma_wait3A_937] : memref<1000000x64xf32, #tpu.memory_space<hbm>> -> memref<1x64xf32, #tpu.memory_space<hbm>>
    tpu.wait_dma2 semaphore(%arg7 : memref<!tpu.dma_semaphore, #tpu.memory_space<semaphore_mem>>) src(%dma_wait3A_938 : memref<1x64xf32, #tpu.memory_space<hbm>>) dst(%dma_wait3A_935 : memref<1x64xf32, #tpu.memory_space<vmem>>)
    %dma_wait3A_939 = arith.constant 0 : i32
    %dma_wait3A_940 = arith.constant 0 : i32
    %dma_wait3A_941 = tpu.memref_slice %arg6[%dma_wait3A_939, %dma_wait3A_940] : memref<800x64xf32, #tpu.memory_space<vmem>> -> memref<1x64xf32, #tpu.memory_space<vmem>>
    %dma_wait3A_942 = arith.constant 0 : i32
    %dma_wait3A_943 = arith.constant 0 : i32
    %dma_wait3A_944 = tpu.memref_slice %arg2[%dma_wait3A_942, %dma_wait3A_943] : memref<1000000x64xf32, #tpu.memory_space<hbm>> -> memref<1x64xf32, #tpu.memory_space<hbm>>
    %dma_wait3A_945 = arith.constant 0 : i32
    %dma_wait3A_946 = arith.constant 0 : i32
    %dma_wait3A_947 = tpu.memref_slice %arg6[%dma_wait3A_945, %dma_wait3A_946] : memref<800x64xf32, #tpu.memory_space<vmem>> -> memref<1x64xf32, #tpu.memory_space<vmem>>
    %dma_wait3A_948 = arith.constant 0 : i32
    %dma_wait3A_949 = arith.constant 0 : i32
    %dma_wait3A_950 = tpu.memref_slice %arg2[%dma_wait3A_948, %dma_wait3A_949] : memref<1000000x64xf32, #tpu.memory_space<hbm>> -> memref<1x64xf32, #tpu.memory_space<hbm>>
    tpu.wait_dma2 semaphore(%arg7 : memref<!tpu.dma_semaphore, #tpu.memory_space<semaphore_mem>>) src(%dma_wait3A_950 : memref<1x64xf32, #tpu.memory_space<hbm>>) dst(%dma_wait3A_947 : memref<1x64xf32, #tpu.memory_space<vmem>>)
    %dma_wait3A_951 = arith.constant 0 : i32
    %dma_wait3A_952 = arith.constant 0 : i32
    %dma_wait3A_953 = tpu.memref_slice %arg6[%dma_wait3A_951, %dma_wait3A_952] : memref<800x64xf32, #tpu.memory_space<vmem>> -> memref<1x64xf32, #tpu.memory_space<vmem>>
    %dma_wait3A_954 = arith.constant 0 : i32
    %dma_wait3A_955 = arith.constant 0 : i32
    %dma_wait3A_956 = tpu.memref_slice %arg2[%dma_wait3A_954, %dma_wait3A_955] : memref<1000000x64xf32, #tpu.memory_space<hbm>> -> memref<1x64xf32, #tpu.memory_space<hbm>>
    %dma_wait3A_957 = arith.constant 0 : i32
    %dma_wait3A_958 = arith.constant 0 : i32
    %dma_wait3A_959 = tpu.memref_slice %arg6[%dma_wait3A_957, %dma_wait3A_958] : memref<800x64xf32, #tpu.memory_space<vmem>> -> memref<1x64xf32, #tpu.memory_space<vmem>>
    %dma_wait3A_960 = arith.constant 0 : i32
    %dma_wait3A_961 = arith.constant 0 : i32
    %dma_wait3A_962 = tpu.memref_slice %arg2[%dma_wait3A_960, %dma_wait3A_961] : memref<1000000x64xf32, #tpu.memory_space<hbm>> -> memref<1x64xf32, #tpu.memory_space<hbm>>
    tpu.wait_dma2 semaphore(%arg7 : memref<!tpu.dma_semaphore, #tpu.memory_space<semaphore_mem>>) src(%dma_wait3A_962 : memref<1x64xf32, #tpu.memory_space<hbm>>) dst(%dma_wait3A_959 : memref<1x64xf32, #tpu.memory_space<vmem>>)
    %dma_wait3A_963 = arith.constant 0 : i32
    %dma_wait3A_964 = arith.constant 0 : i32
    %dma_wait3A_965 = tpu.memref_slice %arg6[%dma_wait3A_963, %dma_wait3A_964] : memref<800x64xf32, #tpu.memory_space<vmem>> -> memref<1x64xf32, #tpu.memory_space<vmem>>
    %dma_wait3A_966 = arith.constant 0 : i32
    %dma_wait3A_967 = arith.constant 0 : i32
    %dma_wait3A_968 = tpu.memref_slice %arg2[%dma_wait3A_966, %dma_wait3A_967] : memref<1000000x64xf32, #tpu.memory_space<hbm>> -> memref<1x64xf32, #tpu.memory_space<hbm>>
    %dma_wait3A_969 = arith.constant 0 : i32
    %dma_wait3A_970 = arith.constant 0 : i32
    %dma_wait3A_971 = tpu.memref_slice %arg6[%dma_wait3A_969, %dma_wait3A_970] : memref<800x64xf32, #tpu.memory_space<vmem>> -> memref<1x64xf32, #tpu.memory_space<vmem>>
    %dma_wait3A_972 = arith.constant 0 : i32
    %dma_wait3A_973 = arith.constant 0 : i32
    %dma_wait3A_974 = tpu.memref_slice %arg2[%dma_wait3A_972, %dma_wait3A_973] : memref<1000000x64xf32, #tpu.memory_space<hbm>> -> memref<1x64xf32, #tpu.memory_space<hbm>>
    tpu.wait_dma2 semaphore(%arg7 : memref<!tpu.dma_semaphore, #tpu.memory_space<semaphore_mem>>) src(%dma_wait3A_974 : memref<1x64xf32, #tpu.memory_space<hbm>>) dst(%dma_wait3A_971 : memref<1x64xf32, #tpu.memory_space<vmem>>)
    %dma_wait3A_975 = arith.constant 0 : i32
    %dma_wait3A_976 = arith.constant 0 : i32
    %dma_wait3A_977 = tpu.memref_slice %arg6[%dma_wait3A_975, %dma_wait3A_976] : memref<800x64xf32, #tpu.memory_space<vmem>> -> memref<1x64xf32, #tpu.memory_space<vmem>>
    %dma_wait3A_978 = arith.constant 0 : i32
    %dma_wait3A_979 = arith.constant 0 : i32
    %dma_wait3A_980 = tpu.memref_slice %arg2[%dma_wait3A_978, %dma_wait3A_979] : memref<1000000x64xf32, #tpu.memory_space<hbm>> -> memref<1x64xf32, #tpu.memory_space<hbm>>
    %dma_wait3A_981 = arith.constant 0 : i32
    %dma_wait3A_982 = arith.constant 0 : i32
    %dma_wait3A_983 = tpu.memref_slice %arg6[%dma_wait3A_981, %dma_wait3A_982] : memref<800x64xf32, #tpu.memory_space<vmem>> -> memref<1x64xf32, #tpu.memory_space<vmem>>
    %dma_wait3A_984 = arith.constant 0 : i32
    %dma_wait3A_985 = arith.constant 0 : i32
    %dma_wait3A_986 = tpu.memref_slice %arg2[%dma_wait3A_984, %dma_wait3A_985] : memref<1000000x64xf32, #tpu.memory_space<hbm>> -> memref<1x64xf32, #tpu.memory_space<hbm>>
    tpu.wait_dma2 semaphore(%arg7 : memref<!tpu.dma_semaphore, #tpu.memory_space<semaphore_mem>>) src(%dma_wait3A_986 : memref<1x64xf32, #tpu.memory_space<hbm>>) dst(%dma_wait3A_983 : memref<1x64xf32, #tpu.memory_space<vmem>>)
    %dma_wait3A_987 = arith.constant 0 : i32
    %dma_wait3A_988 = arith.constant 0 : i32
    %dma_wait3A_989 = tpu.memref_slice %arg6[%dma_wait3A_987, %dma_wait3A_988] : memref<800x64xf32, #tpu.memory_space<vmem>> -> memref<1x64xf32, #tpu.memory_space<vmem>>
    %dma_wait3A_990 = arith.constant 0 : i32
    %dma_wait3A_991 = arith.constant 0 : i32
    %dma_wait3A_992 = tpu.memref_slice %arg2[%dma_wait3A_990, %dma_wait3A_991] : memref<1000000x64xf32, #tpu.memory_space<hbm>> -> memref<1x64xf32, #tpu.memory_space<hbm>>
    %dma_wait3A_993 = arith.constant 0 : i32
    %dma_wait3A_994 = arith.constant 0 : i32
    %dma_wait3A_995 = tpu.memref_slice %arg6[%dma_wait3A_993, %dma_wait3A_994] : memref<800x64xf32, #tpu.memory_space<vmem>> -> memref<1x64xf32, #tpu.memory_space<vmem>>
    %dma_wait3A_996 = arith.constant 0 : i32
    %dma_wait3A_997 = arith.constant 0 : i32
    %dma_wait3A_998 = tpu.memref_slice %arg2[%dma_wait3A_996, %dma_wait3A_997] : memref<1000000x64xf32, #tpu.memory_space<hbm>> -> memref<1x64xf32, #tpu.memory_space<hbm>>
    tpu.wait_dma2 semaphore(%arg7 : memref<!tpu.dma_semaphore, #tpu.memory_space<semaphore_mem>>) src(%dma_wait3A_998 : memref<1x64xf32, #tpu.memory_space<hbm>>) dst(%dma_wait3A_995 : memref<1x64xf32, #tpu.memory_space<vmem>>)
    %dma_wait3A_999 = arith.constant 0 : i32
    %dma_wait3A_1000 = arith.constant 0 : i32
    %dma_wait3A_1001 = tpu.memref_slice %arg6[%dma_wait3A_999, %dma_wait3A_1000] : memref<800x64xf32, #tpu.memory_space<vmem>> -> memref<1x64xf32, #tpu.memory_space<vmem>>
    %dma_wait3A_1002 = arith.constant 0 : i32
    %dma_wait3A_1003 = arith.constant 0 : i32
    %dma_wait3A_1004 = tpu.memref_slice %arg2[%dma_wait3A_1002, %dma_wait3A_1003] : memref<1000000x64xf32, #tpu.memory_space<hbm>> -> memref<1x64xf32, #tpu.memory_space<hbm>>
    %dma_wait3A_1005 = arith.constant 0 : i32
    %dma_wait3A_1006 = arith.constant 0 : i32
    %dma_wait3A_1007 = tpu.memref_slice %arg6[%dma_wait3A_1005, %dma_wait3A_1006] : memref<800x64xf32, #tpu.memory_space<vmem>> -> memref<1x64xf32, #tpu.memory_space<vmem>>
    %dma_wait3A_1008 = arith.constant 0 : i32
    %dma_wait3A_1009 = arith.constant 0 : i32
    %dma_wait3A_1010 = tpu.memref_slice %arg2[%dma_wait3A_1008, %dma_wait3A_1009] : memref<1000000x64xf32, #tpu.memory_space<hbm>> -> memref<1x64xf32, #tpu.memory_space<hbm>>
    tpu.wait_dma2 semaphore(%arg7 : memref<!tpu.dma_semaphore, #tpu.memory_space<semaphore_mem>>) src(%dma_wait3A_1010 : memref<1x64xf32, #tpu.memory_space<hbm>>) dst(%dma_wait3A_1007 : memref<1x64xf32, #tpu.memory_space<vmem>>)
    %dma_wait3A_1011 = arith.constant 0 : i32
    %dma_wait3A_1012 = arith.constant 0 : i32
    %dma_wait3A_1013 = tpu.memref_slice %arg6[%dma_wait3A_1011, %dma_wait3A_1012] : memref<800x64xf32, #tpu.memory_space<vmem>> -> memref<1x64xf32, #tpu.memory_space<vmem>>
    %dma_wait3A_1014 = arith.constant 0 : i32
    %dma_wait3A_1015 = arith.constant 0 : i32
    %dma_wait3A_1016 = tpu.memref_slice %arg2[%dma_wait3A_1014, %dma_wait3A_1015] : memref<1000000x64xf32, #tpu.memory_space<hbm>> -> memref<1x64xf32, #tpu.memory_space<hbm>>
    %dma_wait3A_1017 = arith.constant 0 : i32
    %dma_wait3A_1018 = arith.constant 0 : i32
    %dma_wait3A_1019 = tpu.memref_slice %arg6[%dma_wait3A_1017, %dma_wait3A_1018] : memref<800x64xf32, #tpu.memory_space<vmem>> -> memref<1x64xf32, #tpu.memory_space<vmem>>
    %dma_wait3A_1020 = arith.constant 0 : i32
    %dma_wait3A_1021 = arith.constant 0 : i32
    %dma_wait3A_1022 = tpu.memref_slice %arg2[%dma_wait3A_1020, %dma_wait3A_1021] : memref<1000000x64xf32, #tpu.memory_space<hbm>> -> memref<1x64xf32, #tpu.memory_space<hbm>>
    tpu.wait_dma2 semaphore(%arg7 : memref<!tpu.dma_semaphore, #tpu.memory_space<semaphore_mem>>) src(%dma_wait3A_1022 : memref<1x64xf32, #tpu.memory_space<hbm>>) dst(%dma_wait3A_1019 : memref<1x64xf32, #tpu.memory_space<vmem>>)
    %dma_wait3A_1023 = arith.constant 0 : i32
    %dma_wait3A_1024 = arith.constant 0 : i32
    %dma_wait3A_1025 = tpu.memref_slice %arg6[%dma_wait3A_1023, %dma_wait3A_1024] : memref<800x64xf32, #tpu.memory_space<vmem>> -> memref<1x64xf32, #tpu.memory_space<vmem>>
    %dma_wait3A_1026 = arith.constant 0 : i32
    %dma_wait3A_1027 = arith.constant 0 : i32
    %dma_wait3A_1028 = tpu.memref_slice %arg2[%dma_wait3A_1026, %dma_wait3A_1027] : memref<1000000x64xf32, #tpu.memory_space<hbm>> -> memref<1x64xf32, #tpu.memory_space<hbm>>
    %dma_wait3A_1029 = arith.constant 0 : i32
    %dma_wait3A_1030 = arith.constant 0 : i32
    %dma_wait3A_1031 = tpu.memref_slice %arg6[%dma_wait3A_1029, %dma_wait3A_1030] : memref<800x64xf32, #tpu.memory_space<vmem>> -> memref<1x64xf32, #tpu.memory_space<vmem>>
    %dma_wait3A_1032 = arith.constant 0 : i32
    %dma_wait3A_1033 = arith.constant 0 : i32
    %dma_wait3A_1034 = tpu.memref_slice %arg2[%dma_wait3A_1032, %dma_wait3A_1033] : memref<1000000x64xf32, #tpu.memory_space<hbm>> -> memref<1x64xf32, #tpu.memory_space<hbm>>
    tpu.wait_dma2 semaphore(%arg7 : memref<!tpu.dma_semaphore, #tpu.memory_space<semaphore_mem>>) src(%dma_wait3A_1034 : memref<1x64xf32, #tpu.memory_space<hbm>>) dst(%dma_wait3A_1031 : memref<1x64xf32, #tpu.memory_space<vmem>>)
    %dma_wait3A_1035 = arith.constant 0 : i32
    %dma_wait3A_1036 = arith.constant 0 : i32
    %dma_wait3A_1037 = tpu.memref_slice %arg6[%dma_wait3A_1035, %dma_wait3A_1036] : memref<800x64xf32, #tpu.memory_space<vmem>> -> memref<1x64xf32, #tpu.memory_space<vmem>>
    %dma_wait3A_1038 = arith.constant 0 : i32
    %dma_wait3A_1039 = arith.constant 0 : i32
    %dma_wait3A_1040 = tpu.memref_slice %arg2[%dma_wait3A_1038, %dma_wait3A_1039] : memref<1000000x64xf32, #tpu.memory_space<hbm>> -> memref<1x64xf32, #tpu.memory_space<hbm>>
    %dma_wait3A_1041 = arith.constant 0 : i32
    %dma_wait3A_1042 = arith.constant 0 : i32
    %dma_wait3A_1043 = tpu.memref_slice %arg6[%dma_wait3A_1041, %dma_wait3A_1042] : memref<800x64xf32, #tpu.memory_space<vmem>> -> memref<1x64xf32, #tpu.memory_space<vmem>>
    %dma_wait3A_1044 = arith.constant 0 : i32
    %dma_wait3A_1045 = arith.constant 0 : i32
    %dma_wait3A_1046 = tpu.memref_slice %arg2[%dma_wait3A_1044, %dma_wait3A_1045] : memref<1000000x64xf32, #tpu.memory_space<hbm>> -> memref<1x64xf32, #tpu.memory_space<hbm>>
    tpu.wait_dma2 semaphore(%arg7 : memref<!tpu.dma_semaphore, #tpu.memory_space<semaphore_mem>>) src(%dma_wait3A_1046 : memref<1x64xf32, #tpu.memory_space<hbm>>) dst(%dma_wait3A_1043 : memref<1x64xf32, #tpu.memory_space<vmem>>)
    %dma_wait3A_1047 = arith.constant 0 : i32
    %dma_wait3A_1048 = arith.constant 0 : i32
    %dma_wait3A_1049 = tpu.memref_slice %arg6[%dma_wait3A_1047, %dma_wait3A_1048] : memref<800x64xf32, #tpu.memory_space<vmem>> -> memref<1x64xf32, #tpu.memory_space<vmem>>
    %dma_wait3A_1050 = arith.constant 0 : i32
    %dma_wait3A_1051 = arith.constant 0 : i32
    %dma_wait3A_1052 = tpu.memref_slice %arg2[%dma_wait3A_1050, %dma_wait3A_1051] : memref<1000000x64xf32, #tpu.memory_space<hbm>> -> memref<1x64xf32, #tpu.memory_space<hbm>>
    %dma_wait3A_1053 = arith.constant 0 : i32
    %dma_wait3A_1054 = arith.constant 0 : i32
    %dma_wait3A_1055 = tpu.memref_slice %arg6[%dma_wait3A_1053, %dma_wait3A_1054] : memref<800x64xf32, #tpu.memory_space<vmem>> -> memref<1x64xf32, #tpu.memory_space<vmem>>
    %dma_wait3A_1056 = arith.constant 0 : i32
    %dma_wait3A_1057 = arith.constant 0 : i32
    %dma_wait3A_1058 = tpu.memref_slice %arg2[%dma_wait3A_1056, %dma_wait3A_1057] : memref<1000000x64xf32, #tpu.memory_space<hbm>> -> memref<1x64xf32, #tpu.memory_space<hbm>>
    tpu.wait_dma2 semaphore(%arg7 : memref<!tpu.dma_semaphore, #tpu.memory_space<semaphore_mem>>) src(%dma_wait3A_1058 : memref<1x64xf32, #tpu.memory_space<hbm>>) dst(%dma_wait3A_1055 : memref<1x64xf32, #tpu.memory_space<vmem>>)
    %dma_wait3A_1059 = arith.constant 0 : i32
    %dma_wait3A_1060 = arith.constant 0 : i32
    %dma_wait3A_1061 = tpu.memref_slice %arg6[%dma_wait3A_1059, %dma_wait3A_1060] : memref<800x64xf32, #tpu.memory_space<vmem>> -> memref<1x64xf32, #tpu.memory_space<vmem>>
    %dma_wait3A_1062 = arith.constant 0 : i32
    %dma_wait3A_1063 = arith.constant 0 : i32
    %dma_wait3A_1064 = tpu.memref_slice %arg2[%dma_wait3A_1062, %dma_wait3A_1063] : memref<1000000x64xf32, #tpu.memory_space<hbm>> -> memref<1x64xf32, #tpu.memory_space<hbm>>
    %dma_wait3A_1065 = arith.constant 0 : i32
    %dma_wait3A_1066 = arith.constant 0 : i32
    %dma_wait3A_1067 = tpu.memref_slice %arg6[%dma_wait3A_1065, %dma_wait3A_1066] : memref<800x64xf32, #tpu.memory_space<vmem>> -> memref<1x64xf32, #tpu.memory_space<vmem>>
    %dma_wait3A_1068 = arith.constant 0 : i32
    %dma_wait3A_1069 = arith.constant 0 : i32
    %dma_wait3A_1070 = tpu.memref_slice %arg2[%dma_wait3A_1068, %dma_wait3A_1069] : memref<1000000x64xf32, #tpu.memory_space<hbm>> -> memref<1x64xf32, #tpu.memory_space<hbm>>
    tpu.wait_dma2 semaphore(%arg7 : memref<!tpu.dma_semaphore, #tpu.memory_space<semaphore_mem>>) src(%dma_wait3A_1070 : memref<1x64xf32, #tpu.memory_space<hbm>>) dst(%dma_wait3A_1067 : memref<1x64xf32, #tpu.memory_space<vmem>>)
    %dma_wait3A_1071 = arith.constant 0 : i32
    %dma_wait3A_1072 = arith.constant 0 : i32
    %dma_wait3A_1073 = tpu.memref_slice %arg6[%dma_wait3A_1071, %dma_wait3A_1072] : memref<800x64xf32, #tpu.memory_space<vmem>> -> memref<1x64xf32, #tpu.memory_space<vmem>>
    %dma_wait3A_1074 = arith.constant 0 : i32
    %dma_wait3A_1075 = arith.constant 0 : i32
    %dma_wait3A_1076 = tpu.memref_slice %arg2[%dma_wait3A_1074, %dma_wait3A_1075] : memref<1000000x64xf32, #tpu.memory_space<hbm>> -> memref<1x64xf32, #tpu.memory_space<hbm>>
    %dma_wait3A_1077 = arith.constant 0 : i32
    %dma_wait3A_1078 = arith.constant 0 : i32
    %dma_wait3A_1079 = tpu.memref_slice %arg6[%dma_wait3A_1077, %dma_wait3A_1078] : memref<800x64xf32, #tpu.memory_space<vmem>> -> memref<1x64xf32, #tpu.memory_space<vmem>>
    %dma_wait3A_1080 = arith.constant 0 : i32
    %dma_wait3A_1081 = arith.constant 0 : i32
    %dma_wait3A_1082 = tpu.memref_slice %arg2[%dma_wait3A_1080, %dma_wait3A_1081] : memref<1000000x64xf32, #tpu.memory_space<hbm>> -> memref<1x64xf32, #tpu.memory_space<hbm>>
    tpu.wait_dma2 semaphore(%arg7 : memref<!tpu.dma_semaphore, #tpu.memory_space<semaphore_mem>>) src(%dma_wait3A_1082 : memref<1x64xf32, #tpu.memory_space<hbm>>) dst(%dma_wait3A_1079 : memref<1x64xf32, #tpu.memory_space<vmem>>)
    %dma_wait3A_1083 = arith.constant 0 : i32
    %dma_wait3A_1084 = arith.constant 0 : i32
    %dma_wait3A_1085 = tpu.memref_slice %arg6[%dma_wait3A_1083, %dma_wait3A_1084] : memref<800x64xf32, #tpu.memory_space<vmem>> -> memref<1x64xf32, #tpu.memory_space<vmem>>
    %dma_wait3A_1086 = arith.constant 0 : i32
    %dma_wait3A_1087 = arith.constant 0 : i32
    %dma_wait3A_1088 = tpu.memref_slice %arg2[%dma_wait3A_1086, %dma_wait3A_1087] : memref<1000000x64xf32, #tpu.memory_space<hbm>> -> memref<1x64xf32, #tpu.memory_space<hbm>>
    %dma_wait3A_1089 = arith.constant 0 : i32
    %dma_wait3A_1090 = arith.constant 0 : i32
    %dma_wait3A_1091 = tpu.memref_slice %arg6[%dma_wait3A_1089, %dma_wait3A_1090] : memref<800x64xf32, #tpu.memory_space<vmem>> -> memref<1x64xf32, #tpu.memory_space<vmem>>
    %dma_wait3A_1092 = arith.constant 0 : i32
    %dma_wait3A_1093 = arith.constant 0 : i32
    %dma_wait3A_1094 = tpu.memref_slice %arg2[%dma_wait3A_1092, %dma_wait3A_1093] : memref<1000000x64xf32, #tpu.memory_space<hbm>> -> memref<1x64xf32, #tpu.memory_space<hbm>>
    tpu.wait_dma2 semaphore(%arg7 : memref<!tpu.dma_semaphore, #tpu.memory_space<semaphore_mem>>) src(%dma_wait3A_1094 : memref<1x64xf32, #tpu.memory_space<hbm>>) dst(%dma_wait3A_1091 : memref<1x64xf32, #tpu.memory_space<vmem>>)
    %dma_wait3A_1095 = arith.constant 0 : i32
    %dma_wait3A_1096 = arith.constant 0 : i32
    %dma_wait3A_1097 = tpu.memref_slice %arg6[%dma_wait3A_1095, %dma_wait3A_1096] : memref<800x64xf32, #tpu.memory_space<vmem>> -> memref<1x64xf32, #tpu.memory_space<vmem>>
    %dma_wait3A_1098 = arith.constant 0 : i32
    %dma_wait3A_1099 = arith.constant 0 : i32
    %dma_wait3A_1100 = tpu.memref_slice %arg2[%dma_wait3A_1098, %dma_wait3A_1099] : memref<1000000x64xf32, #tpu.memory_space<hbm>> -> memref<1x64xf32, #tpu.memory_space<hbm>>
    %dma_wait3A_1101 = arith.constant 0 : i32
    %dma_wait3A_1102 = arith.constant 0 : i32
    %dma_wait3A_1103 = tpu.memref_slice %arg6[%dma_wait3A_1101, %dma_wait3A_1102] : memref<800x64xf32, #tpu.memory_space<vmem>> -> memref<1x64xf32, #tpu.memory_space<vmem>>
    %dma_wait3A_1104 = arith.constant 0 : i32
    %dma_wait3A_1105 = arith.constant 0 : i32
    %dma_wait3A_1106 = tpu.memref_slice %arg2[%dma_wait3A_1104, %dma_wait3A_1105] : memref<1000000x64xf32, #tpu.memory_space<hbm>> -> memref<1x64xf32, #tpu.memory_space<hbm>>
    tpu.wait_dma2 semaphore(%arg7 : memref<!tpu.dma_semaphore, #tpu.memory_space<semaphore_mem>>) src(%dma_wait3A_1106 : memref<1x64xf32, #tpu.memory_space<hbm>>) dst(%dma_wait3A_1103 : memref<1x64xf32, #tpu.memory_space<vmem>>)
    %dma_wait3A_1107 = arith.constant 0 : i32
    %dma_wait3A_1108 = arith.constant 0 : i32
    %dma_wait3A_1109 = tpu.memref_slice %arg6[%dma_wait3A_1107, %dma_wait3A_1108] : memref<800x64xf32, #tpu.memory_space<vmem>> -> memref<1x64xf32, #tpu.memory_space<vmem>>
    %dma_wait3A_1110 = arith.constant 0 : i32
    %dma_wait3A_1111 = arith.constant 0 : i32
    %dma_wait3A_1112 = tpu.memref_slice %arg2[%dma_wait3A_1110, %dma_wait3A_1111] : memref<1000000x64xf32, #tpu.memory_space<hbm>> -> memref<1x64xf32, #tpu.memory_space<hbm>>
    %dma_wait3A_1113 = arith.constant 0 : i32
    %dma_wait3A_1114 = arith.constant 0 : i32
    %dma_wait3A_1115 = tpu.memref_slice %arg6[%dma_wait3A_1113, %dma_wait3A_1114] : memref<800x64xf32, #tpu.memory_space<vmem>> -> memref<1x64xf32, #tpu.memory_space<vmem>>
    %dma_wait3A_1116 = arith.constant 0 : i32
    %dma_wait3A_1117 = arith.constant 0 : i32
    %dma_wait3A_1118 = tpu.memref_slice %arg2[%dma_wait3A_1116, %dma_wait3A_1117] : memref<1000000x64xf32, #tpu.memory_space<hbm>> -> memref<1x64xf32, #tpu.memory_space<hbm>>
    tpu.wait_dma2 semaphore(%arg7 : memref<!tpu.dma_semaphore, #tpu.memory_space<semaphore_mem>>) src(%dma_wait3A_1118 : memref<1x64xf32, #tpu.memory_space<hbm>>) dst(%dma_wait3A_1115 : memref<1x64xf32, #tpu.memory_space<vmem>>)
    %dma_wait3A_1119 = arith.constant 0 : i32
    %dma_wait3A_1120 = arith.constant 0 : i32
    %dma_wait3A_1121 = tpu.memref_slice %arg6[%dma_wait3A_1119, %dma_wait3A_1120] : memref<800x64xf32, #tpu.memory_space<vmem>> -> memref<1x64xf32, #tpu.memory_space<vmem>>
    %dma_wait3A_1122 = arith.constant 0 : i32
    %dma_wait3A_1123 = arith.constant 0 : i32
    %dma_wait3A_1124 = tpu.memref_slice %arg2[%dma_wait3A_1122, %dma_wait3A_1123] : memref<1000000x64xf32, #tpu.memory_space<hbm>> -> memref<1x64xf32, #tpu.memory_space<hbm>>
    %dma_wait3A_1125 = arith.constant 0 : i32
    %dma_wait3A_1126 = arith.constant 0 : i32
    %dma_wait3A_1127 = tpu.memref_slice %arg6[%dma_wait3A_1125, %dma_wait3A_1126] : memref<800x64xf32, #tpu.memory_space<vmem>> -> memref<1x64xf32, #tpu.memory_space<vmem>>
    %dma_wait3A_1128 = arith.constant 0 : i32
    %dma_wait3A_1129 = arith.constant 0 : i32
    %dma_wait3A_1130 = tpu.memref_slice %arg2[%dma_wait3A_1128, %dma_wait3A_1129] : memref<1000000x64xf32, #tpu.memory_space<hbm>> -> memref<1x64xf32, #tpu.memory_space<hbm>>
    tpu.wait_dma2 semaphore(%arg7 : memref<!tpu.dma_semaphore, #tpu.memory_space<semaphore_mem>>) src(%dma_wait3A_1130 : memref<1x64xf32, #tpu.memory_space<hbm>>) dst(%dma_wait3A_1127 : memref<1x64xf32, #tpu.memory_space<vmem>>)
    %dma_wait3A_1131 = arith.constant 0 : i32
    %dma_wait3A_1132 = arith.constant 0 : i32
    %dma_wait3A_1133 = tpu.memref_slice %arg6[%dma_wait3A_1131, %dma_wait3A_1132] : memref<800x64xf32, #tpu.memory_space<vmem>> -> memref<1x64xf32, #tpu.memory_space<vmem>>
    %dma_wait3A_1134 = arith.constant 0 : i32
    %dma_wait3A_1135 = arith.constant 0 : i32
    %dma_wait3A_1136 = tpu.memref_slice %arg2[%dma_wait3A_1134, %dma_wait3A_1135] : memref<1000000x64xf32, #tpu.memory_space<hbm>> -> memref<1x64xf32, #tpu.memory_space<hbm>>
    %dma_wait3A_1137 = arith.constant 0 : i32
    %dma_wait3A_1138 = arith.constant 0 : i32
    %dma_wait3A_1139 = tpu.memref_slice %arg6[%dma_wait3A_1137, %dma_wait3A_1138] : memref<800x64xf32, #tpu.memory_space<vmem>> -> memref<1x64xf32, #tpu.memory_space<vmem>>
    %dma_wait3A_1140 = arith.constant 0 : i32
    %dma_wait3A_1141 = arith.constant 0 : i32
    %dma_wait3A_1142 = tpu.memref_slice %arg2[%dma_wait3A_1140, %dma_wait3A_1141] : memref<1000000x64xf32, #tpu.memory_space<hbm>> -> memref<1x64xf32, #tpu.memory_space<hbm>>
    tpu.wait_dma2 semaphore(%arg7 : memref<!tpu.dma_semaphore, #tpu.memory_space<semaphore_mem>>) src(%dma_wait3A_1142 : memref<1x64xf32, #tpu.memory_space<hbm>>) dst(%dma_wait3A_1139 : memref<1x64xf32, #tpu.memory_space<vmem>>)
    %dma_wait3A_1143 = arith.constant 0 : i32
    %dma_wait3A_1144 = arith.constant 0 : i32
    %dma_wait3A_1145 = tpu.memref_slice %arg6[%dma_wait3A_1143, %dma_wait3A_1144] : memref<800x64xf32, #tpu.memory_space<vmem>> -> memref<1x64xf32, #tpu.memory_space<vmem>>
    %dma_wait3A_1146 = arith.constant 0 : i32
    %dma_wait3A_1147 = arith.constant 0 : i32
    %dma_wait3A_1148 = tpu.memref_slice %arg2[%dma_wait3A_1146, %dma_wait3A_1147] : memref<1000000x64xf32, #tpu.memory_space<hbm>> -> memref<1x64xf32, #tpu.memory_space<hbm>>
    %dma_wait3A_1149 = arith.constant 0 : i32
    %dma_wait3A_1150 = arith.constant 0 : i32
    %dma_wait3A_1151 = tpu.memref_slice %arg6[%dma_wait3A_1149, %dma_wait3A_1150] : memref<800x64xf32, #tpu.memory_space<vmem>> -> memref<1x64xf32, #tpu.memory_space<vmem>>
    %dma_wait3A_1152 = arith.constant 0 : i32
    %dma_wait3A_1153 = arith.constant 0 : i32
    %dma_wait3A_1154 = tpu.memref_slice %arg2[%dma_wait3A_1152, %dma_wait3A_1153] : memref<1000000x64xf32, #tpu.memory_space<hbm>> -> memref<1x64xf32, #tpu.memory_space<hbm>>
    tpu.wait_dma2 semaphore(%arg7 : memref<!tpu.dma_semaphore, #tpu.memory_space<semaphore_mem>>) src(%dma_wait3A_1154 : memref<1x64xf32, #tpu.memory_space<hbm>>) dst(%dma_wait3A_1151 : memref<1x64xf32, #tpu.memory_space<vmem>>)
    %dma_wait3A_1155 = arith.constant 0 : i32
    %dma_wait3A_1156 = arith.constant 0 : i32
    %dma_wait3A_1157 = tpu.memref_slice %arg6[%dma_wait3A_1155, %dma_wait3A_1156] : memref<800x64xf32, #tpu.memory_space<vmem>> -> memref<1x64xf32, #tpu.memory_space<vmem>>
    %dma_wait3A_1158 = arith.constant 0 : i32
    %dma_wait3A_1159 = arith.constant 0 : i32
    %dma_wait3A_1160 = tpu.memref_slice %arg2[%dma_wait3A_1158, %dma_wait3A_1159] : memref<1000000x64xf32, #tpu.memory_space<hbm>> -> memref<1x64xf32, #tpu.memory_space<hbm>>
    %dma_wait3A_1161 = arith.constant 0 : i32
    %dma_wait3A_1162 = arith.constant 0 : i32
    %dma_wait3A_1163 = tpu.memref_slice %arg6[%dma_wait3A_1161, %dma_wait3A_1162] : memref<800x64xf32, #tpu.memory_space<vmem>> -> memref<1x64xf32, #tpu.memory_space<vmem>>
    %dma_wait3A_1164 = arith.constant 0 : i32
    %dma_wait3A_1165 = arith.constant 0 : i32
    %dma_wait3A_1166 = tpu.memref_slice %arg2[%dma_wait3A_1164, %dma_wait3A_1165] : memref<1000000x64xf32, #tpu.memory_space<hbm>> -> memref<1x64xf32, #tpu.memory_space<hbm>>
    tpu.wait_dma2 semaphore(%arg7 : memref<!tpu.dma_semaphore, #tpu.memory_space<semaphore_mem>>) src(%dma_wait3A_1166 : memref<1x64xf32, #tpu.memory_space<hbm>>) dst(%dma_wait3A_1163 : memref<1x64xf32, #tpu.memory_space<vmem>>)
    %dma_wait3A_1167 = arith.constant 0 : i32
    %dma_wait3A_1168 = arith.constant 0 : i32
    %dma_wait3A_1169 = tpu.memref_slice %arg6[%dma_wait3A_1167, %dma_wait3A_1168] : memref<800x64xf32, #tpu.memory_space<vmem>> -> memref<1x64xf32, #tpu.memory_space<vmem>>
    %dma_wait3A_1170 = arith.constant 0 : i32
    %dma_wait3A_1171 = arith.constant 0 : i32
    %dma_wait3A_1172 = tpu.memref_slice %arg2[%dma_wait3A_1170, %dma_wait3A_1171] : memref<1000000x64xf32, #tpu.memory_space<hbm>> -> memref<1x64xf32, #tpu.memory_space<hbm>>
    %dma_wait3A_1173 = arith.constant 0 : i32
    %dma_wait3A_1174 = arith.constant 0 : i32
    %dma_wait3A_1175 = tpu.memref_slice %arg6[%dma_wait3A_1173, %dma_wait3A_1174] : memref<800x64xf32, #tpu.memory_space<vmem>> -> memref<1x64xf32, #tpu.memory_space<vmem>>
    %dma_wait3A_1176 = arith.constant 0 : i32
    %dma_wait3A_1177 = arith.constant 0 : i32
    %dma_wait3A_1178 = tpu.memref_slice %arg2[%dma_wait3A_1176, %dma_wait3A_1177] : memref<1000000x64xf32, #tpu.memory_space<hbm>> -> memref<1x64xf32, #tpu.memory_space<hbm>>
    tpu.wait_dma2 semaphore(%arg7 : memref<!tpu.dma_semaphore, #tpu.memory_space<semaphore_mem>>) src(%dma_wait3A_1178 : memref<1x64xf32, #tpu.memory_space<hbm>>) dst(%dma_wait3A_1175 : memref<1x64xf32, #tpu.memory_space<vmem>>)
    %dma_wait3A_1179 = arith.constant 0 : i32
    %dma_wait3A_1180 = arith.constant 0 : i32
    %dma_wait3A_1181 = tpu.memref_slice %arg6[%dma_wait3A_1179, %dma_wait3A_1180] : memref<800x64xf32, #tpu.memory_space<vmem>> -> memref<1x64xf32, #tpu.memory_space<vmem>>
    %dma_wait3A_1182 = arith.constant 0 : i32
    %dma_wait3A_1183 = arith.constant 0 : i32
    %dma_wait3A_1184 = tpu.memref_slice %arg2[%dma_wait3A_1182, %dma_wait3A_1183] : memref<1000000x64xf32, #tpu.memory_space<hbm>> -> memref<1x64xf32, #tpu.memory_space<hbm>>
    %dma_wait3A_1185 = arith.constant 0 : i32
    %dma_wait3A_1186 = arith.constant 0 : i32
    %dma_wait3A_1187 = tpu.memref_slice %arg6[%dma_wait3A_1185, %dma_wait3A_1186] : memref<800x64xf32, #tpu.memory_space<vmem>> -> memref<1x64xf32, #tpu.memory_space<vmem>>
    %dma_wait3A_1188 = arith.constant 0 : i32
    %dma_wait3A_1189 = arith.constant 0 : i32
    %dma_wait3A_1190 = tpu.memref_slice %arg2[%dma_wait3A_1188, %dma_wait3A_1189] : memref<1000000x64xf32, #tpu.memory_space<hbm>> -> memref<1x64xf32, #tpu.memory_space<hbm>>
    tpu.wait_dma2 semaphore(%arg7 : memref<!tpu.dma_semaphore, #tpu.memory_space<semaphore_mem>>) src(%dma_wait3A_1190 : memref<1x64xf32, #tpu.memory_space<hbm>>) dst(%dma_wait3A_1187 : memref<1x64xf32, #tpu.memory_space<vmem>>)
    %dma_wait3A_1191 = arith.constant 0 : i32
    %dma_wait3A_1192 = arith.constant 0 : i32
    %dma_wait3A_1193 = tpu.memref_slice %arg6[%dma_wait3A_1191, %dma_wait3A_1192] : memref<800x64xf32, #tpu.memory_space<vmem>> -> memref<1x64xf32, #tpu.memory_space<vmem>>
    %dma_wait3A_1194 = arith.constant 0 : i32
    %dma_wait3A_1195 = arith.constant 0 : i32
    %dma_wait3A_1196 = tpu.memref_slice %arg2[%dma_wait3A_1194, %dma_wait3A_1195] : memref<1000000x64xf32, #tpu.memory_space<hbm>> -> memref<1x64xf32, #tpu.memory_space<hbm>>
    %dma_wait3A_1197 = arith.constant 0 : i32
    %dma_wait3A_1198 = arith.constant 0 : i32
    %dma_wait3A_1199 = tpu.memref_slice %arg6[%dma_wait3A_1197, %dma_wait3A_1198] : memref<800x64xf32, #tpu.memory_space<vmem>> -> memref<1x64xf32, #tpu.memory_space<vmem>>
    %dma_wait3A_1200 = arith.constant 0 : i32
    %dma_wait3A_1201 = arith.constant 0 : i32
    %dma_wait3A_1202 = tpu.memref_slice %arg2[%dma_wait3A_1200, %dma_wait3A_1201] : memref<1000000x64xf32, #tpu.memory_space<hbm>> -> memref<1x64xf32, #tpu.memory_space<hbm>>
    tpu.wait_dma2 semaphore(%arg7 : memref<!tpu.dma_semaphore, #tpu.memory_space<semaphore_mem>>) src(%dma_wait3A_1202 : memref<1x64xf32, #tpu.memory_space<hbm>>) dst(%dma_wait3A_1199 : memref<1x64xf32, #tpu.memory_space<vmem>>)
    %dma_wait3A_1203 = arith.constant 0 : i32
    %dma_wait3A_1204 = arith.constant 0 : i32
    %dma_wait3A_1205 = tpu.memref_slice %arg6[%dma_wait3A_1203, %dma_wait3A_1204] : memref<800x64xf32, #tpu.memory_space<vmem>> -> memref<1x64xf32, #tpu.memory_space<vmem>>
    %dma_wait3A_1206 = arith.constant 0 : i32
    %dma_wait3A_1207 = arith.constant 0 : i32
    %dma_wait3A_1208 = tpu.memref_slice %arg2[%dma_wait3A_1206, %dma_wait3A_1207] : memref<1000000x64xf32, #tpu.memory_space<hbm>> -> memref<1x64xf32, #tpu.memory_space<hbm>>
    %dma_wait3A_1209 = arith.constant 0 : i32
    %dma_wait3A_1210 = arith.constant 0 : i32
    %dma_wait3A_1211 = tpu.memref_slice %arg6[%dma_wait3A_1209, %dma_wait3A_1210] : memref<800x64xf32, #tpu.memory_space<vmem>> -> memref<1x64xf32, #tpu.memory_space<vmem>>
    %dma_wait3A_1212 = arith.constant 0 : i32
    %dma_wait3A_1213 = arith.constant 0 : i32
    %dma_wait3A_1214 = tpu.memref_slice %arg2[%dma_wait3A_1212, %dma_wait3A_1213] : memref<1000000x64xf32, #tpu.memory_space<hbm>> -> memref<1x64xf32, #tpu.memory_space<hbm>>
    tpu.wait_dma2 semaphore(%arg7 : memref<!tpu.dma_semaphore, #tpu.memory_space<semaphore_mem>>) src(%dma_wait3A_1214 : memref<1x64xf32, #tpu.memory_space<hbm>>) dst(%dma_wait3A_1211 : memref<1x64xf32, #tpu.memory_space<vmem>>)
    %dma_wait3A_1215 = arith.constant 0 : i32
    %dma_wait3A_1216 = arith.constant 0 : i32
    %dma_wait3A_1217 = tpu.memref_slice %arg6[%dma_wait3A_1215, %dma_wait3A_1216] : memref<800x64xf32, #tpu.memory_space<vmem>> -> memref<1x64xf32, #tpu.memory_space<vmem>>
    %dma_wait3A_1218 = arith.constant 0 : i32
    %dma_wait3A_1219 = arith.constant 0 : i32
    %dma_wait3A_1220 = tpu.memref_slice %arg2[%dma_wait3A_1218, %dma_wait3A_1219] : memref<1000000x64xf32, #tpu.memory_space<hbm>> -> memref<1x64xf32, #tpu.memory_space<hbm>>
    %dma_wait3A_1221 = arith.constant 0 : i32
    %dma_wait3A_1222 = arith.constant 0 : i32
    %dma_wait3A_1223 = tpu.memref_slice %arg6[%dma_wait3A_1221, %dma_wait3A_1222] : memref<800x64xf32, #tpu.memory_space<vmem>> -> memref<1x64xf32, #tpu.memory_space<vmem>>
    %dma_wait3A_1224 = arith.constant 0 : i32
    %dma_wait3A_1225 = arith.constant 0 : i32
    %dma_wait3A_1226 = tpu.memref_slice %arg2[%dma_wait3A_1224, %dma_wait3A_1225] : memref<1000000x64xf32, #tpu.memory_space<hbm>> -> memref<1x64xf32, #tpu.memory_space<hbm>>
    tpu.wait_dma2 semaphore(%arg7 : memref<!tpu.dma_semaphore, #tpu.memory_space<semaphore_mem>>) src(%dma_wait3A_1226 : memref<1x64xf32, #tpu.memory_space<hbm>>) dst(%dma_wait3A_1223 : memref<1x64xf32, #tpu.memory_space<vmem>>)
    %dma_wait3A_1227 = arith.constant 0 : i32
    %dma_wait3A_1228 = arith.constant 0 : i32
    %dma_wait3A_1229 = tpu.memref_slice %arg6[%dma_wait3A_1227, %dma_wait3A_1228] : memref<800x64xf32, #tpu.memory_space<vmem>> -> memref<1x64xf32, #tpu.memory_space<vmem>>
    %dma_wait3A_1230 = arith.constant 0 : i32
    %dma_wait3A_1231 = arith.constant 0 : i32
    %dma_wait3A_1232 = tpu.memref_slice %arg2[%dma_wait3A_1230, %dma_wait3A_1231] : memref<1000000x64xf32, #tpu.memory_space<hbm>> -> memref<1x64xf32, #tpu.memory_space<hbm>>
    %dma_wait3A_1233 = arith.constant 0 : i32
    %dma_wait3A_1234 = arith.constant 0 : i32
    %dma_wait3A_1235 = tpu.memref_slice %arg6[%dma_wait3A_1233, %dma_wait3A_1234] : memref<800x64xf32, #tpu.memory_space<vmem>> -> memref<1x64xf32, #tpu.memory_space<vmem>>
    %dma_wait3A_1236 = arith.constant 0 : i32
    %dma_wait3A_1237 = arith.constant 0 : i32
    %dma_wait3A_1238 = tpu.memref_slice %arg2[%dma_wait3A_1236, %dma_wait3A_1237] : memref<1000000x64xf32, #tpu.memory_space<hbm>> -> memref<1x64xf32, #tpu.memory_space<hbm>>
    tpu.wait_dma2 semaphore(%arg7 : memref<!tpu.dma_semaphore, #tpu.memory_space<semaphore_mem>>) src(%dma_wait3A_1238 : memref<1x64xf32, #tpu.memory_space<hbm>>) dst(%dma_wait3A_1235 : memref<1x64xf32, #tpu.memory_space<vmem>>)
    %dma_wait3A_1239 = arith.constant 0 : i32
    %dma_wait3A_1240 = arith.constant 0 : i32
    %dma_wait3A_1241 = tpu.memref_slice %arg6[%dma_wait3A_1239, %dma_wait3A_1240] : memref<800x64xf32, #tpu.memory_space<vmem>> -> memref<1x64xf32, #tpu.memory_space<vmem>>
    %dma_wait3A_1242 = arith.constant 0 : i32
    %dma_wait3A_1243 = arith.constant 0 : i32
    %dma_wait3A_1244 = tpu.memref_slice %arg2[%dma_wait3A_1242, %dma_wait3A_1243] : memref<1000000x64xf32, #tpu.memory_space<hbm>> -> memref<1x64xf32, #tpu.memory_space<hbm>>
    %dma_wait3A_1245 = arith.constant 0 : i32
    %dma_wait3A_1246 = arith.constant 0 : i32
    %dma_wait3A_1247 = tpu.memref_slice %arg6[%dma_wait3A_1245, %dma_wait3A_1246] : memref<800x64xf32, #tpu.memory_space<vmem>> -> memref<1x64xf32, #tpu.memory_space<vmem>>
    %dma_wait3A_1248 = arith.constant 0 : i32
    %dma_wait3A_1249 = arith.constant 0 : i32
    %dma_wait3A_1250 = tpu.memref_slice %arg2[%dma_wait3A_1248, %dma_wait3A_1249] : memref<1000000x64xf32, #tpu.memory_space<hbm>> -> memref<1x64xf32, #tpu.memory_space<hbm>>
    tpu.wait_dma2 semaphore(%arg7 : memref<!tpu.dma_semaphore, #tpu.memory_space<semaphore_mem>>) src(%dma_wait3A_1250 : memref<1x64xf32, #tpu.memory_space<hbm>>) dst(%dma_wait3A_1247 : memref<1x64xf32, #tpu.memory_space<vmem>>)
    %dma_wait3A_1251 = arith.constant 0 : i32
    %dma_wait3A_1252 = arith.constant 0 : i32
    %dma_wait3A_1253 = tpu.memref_slice %arg6[%dma_wait3A_1251, %dma_wait3A_1252] : memref<800x64xf32, #tpu.memory_space<vmem>> -> memref<1x64xf32, #tpu.memory_space<vmem>>
    %dma_wait3A_1254 = arith.constant 0 : i32
    %dma_wait3A_1255 = arith.constant 0 : i32
    %dma_wait3A_1256 = tpu.memref_slice %arg2[%dma_wait3A_1254, %dma_wait3A_1255] : memref<1000000x64xf32, #tpu.memory_space<hbm>> -> memref<1x64xf32, #tpu.memory_space<hbm>>
    %dma_wait3A_1257 = arith.constant 0 : i32
    %dma_wait3A_1258 = arith.constant 0 : i32
    %dma_wait3A_1259 = tpu.memref_slice %arg6[%dma_wait3A_1257, %dma_wait3A_1258] : memref<800x64xf32, #tpu.memory_space<vmem>> -> memref<1x64xf32, #tpu.memory_space<vmem>>
    %dma_wait3A_1260 = arith.constant 0 : i32
    %dma_wait3A_1261 = arith.constant 0 : i32
    %dma_wait3A_1262 = tpu.memref_slice %arg2[%dma_wait3A_1260, %dma_wait3A_1261] : memref<1000000x64xf32, #tpu.memory_space<hbm>> -> memref<1x64xf32, #tpu.memory_space<hbm>>
    tpu.wait_dma2 semaphore(%arg7 : memref<!tpu.dma_semaphore, #tpu.memory_space<semaphore_mem>>) src(%dma_wait3A_1262 : memref<1x64xf32, #tpu.memory_space<hbm>>) dst(%dma_wait3A_1259 : memref<1x64xf32, #tpu.memory_space<vmem>>)
    %dma_wait3A_1263 = arith.constant 0 : i32
    %dma_wait3A_1264 = arith.constant 0 : i32
    %dma_wait3A_1265 = tpu.memref_slice %arg6[%dma_wait3A_1263, %dma_wait3A_1264] : memref<800x64xf32, #tpu.memory_space<vmem>> -> memref<1x64xf32, #tpu.memory_space<vmem>>
    %dma_wait3A_1266 = arith.constant 0 : i32
    %dma_wait3A_1267 = arith.constant 0 : i32
    %dma_wait3A_1268 = tpu.memref_slice %arg2[%dma_wait3A_1266, %dma_wait3A_1267] : memref<1000000x64xf32, #tpu.memory_space<hbm>> -> memref<1x64xf32, #tpu.memory_space<hbm>>
    %dma_wait3A_1269 = arith.constant 0 : i32
    %dma_wait3A_1270 = arith.constant 0 : i32
    %dma_wait3A_1271 = tpu.memref_slice %arg6[%dma_wait3A_1269, %dma_wait3A_1270] : memref<800x64xf32, #tpu.memory_space<vmem>> -> memref<1x64xf32, #tpu.memory_space<vmem>>
    %dma_wait3A_1272 = arith.constant 0 : i32
    %dma_wait3A_1273 = arith.constant 0 : i32
    %dma_wait3A_1274 = tpu.memref_slice %arg2[%dma_wait3A_1272, %dma_wait3A_1273] : memref<1000000x64xf32, #tpu.memory_space<hbm>> -> memref<1x64xf32, #tpu.memory_space<hbm>>
    tpu.wait_dma2 semaphore(%arg7 : memref<!tpu.dma_semaphore, #tpu.memory_space<semaphore_mem>>) src(%dma_wait3A_1274 : memref<1x64xf32, #tpu.memory_space<hbm>>) dst(%dma_wait3A_1271 : memref<1x64xf32, #tpu.memory_space<vmem>>)
    %dma_wait3A_1275 = arith.constant 0 : i32
    %dma_wait3A_1276 = arith.constant 0 : i32
    %dma_wait3A_1277 = tpu.memref_slice %arg6[%dma_wait3A_1275, %dma_wait3A_1276] : memref<800x64xf32, #tpu.memory_space<vmem>> -> memref<1x64xf32, #tpu.memory_space<vmem>>
    %dma_wait3A_1278 = arith.constant 0 : i32
    %dma_wait3A_1279 = arith.constant 0 : i32
    %dma_wait3A_1280 = tpu.memref_slice %arg2[%dma_wait3A_1278, %dma_wait3A_1279] : memref<1000000x64xf32, #tpu.memory_space<hbm>> -> memref<1x64xf32, #tpu.memory_space<hbm>>
    %dma_wait3A_1281 = arith.constant 0 : i32
    %dma_wait3A_1282 = arith.constant 0 : i32
    %dma_wait3A_1283 = tpu.memref_slice %arg6[%dma_wait3A_1281, %dma_wait3A_1282] : memref<800x64xf32, #tpu.memory_space<vmem>> -> memref<1x64xf32, #tpu.memory_space<vmem>>
    %dma_wait3A_1284 = arith.constant 0 : i32
    %dma_wait3A_1285 = arith.constant 0 : i32
    %dma_wait3A_1286 = tpu.memref_slice %arg2[%dma_wait3A_1284, %dma_wait3A_1285] : memref<1000000x64xf32, #tpu.memory_space<hbm>> -> memref<1x64xf32, #tpu.memory_space<hbm>>
    tpu.wait_dma2 semaphore(%arg7 : memref<!tpu.dma_semaphore, #tpu.memory_space<semaphore_mem>>) src(%dma_wait3A_1286 : memref<1x64xf32, #tpu.memory_space<hbm>>) dst(%dma_wait3A_1283 : memref<1x64xf32, #tpu.memory_space<vmem>>)
    %dma_wait3A_1287 = arith.constant 0 : i32
    %dma_wait3A_1288 = arith.constant 0 : i32
    %dma_wait3A_1289 = tpu.memref_slice %arg6[%dma_wait3A_1287, %dma_wait3A_1288] : memref<800x64xf32, #tpu.memory_space<vmem>> -> memref<1x64xf32, #tpu.memory_space<vmem>>
    %dma_wait3A_1290 = arith.constant 0 : i32
    %dma_wait3A_1291 = arith.constant 0 : i32
    %dma_wait3A_1292 = tpu.memref_slice %arg2[%dma_wait3A_1290, %dma_wait3A_1291] : memref<1000000x64xf32, #tpu.memory_space<hbm>> -> memref<1x64xf32, #tpu.memory_space<hbm>>
    %dma_wait3A_1293 = arith.constant 0 : i32
    %dma_wait3A_1294 = arith.constant 0 : i32
    %dma_wait3A_1295 = tpu.memref_slice %arg6[%dma_wait3A_1293, %dma_wait3A_1294] : memref<800x64xf32, #tpu.memory_space<vmem>> -> memref<1x64xf32, #tpu.memory_space<vmem>>
    %dma_wait3A_1296 = arith.constant 0 : i32
    %dma_wait3A_1297 = arith.constant 0 : i32
    %dma_wait3A_1298 = tpu.memref_slice %arg2[%dma_wait3A_1296, %dma_wait3A_1297] : memref<1000000x64xf32, #tpu.memory_space<hbm>> -> memref<1x64xf32, #tpu.memory_space<hbm>>
    tpu.wait_dma2 semaphore(%arg7 : memref<!tpu.dma_semaphore, #tpu.memory_space<semaphore_mem>>) src(%dma_wait3A_1298 : memref<1x64xf32, #tpu.memory_space<hbm>>) dst(%dma_wait3A_1295 : memref<1x64xf32, #tpu.memory_space<vmem>>)
    %dma_wait3A_1299 = arith.constant 0 : i32
    %dma_wait3A_1300 = arith.constant 0 : i32
    %dma_wait3A_1301 = tpu.memref_slice %arg6[%dma_wait3A_1299, %dma_wait3A_1300] : memref<800x64xf32, #tpu.memory_space<vmem>> -> memref<1x64xf32, #tpu.memory_space<vmem>>
    %dma_wait3A_1302 = arith.constant 0 : i32
    %dma_wait3A_1303 = arith.constant 0 : i32
    %dma_wait3A_1304 = tpu.memref_slice %arg2[%dma_wait3A_1302, %dma_wait3A_1303] : memref<1000000x64xf32, #tpu.memory_space<hbm>> -> memref<1x64xf32, #tpu.memory_space<hbm>>
    %dma_wait3A_1305 = arith.constant 0 : i32
    %dma_wait3A_1306 = arith.constant 0 : i32
    %dma_wait3A_1307 = tpu.memref_slice %arg6[%dma_wait3A_1305, %dma_wait3A_1306] : memref<800x64xf32, #tpu.memory_space<vmem>> -> memref<1x64xf32, #tpu.memory_space<vmem>>
    %dma_wait3A_1308 = arith.constant 0 : i32
    %dma_wait3A_1309 = arith.constant 0 : i32
    %dma_wait3A_1310 = tpu.memref_slice %arg2[%dma_wait3A_1308, %dma_wait3A_1309] : memref<1000000x64xf32, #tpu.memory_space<hbm>> -> memref<1x64xf32, #tpu.memory_space<hbm>>
    tpu.wait_dma2 semaphore(%arg7 : memref<!tpu.dma_semaphore, #tpu.memory_space<semaphore_mem>>) src(%dma_wait3A_1310 : memref<1x64xf32, #tpu.memory_space<hbm>>) dst(%dma_wait3A_1307 : memref<1x64xf32, #tpu.memory_space<vmem>>)
    %dma_wait3A_1311 = arith.constant 0 : i32
    %dma_wait3A_1312 = arith.constant 0 : i32
    %dma_wait3A_1313 = tpu.memref_slice %arg6[%dma_wait3A_1311, %dma_wait3A_1312] : memref<800x64xf32, #tpu.memory_space<vmem>> -> memref<1x64xf32, #tpu.memory_space<vmem>>
    %dma_wait3A_1314 = arith.constant 0 : i32
    %dma_wait3A_1315 = arith.constant 0 : i32
    %dma_wait3A_1316 = tpu.memref_slice %arg2[%dma_wait3A_1314, %dma_wait3A_1315] : memref<1000000x64xf32, #tpu.memory_space<hbm>> -> memref<1x64xf32, #tpu.memory_space<hbm>>
    %dma_wait3A_1317 = arith.constant 0 : i32
    %dma_wait3A_1318 = arith.constant 0 : i32
    %dma_wait3A_1319 = tpu.memref_slice %arg6[%dma_wait3A_1317, %dma_wait3A_1318] : memref<800x64xf32, #tpu.memory_space<vmem>> -> memref<1x64xf32, #tpu.memory_space<vmem>>
    %dma_wait3A_1320 = arith.constant 0 : i32
    %dma_wait3A_1321 = arith.constant 0 : i32
    %dma_wait3A_1322 = tpu.memref_slice %arg2[%dma_wait3A_1320, %dma_wait3A_1321] : memref<1000000x64xf32, #tpu.memory_space<hbm>> -> memref<1x64xf32, #tpu.memory_space<hbm>>
    tpu.wait_dma2 semaphore(%arg7 : memref<!tpu.dma_semaphore, #tpu.memory_space<semaphore_mem>>) src(%dma_wait3A_1322 : memref<1x64xf32, #tpu.memory_space<hbm>>) dst(%dma_wait3A_1319 : memref<1x64xf32, #tpu.memory_space<vmem>>)
    %dma_wait3A_1323 = arith.constant 0 : i32
    %dma_wait3A_1324 = arith.constant 0 : i32
    %dma_wait3A_1325 = tpu.memref_slice %arg6[%dma_wait3A_1323, %dma_wait3A_1324] : memref<800x64xf32, #tpu.memory_space<vmem>> -> memref<1x64xf32, #tpu.memory_space<vmem>>
    %dma_wait3A_1326 = arith.constant 0 : i32
    %dma_wait3A_1327 = arith.constant 0 : i32
    %dma_wait3A_1328 = tpu.memref_slice %arg2[%dma_wait3A_1326, %dma_wait3A_1327] : memref<1000000x64xf32, #tpu.memory_space<hbm>> -> memref<1x64xf32, #tpu.memory_space<hbm>>
    %dma_wait3A_1329 = arith.constant 0 : i32
    %dma_wait3A_1330 = arith.constant 0 : i32
    %dma_wait3A_1331 = tpu.memref_slice %arg6[%dma_wait3A_1329, %dma_wait3A_1330] : memref<800x64xf32, #tpu.memory_space<vmem>> -> memref<1x64xf32, #tpu.memory_space<vmem>>
    %dma_wait3A_1332 = arith.constant 0 : i32
    %dma_wait3A_1333 = arith.constant 0 : i32
    %dma_wait3A_1334 = tpu.memref_slice %arg2[%dma_wait3A_1332, %dma_wait3A_1333] : memref<1000000x64xf32, #tpu.memory_space<hbm>> -> memref<1x64xf32, #tpu.memory_space<hbm>>
    tpu.wait_dma2 semaphore(%arg7 : memref<!tpu.dma_semaphore, #tpu.memory_space<semaphore_mem>>) src(%dma_wait3A_1334 : memref<1x64xf32, #tpu.memory_space<hbm>>) dst(%dma_wait3A_1331 : memref<1x64xf32, #tpu.memory_space<vmem>>)
    %dma_wait3A_1335 = arith.constant 0 : i32
    %dma_wait3A_1336 = arith.constant 0 : i32
    %dma_wait3A_1337 = tpu.memref_slice %arg6[%dma_wait3A_1335, %dma_wait3A_1336] : memref<800x64xf32, #tpu.memory_space<vmem>> -> memref<1x64xf32, #tpu.memory_space<vmem>>
    %dma_wait3A_1338 = arith.constant 0 : i32
    %dma_wait3A_1339 = arith.constant 0 : i32
    %dma_wait3A_1340 = tpu.memref_slice %arg2[%dma_wait3A_1338, %dma_wait3A_1339] : memref<1000000x64xf32, #tpu.memory_space<hbm>> -> memref<1x64xf32, #tpu.memory_space<hbm>>
    %dma_wait3A_1341 = arith.constant 0 : i32
    %dma_wait3A_1342 = arith.constant 0 : i32
    %dma_wait3A_1343 = tpu.memref_slice %arg6[%dma_wait3A_1341, %dma_wait3A_1342] : memref<800x64xf32, #tpu.memory_space<vmem>> -> memref<1x64xf32, #tpu.memory_space<vmem>>
    %dma_wait3A_1344 = arith.constant 0 : i32
    %dma_wait3A_1345 = arith.constant 0 : i32
    %dma_wait3A_1346 = tpu.memref_slice %arg2[%dma_wait3A_1344, %dma_wait3A_1345] : memref<1000000x64xf32, #tpu.memory_space<hbm>> -> memref<1x64xf32, #tpu.memory_space<hbm>>
    tpu.wait_dma2 semaphore(%arg7 : memref<!tpu.dma_semaphore, #tpu.memory_space<semaphore_mem>>) src(%dma_wait3A_1346 : memref<1x64xf32, #tpu.memory_space<hbm>>) dst(%dma_wait3A_1343 : memref<1x64xf32, #tpu.memory_space<vmem>>)
    %dma_wait3A_1347 = arith.constant 0 : i32
    %dma_wait3A_1348 = arith.constant 0 : i32
    %dma_wait3A_1349 = tpu.memref_slice %arg6[%dma_wait3A_1347, %dma_wait3A_1348] : memref<800x64xf32, #tpu.memory_space<vmem>> -> memref<1x64xf32, #tpu.memory_space<vmem>>
    %dma_wait3A_1350 = arith.constant 0 : i32
    %dma_wait3A_1351 = arith.constant 0 : i32
    %dma_wait3A_1352 = tpu.memref_slice %arg2[%dma_wait3A_1350, %dma_wait3A_1351] : memref<1000000x64xf32, #tpu.memory_space<hbm>> -> memref<1x64xf32, #tpu.memory_space<hbm>>
    %dma_wait3A_1353 = arith.constant 0 : i32
    %dma_wait3A_1354 = arith.constant 0 : i32
    %dma_wait3A_1355 = tpu.memref_slice %arg6[%dma_wait3A_1353, %dma_wait3A_1354] : memref<800x64xf32, #tpu.memory_space<vmem>> -> memref<1x64xf32, #tpu.memory_space<vmem>>
    %dma_wait3A_1356 = arith.constant 0 : i32
    %dma_wait3A_1357 = arith.constant 0 : i32
    %dma_wait3A_1358 = tpu.memref_slice %arg2[%dma_wait3A_1356, %dma_wait3A_1357] : memref<1000000x64xf32, #tpu.memory_space<hbm>> -> memref<1x64xf32, #tpu.memory_space<hbm>>
    tpu.wait_dma2 semaphore(%arg7 : memref<!tpu.dma_semaphore, #tpu.memory_space<semaphore_mem>>) src(%dma_wait3A_1358 : memref<1x64xf32, #tpu.memory_space<hbm>>) dst(%dma_wait3A_1355 : memref<1x64xf32, #tpu.memory_space<vmem>>)
    %dma_wait3A_1359 = arith.constant 0 : i32
    %dma_wait3A_1360 = arith.constant 0 : i32
    %dma_wait3A_1361 = tpu.memref_slice %arg6[%dma_wait3A_1359, %dma_wait3A_1360] : memref<800x64xf32, #tpu.memory_space<vmem>> -> memref<1x64xf32, #tpu.memory_space<vmem>>
    %dma_wait3A_1362 = arith.constant 0 : i32
    %dma_wait3A_1363 = arith.constant 0 : i32
    %dma_wait3A_1364 = tpu.memref_slice %arg2[%dma_wait3A_1362, %dma_wait3A_1363] : memref<1000000x64xf32, #tpu.memory_space<hbm>> -> memref<1x64xf32, #tpu.memory_space<hbm>>
    %dma_wait3A_1365 = arith.constant 0 : i32
    %dma_wait3A_1366 = arith.constant 0 : i32
    %dma_wait3A_1367 = tpu.memref_slice %arg6[%dma_wait3A_1365, %dma_wait3A_1366] : memref<800x64xf32, #tpu.memory_space<vmem>> -> memref<1x64xf32, #tpu.memory_space<vmem>>
    %dma_wait3A_1368 = arith.constant 0 : i32
    %dma_wait3A_1369 = arith.constant 0 : i32
    %dma_wait3A_1370 = tpu.memref_slice %arg2[%dma_wait3A_1368, %dma_wait3A_1369] : memref<1000000x64xf32, #tpu.memory_space<hbm>> -> memref<1x64xf32, #tpu.memory_space<hbm>>
    tpu.wait_dma2 semaphore(%arg7 : memref<!tpu.dma_semaphore, #tpu.memory_space<semaphore_mem>>) src(%dma_wait3A_1370 : memref<1x64xf32, #tpu.memory_space<hbm>>) dst(%dma_wait3A_1367 : memref<1x64xf32, #tpu.memory_space<vmem>>)
    %dma_wait3A_1371 = arith.constant 0 : i32
    %dma_wait3A_1372 = arith.constant 0 : i32
    %dma_wait3A_1373 = tpu.memref_slice %arg6[%dma_wait3A_1371, %dma_wait3A_1372] : memref<800x64xf32, #tpu.memory_space<vmem>> -> memref<1x64xf32, #tpu.memory_space<vmem>>
    %dma_wait3A_1374 = arith.constant 0 : i32
    %dma_wait3A_1375 = arith.constant 0 : i32
    %dma_wait3A_1376 = tpu.memref_slice %arg2[%dma_wait3A_1374, %dma_wait3A_1375] : memref<1000000x64xf32, #tpu.memory_space<hbm>> -> memref<1x64xf32, #tpu.memory_space<hbm>>
    %dma_wait3A_1377 = arith.constant 0 : i32
    %dma_wait3A_1378 = arith.constant 0 : i32
    %dma_wait3A_1379 = tpu.memref_slice %arg6[%dma_wait3A_1377, %dma_wait3A_1378] : memref<800x64xf32, #tpu.memory_space<vmem>> -> memref<1x64xf32, #tpu.memory_space<vmem>>
    %dma_wait3A_1380 = arith.constant 0 : i32
    %dma_wait3A_1381 = arith.constant 0 : i32
    %dma_wait3A_1382 = tpu.memref_slice %arg2[%dma_wait3A_1380, %dma_wait3A_1381] : memref<1000000x64xf32, #tpu.memory_space<hbm>> -> memref<1x64xf32, #tpu.memory_space<hbm>>
    tpu.wait_dma2 semaphore(%arg7 : memref<!tpu.dma_semaphore, #tpu.memory_space<semaphore_mem>>) src(%dma_wait3A_1382 : memref<1x64xf32, #tpu.memory_space<hbm>>) dst(%dma_wait3A_1379 : memref<1x64xf32, #tpu.memory_space<vmem>>)
    %dma_wait3A_1383 = arith.constant 0 : i32
    %dma_wait3A_1384 = arith.constant 0 : i32
    %dma_wait3A_1385 = tpu.memref_slice %arg6[%dma_wait3A_1383, %dma_wait3A_1384] : memref<800x64xf32, #tpu.memory_space<vmem>> -> memref<1x64xf32, #tpu.memory_space<vmem>>
    %dma_wait3A_1386 = arith.constant 0 : i32
    %dma_wait3A_1387 = arith.constant 0 : i32
    %dma_wait3A_1388 = tpu.memref_slice %arg2[%dma_wait3A_1386, %dma_wait3A_1387] : memref<1000000x64xf32, #tpu.memory_space<hbm>> -> memref<1x64xf32, #tpu.memory_space<hbm>>
    %dma_wait3A_1389 = arith.constant 0 : i32
    %dma_wait3A_1390 = arith.constant 0 : i32
    %dma_wait3A_1391 = tpu.memref_slice %arg6[%dma_wait3A_1389, %dma_wait3A_1390] : memref<800x64xf32, #tpu.memory_space<vmem>> -> memref<1x64xf32, #tpu.memory_space<vmem>>
    %dma_wait3A_1392 = arith.constant 0 : i32
    %dma_wait3A_1393 = arith.constant 0 : i32
    %dma_wait3A_1394 = tpu.memref_slice %arg2[%dma_wait3A_1392, %dma_wait3A_1393] : memref<1000000x64xf32, #tpu.memory_space<hbm>> -> memref<1x64xf32, #tpu.memory_space<hbm>>
    tpu.wait_dma2 semaphore(%arg7 : memref<!tpu.dma_semaphore, #tpu.memory_space<semaphore_mem>>) src(%dma_wait3A_1394 : memref<1x64xf32, #tpu.memory_space<hbm>>) dst(%dma_wait3A_1391 : memref<1x64xf32, #tpu.memory_space<vmem>>)
    %dma_wait3A_1395 = arith.constant 0 : i32
    %dma_wait3A_1396 = arith.constant 0 : i32
    %dma_wait3A_1397 = tpu.memref_slice %arg6[%dma_wait3A_1395, %dma_wait3A_1396] : memref<800x64xf32, #tpu.memory_space<vmem>> -> memref<1x64xf32, #tpu.memory_space<vmem>>
    %dma_wait3A_1398 = arith.constant 0 : i32
    %dma_wait3A_1399 = arith.constant 0 : i32
    %dma_wait3A_1400 = tpu.memref_slice %arg2[%dma_wait3A_1398, %dma_wait3A_1399] : memref<1000000x64xf32, #tpu.memory_space<hbm>> -> memref<1x64xf32, #tpu.memory_space<hbm>>
    %dma_wait3A_1401 = arith.constant 0 : i32
    %dma_wait3A_1402 = arith.constant 0 : i32
    %dma_wait3A_1403 = tpu.memref_slice %arg6[%dma_wait3A_1401, %dma_wait3A_1402] : memref<800x64xf32, #tpu.memory_space<vmem>> -> memref<1x64xf32, #tpu.memory_space<vmem>>
    %dma_wait3A_1404 = arith.constant 0 : i32
    %dma_wait3A_1405 = arith.constant 0 : i32
    %dma_wait3A_1406 = tpu.memref_slice %arg2[%dma_wait3A_1404, %dma_wait3A_1405] : memref<1000000x64xf32, #tpu.memory_space<hbm>> -> memref<1x64xf32, #tpu.memory_space<hbm>>
    tpu.wait_dma2 semaphore(%arg7 : memref<!tpu.dma_semaphore, #tpu.memory_space<semaphore_mem>>) src(%dma_wait3A_1406 : memref<1x64xf32, #tpu.memory_space<hbm>>) dst(%dma_wait3A_1403 : memref<1x64xf32, #tpu.memory_space<vmem>>)
    %dma_wait3A_1407 = arith.constant 0 : i32
    %dma_wait3A_1408 = arith.constant 0 : i32
    %dma_wait3A_1409 = tpu.memref_slice %arg6[%dma_wait3A_1407, %dma_wait3A_1408] : memref<800x64xf32, #tpu.memory_space<vmem>> -> memref<1x64xf32, #tpu.memory_space<vmem>>
    %dma_wait3A_1410 = arith.constant 0 : i32
    %dma_wait3A_1411 = arith.constant 0 : i32
    %dma_wait3A_1412 = tpu.memref_slice %arg2[%dma_wait3A_1410, %dma_wait3A_1411] : memref<1000000x64xf32, #tpu.memory_space<hbm>> -> memref<1x64xf32, #tpu.memory_space<hbm>>
    %dma_wait3A_1413 = arith.constant 0 : i32
    %dma_wait3A_1414 = arith.constant 0 : i32
    %dma_wait3A_1415 = tpu.memref_slice %arg6[%dma_wait3A_1413, %dma_wait3A_1414] : memref<800x64xf32, #tpu.memory_space<vmem>> -> memref<1x64xf32, #tpu.memory_space<vmem>>
    %dma_wait3A_1416 = arith.constant 0 : i32
    %dma_wait3A_1417 = arith.constant 0 : i32
    %dma_wait3A_1418 = tpu.memref_slice %arg2[%dma_wait3A_1416, %dma_wait3A_1417] : memref<1000000x64xf32, #tpu.memory_space<hbm>> -> memref<1x64xf32, #tpu.memory_space<hbm>>
    tpu.wait_dma2 semaphore(%arg7 : memref<!tpu.dma_semaphore, #tpu.memory_space<semaphore_mem>>) src(%dma_wait3A_1418 : memref<1x64xf32, #tpu.memory_space<hbm>>) dst(%dma_wait3A_1415 : memref<1x64xf32, #tpu.memory_space<vmem>>)
    %dma_wait3A_1419 = arith.constant 0 : i32
    %dma_wait3A_1420 = arith.constant 0 : i32
    %dma_wait3A_1421 = tpu.memref_slice %arg6[%dma_wait3A_1419, %dma_wait3A_1420] : memref<800x64xf32, #tpu.memory_space<vmem>> -> memref<1x64xf32, #tpu.memory_space<vmem>>
    %dma_wait3A_1422 = arith.constant 0 : i32
    %dma_wait3A_1423 = arith.constant 0 : i32
    %dma_wait3A_1424 = tpu.memref_slice %arg2[%dma_wait3A_1422, %dma_wait3A_1423] : memref<1000000x64xf32, #tpu.memory_space<hbm>> -> memref<1x64xf32, #tpu.memory_space<hbm>>
    %dma_wait3A_1425 = arith.constant 0 : i32
    %dma_wait3A_1426 = arith.constant 0 : i32
    %dma_wait3A_1427 = tpu.memref_slice %arg6[%dma_wait3A_1425, %dma_wait3A_1426] : memref<800x64xf32, #tpu.memory_space<vmem>> -> memref<1x64xf32, #tpu.memory_space<vmem>>
    %dma_wait3A_1428 = arith.constant 0 : i32
    %dma_wait3A_1429 = arith.constant 0 : i32
    %dma_wait3A_1430 = tpu.memref_slice %arg2[%dma_wait3A_1428, %dma_wait3A_1429] : memref<1000000x64xf32, #tpu.memory_space<hbm>> -> memref<1x64xf32, #tpu.memory_space<hbm>>
    tpu.wait_dma2 semaphore(%arg7 : memref<!tpu.dma_semaphore, #tpu.memory_space<semaphore_mem>>) src(%dma_wait3A_1430 : memref<1x64xf32, #tpu.memory_space<hbm>>) dst(%dma_wait3A_1427 : memref<1x64xf32, #tpu.memory_space<vmem>>)
    %dma_wait3A_1431 = arith.constant 0 : i32
    %dma_wait3A_1432 = arith.constant 0 : i32
    %dma_wait3A_1433 = tpu.memref_slice %arg6[%dma_wait3A_1431, %dma_wait3A_1432] : memref<800x64xf32, #tpu.memory_space<vmem>> -> memref<1x64xf32, #tpu.memory_space<vmem>>
    %dma_wait3A_1434 = arith.constant 0 : i32
    %dma_wait3A_1435 = arith.constant 0 : i32
    %dma_wait3A_1436 = tpu.memref_slice %arg2[%dma_wait3A_1434, %dma_wait3A_1435] : memref<1000000x64xf32, #tpu.memory_space<hbm>> -> memref<1x64xf32, #tpu.memory_space<hbm>>
    %dma_wait3A_1437 = arith.constant 0 : i32
    %dma_wait3A_1438 = arith.constant 0 : i32
    %dma_wait3A_1439 = tpu.memref_slice %arg6[%dma_wait3A_1437, %dma_wait3A_1438] : memref<800x64xf32, #tpu.memory_space<vmem>> -> memref<1x64xf32, #tpu.memory_space<vmem>>
    %dma_wait3A_1440 = arith.constant 0 : i32
    %dma_wait3A_1441 = arith.constant 0 : i32
    %dma_wait3A_1442 = tpu.memref_slice %arg2[%dma_wait3A_1440, %dma_wait3A_1441] : memref<1000000x64xf32, #tpu.memory_space<hbm>> -> memref<1x64xf32, #tpu.memory_space<hbm>>
    tpu.wait_dma2 semaphore(%arg7 : memref<!tpu.dma_semaphore, #tpu.memory_space<semaphore_mem>>) src(%dma_wait3A_1442 : memref<1x64xf32, #tpu.memory_space<hbm>>) dst(%dma_wait3A_1439 : memref<1x64xf32, #tpu.memory_space<vmem>>)
    %dma_wait3A_1443 = arith.constant 0 : i32
    %dma_wait3A_1444 = arith.constant 0 : i32
    %dma_wait3A_1445 = tpu.memref_slice %arg6[%dma_wait3A_1443, %dma_wait3A_1444] : memref<800x64xf32, #tpu.memory_space<vmem>> -> memref<1x64xf32, #tpu.memory_space<vmem>>
    %dma_wait3A_1446 = arith.constant 0 : i32
    %dma_wait3A_1447 = arith.constant 0 : i32
    %dma_wait3A_1448 = tpu.memref_slice %arg2[%dma_wait3A_1446, %dma_wait3A_1447] : memref<1000000x64xf32, #tpu.memory_space<hbm>> -> memref<1x64xf32, #tpu.memory_space<hbm>>
    %dma_wait3A_1449 = arith.constant 0 : i32
    %dma_wait3A_1450 = arith.constant 0 : i32
    %dma_wait3A_1451 = tpu.memref_slice %arg6[%dma_wait3A_1449, %dma_wait3A_1450] : memref<800x64xf32, #tpu.memory_space<vmem>> -> memref<1x64xf32, #tpu.memory_space<vmem>>
    %dma_wait3A_1452 = arith.constant 0 : i32
    %dma_wait3A_1453 = arith.constant 0 : i32
    %dma_wait3A_1454 = tpu.memref_slice %arg2[%dma_wait3A_1452, %dma_wait3A_1453] : memref<1000000x64xf32, #tpu.memory_space<hbm>> -> memref<1x64xf32, #tpu.memory_space<hbm>>
    tpu.wait_dma2 semaphore(%arg7 : memref<!tpu.dma_semaphore, #tpu.memory_space<semaphore_mem>>) src(%dma_wait3A_1454 : memref<1x64xf32, #tpu.memory_space<hbm>>) dst(%dma_wait3A_1451 : memref<1x64xf32, #tpu.memory_space<vmem>>)
    %dma_wait3A_1455 = arith.constant 0 : i32
    %dma_wait3A_1456 = arith.constant 0 : i32
    %dma_wait3A_1457 = tpu.memref_slice %arg6[%dma_wait3A_1455, %dma_wait3A_1456] : memref<800x64xf32, #tpu.memory_space<vmem>> -> memref<1x64xf32, #tpu.memory_space<vmem>>
    %dma_wait3A_1458 = arith.constant 0 : i32
    %dma_wait3A_1459 = arith.constant 0 : i32
    %dma_wait3A_1460 = tpu.memref_slice %arg2[%dma_wait3A_1458, %dma_wait3A_1459] : memref<1000000x64xf32, #tpu.memory_space<hbm>> -> memref<1x64xf32, #tpu.memory_space<hbm>>
    %dma_wait3A_1461 = arith.constant 0 : i32
    %dma_wait3A_1462 = arith.constant 0 : i32
    %dma_wait3A_1463 = tpu.memref_slice %arg6[%dma_wait3A_1461, %dma_wait3A_1462] : memref<800x64xf32, #tpu.memory_space<vmem>> -> memref<1x64xf32, #tpu.memory_space<vmem>>
    %dma_wait3A_1464 = arith.constant 0 : i32
    %dma_wait3A_1465 = arith.constant 0 : i32
    %dma_wait3A_1466 = tpu.memref_slice %arg2[%dma_wait3A_1464, %dma_wait3A_1465] : memref<1000000x64xf32, #tpu.memory_space<hbm>> -> memref<1x64xf32, #tpu.memory_space<hbm>>
    tpu.wait_dma2 semaphore(%arg7 : memref<!tpu.dma_semaphore, #tpu.memory_space<semaphore_mem>>) src(%dma_wait3A_1466 : memref<1x64xf32, #tpu.memory_space<hbm>>) dst(%dma_wait3A_1463 : memref<1x64xf32, #tpu.memory_space<vmem>>)
    %dma_wait3A_1467 = arith.constant 0 : i32
    %dma_wait3A_1468 = arith.constant 0 : i32
    %dma_wait3A_1469 = tpu.memref_slice %arg6[%dma_wait3A_1467, %dma_wait3A_1468] : memref<800x64xf32, #tpu.memory_space<vmem>> -> memref<1x64xf32, #tpu.memory_space<vmem>>
    %dma_wait3A_1470 = arith.constant 0 : i32
    %dma_wait3A_1471 = arith.constant 0 : i32
    %dma_wait3A_1472 = tpu.memref_slice %arg2[%dma_wait3A_1470, %dma_wait3A_1471] : memref<1000000x64xf32, #tpu.memory_space<hbm>> -> memref<1x64xf32, #tpu.memory_space<hbm>>
    %dma_wait3A_1473 = arith.constant 0 : i32
    %dma_wait3A_1474 = arith.constant 0 : i32
    %dma_wait3A_1475 = tpu.memref_slice %arg6[%dma_wait3A_1473, %dma_wait3A_1474] : memref<800x64xf32, #tpu.memory_space<vmem>> -> memref<1x64xf32, #tpu.memory_space<vmem>>
    %dma_wait3A_1476 = arith.constant 0 : i32
    %dma_wait3A_1477 = arith.constant 0 : i32
    %dma_wait3A_1478 = tpu.memref_slice %arg2[%dma_wait3A_1476, %dma_wait3A_1477] : memref<1000000x64xf32, #tpu.memory_space<hbm>> -> memref<1x64xf32, #tpu.memory_space<hbm>>
    tpu.wait_dma2 semaphore(%arg7 : memref<!tpu.dma_semaphore, #tpu.memory_space<semaphore_mem>>) src(%dma_wait3A_1478 : memref<1x64xf32, #tpu.memory_space<hbm>>) dst(%dma_wait3A_1475 : memref<1x64xf32, #tpu.memory_space<vmem>>)
    %dma_wait3A_1479 = arith.constant 0 : i32
    %dma_wait3A_1480 = arith.constant 0 : i32
    %dma_wait3A_1481 = tpu.memref_slice %arg6[%dma_wait3A_1479, %dma_wait3A_1480] : memref<800x64xf32, #tpu.memory_space<vmem>> -> memref<1x64xf32, #tpu.memory_space<vmem>>
    %dma_wait3A_1482 = arith.constant 0 : i32
    %dma_wait3A_1483 = arith.constant 0 : i32
    %dma_wait3A_1484 = tpu.memref_slice %arg2[%dma_wait3A_1482, %dma_wait3A_1483] : memref<1000000x64xf32, #tpu.memory_space<hbm>> -> memref<1x64xf32, #tpu.memory_space<hbm>>
    %dma_wait3A_1485 = arith.constant 0 : i32
    %dma_wait3A_1486 = arith.constant 0 : i32
    %dma_wait3A_1487 = tpu.memref_slice %arg6[%dma_wait3A_1485, %dma_wait3A_1486] : memref<800x64xf32, #tpu.memory_space<vmem>> -> memref<1x64xf32, #tpu.memory_space<vmem>>
    %dma_wait3A_1488 = arith.constant 0 : i32
    %dma_wait3A_1489 = arith.constant 0 : i32
    %dma_wait3A_1490 = tpu.memref_slice %arg2[%dma_wait3A_1488, %dma_wait3A_1489] : memref<1000000x64xf32, #tpu.memory_space<hbm>> -> memref<1x64xf32, #tpu.memory_space<hbm>>
    tpu.wait_dma2 semaphore(%arg7 : memref<!tpu.dma_semaphore, #tpu.memory_space<semaphore_mem>>) src(%dma_wait3A_1490 : memref<1x64xf32, #tpu.memory_space<hbm>>) dst(%dma_wait3A_1487 : memref<1x64xf32, #tpu.memory_space<vmem>>)
    %dma_wait3A_1491 = arith.constant 0 : i32
    %dma_wait3A_1492 = arith.constant 0 : i32
    %dma_wait3A_1493 = tpu.memref_slice %arg6[%dma_wait3A_1491, %dma_wait3A_1492] : memref<800x64xf32, #tpu.memory_space<vmem>> -> memref<1x64xf32, #tpu.memory_space<vmem>>
    %dma_wait3A_1494 = arith.constant 0 : i32
    %dma_wait3A_1495 = arith.constant 0 : i32
    %dma_wait3A_1496 = tpu.memref_slice %arg2[%dma_wait3A_1494, %dma_wait3A_1495] : memref<1000000x64xf32, #tpu.memory_space<hbm>> -> memref<1x64xf32, #tpu.memory_space<hbm>>
    %dma_wait3A_1497 = arith.constant 0 : i32
    %dma_wait3A_1498 = arith.constant 0 : i32
    %dma_wait3A_1499 = tpu.memref_slice %arg6[%dma_wait3A_1497, %dma_wait3A_1498] : memref<800x64xf32, #tpu.memory_space<vmem>> -> memref<1x64xf32, #tpu.memory_space<vmem>>
    %dma_wait3A_1500 = arith.constant 0 : i32
    %dma_wait3A_1501 = arith.constant 0 : i32
    %dma_wait3A_1502 = tpu.memref_slice %arg2[%dma_wait3A_1500, %dma_wait3A_1501] : memref<1000000x64xf32, #tpu.memory_space<hbm>> -> memref<1x64xf32, #tpu.memory_space<hbm>>
    tpu.wait_dma2 semaphore(%arg7 : memref<!tpu.dma_semaphore, #tpu.memory_space<semaphore_mem>>) src(%dma_wait3A_1502 : memref<1x64xf32, #tpu.memory_space<hbm>>) dst(%dma_wait3A_1499 : memref<1x64xf32, #tpu.memory_space<vmem>>)
    %dma_wait3A_1503 = arith.constant 0 : i32
    %dma_wait3A_1504 = arith.constant 0 : i32
    %dma_wait3A_1505 = tpu.memref_slice %arg6[%dma_wait3A_1503, %dma_wait3A_1504] : memref<800x64xf32, #tpu.memory_space<vmem>> -> memref<1x64xf32, #tpu.memory_space<vmem>>
    %dma_wait3A_1506 = arith.constant 0 : i32
    %dma_wait3A_1507 = arith.constant 0 : i32
    %dma_wait3A_1508 = tpu.memref_slice %arg2[%dma_wait3A_1506, %dma_wait3A_1507] : memref<1000000x64xf32, #tpu.memory_space<hbm>> -> memref<1x64xf32, #tpu.memory_space<hbm>>
    %dma_wait3A_1509 = arith.constant 0 : i32
    %dma_wait3A_1510 = arith.constant 0 : i32
    %dma_wait3A_1511 = tpu.memref_slice %arg6[%dma_wait3A_1509, %dma_wait3A_1510] : memref<800x64xf32, #tpu.memory_space<vmem>> -> memref<1x64xf32, #tpu.memory_space<vmem>>
    %dma_wait3A_1512 = arith.constant 0 : i32
    %dma_wait3A_1513 = arith.constant 0 : i32
    %dma_wait3A_1514 = tpu.memref_slice %arg2[%dma_wait3A_1512, %dma_wait3A_1513] : memref<1000000x64xf32, #tpu.memory_space<hbm>> -> memref<1x64xf32, #tpu.memory_space<hbm>>
    tpu.wait_dma2 semaphore(%arg7 : memref<!tpu.dma_semaphore, #tpu.memory_space<semaphore_mem>>) src(%dma_wait3A_1514 : memref<1x64xf32, #tpu.memory_space<hbm>>) dst(%dma_wait3A_1511 : memref<1x64xf32, #tpu.memory_space<vmem>>)
    %dma_wait3A_1515 = arith.constant 0 : i32
    %dma_wait3A_1516 = arith.constant 0 : i32
    %dma_wait3A_1517 = tpu.memref_slice %arg6[%dma_wait3A_1515, %dma_wait3A_1516] : memref<800x64xf32, #tpu.memory_space<vmem>> -> memref<1x64xf32, #tpu.memory_space<vmem>>
    %dma_wait3A_1518 = arith.constant 0 : i32
    %dma_wait3A_1519 = arith.constant 0 : i32
    %dma_wait3A_1520 = tpu.memref_slice %arg2[%dma_wait3A_1518, %dma_wait3A_1519] : memref<1000000x64xf32, #tpu.memory_space<hbm>> -> memref<1x64xf32, #tpu.memory_space<hbm>>
    %dma_wait3A_1521 = arith.constant 0 : i32
    %dma_wait3A_1522 = arith.constant 0 : i32
    %dma_wait3A_1523 = tpu.memref_slice %arg6[%dma_wait3A_1521, %dma_wait3A_1522] : memref<800x64xf32, #tpu.memory_space<vmem>> -> memref<1x64xf32, #tpu.memory_space<vmem>>
    %dma_wait3A_1524 = arith.constant 0 : i32
    %dma_wait3A_1525 = arith.constant 0 : i32
    %dma_wait3A_1526 = tpu.memref_slice %arg2[%dma_wait3A_1524, %dma_wait3A_1525] : memref<1000000x64xf32, #tpu.memory_space<hbm>> -> memref<1x64xf32, #tpu.memory_space<hbm>>
    tpu.wait_dma2 semaphore(%arg7 : memref<!tpu.dma_semaphore, #tpu.memory_space<semaphore_mem>>) src(%dma_wait3A_1526 : memref<1x64xf32, #tpu.memory_space<hbm>>) dst(%dma_wait3A_1523 : memref<1x64xf32, #tpu.memory_space<vmem>>)
    %dma_wait3A_1527 = arith.constant 0 : i32
    %dma_wait3A_1528 = arith.constant 0 : i32
    %dma_wait3A_1529 = tpu.memref_slice %arg6[%dma_wait3A_1527, %dma_wait3A_1528] : memref<800x64xf32, #tpu.memory_space<vmem>> -> memref<1x64xf32, #tpu.memory_space<vmem>>
    %dma_wait3A_1530 = arith.constant 0 : i32
    %dma_wait3A_1531 = arith.constant 0 : i32
    %dma_wait3A_1532 = tpu.memref_slice %arg2[%dma_wait3A_1530, %dma_wait3A_1531] : memref<1000000x64xf32, #tpu.memory_space<hbm>> -> memref<1x64xf32, #tpu.memory_space<hbm>>
    %dma_wait3A_1533 = arith.constant 0 : i32
    %dma_wait3A_1534 = arith.constant 0 : i32
    %dma_wait3A_1535 = tpu.memref_slice %arg6[%dma_wait3A_1533, %dma_wait3A_1534] : memref<800x64xf32, #tpu.memory_space<vmem>> -> memref<1x64xf32, #tpu.memory_space<vmem>>
    %dma_wait3A_1536 = arith.constant 0 : i32
    %dma_wait3A_1537 = arith.constant 0 : i32
    %dma_wait3A_1538 = tpu.memref_slice %arg2[%dma_wait3A_1536, %dma_wait3A_1537] : memref<1000000x64xf32, #tpu.memory_space<hbm>> -> memref<1x64xf32, #tpu.memory_space<hbm>>
    tpu.wait_dma2 semaphore(%arg7 : memref<!tpu.dma_semaphore, #tpu.memory_space<semaphore_mem>>) src(%dma_wait3A_1538 : memref<1x64xf32, #tpu.memory_space<hbm>>) dst(%dma_wait3A_1535 : memref<1x64xf32, #tpu.memory_space<vmem>>)
    %dma_wait3A_1539 = arith.constant 0 : i32
    %dma_wait3A_1540 = arith.constant 0 : i32
    %dma_wait3A_1541 = tpu.memref_slice %arg6[%dma_wait3A_1539, %dma_wait3A_1540] : memref<800x64xf32, #tpu.memory_space<vmem>> -> memref<1x64xf32, #tpu.memory_space<vmem>>
    %dma_wait3A_1542 = arith.constant 0 : i32
    %dma_wait3A_1543 = arith.constant 0 : i32
    %dma_wait3A_1544 = tpu.memref_slice %arg2[%dma_wait3A_1542, %dma_wait3A_1543] : memref<1000000x64xf32, #tpu.memory_space<hbm>> -> memref<1x64xf32, #tpu.memory_space<hbm>>
    %dma_wait3A_1545 = arith.constant 0 : i32
    %dma_wait3A_1546 = arith.constant 0 : i32
    %dma_wait3A_1547 = tpu.memref_slice %arg6[%dma_wait3A_1545, %dma_wait3A_1546] : memref<800x64xf32, #tpu.memory_space<vmem>> -> memref<1x64xf32, #tpu.memory_space<vmem>>
    %dma_wait3A_1548 = arith.constant 0 : i32
    %dma_wait3A_1549 = arith.constant 0 : i32
    %dma_wait3A_1550 = tpu.memref_slice %arg2[%dma_wait3A_1548, %dma_wait3A_1549] : memref<1000000x64xf32, #tpu.memory_space<hbm>> -> memref<1x64xf32, #tpu.memory_space<hbm>>
    tpu.wait_dma2 semaphore(%arg7 : memref<!tpu.dma_semaphore, #tpu.memory_space<semaphore_mem>>) src(%dma_wait3A_1550 : memref<1x64xf32, #tpu.memory_space<hbm>>) dst(%dma_wait3A_1547 : memref<1x64xf32, #tpu.memory_space<vmem>>)
    "tpu.region"() ({
      %run_scoped3A = tpu.sem_alloc : memref<!tpu.dma_semaphore, #tpu.memory_space<semaphore_mem>>
      %dma_start3A = arith.constant 0 : i32
      %dma_start3A_1551 = tpu.memref_slice %arg4[%add3A_777, %dma_start3A] : memref<51200x64xf32, #tpu.memory_space<hbm>> -> memref<800x64xf32, #tpu.memory_space<hbm>>
      %dma_start3A_1552 = arith.constant 0 : i32
      %dma_start3A_1553 = tpu.memref_slice %arg4[%add3A_777, %dma_start3A_1552] : memref<51200x64xf32, #tpu.memory_space<hbm>> -> memref<800x64xf32, #tpu.memory_space<hbm>>
      tpu.enqueue_dma source(%arg6 : memref<800x64xf32, #tpu.memory_space<vmem>>) target(%dma_start3A_1553 : memref<800x64xf32, #tpu.memory_space<hbm>>) target_semaphore(%run_scoped3A : memref<!tpu.dma_semaphore, #tpu.memory_space<semaphore_mem>>)
      %dma_wait3A_1554 = arith.constant 0 : i32
      %dma_wait3A_1555 = tpu.memref_slice %arg4[%add3A_777, %dma_wait3A_1554] : memref<51200x64xf32, #tpu.memory_space<hbm>> -> memref<800x64xf32, #tpu.memory_space<hbm>>
      %dma_wait3A_1556 = arith.constant 0 : i32
      %dma_wait3A_1557 = tpu.memref_slice %arg4[%add3A_777, %dma_wait3A_1556] : memref<51200x64xf32, #tpu.memory_space<hbm>> -> memref<800x64xf32, #tpu.memory_space<hbm>>
      tpu.wait_dma2 semaphore(%run_scoped3A : memref<!tpu.dma_semaphore, #tpu.memory_space<semaphore_mem>>) src(%arg6 : memref<800x64xf32, #tpu.memory_space<vmem>>) dst(%dma_wait3A_1557 : memref<800x64xf32, #tpu.memory_space<hbm>>)
      tpu.yield
    }) : () -> ()
    return
  }
}

module attributes {stable_mosaic.version = 14 : i64} {
  func.func @_gru_t_body(%arg0: i32, %arg1: memref<10x1024x64xf32, #tpu.memory_space<vmem>>, %arg2: memref<64x192xf32, #tpu.memory_space<vmem>>, %arg3: memref<64x192xf32, #tpu.memory_space<vmem>>, %arg4: memref<192x1xf32, #tpu.memory_space<vmem>>, %arg5: memref<192x1xf32, #tpu.memory_space<vmem>>, %arg6: memref<10x64x1024xf32, #tpu.memory_space<vmem>>, %arg7: memref<64x1024xf32, #tpu.memory_space<vmem>>) attributes {dimension_semantics = [#tpu.dimension_semantics<arbitrary>], iteration_bounds = array<i64: 5>, scalar_prefetch = 0 : i64, scratch_operands = 1 : i64, tpu.core_type = #tpu.core_type<tc>, window_params = [{transform_indices = @transform_0, window_bounds = array<i64: 10, 1024, 64>}, {pipeline_mode = #tpu.pipeline_mode<synchronous>, transform_indices = @transform_1, window_bounds = array<i64: 64, 192>}, {pipeline_mode = #tpu.pipeline_mode<synchronous>, transform_indices = @transform_2, window_bounds = array<i64: 64, 192>}, {pipeline_mode = #tpu.pipeline_mode<synchronous>, transform_indices = @transform_3, window_bounds = array<i64: 192, 1>}, {pipeline_mode = #tpu.pipeline_mode<synchronous>, transform_indices = @transform_4, window_bounds = array<i64: 192, 1>}, {transform_indices = @transform_5, window_bounds = array<i64: 10, 64, 1024>}]} {
    %get3A = arith.constant 0 : index
    %get3A_0 = arith.constant 0 : index
    %get3A_1 = vector.load %arg2[%get3A, %get3A_0] : memref<64x192xf32, #tpu.memory_space<vmem>>, vector<64x192xf32>
    %get3A_2 = arith.constant 0 : index
    %get3A_3 = arith.constant 0 : index
    %get3A_4 = vector.load %arg3[%get3A_2, %get3A_3] : memref<64x192xf32, #tpu.memory_space<vmem>>, vector<64x192xf32>
    %get3A_5 = arith.constant 0 : index
    %get3A_6 = arith.constant 0 : index
    %get3A_7 = vector.load %arg4[%get3A_5, %get3A_6] : memref<192x1xf32, #tpu.memory_space<vmem>>, vector<192x1xf32>
    %get3A_8 = arith.constant 0 : index
    %get3A_9 = arith.constant 0 : index
    %get3A_10 = vector.load %arg5[%get3A_8, %get3A_9] : memref<192x1xf32, #tpu.memory_space<vmem>>, vector<192x1xf32>
    %eq3A = arith.constant 0 : i32
    %eq3A_11 = arith.cmpi eq, %arg0, %eq3A : i32
    %convert_element_type3A = arith.extui %eq3A_11 : i1 to i32
    %cond3A = arith.constant 0 : i32
    %cond3A_12 = arith.cmpi ne, %convert_element_type3A, %cond3A : i32
    scf.if %cond3A_12 {
      %broadcast_in_dim3A = arith.constant 0.000000e+00 : f32
      %broadcast_in_dim3A_491 = vector.broadcast %broadcast_in_dim3A : f32 to vector<64x1024xf32>
      %swap3A_492 = arith.constant 0 : index
      %swap3A_493 = arith.constant 0 : index
      %swap3A_494 = vector.load %arg7[%swap3A_492, %swap3A_493] : memref<64x1024xf32, #tpu.memory_space<vmem>>, vector<64x1024xf32>
      tpu.vector_store %arg7[%swap3A_492, %swap3A_493], %broadcast_in_dim3A_491 {strides = array<i32>} : memref<64x1024xf32, #tpu.memory_space<vmem>>, vector<64x1024xf32>,
    } else {
    }
    %get3A_13 = arith.constant 0 : index
    %get3A_14 = arith.constant 0 : index
    %get3A_15 = vector.load %arg7[%get3A_13, %get3A_14] : memref<64x1024xf32, #tpu.memory_space<vmem>>, vector<64x1024xf32>
    %get3A_16 = arith.constant 0 : index
    %get3A_17 = arith.constant 0 : index
    %get3A_18 = arith.constant 0 : index
    %get3A_19 = vector.load %arg1[%get3A_16, %get3A_17, %get3A_18] : memref<10x1024x64xf32, #tpu.memory_space<vmem>>, vector<1x1024x64xf32>
    %get3A_20 = vector.shape_cast %get3A_19 : vector<1x1024x64xf32> to vector<1024x64xf32>
    %dot_general3A = arith.constant dense<0.000000e+00> : vector<192x1024xf32>
    %dot_general3A_21 = tpu.matmul %get3A_1, %get3A_20, %dot_general3A {dimension_numbers = #tpu.dot_dimension_numbers<[0], [1], [1], [0], [0, 1, 1, 0], [], []>, transpose_lhs_hint = false} : vector<64x192xf32>, vector<1024x64xf32>, vector<192x1024xf32> -> vector<192x1024xf32>
    %add3A = vector.broadcast %get3A_7 : vector<192x1xf32> to vector<192x1024xf32>
    %add3A_22 = arith.addf %dot_general3A_21, %add3A : vector<192x1024xf32>
    %dot_general3A_23 = arith.constant dense<0.000000e+00> : vector<192x1024xf32>
    %dot_general3A_24 = tpu.matmul %get3A_4, %get3A_15, %dot_general3A_23 {dimension_numbers = #tpu.dot_dimension_numbers<[0], [0], [1], [1], [0, 1, 1, 1], [], []>, transpose_lhs_hint = false} : vector<64x192xf32>, vector<64x1024xf32>, vector<192x1024xf32> -> vector<192x1024xf32>
    %add3A_25 = vector.broadcast %get3A_10 : vector<192x1xf32> to vector<192x1024xf32>
    %add3A_26 = arith.addf %dot_general3A_24, %add3A_25 : vector<192x1024xf32>
    %slice3A = vector.extract_strided_slice %add3A_22 {offsets = [0, 0], sizes = [64, 1024], strides = [1, 1]} : vector<192x1024xf32> to vector<64x1024xf32>
    %slice3A_27 = vector.extract_strided_slice %add3A_22 {offsets = [64, 0], sizes = [64, 1024], strides = [1, 1]} : vector<192x1024xf32> to vector<64x1024xf32>
    %slice3A_28 = vector.extract_strided_slice %add3A_22 {offsets = [128, 0], sizes = [64, 1024], strides = [1, 1]} : vector<192x1024xf32> to vector<64x1024xf32>
    %slice3A_29 = vector.extract_strided_slice %add3A_26 {offsets = [0, 0], sizes = [64, 1024], strides = [1, 1]} : vector<192x1024xf32> to vector<64x1024xf32>
    %slice3A_30 = vector.extract_strided_slice %add3A_26 {offsets = [64, 0], sizes = [64, 1024], strides = [1, 1]} : vector<192x1024xf32> to vector<64x1024xf32>
    %slice3A_31 = vector.extract_strided_slice %add3A_26 {offsets = [128, 0], sizes = [64, 1024], strides = [1, 1]} : vector<192x1024xf32> to vector<64x1024xf32>
    %add3A_32 = arith.addf %slice3A, %slice3A_29 : vector<64x1024xf32>
    %logistic3A = arith.negf %add3A_32 : vector<64x1024xf32>
    %logistic3A_33 = math.exp %logistic3A : vector<64x1024xf32>
    %logistic3A_34 = arith.constant 1.000000e+00 : f32
    %logistic3A_35 = vector.broadcast %logistic3A_34 : f32 to vector<64x1024xf32>
    %logistic3A_36 = arith.addf %logistic3A_35, %logistic3A_33 : vector<64x1024xf32>
    %logistic3A_37 = arith.divf %logistic3A_35, %logistic3A_36 : vector<64x1024xf32>
    %add3A_38 = arith.addf %slice3A_27, %slice3A_30 : vector<64x1024xf32>
    %logistic3A_39 = arith.negf %add3A_38 : vector<64x1024xf32>
    %logistic3A_40 = math.exp %logistic3A_39 : vector<64x1024xf32>
    %logistic3A_41 = arith.constant 1.000000e+00 : f32
    %logistic3A_42 = vector.broadcast %logistic3A_41 : f32 to vector<64x1024xf32>
    %logistic3A_43 = arith.addf %logistic3A_42, %logistic3A_40 : vector<64x1024xf32>
    %logistic3A_44 = arith.divf %logistic3A_42, %logistic3A_43 : vector<64x1024xf32>
    %mul3A = arith.mulf %logistic3A_37, %slice3A_31 : vector<64x1024xf32>
    %add3A_45 = arith.addf %slice3A_28, %mul3A : vector<64x1024xf32>
    %tanh3A = math.tanh %add3A_45 : vector<64x1024xf32>
    %sub3A = arith.constant 1.000000e+00 : f32
    %sub3A_46 = vector.broadcast %sub3A : f32 to vector<64x1024xf32>
    %sub3A_47 = arith.subf %sub3A_46, %logistic3A_44 : vector<64x1024xf32>
    %mul3A_48 = arith.mulf %sub3A_47, %tanh3A : vector<64x1024xf32>
    %mul3A_49 = arith.mulf %logistic3A_44, %get3A_15 : vector<64x1024xf32>
    %add3A_50 = arith.addf %mul3A_48, %mul3A_49 : vector<64x1024xf32>
    %swap3A = arith.constant 0 : index
    %swap3A_51 = arith.constant 0 : index
    %swap3A_52 = arith.constant 0 : index
    %swap3A_53 = vector.load %arg6[%swap3A, %swap3A_51, %swap3A_52] : memref<10x64x1024xf32, #tpu.memory_space<vmem>>, vector<1x64x1024xf32>
    %swap3A_54 = vector.shape_cast %swap3A_53 : vector<1x64x1024xf32> to vector<64x1024xf32>
    %swap3A_55 = vector.shape_cast %add3A_50 : vector<64x1024xf32> to vector<1x64x1024xf32>
    tpu.vector_store %arg6[%swap3A, %swap3A_51, %swap3A_52], %swap3A_55 {strides = array<i32>} : memref<10x64x1024xf32, #tpu.memory_space<vmem>>, vector<1x64x1024xf32>,
    %get3A_56 = arith.constant 1 : index
    %get3A_57 = arith.constant 0 : index
    %get3A_58 = arith.constant 0 : index
    %get3A_59 = vector.load %arg1[%get3A_56, %get3A_57, %get3A_58] : memref<10x1024x64xf32, #tpu.memory_space<vmem>>, vector<1x1024x64xf32>
    %get3A_60 = vector.shape_cast %get3A_59 : vector<1x1024x64xf32> to vector<1024x64xf32>
    %dot_general3A_61 = arith.constant dense<0.000000e+00> : vector<192x1024xf32>
    %dot_general3A_62 = tpu.matmul %get3A_1, %get3A_60, %dot_general3A_61 {dimension_numbers = #tpu.dot_dimension_numbers<[0], [1], [1], [0], [0, 1, 1, 0], [], []>, transpose_lhs_hint = false} : vector<64x192xf32>, vector<1024x64xf32>, vector<192x1024xf32> -> vector<192x1024xf32>
    %add3A_63 = vector.broadcast %get3A_7 : vector<192x1xf32> to vector<192x1024xf32>
    %add3A_64 = arith.addf %dot_general3A_62, %add3A_63 : vector<192x1024xf32>
    %dot_general3A_65 = arith.constant dense<0.000000e+00> : vector<192x1024xf32>
    %dot_general3A_66 = tpu.matmul %get3A_4, %add3A_50, %dot_general3A_65 {dimension_numbers = #tpu.dot_dimension_numbers<[0], [0], [1], [1], [0, 1, 1, 1], [], []>, transpose_lhs_hint = false} : vector<64x192xf32>, vector<64x1024xf32>, vector<192x1024xf32> -> vector<192x1024xf32>
    %add3A_67 = vector.broadcast %get3A_10 : vector<192x1xf32> to vector<192x1024xf32>
    %add3A_68 = arith.addf %dot_general3A_66, %add3A_67 : vector<192x1024xf32>
    %slice3A_69 = vector.extract_strided_slice %add3A_64 {offsets = [0, 0], sizes = [64, 1024], strides = [1, 1]} : vector<192x1024xf32> to vector<64x1024xf32>
    %slice3A_70 = vector.extract_strided_slice %add3A_64 {offsets = [64, 0], sizes = [64, 1024], strides = [1, 1]} : vector<192x1024xf32> to vector<64x1024xf32>
    %slice3A_71 = vector.extract_strided_slice %add3A_64 {offsets = [128, 0], sizes = [64, 1024], strides = [1, 1]} : vector<192x1024xf32> to vector<64x1024xf32>
    %slice3A_72 = vector.extract_strided_slice %add3A_68 {offsets = [0, 0], sizes = [64, 1024], strides = [1, 1]} : vector<192x1024xf32> to vector<64x1024xf32>
    %slice3A_73 = vector.extract_strided_slice %add3A_68 {offsets = [64, 0], sizes = [64, 1024], strides = [1, 1]} : vector<192x1024xf32> to vector<64x1024xf32>
    %slice3A_74 = vector.extract_strided_slice %add3A_68 {offsets = [128, 0], sizes = [64, 1024], strides = [1, 1]} : vector<192x1024xf32> to vector<64x1024xf32>
    %add3A_75 = arith.addf %slice3A_69, %slice3A_72 : vector<64x1024xf32>
    %logistic3A_76 = arith.negf %add3A_75 : vector<64x1024xf32>
    %logistic3A_77 = math.exp %logistic3A_76 : vector<64x1024xf32>
    %logistic3A_78 = arith.constant 1.000000e+00 : f32
    %logistic3A_79 = vector.broadcast %logistic3A_78 : f32 to vector<64x1024xf32>
    %logistic3A_80 = arith.addf %logistic3A_79, %logistic3A_77 : vector<64x1024xf32>
    %logistic3A_81 = arith.divf %logistic3A_79, %logistic3A_80 : vector<64x1024xf32>
    %add3A_82 = arith.addf %slice3A_70, %slice3A_73 : vector<64x1024xf32>
    %logistic3A_83 = arith.negf %add3A_82 : vector<64x1024xf32>
    %logistic3A_84 = math.exp %logistic3A_83 : vector<64x1024xf32>
    %logistic3A_85 = arith.constant 1.000000e+00 : f32
    %logistic3A_86 = vector.broadcast %logistic3A_85 : f32 to vector<64x1024xf32>
    %logistic3A_87 = arith.addf %logistic3A_86, %logistic3A_84 : vector<64x1024xf32>
    %logistic3A_88 = arith.divf %logistic3A_86, %logistic3A_87 : vector<64x1024xf32>
    %mul3A_89 = arith.mulf %logistic3A_81, %slice3A_74 : vector<64x1024xf32>
    %add3A_90 = arith.addf %slice3A_71, %mul3A_89 : vector<64x1024xf32>
    %tanh3A_91 = math.tanh %add3A_90 : vector<64x1024xf32>
    %sub3A_92 = arith.constant 1.000000e+00 : f32
    %sub3A_93 = vector.broadcast %sub3A_92 : f32 to vector<64x1024xf32>
    %sub3A_94 = arith.subf %sub3A_93, %logistic3A_88 : vector<64x1024xf32>
    %mul3A_95 = arith.mulf %sub3A_94, %tanh3A_91 : vector<64x1024xf32>
    %mul3A_96 = arith.mulf %logistic3A_88, %add3A_50 : vector<64x1024xf32>
    %add3A_97 = arith.addf %mul3A_95, %mul3A_96 : vector<64x1024xf32>
    %swap3A_98 = arith.constant 1 : index
    %swap3A_99 = arith.constant 0 : index
    %swap3A_100 = arith.constant 0 : index
    %swap3A_101 = vector.load %arg6[%swap3A_98, %swap3A_99, %swap3A_100] : memref<10x64x1024xf32, #tpu.memory_space<vmem>>, vector<1x64x1024xf32>
    %swap3A_102 = vector.shape_cast %swap3A_101 : vector<1x64x1024xf32> to vector<64x1024xf32>
    %swap3A_103 = vector.shape_cast %add3A_97 : vector<64x1024xf32> to vector<1x64x1024xf32>
    tpu.vector_store %arg6[%swap3A_98, %swap3A_99, %swap3A_100], %swap3A_103 {strides = array<i32>} : memref<10x64x1024xf32, #tpu.memory_space<vmem>>, vector<1x64x1024xf32>,
    %get3A_104 = arith.constant 2 : index
    %get3A_105 = arith.constant 0 : index
    %get3A_106 = arith.constant 0 : index
    %get3A_107 = vector.load %arg1[%get3A_104, %get3A_105, %get3A_106] : memref<10x1024x64xf32, #tpu.memory_space<vmem>>, vector<1x1024x64xf32>
    %get3A_108 = vector.shape_cast %get3A_107 : vector<1x1024x64xf32> to vector<1024x64xf32>
    %dot_general3A_109 = arith.constant dense<0.000000e+00> : vector<192x1024xf32>
    %dot_general3A_110 = tpu.matmul %get3A_1, %get3A_108, %dot_general3A_109 {dimension_numbers = #tpu.dot_dimension_numbers<[0], [1], [1], [0], [0, 1, 1, 0], [], []>, transpose_lhs_hint = false} : vector<64x192xf32>, vector<1024x64xf32>, vector<192x1024xf32> -> vector<192x1024xf32>
    %add3A_111 = vector.broadcast %get3A_7 : vector<192x1xf32> to vector<192x1024xf32>
    %add3A_112 = arith.addf %dot_general3A_110, %add3A_111 : vector<192x1024xf32>
    %dot_general3A_113 = arith.constant dense<0.000000e+00> : vector<192x1024xf32>
    %dot_general3A_114 = tpu.matmul %get3A_4, %add3A_97, %dot_general3A_113 {dimension_numbers = #tpu.dot_dimension_numbers<[0], [0], [1], [1], [0, 1, 1, 1], [], []>, transpose_lhs_hint = false} : vector<64x192xf32>, vector<64x1024xf32>, vector<192x1024xf32> -> vector<192x1024xf32>
    %add3A_115 = vector.broadcast %get3A_10 : vector<192x1xf32> to vector<192x1024xf32>
    %add3A_116 = arith.addf %dot_general3A_114, %add3A_115 : vector<192x1024xf32>
    %slice3A_117 = vector.extract_strided_slice %add3A_112 {offsets = [0, 0], sizes = [64, 1024], strides = [1, 1]} : vector<192x1024xf32> to vector<64x1024xf32>
    %slice3A_118 = vector.extract_strided_slice %add3A_112 {offsets = [64, 0], sizes = [64, 1024], strides = [1, 1]} : vector<192x1024xf32> to vector<64x1024xf32>
    %slice3A_119 = vector.extract_strided_slice %add3A_112 {offsets = [128, 0], sizes = [64, 1024], strides = [1, 1]} : vector<192x1024xf32> to vector<64x1024xf32>
    %slice3A_120 = vector.extract_strided_slice %add3A_116 {offsets = [0, 0], sizes = [64, 1024], strides = [1, 1]} : vector<192x1024xf32> to vector<64x1024xf32>
    %slice3A_121 = vector.extract_strided_slice %add3A_116 {offsets = [64, 0], sizes = [64, 1024], strides = [1, 1]} : vector<192x1024xf32> to vector<64x1024xf32>
    %slice3A_122 = vector.extract_strided_slice %add3A_116 {offsets = [128, 0], sizes = [64, 1024], strides = [1, 1]} : vector<192x1024xf32> to vector<64x1024xf32>
    %add3A_123 = arith.addf %slice3A_117, %slice3A_120 : vector<64x1024xf32>
    %logistic3A_124 = arith.negf %add3A_123 : vector<64x1024xf32>
    %logistic3A_125 = math.exp %logistic3A_124 : vector<64x1024xf32>
    %logistic3A_126 = arith.constant 1.000000e+00 : f32
    %logistic3A_127 = vector.broadcast %logistic3A_126 : f32 to vector<64x1024xf32>
    %logistic3A_128 = arith.addf %logistic3A_127, %logistic3A_125 : vector<64x1024xf32>
    %logistic3A_129 = arith.divf %logistic3A_127, %logistic3A_128 : vector<64x1024xf32>
    %add3A_130 = arith.addf %slice3A_118, %slice3A_121 : vector<64x1024xf32>
    %logistic3A_131 = arith.negf %add3A_130 : vector<64x1024xf32>
    %logistic3A_132 = math.exp %logistic3A_131 : vector<64x1024xf32>
    %logistic3A_133 = arith.constant 1.000000e+00 : f32
    %logistic3A_134 = vector.broadcast %logistic3A_133 : f32 to vector<64x1024xf32>
    %logistic3A_135 = arith.addf %logistic3A_134, %logistic3A_132 : vector<64x1024xf32>
    %logistic3A_136 = arith.divf %logistic3A_134, %logistic3A_135 : vector<64x1024xf32>
    %mul3A_137 = arith.mulf %logistic3A_129, %slice3A_122 : vector<64x1024xf32>
    %add3A_138 = arith.addf %slice3A_119, %mul3A_137 : vector<64x1024xf32>
    %tanh3A_139 = math.tanh %add3A_138 : vector<64x1024xf32>
    %sub3A_140 = arith.constant 1.000000e+00 : f32
    %sub3A_141 = vector.broadcast %sub3A_140 : f32 to vector<64x1024xf32>
    %sub3A_142 = arith.subf %sub3A_141, %logistic3A_136 : vector<64x1024xf32>
    %mul3A_143 = arith.mulf %sub3A_142, %tanh3A_139 : vector<64x1024xf32>
    %mul3A_144 = arith.mulf %logistic3A_136, %add3A_97 : vector<64x1024xf32>
    %add3A_145 = arith.addf %mul3A_143, %mul3A_144 : vector<64x1024xf32>
    %swap3A_146 = arith.constant 2 : index
    %swap3A_147 = arith.constant 0 : index
    %swap3A_148 = arith.constant 0 : index
    %swap3A_149 = vector.load %arg6[%swap3A_146, %swap3A_147, %swap3A_148] : memref<10x64x1024xf32, #tpu.memory_space<vmem>>, vector<1x64x1024xf32>
    %swap3A_150 = vector.shape_cast %swap3A_149 : vector<1x64x1024xf32> to vector<64x1024xf32>
    %swap3A_151 = vector.shape_cast %add3A_145 : vector<64x1024xf32> to vector<1x64x1024xf32>
    tpu.vector_store %arg6[%swap3A_146, %swap3A_147, %swap3A_148], %swap3A_151 {strides = array<i32>} : memref<10x64x1024xf32, #tpu.memory_space<vmem>>, vector<1x64x1024xf32>,
    %get3A_152 = arith.constant 3 : index
    %get3A_153 = arith.constant 0 : index
    %get3A_154 = arith.constant 0 : index
    %get3A_155 = vector.load %arg1[%get3A_152, %get3A_153, %get3A_154] : memref<10x1024x64xf32, #tpu.memory_space<vmem>>, vector<1x1024x64xf32>
    %get3A_156 = vector.shape_cast %get3A_155 : vector<1x1024x64xf32> to vector<1024x64xf32>
    %dot_general3A_157 = arith.constant dense<0.000000e+00> : vector<192x1024xf32>
    %dot_general3A_158 = tpu.matmul %get3A_1, %get3A_156, %dot_general3A_157 {dimension_numbers = #tpu.dot_dimension_numbers<[0], [1], [1], [0], [0, 1, 1, 0], [], []>, transpose_lhs_hint = false} : vector<64x192xf32>, vector<1024x64xf32>, vector<192x1024xf32> -> vector<192x1024xf32>
    %add3A_159 = vector.broadcast %get3A_7 : vector<192x1xf32> to vector<192x1024xf32>
    %add3A_160 = arith.addf %dot_general3A_158, %add3A_159 : vector<192x1024xf32>
    %dot_general3A_161 = arith.constant dense<0.000000e+00> : vector<192x1024xf32>
    %dot_general3A_162 = tpu.matmul %get3A_4, %add3A_145, %dot_general3A_161 {dimension_numbers = #tpu.dot_dimension_numbers<[0], [0], [1], [1], [0, 1, 1, 1], [], []>, transpose_lhs_hint = false} : vector<64x192xf32>, vector<64x1024xf32>, vector<192x1024xf32> -> vector<192x1024xf32>
    %add3A_163 = vector.broadcast %get3A_10 : vector<192x1xf32> to vector<192x1024xf32>
    %add3A_164 = arith.addf %dot_general3A_162, %add3A_163 : vector<192x1024xf32>
    %slice3A_165 = vector.extract_strided_slice %add3A_160 {offsets = [0, 0], sizes = [64, 1024], strides = [1, 1]} : vector<192x1024xf32> to vector<64x1024xf32>
    %slice3A_166 = vector.extract_strided_slice %add3A_160 {offsets = [64, 0], sizes = [64, 1024], strides = [1, 1]} : vector<192x1024xf32> to vector<64x1024xf32>
    %slice3A_167 = vector.extract_strided_slice %add3A_160 {offsets = [128, 0], sizes = [64, 1024], strides = [1, 1]} : vector<192x1024xf32> to vector<64x1024xf32>
    %slice3A_168 = vector.extract_strided_slice %add3A_164 {offsets = [0, 0], sizes = [64, 1024], strides = [1, 1]} : vector<192x1024xf32> to vector<64x1024xf32>
    %slice3A_169 = vector.extract_strided_slice %add3A_164 {offsets = [64, 0], sizes = [64, 1024], strides = [1, 1]} : vector<192x1024xf32> to vector<64x1024xf32>
    %slice3A_170 = vector.extract_strided_slice %add3A_164 {offsets = [128, 0], sizes = [64, 1024], strides = [1, 1]} : vector<192x1024xf32> to vector<64x1024xf32>
    %add3A_171 = arith.addf %slice3A_165, %slice3A_168 : vector<64x1024xf32>
    %logistic3A_172 = arith.negf %add3A_171 : vector<64x1024xf32>
    %logistic3A_173 = math.exp %logistic3A_172 : vector<64x1024xf32>
    %logistic3A_174 = arith.constant 1.000000e+00 : f32
    %logistic3A_175 = vector.broadcast %logistic3A_174 : f32 to vector<64x1024xf32>
    %logistic3A_176 = arith.addf %logistic3A_175, %logistic3A_173 : vector<64x1024xf32>
    %logistic3A_177 = arith.divf %logistic3A_175, %logistic3A_176 : vector<64x1024xf32>
    %add3A_178 = arith.addf %slice3A_166, %slice3A_169 : vector<64x1024xf32>
    %logistic3A_179 = arith.negf %add3A_178 : vector<64x1024xf32>
    %logistic3A_180 = math.exp %logistic3A_179 : vector<64x1024xf32>
    %logistic3A_181 = arith.constant 1.000000e+00 : f32
    %logistic3A_182 = vector.broadcast %logistic3A_181 : f32 to vector<64x1024xf32>
    %logistic3A_183 = arith.addf %logistic3A_182, %logistic3A_180 : vector<64x1024xf32>
    %logistic3A_184 = arith.divf %logistic3A_182, %logistic3A_183 : vector<64x1024xf32>
    %mul3A_185 = arith.mulf %logistic3A_177, %slice3A_170 : vector<64x1024xf32>
    %add3A_186 = arith.addf %slice3A_167, %mul3A_185 : vector<64x1024xf32>
    %tanh3A_187 = math.tanh %add3A_186 : vector<64x1024xf32>
    %sub3A_188 = arith.constant 1.000000e+00 : f32
    %sub3A_189 = vector.broadcast %sub3A_188 : f32 to vector<64x1024xf32>
    %sub3A_190 = arith.subf %sub3A_189, %logistic3A_184 : vector<64x1024xf32>
    %mul3A_191 = arith.mulf %sub3A_190, %tanh3A_187 : vector<64x1024xf32>
    %mul3A_192 = arith.mulf %logistic3A_184, %add3A_145 : vector<64x1024xf32>
    %add3A_193 = arith.addf %mul3A_191, %mul3A_192 : vector<64x1024xf32>
    %swap3A_194 = arith.constant 3 : index
    %swap3A_195 = arith.constant 0 : index
    %swap3A_196 = arith.constant 0 : index
    %swap3A_197 = vector.load %arg6[%swap3A_194, %swap3A_195, %swap3A_196] : memref<10x64x1024xf32, #tpu.memory_space<vmem>>, vector<1x64x1024xf32>
    %swap3A_198 = vector.shape_cast %swap3A_197 : vector<1x64x1024xf32> to vector<64x1024xf32>
    %swap3A_199 = vector.shape_cast %add3A_193 : vector<64x1024xf32> to vector<1x64x1024xf32>
    tpu.vector_store %arg6[%swap3A_194, %swap3A_195, %swap3A_196], %swap3A_199 {strides = array<i32>} : memref<10x64x1024xf32, #tpu.memory_space<vmem>>, vector<1x64x1024xf32>,
    %get3A_200 = arith.constant 4 : index
    %get3A_201 = arith.constant 0 : index
    %get3A_202 = arith.constant 0 : index
    %get3A_203 = vector.load %arg1[%get3A_200, %get3A_201, %get3A_202] : memref<10x1024x64xf32, #tpu.memory_space<vmem>>, vector<1x1024x64xf32>
    %get3A_204 = vector.shape_cast %get3A_203 : vector<1x1024x64xf32> to vector<1024x64xf32>
    %dot_general3A_205 = arith.constant dense<0.000000e+00> : vector<192x1024xf32>
    %dot_general3A_206 = tpu.matmul %get3A_1, %get3A_204, %dot_general3A_205 {dimension_numbers = #tpu.dot_dimension_numbers<[0], [1], [1], [0], [0, 1, 1, 0], [], []>, transpose_lhs_hint = false} : vector<64x192xf32>, vector<1024x64xf32>, vector<192x1024xf32> -> vector<192x1024xf32>
    %add3A_207 = vector.broadcast %get3A_7 : vector<192x1xf32> to vector<192x1024xf32>
    %add3A_208 = arith.addf %dot_general3A_206, %add3A_207 : vector<192x1024xf32>
    %dot_general3A_209 = arith.constant dense<0.000000e+00> : vector<192x1024xf32>
    %dot_general3A_210 = tpu.matmul %get3A_4, %add3A_193, %dot_general3A_209 {dimension_numbers = #tpu.dot_dimension_numbers<[0], [0], [1], [1], [0, 1, 1, 1], [], []>, transpose_lhs_hint = false} : vector<64x192xf32>, vector<64x1024xf32>, vector<192x1024xf32> -> vector<192x1024xf32>
    %add3A_211 = vector.broadcast %get3A_10 : vector<192x1xf32> to vector<192x1024xf32>
    %add3A_212 = arith.addf %dot_general3A_210, %add3A_211 : vector<192x1024xf32>
    %slice3A_213 = vector.extract_strided_slice %add3A_208 {offsets = [0, 0], sizes = [64, 1024], strides = [1, 1]} : vector<192x1024xf32> to vector<64x1024xf32>
    %slice3A_214 = vector.extract_strided_slice %add3A_208 {offsets = [64, 0], sizes = [64, 1024], strides = [1, 1]} : vector<192x1024xf32> to vector<64x1024xf32>
    %slice3A_215 = vector.extract_strided_slice %add3A_208 {offsets = [128, 0], sizes = [64, 1024], strides = [1, 1]} : vector<192x1024xf32> to vector<64x1024xf32>
    %slice3A_216 = vector.extract_strided_slice %add3A_212 {offsets = [0, 0], sizes = [64, 1024], strides = [1, 1]} : vector<192x1024xf32> to vector<64x1024xf32>
    %slice3A_217 = vector.extract_strided_slice %add3A_212 {offsets = [64, 0], sizes = [64, 1024], strides = [1, 1]} : vector<192x1024xf32> to vector<64x1024xf32>
    %slice3A_218 = vector.extract_strided_slice %add3A_212 {offsets = [128, 0], sizes = [64, 1024], strides = [1, 1]} : vector<192x1024xf32> to vector<64x1024xf32>
    %add3A_219 = arith.addf %slice3A_213, %slice3A_216 : vector<64x1024xf32>
    %logistic3A_220 = arith.negf %add3A_219 : vector<64x1024xf32>
    %logistic3A_221 = math.exp %logistic3A_220 : vector<64x1024xf32>
    %logistic3A_222 = arith.constant 1.000000e+00 : f32
    %logistic3A_223 = vector.broadcast %logistic3A_222 : f32 to vector<64x1024xf32>
    %logistic3A_224 = arith.addf %logistic3A_223, %logistic3A_221 : vector<64x1024xf32>
    %logistic3A_225 = arith.divf %logistic3A_223, %logistic3A_224 : vector<64x1024xf32>
    %add3A_226 = arith.addf %slice3A_214, %slice3A_217 : vector<64x1024xf32>
    %logistic3A_227 = arith.negf %add3A_226 : vector<64x1024xf32>
    %logistic3A_228 = math.exp %logistic3A_227 : vector<64x1024xf32>
    %logistic3A_229 = arith.constant 1.000000e+00 : f32
    %logistic3A_230 = vector.broadcast %logistic3A_229 : f32 to vector<64x1024xf32>
    %logistic3A_231 = arith.addf %logistic3A_230, %logistic3A_228 : vector<64x1024xf32>
    %logistic3A_232 = arith.divf %logistic3A_230, %logistic3A_231 : vector<64x1024xf32>
    %mul3A_233 = arith.mulf %logistic3A_225, %slice3A_218 : vector<64x1024xf32>
    %add3A_234 = arith.addf %slice3A_215, %mul3A_233 : vector<64x1024xf32>
    %tanh3A_235 = math.tanh %add3A_234 : vector<64x1024xf32>
    %sub3A_236 = arith.constant 1.000000e+00 : f32
    %sub3A_237 = vector.broadcast %sub3A_236 : f32 to vector<64x1024xf32>
    %sub3A_238 = arith.subf %sub3A_237, %logistic3A_232 : vector<64x1024xf32>
    %mul3A_239 = arith.mulf %sub3A_238, %tanh3A_235 : vector<64x1024xf32>
    %mul3A_240 = arith.mulf %logistic3A_232, %add3A_193 : vector<64x1024xf32>
    %add3A_241 = arith.addf %mul3A_239, %mul3A_240 : vector<64x1024xf32>
    %swap3A_242 = arith.constant 4 : index
    %swap3A_243 = arith.constant 0 : index
    %swap3A_244 = arith.constant 0 : index
    %swap3A_245 = vector.load %arg6[%swap3A_242, %swap3A_243, %swap3A_244] : memref<10x64x1024xf32, #tpu.memory_space<vmem>>, vector<1x64x1024xf32>
    %swap3A_246 = vector.shape_cast %swap3A_245 : vector<1x64x1024xf32> to vector<64x1024xf32>
    %swap3A_247 = vector.shape_cast %add3A_241 : vector<64x1024xf32> to vector<1x64x1024xf32>
    tpu.vector_store %arg6[%swap3A_242, %swap3A_243, %swap3A_244], %swap3A_247 {strides = array<i32>} : memref<10x64x1024xf32, #tpu.memory_space<vmem>>, vector<1x64x1024xf32>,
    %get3A_248 = arith.constant 5 : index
    %get3A_249 = arith.constant 0 : index
    %get3A_250 = arith.constant 0 : index
    %get3A_251 = vector.load %arg1[%get3A_248, %get3A_249, %get3A_250] : memref<10x1024x64xf32, #tpu.memory_space<vmem>>, vector<1x1024x64xf32>
    %get3A_252 = vector.shape_cast %get3A_251 : vector<1x1024x64xf32> to vector<1024x64xf32>
    %dot_general3A_253 = arith.constant dense<0.000000e+00> : vector<192x1024xf32>
    %dot_general3A_254 = tpu.matmul %get3A_1, %get3A_252, %dot_general3A_253 {dimension_numbers = #tpu.dot_dimension_numbers<[0], [1], [1], [0], [0, 1, 1, 0], [], []>, transpose_lhs_hint = false} : vector<64x192xf32>, vector<1024x64xf32>, vector<192x1024xf32> -> vector<192x1024xf32>
    %add3A_255 = vector.broadcast %get3A_7 : vector<192x1xf32> to vector<192x1024xf32>
    %add3A_256 = arith.addf %dot_general3A_254, %add3A_255 : vector<192x1024xf32>
    %dot_general3A_257 = arith.constant dense<0.000000e+00> : vector<192x1024xf32>
    %dot_general3A_258 = tpu.matmul %get3A_4, %add3A_241, %dot_general3A_257 {dimension_numbers = #tpu.dot_dimension_numbers<[0], [0], [1], [1], [0, 1, 1, 1], [], []>, transpose_lhs_hint = false} : vector<64x192xf32>, vector<64x1024xf32>, vector<192x1024xf32> -> vector<192x1024xf32>
    %add3A_259 = vector.broadcast %get3A_10 : vector<192x1xf32> to vector<192x1024xf32>
    %add3A_260 = arith.addf %dot_general3A_258, %add3A_259 : vector<192x1024xf32>
    %slice3A_261 = vector.extract_strided_slice %add3A_256 {offsets = [0, 0], sizes = [64, 1024], strides = [1, 1]} : vector<192x1024xf32> to vector<64x1024xf32>
    %slice3A_262 = vector.extract_strided_slice %add3A_256 {offsets = [64, 0], sizes = [64, 1024], strides = [1, 1]} : vector<192x1024xf32> to vector<64x1024xf32>
    %slice3A_263 = vector.extract_strided_slice %add3A_256 {offsets = [128, 0], sizes = [64, 1024], strides = [1, 1]} : vector<192x1024xf32> to vector<64x1024xf32>
    %slice3A_264 = vector.extract_strided_slice %add3A_260 {offsets = [0, 0], sizes = [64, 1024], strides = [1, 1]} : vector<192x1024xf32> to vector<64x1024xf32>
    %slice3A_265 = vector.extract_strided_slice %add3A_260 {offsets = [64, 0], sizes = [64, 1024], strides = [1, 1]} : vector<192x1024xf32> to vector<64x1024xf32>
    %slice3A_266 = vector.extract_strided_slice %add3A_260 {offsets = [128, 0], sizes = [64, 1024], strides = [1, 1]} : vector<192x1024xf32> to vector<64x1024xf32>
    %add3A_267 = arith.addf %slice3A_261, %slice3A_264 : vector<64x1024xf32>
    %logistic3A_268 = arith.negf %add3A_267 : vector<64x1024xf32>
    %logistic3A_269 = math.exp %logistic3A_268 : vector<64x1024xf32>
    %logistic3A_270 = arith.constant 1.000000e+00 : f32
    %logistic3A_271 = vector.broadcast %logistic3A_270 : f32 to vector<64x1024xf32>
    %logistic3A_272 = arith.addf %logistic3A_271, %logistic3A_269 : vector<64x1024xf32>
    %logistic3A_273 = arith.divf %logistic3A_271, %logistic3A_272 : vector<64x1024xf32>
    %add3A_274 = arith.addf %slice3A_262, %slice3A_265 : vector<64x1024xf32>
    %logistic3A_275 = arith.negf %add3A_274 : vector<64x1024xf32>
    %logistic3A_276 = math.exp %logistic3A_275 : vector<64x1024xf32>
    %logistic3A_277 = arith.constant 1.000000e+00 : f32
    %logistic3A_278 = vector.broadcast %logistic3A_277 : f32 to vector<64x1024xf32>
    %logistic3A_279 = arith.addf %logistic3A_278, %logistic3A_276 : vector<64x1024xf32>
    %logistic3A_280 = arith.divf %logistic3A_278, %logistic3A_279 : vector<64x1024xf32>
    %mul3A_281 = arith.mulf %logistic3A_273, %slice3A_266 : vector<64x1024xf32>
    %add3A_282 = arith.addf %slice3A_263, %mul3A_281 : vector<64x1024xf32>
    %tanh3A_283 = math.tanh %add3A_282 : vector<64x1024xf32>
    %sub3A_284 = arith.constant 1.000000e+00 : f32
    %sub3A_285 = vector.broadcast %sub3A_284 : f32 to vector<64x1024xf32>
    %sub3A_286 = arith.subf %sub3A_285, %logistic3A_280 : vector<64x1024xf32>
    %mul3A_287 = arith.mulf %sub3A_286, %tanh3A_283 : vector<64x1024xf32>
    %mul3A_288 = arith.mulf %logistic3A_280, %add3A_241 : vector<64x1024xf32>
    %add3A_289 = arith.addf %mul3A_287, %mul3A_288 : vector<64x1024xf32>
    %swap3A_290 = arith.constant 5 : index
    %swap3A_291 = arith.constant 0 : index
    %swap3A_292 = arith.constant 0 : index
    %swap3A_293 = vector.load %arg6[%swap3A_290, %swap3A_291, %swap3A_292] : memref<10x64x1024xf32, #tpu.memory_space<vmem>>, vector<1x64x1024xf32>
    %swap3A_294 = vector.shape_cast %swap3A_293 : vector<1x64x1024xf32> to vector<64x1024xf32>
    %swap3A_295 = vector.shape_cast %add3A_289 : vector<64x1024xf32> to vector<1x64x1024xf32>
    tpu.vector_store %arg6[%swap3A_290, %swap3A_291, %swap3A_292], %swap3A_295 {strides = array<i32>} : memref<10x64x1024xf32, #tpu.memory_space<vmem>>, vector<1x64x1024xf32>,
    %get3A_296 = arith.constant 6 : index
    %get3A_297 = arith.constant 0 : index
    %get3A_298 = arith.constant 0 : index
    %get3A_299 = vector.load %arg1[%get3A_296, %get3A_297, %get3A_298] : memref<10x1024x64xf32, #tpu.memory_space<vmem>>, vector<1x1024x64xf32>
    %get3A_300 = vector.shape_cast %get3A_299 : vector<1x1024x64xf32> to vector<1024x64xf32>
    %dot_general3A_301 = arith.constant dense<0.000000e+00> : vector<192x1024xf32>
    %dot_general3A_302 = tpu.matmul %get3A_1, %get3A_300, %dot_general3A_301 {dimension_numbers = #tpu.dot_dimension_numbers<[0], [1], [1], [0], [0, 1, 1, 0], [], []>, transpose_lhs_hint = false} : vector<64x192xf32>, vector<1024x64xf32>, vector<192x1024xf32> -> vector<192x1024xf32>
    %add3A_303 = vector.broadcast %get3A_7 : vector<192x1xf32> to vector<192x1024xf32>
    %add3A_304 = arith.addf %dot_general3A_302, %add3A_303 : vector<192x1024xf32>
    %dot_general3A_305 = arith.constant dense<0.000000e+00> : vector<192x1024xf32>
    %dot_general3A_306 = tpu.matmul %get3A_4, %add3A_289, %dot_general3A_305 {dimension_numbers = #tpu.dot_dimension_numbers<[0], [0], [1], [1], [0, 1, 1, 1], [], []>, transpose_lhs_hint = false} : vector<64x192xf32>, vector<64x1024xf32>, vector<192x1024xf32> -> vector<192x1024xf32>
    %add3A_307 = vector.broadcast %get3A_10 : vector<192x1xf32> to vector<192x1024xf32>
    %add3A_308 = arith.addf %dot_general3A_306, %add3A_307 : vector<192x1024xf32>
    %slice3A_309 = vector.extract_strided_slice %add3A_304 {offsets = [0, 0], sizes = [64, 1024], strides = [1, 1]} : vector<192x1024xf32> to vector<64x1024xf32>
    %slice3A_310 = vector.extract_strided_slice %add3A_304 {offsets = [64, 0], sizes = [64, 1024], strides = [1, 1]} : vector<192x1024xf32> to vector<64x1024xf32>
    %slice3A_311 = vector.extract_strided_slice %add3A_304 {offsets = [128, 0], sizes = [64, 1024], strides = [1, 1]} : vector<192x1024xf32> to vector<64x1024xf32>
    %slice3A_312 = vector.extract_strided_slice %add3A_308 {offsets = [0, 0], sizes = [64, 1024], strides = [1, 1]} : vector<192x1024xf32> to vector<64x1024xf32>
    %slice3A_313 = vector.extract_strided_slice %add3A_308 {offsets = [64, 0], sizes = [64, 1024], strides = [1, 1]} : vector<192x1024xf32> to vector<64x1024xf32>
    %slice3A_314 = vector.extract_strided_slice %add3A_308 {offsets = [128, 0], sizes = [64, 1024], strides = [1, 1]} : vector<192x1024xf32> to vector<64x1024xf32>
    %add3A_315 = arith.addf %slice3A_309, %slice3A_312 : vector<64x1024xf32>
    %logistic3A_316 = arith.negf %add3A_315 : vector<64x1024xf32>
    %logistic3A_317 = math.exp %logistic3A_316 : vector<64x1024xf32>
    %logistic3A_318 = arith.constant 1.000000e+00 : f32
    %logistic3A_319 = vector.broadcast %logistic3A_318 : f32 to vector<64x1024xf32>
    %logistic3A_320 = arith.addf %logistic3A_319, %logistic3A_317 : vector<64x1024xf32>
    %logistic3A_321 = arith.divf %logistic3A_319, %logistic3A_320 : vector<64x1024xf32>
    %add3A_322 = arith.addf %slice3A_310, %slice3A_313 : vector<64x1024xf32>
    %logistic3A_323 = arith.negf %add3A_322 : vector<64x1024xf32>
    %logistic3A_324 = math.exp %logistic3A_323 : vector<64x1024xf32>
    %logistic3A_325 = arith.constant 1.000000e+00 : f32
    %logistic3A_326 = vector.broadcast %logistic3A_325 : f32 to vector<64x1024xf32>
    %logistic3A_327 = arith.addf %logistic3A_326, %logistic3A_324 : vector<64x1024xf32>
    %logistic3A_328 = arith.divf %logistic3A_326, %logistic3A_327 : vector<64x1024xf32>
    %mul3A_329 = arith.mulf %logistic3A_321, %slice3A_314 : vector<64x1024xf32>
    %add3A_330 = arith.addf %slice3A_311, %mul3A_329 : vector<64x1024xf32>
    %tanh3A_331 = math.tanh %add3A_330 : vector<64x1024xf32>
    %sub3A_332 = arith.constant 1.000000e+00 : f32
    %sub3A_333 = vector.broadcast %sub3A_332 : f32 to vector<64x1024xf32>
    %sub3A_334 = arith.subf %sub3A_333, %logistic3A_328 : vector<64x1024xf32>
    %mul3A_335 = arith.mulf %sub3A_334, %tanh3A_331 : vector<64x1024xf32>
    %mul3A_336 = arith.mulf %logistic3A_328, %add3A_289 : vector<64x1024xf32>
    %add3A_337 = arith.addf %mul3A_335, %mul3A_336 : vector<64x1024xf32>
    %swap3A_338 = arith.constant 6 : index
    %swap3A_339 = arith.constant 0 : index
    %swap3A_340 = arith.constant 0 : index
    %swap3A_341 = vector.load %arg6[%swap3A_338, %swap3A_339, %swap3A_340] : memref<10x64x1024xf32, #tpu.memory_space<vmem>>, vector<1x64x1024xf32>
    %swap3A_342 = vector.shape_cast %swap3A_341 : vector<1x64x1024xf32> to vector<64x1024xf32>
    %swap3A_343 = vector.shape_cast %add3A_337 : vector<64x1024xf32> to vector<1x64x1024xf32>
    tpu.vector_store %arg6[%swap3A_338, %swap3A_339, %swap3A_340], %swap3A_343 {strides = array<i32>} : memref<10x64x1024xf32, #tpu.memory_space<vmem>>, vector<1x64x1024xf32>,
    %get3A_344 = arith.constant 7 : index
    %get3A_345 = arith.constant 0 : index
    %get3A_346 = arith.constant 0 : index
    %get3A_347 = vector.load %arg1[%get3A_344, %get3A_345, %get3A_346] : memref<10x1024x64xf32, #tpu.memory_space<vmem>>, vector<1x1024x64xf32>
    %get3A_348 = vector.shape_cast %get3A_347 : vector<1x1024x64xf32> to vector<1024x64xf32>
    %dot_general3A_349 = arith.constant dense<0.000000e+00> : vector<192x1024xf32>
    %dot_general3A_350 = tpu.matmul %get3A_1, %get3A_348, %dot_general3A_349 {dimension_numbers = #tpu.dot_dimension_numbers<[0], [1], [1], [0], [0, 1, 1, 0], [], []>, transpose_lhs_hint = false} : vector<64x192xf32>, vector<1024x64xf32>, vector<192x1024xf32> -> vector<192x1024xf32>
    %add3A_351 = vector.broadcast %get3A_7 : vector<192x1xf32> to vector<192x1024xf32>
    %add3A_352 = arith.addf %dot_general3A_350, %add3A_351 : vector<192x1024xf32>
    %dot_general3A_353 = arith.constant dense<0.000000e+00> : vector<192x1024xf32>
    %dot_general3A_354 = tpu.matmul %get3A_4, %add3A_337, %dot_general3A_353 {dimension_numbers = #tpu.dot_dimension_numbers<[0], [0], [1], [1], [0, 1, 1, 1], [], []>, transpose_lhs_hint = false} : vector<64x192xf32>, vector<64x1024xf32>, vector<192x1024xf32> -> vector<192x1024xf32>
    %add3A_355 = vector.broadcast %get3A_10 : vector<192x1xf32> to vector<192x1024xf32>
    %add3A_356 = arith.addf %dot_general3A_354, %add3A_355 : vector<192x1024xf32>
    %slice3A_357 = vector.extract_strided_slice %add3A_352 {offsets = [0, 0], sizes = [64, 1024], strides = [1, 1]} : vector<192x1024xf32> to vector<64x1024xf32>
    %slice3A_358 = vector.extract_strided_slice %add3A_352 {offsets = [64, 0], sizes = [64, 1024], strides = [1, 1]} : vector<192x1024xf32> to vector<64x1024xf32>
    %slice3A_359 = vector.extract_strided_slice %add3A_352 {offsets = [128, 0], sizes = [64, 1024], strides = [1, 1]} : vector<192x1024xf32> to vector<64x1024xf32>
    %slice3A_360 = vector.extract_strided_slice %add3A_356 {offsets = [0, 0], sizes = [64, 1024], strides = [1, 1]} : vector<192x1024xf32> to vector<64x1024xf32>
    %slice3A_361 = vector.extract_strided_slice %add3A_356 {offsets = [64, 0], sizes = [64, 1024], strides = [1, 1]} : vector<192x1024xf32> to vector<64x1024xf32>
    %slice3A_362 = vector.extract_strided_slice %add3A_356 {offsets = [128, 0], sizes = [64, 1024], strides = [1, 1]} : vector<192x1024xf32> to vector<64x1024xf32>
    %add3A_363 = arith.addf %slice3A_357, %slice3A_360 : vector<64x1024xf32>
    %logistic3A_364 = arith.negf %add3A_363 : vector<64x1024xf32>
    %logistic3A_365 = math.exp %logistic3A_364 : vector<64x1024xf32>
    %logistic3A_366 = arith.constant 1.000000e+00 : f32
    %logistic3A_367 = vector.broadcast %logistic3A_366 : f32 to vector<64x1024xf32>
    %logistic3A_368 = arith.addf %logistic3A_367, %logistic3A_365 : vector<64x1024xf32>
    %logistic3A_369 = arith.divf %logistic3A_367, %logistic3A_368 : vector<64x1024xf32>
    %add3A_370 = arith.addf %slice3A_358, %slice3A_361 : vector<64x1024xf32>
    %logistic3A_371 = arith.negf %add3A_370 : vector<64x1024xf32>
    %logistic3A_372 = math.exp %logistic3A_371 : vector<64x1024xf32>
    %logistic3A_373 = arith.constant 1.000000e+00 : f32
    %logistic3A_374 = vector.broadcast %logistic3A_373 : f32 to vector<64x1024xf32>
    %logistic3A_375 = arith.addf %logistic3A_374, %logistic3A_372 : vector<64x1024xf32>
    %logistic3A_376 = arith.divf %logistic3A_374, %logistic3A_375 : vector<64x1024xf32>
    %mul3A_377 = arith.mulf %logistic3A_369, %slice3A_362 : vector<64x1024xf32>
    %add3A_378 = arith.addf %slice3A_359, %mul3A_377 : vector<64x1024xf32>
    %tanh3A_379 = math.tanh %add3A_378 : vector<64x1024xf32>
    %sub3A_380 = arith.constant 1.000000e+00 : f32
    %sub3A_381 = vector.broadcast %sub3A_380 : f32 to vector<64x1024xf32>
    %sub3A_382 = arith.subf %sub3A_381, %logistic3A_376 : vector<64x1024xf32>
    %mul3A_383 = arith.mulf %sub3A_382, %tanh3A_379 : vector<64x1024xf32>
    %mul3A_384 = arith.mulf %logistic3A_376, %add3A_337 : vector<64x1024xf32>
    %add3A_385 = arith.addf %mul3A_383, %mul3A_384 : vector<64x1024xf32>
    %swap3A_386 = arith.constant 7 : index
    %swap3A_387 = arith.constant 0 : index
    %swap3A_388 = arith.constant 0 : index
    %swap3A_389 = vector.load %arg6[%swap3A_386, %swap3A_387, %swap3A_388] : memref<10x64x1024xf32, #tpu.memory_space<vmem>>, vector<1x64x1024xf32>
    %swap3A_390 = vector.shape_cast %swap3A_389 : vector<1x64x1024xf32> to vector<64x1024xf32>
    %swap3A_391 = vector.shape_cast %add3A_385 : vector<64x1024xf32> to vector<1x64x1024xf32>
    tpu.vector_store %arg6[%swap3A_386, %swap3A_387, %swap3A_388], %swap3A_391 {strides = array<i32>} : memref<10x64x1024xf32, #tpu.memory_space<vmem>>, vector<1x64x1024xf32>,
    %get3A_392 = arith.constant 8 : index
    %get3A_393 = arith.constant 0 : index
    %get3A_394 = arith.constant 0 : index
    %get3A_395 = vector.load %arg1[%get3A_392, %get3A_393, %get3A_394] : memref<10x1024x64xf32, #tpu.memory_space<vmem>>, vector<1x1024x64xf32>
    %get3A_396 = vector.shape_cast %get3A_395 : vector<1x1024x64xf32> to vector<1024x64xf32>
    %dot_general3A_397 = arith.constant dense<0.000000e+00> : vector<192x1024xf32>
    %dot_general3A_398 = tpu.matmul %get3A_1, %get3A_396, %dot_general3A_397 {dimension_numbers = #tpu.dot_dimension_numbers<[0], [1], [1], [0], [0, 1, 1, 0], [], []>, transpose_lhs_hint = false} : vector<64x192xf32>, vector<1024x64xf32>, vector<192x1024xf32> -> vector<192x1024xf32>
    %add3A_399 = vector.broadcast %get3A_7 : vector<192x1xf32> to vector<192x1024xf32>
    %add3A_400 = arith.addf %dot_general3A_398, %add3A_399 : vector<192x1024xf32>
    %dot_general3A_401 = arith.constant dense<0.000000e+00> : vector<192x1024xf32>
    %dot_general3A_402 = tpu.matmul %get3A_4, %add3A_385, %dot_general3A_401 {dimension_numbers = #tpu.dot_dimension_numbers<[0], [0], [1], [1], [0, 1, 1, 1], [], []>, transpose_lhs_hint = false} : vector<64x192xf32>, vector<64x1024xf32>, vector<192x1024xf32> -> vector<192x1024xf32>
    %add3A_403 = vector.broadcast %get3A_10 : vector<192x1xf32> to vector<192x1024xf32>
    %add3A_404 = arith.addf %dot_general3A_402, %add3A_403 : vector<192x1024xf32>
    %slice3A_405 = vector.extract_strided_slice %add3A_400 {offsets = [0, 0], sizes = [64, 1024], strides = [1, 1]} : vector<192x1024xf32> to vector<64x1024xf32>
    %slice3A_406 = vector.extract_strided_slice %add3A_400 {offsets = [64, 0], sizes = [64, 1024], strides = [1, 1]} : vector<192x1024xf32> to vector<64x1024xf32>
    %slice3A_407 = vector.extract_strided_slice %add3A_400 {offsets = [128, 0], sizes = [64, 1024], strides = [1, 1]} : vector<192x1024xf32> to vector<64x1024xf32>
    %slice3A_408 = vector.extract_strided_slice %add3A_404 {offsets = [0, 0], sizes = [64, 1024], strides = [1, 1]} : vector<192x1024xf32> to vector<64x1024xf32>
    %slice3A_409 = vector.extract_strided_slice %add3A_404 {offsets = [64, 0], sizes = [64, 1024], strides = [1, 1]} : vector<192x1024xf32> to vector<64x1024xf32>
    %slice3A_410 = vector.extract_strided_slice %add3A_404 {offsets = [128, 0], sizes = [64, 1024], strides = [1, 1]} : vector<192x1024xf32> to vector<64x1024xf32>
    %add3A_411 = arith.addf %slice3A_405, %slice3A_408 : vector<64x1024xf32>
    %logistic3A_412 = arith.negf %add3A_411 : vector<64x1024xf32>
    %logistic3A_413 = math.exp %logistic3A_412 : vector<64x1024xf32>
    %logistic3A_414 = arith.constant 1.000000e+00 : f32
    %logistic3A_415 = vector.broadcast %logistic3A_414 : f32 to vector<64x1024xf32>
    %logistic3A_416 = arith.addf %logistic3A_415, %logistic3A_413 : vector<64x1024xf32>
    %logistic3A_417 = arith.divf %logistic3A_415, %logistic3A_416 : vector<64x1024xf32>
    %add3A_418 = arith.addf %slice3A_406, %slice3A_409 : vector<64x1024xf32>
    %logistic3A_419 = arith.negf %add3A_418 : vector<64x1024xf32>
    %logistic3A_420 = math.exp %logistic3A_419 : vector<64x1024xf32>
    %logistic3A_421 = arith.constant 1.000000e+00 : f32
    %logistic3A_422 = vector.broadcast %logistic3A_421 : f32 to vector<64x1024xf32>
    %logistic3A_423 = arith.addf %logistic3A_422, %logistic3A_420 : vector<64x1024xf32>
    %logistic3A_424 = arith.divf %logistic3A_422, %logistic3A_423 : vector<64x1024xf32>
    %mul3A_425 = arith.mulf %logistic3A_417, %slice3A_410 : vector<64x1024xf32>
    %add3A_426 = arith.addf %slice3A_407, %mul3A_425 : vector<64x1024xf32>
    %tanh3A_427 = math.tanh %add3A_426 : vector<64x1024xf32>
    %sub3A_428 = arith.constant 1.000000e+00 : f32
    %sub3A_429 = vector.broadcast %sub3A_428 : f32 to vector<64x1024xf32>
    %sub3A_430 = arith.subf %sub3A_429, %logistic3A_424 : vector<64x1024xf32>
    %mul3A_431 = arith.mulf %sub3A_430, %tanh3A_427 : vector<64x1024xf32>
    %mul3A_432 = arith.mulf %logistic3A_424, %add3A_385 : vector<64x1024xf32>
    %add3A_433 = arith.addf %mul3A_431, %mul3A_432 : vector<64x1024xf32>
    %swap3A_434 = arith.constant 8 : index
    %swap3A_435 = arith.constant 0 : index
    %swap3A_436 = arith.constant 0 : index
    %swap3A_437 = vector.load %arg6[%swap3A_434, %swap3A_435, %swap3A_436] : memref<10x64x1024xf32, #tpu.memory_space<vmem>>, vector<1x64x1024xf32>
    %swap3A_438 = vector.shape_cast %swap3A_437 : vector<1x64x1024xf32> to vector<64x1024xf32>
    %swap3A_439 = vector.shape_cast %add3A_433 : vector<64x1024xf32> to vector<1x64x1024xf32>
    tpu.vector_store %arg6[%swap3A_434, %swap3A_435, %swap3A_436], %swap3A_439 {strides = array<i32>} : memref<10x64x1024xf32, #tpu.memory_space<vmem>>, vector<1x64x1024xf32>,
    %get3A_440 = arith.constant 9 : index
    %get3A_441 = arith.constant 0 : index
    %get3A_442 = arith.constant 0 : index
    %get3A_443 = vector.load %arg1[%get3A_440, %get3A_441, %get3A_442] : memref<10x1024x64xf32, #tpu.memory_space<vmem>>, vector<1x1024x64xf32>
    %get3A_444 = vector.shape_cast %get3A_443 : vector<1x1024x64xf32> to vector<1024x64xf32>
    %dot_general3A_445 = arith.constant dense<0.000000e+00> : vector<192x1024xf32>
    %dot_general3A_446 = tpu.matmul %get3A_1, %get3A_444, %dot_general3A_445 {dimension_numbers = #tpu.dot_dimension_numbers<[0], [1], [1], [0], [0, 1, 1, 0], [], []>, transpose_lhs_hint = false} : vector<64x192xf32>, vector<1024x64xf32>, vector<192x1024xf32> -> vector<192x1024xf32>
    %add3A_447 = vector.broadcast %get3A_7 : vector<192x1xf32> to vector<192x1024xf32>
    %add3A_448 = arith.addf %dot_general3A_446, %add3A_447 : vector<192x1024xf32>
    %dot_general3A_449 = arith.constant dense<0.000000e+00> : vector<192x1024xf32>
    %dot_general3A_450 = tpu.matmul %get3A_4, %add3A_433, %dot_general3A_449 {dimension_numbers = #tpu.dot_dimension_numbers<[0], [0], [1], [1], [0, 1, 1, 1], [], []>, transpose_lhs_hint = false} : vector<64x192xf32>, vector<64x1024xf32>, vector<192x1024xf32> -> vector<192x1024xf32>
    %add3A_451 = vector.broadcast %get3A_10 : vector<192x1xf32> to vector<192x1024xf32>
    %add3A_452 = arith.addf %dot_general3A_450, %add3A_451 : vector<192x1024xf32>
    %slice3A_453 = vector.extract_strided_slice %add3A_448 {offsets = [0, 0], sizes = [64, 1024], strides = [1, 1]} : vector<192x1024xf32> to vector<64x1024xf32>
    %slice3A_454 = vector.extract_strided_slice %add3A_448 {offsets = [64, 0], sizes = [64, 1024], strides = [1, 1]} : vector<192x1024xf32> to vector<64x1024xf32>
    %slice3A_455 = vector.extract_strided_slice %add3A_448 {offsets = [128, 0], sizes = [64, 1024], strides = [1, 1]} : vector<192x1024xf32> to vector<64x1024xf32>
    %slice3A_456 = vector.extract_strided_slice %add3A_452 {offsets = [0, 0], sizes = [64, 1024], strides = [1, 1]} : vector<192x1024xf32> to vector<64x1024xf32>
    %slice3A_457 = vector.extract_strided_slice %add3A_452 {offsets = [64, 0], sizes = [64, 1024], strides = [1, 1]} : vector<192x1024xf32> to vector<64x1024xf32>
    %slice3A_458 = vector.extract_strided_slice %add3A_452 {offsets = [128, 0], sizes = [64, 1024], strides = [1, 1]} : vector<192x1024xf32> to vector<64x1024xf32>
    %add3A_459 = arith.addf %slice3A_453, %slice3A_456 : vector<64x1024xf32>
    %logistic3A_460 = arith.negf %add3A_459 : vector<64x1024xf32>
    %logistic3A_461 = math.exp %logistic3A_460 : vector<64x1024xf32>
    %logistic3A_462 = arith.constant 1.000000e+00 : f32
    %logistic3A_463 = vector.broadcast %logistic3A_462 : f32 to vector<64x1024xf32>
    %logistic3A_464 = arith.addf %logistic3A_463, %logistic3A_461 : vector<64x1024xf32>
    %logistic3A_465 = arith.divf %logistic3A_463, %logistic3A_464 : vector<64x1024xf32>
    %add3A_466 = arith.addf %slice3A_454, %slice3A_457 : vector<64x1024xf32>
    %logistic3A_467 = arith.negf %add3A_466 : vector<64x1024xf32>
    %logistic3A_468 = math.exp %logistic3A_467 : vector<64x1024xf32>
    %logistic3A_469 = arith.constant 1.000000e+00 : f32
    %logistic3A_470 = vector.broadcast %logistic3A_469 : f32 to vector<64x1024xf32>
    %logistic3A_471 = arith.addf %logistic3A_470, %logistic3A_468 : vector<64x1024xf32>
    %logistic3A_472 = arith.divf %logistic3A_470, %logistic3A_471 : vector<64x1024xf32>
    %mul3A_473 = arith.mulf %logistic3A_465, %slice3A_458 : vector<64x1024xf32>
    %add3A_474 = arith.addf %slice3A_455, %mul3A_473 : vector<64x1024xf32>
    %tanh3A_475 = math.tanh %add3A_474 : vector<64x1024xf32>
    %sub3A_476 = arith.constant 1.000000e+00 : f32
    %sub3A_477 = vector.broadcast %sub3A_476 : f32 to vector<64x1024xf32>
    %sub3A_478 = arith.subf %sub3A_477, %logistic3A_472 : vector<64x1024xf32>
    %mul3A_479 = arith.mulf %sub3A_478, %tanh3A_475 : vector<64x1024xf32>
    %mul3A_480 = arith.mulf %logistic3A_472, %add3A_433 : vector<64x1024xf32>
    %add3A_481 = arith.addf %mul3A_479, %mul3A_480 : vector<64x1024xf32>
    %swap3A_482 = arith.constant 9 : index
    %swap3A_483 = arith.constant 0 : index
    %swap3A_484 = arith.constant 0 : index
    %swap3A_485 = vector.load %arg6[%swap3A_482, %swap3A_483, %swap3A_484] : memref<10x64x1024xf32, #tpu.memory_space<vmem>>, vector<1x64x1024xf32>
    %swap3A_486 = vector.shape_cast %swap3A_485 : vector<1x64x1024xf32> to vector<64x1024xf32>
    %swap3A_487 = vector.shape_cast %add3A_481 : vector<64x1024xf32> to vector<1x64x1024xf32>
    tpu.vector_store %arg6[%swap3A_482, %swap3A_483, %swap3A_484], %swap3A_487 {strides = array<i32>} : memref<10x64x1024xf32, #tpu.memory_space<vmem>>, vector<1x64x1024xf32>,
    %swap3A_488 = arith.constant 0 : index
    %swap3A_489 = arith.constant 0 : index
    %swap3A_490 = vector.load %arg7[%swap3A_488, %swap3A_489] : memref<64x1024xf32, #tpu.memory_space<vmem>>, vector<64x1024xf32>
    tpu.vector_store %arg7[%swap3A_488, %swap3A_489], %add3A_481 {strides = array<i32>} : memref<64x1024xf32, #tpu.memory_space<vmem>>, vector<64x1024xf32>,
    return
  }
  func.func @transform_0(%arg0: i32) -> (i32, i32, i32) {
    %c0_i32 = arith.constant 0 : i32
    %c0_i32_0 = arith.constant 0 : i32
    %c0_i32_1 = arith.constant 0 : i32
    return %arg0, %c0_i32, %c0_i32_0 : i32, i32, i32
  }
  func.func @transform_1(%arg0: i32) -> (i32, i32) {
    %c0_i32 = arith.constant 0 : i32
    %c0_i32_0 = arith.constant 0 : i32
    %c0_i32_1 = arith.constant 0 : i32
    return %c0_i32, %c0_i32_0 : i32, i32
  }
  func.func @transform_2(%arg0: i32) -> (i32, i32) {
    %c0_i32 = arith.constant 0 : i32
    %c0_i32_0 = arith.constant 0 : i32
    %c0_i32_1 = arith.constant 0 : i32
    return %c0_i32, %c0_i32_0 : i32, i32
  }
  func.func @transform_3(%arg0: i32) -> (i32, i32) {
    %c0_i32 = arith.constant 0 : i32
    %c0_i32_0 = arith.constant 0 : i32
    %c0_i32_1 = arith.constant 0 : i32
    return %c0_i32, %c0_i32_0 : i32, i32
  }
  func.func @transform_4(%arg0: i32) -> (i32, i32) {
    %c0_i32 = arith.constant 0 : i32
    %c0_i32_0 = arith.constant 0 : i32
    %c0_i32_1 = arith.constant 0 : i32
    return %c0_i32, %c0_i32_0 : i32, i32
  }
  func.func @transform_5(%arg0: i32) -> (i32, i32, i32) {
    %c0_i32 = arith.constant 0 : i32
    %c0_i32_0 = arith.constant 0 : i32
    %c0_i32_1 = arith.constant 0 : i32
    return %arg0, %c0_i32, %c0_i32_0 : i32, i32, i32
  }
}

</mosaic_0001>

<sc_bundles>
// kernel: kernel.4.cloned.1.call-start
scs
__scs_entry_jumppad:
0x0: {  	(pc) =	sbr.rel $0x88, $3  }
0x1: {  	(tag) =	ssettag $0x0;
	lr =	simm.s32 $0x1  }
0x2: {  	[smem:$0x3F9B] =	sst lr;
	_ =	strace $0xD0000000  }
0x3: {  	_ = 	snop  }
0x4: {  	_ = 	snop  }
0x5: {  	_ = 	snop  }
0x6: {  	_ = 	snop  }
0x7: {  	_ = 	snop  }
__scs_overlays_trampoline_lowered:
0x8: {  	[smem:$0x3FAA] =	sst s0  }
0x9: {  	[smem:$0x3FAB] =	sst s1  }
0xa: {  	[smem:$0x3FAC] =	sst s2  }
0xb: {  	[smem:$0x3FAD] =	sst s3  }
0xc: {  	[smem:$0x3FAE] =	sst s4  }
0xd: {  	[smem:$0x3FAF] =	sst s5  }
0xe: {  	[smem:$0x3FB0] =	sst s6  }
0xf: {  	[smem:$0x3FB1] =	sst s7  }
0x10: {  	[smem:$0x3FB2] =	sst s8  }
0x11: {  	[smem:$0x3FB3] =	sst s9;
	s0 =	simm.s32 @!p0 $0x0  }
0x12: {  	s1 =	sld [smem:$0x3F99];
	s0 =	simm.s32 @p0 $0x1  }
0x13: {  	[smem:$0x3FB4] =	sst s0;
	s0 =	simm.s32 @!p1 $0x0  }
0x14: {  	s2 =	sld [smem:$0x3F98];
	s0 =	simm.s32 @p1 $0x1  }
0x15: {  	[smem:$0x3FB5] =	sst s0;
	s0 =	simm.s32 @!p2 $0x0  }
0x16: {  	s3 =	sld [smem:$0x3FDB];
	s0 =	simm.s32 @p2 $0x1  }
0x17: {  	s4 =	simm.s32 $0x1BF5;
	[smem:$0x3FB7] =	sst s0  }
0x18: {  	s0 =	sld [smem:$0x3F9A];
	_ =	swait.ge [sflag:s4], $0x0  }
0x19: {  	s7 =	sld [smem:$0x3F9B]  }
0x1a: {  	s8 =	sadd.s32 $0xFFFFE003, lr  }
0x1b: {  	s9 =	sadd.s32 $0xFFFFFEF7, lr;
	s5 =	simm.s32 $0xFFFFFFFF;
	p2 =	slt.u32 s8, $0xFFFFF086  }
0x1c: {  	p1 =	slt.u32 s9, $0xF7A;
	s5 =	simm.s32 @!p2 $0x0  }
0x1d: {  	s5 =	simm.s32 @p1 $0x1;
	p0 =	seq.s32 s7, s2  }
0x1e: {  	s7 =	smul.u32 @!p0 $0xF7A, s2;
	p2 =	seq.s32 @!p0 s5, $0x0  }
0x1f: {  	s9 =	smul.u32 $0xF7A, s1;
	s8 =	simm.s32 @!p0 $0x1BF5;
	p2 =	por !p2, p0  }
0x20: {  	[sflag:s8] =	ssyncset.s32 @!p0 $0xFFFFF086;
	s6 =	sadd.s32 @!p0 s3, s7;
	s7 =	simm.s32 @!p0 $0x108  }
0x21: {  	s3 =	sadd.s32 s3, s9;
	s6 =	sadd.s32 @!p0 $0x88, s6;
	s7 =	simm.s32 @p2 $0x1082  }
0x22: {  	[simem:s7], [sflag:s8] =	dma.local @!p0 [hbm:s6], $0xF7A  }
0x23: {  	s9 =	sor.u32 $0xD0000000, s2;
	s6 =	simm.s32 $0x108;
	_ =	swait.ge @!p0 [sflag:s8], $0x0  }
0x24: {  	s3 =	sadd.s32 $0x88, s3;
	s6 =	simm.s32 @!p1 $0x1082;
	[sflag:s4] =	ssyncset.s32 $0xFFFFF086  }
0x25: {  	[simem:s6], [sflag:s4] =	dma.local [hbm:s3], $0xF7A  }
0x26: {  	[smem:$0x3F9B] =	sst s1;
	(tag) =	ssettag s2;
	_ =	strace s9  }
0x27: {  	s1 =	sld [smem:$0x3FAB]  }
0x28: {  	s2 =	sld [smem:$0x3FAC]  }
0x29: {  	s4 =	sld [smem:$0x3FAE]  }
0x2a: {  	p0 =	seq.s32 s5, $0x0;
	s5 =	sld [smem:$0x3FAF]  }
0x2b: {  	s6 =	sld [smem:$0x3FB0]  }
0x2c: {  	s7 =	sld [smem:$0x3FB1]  }
0x2d: {  	s3 =	simm.s32 $0x108;
	s8 =	sld [smem:$0x3FB2]  }
0x2e: {  	s3 =	simm.s32 @!p0 $0x1082;
	s9 =	sld [smem:$0x3FB3]  }
0x2f: {  	lr =	sadd.s32 s0, s3;
	s0 =	sld [smem:$0x3FAA]  }
0x30: {  	s3 =	sld [smem:$0x3FAD]  }
0x31: {  	[smem:$0x3FB6] =	sst s10  }
0x32: {  	s10 =	sld [smem:$0x3FB4];
	_ =	sdelay $0x3  }
0x33: {  	p0 =	seq.s32 s10, $0x1;
	s10 =	sld [smem:$0x3FB6];
	_ =	sdelay $0x3  }
0x34: {  	[smem:$0x3FB6] =	sst s10  }
0x35: {  	s10 =	sld [smem:$0x3FB5];
	_ =	sdelay $0x3  }
0x36: {  	p1 =	seq.s32 s10, $0x1;
	s10 =	sld [smem:$0x3FB6];
	_ =	sdelay $0x3  }
0x37: {  	[smem:$0x3FB6] =	sst s10  }
0x38: {  	s10 =	sld [smem:$0x3FB7]  }
0x39: {  	_ = 	snop;
	(pc) =	sbr.ind lr, $3  }
0x3a: {  	_ = 	snop  }
0x3b: {  	_ = 	snop  }
0x3c: {  	p2 =	seq.s32 s10, $0x1;
	s10 =	sld [smem:$0x3FB6]  }
0x3d: {  	_ =	shalt  }
0x3e: {  	_ =	shalt  }
0x3f: {  	_ =	shalt  }
0x40: {  	_ =	shalt  }
0x41: {  	_ =	shalt  }
0x42: {  	_ =	shalt  }
0x43: {  	_ =	shalt  }
0x44: {  	_ =	shalt  }
0x45: {  	_ =	shalt  }
0x46: {  	_ =	shalt  }
0x47: {  	_ =	shalt  }
0x48: {  	_ =	shalt  }
0x49: {  	_ =	shalt  }
0x4a: {  	_ =	shalt  }
0x4b: {  	_ =	shalt  }
0x4c: {  	_ =	shalt  }
0x4d: {  	_ =	shalt  }
0x4e: {  	_ =	shalt  }
0x4f: {  	_ =	shalt  }
0x50: {  	_ =	shalt  }
0x51: {  	_ =	shalt  }
0x52: {  	_ =	shalt  }
0x53: {  	_ =	shalt  }
0x54: {  	_ =	shalt  }
0x55: {  	_ =	shalt  }
0x56: {  	_ =	shalt  }
0x57: {  	_ =	shalt  }
0x58: {  	_ =	shalt  }
0x59: {  	_ =	shalt  }
0x5a: {  	_ =	shalt  }
0x5b: {  	_ =	shalt  }
0x5c: {  	_ =	shalt  }
0x5d: {  	_ =	shalt  }
0x5e: {  	_ =	shalt  }
0x5f: {  	_ =	shalt  }
0x60: {  	_ =	shalt  }
0x61: {  	_ =	shalt  }
0x62: {  	_ =	shalt  }
0x63: {  	_ =	shalt  }
0x64: {  	_ =	shalt  }
0x65: {  	_ =	shalt  }
0x66: {  	_ =	shalt  }
0x67: {  	_ =	shalt  }
0x68: {  	_ =	shalt  }
0x69: {  	_ =	shalt  }
0x6a: {  	_ =	shalt  }
0x6b: {  	_ =	shalt  }
0x6c: {  	_ =	shalt  }
0x6d: {  	_ =	shalt  }
0x6e: {  	_ =	shalt  }
0x6f: {  	_ =	shalt  }
0x70: {  	_ =	shalt  }
0x71: {  	_ =	shalt  }
0x72: {  	_ =	shalt  }
0x73: {  	_ =	shalt  }
0x74: {  	_ =	shalt  }
0x75: {  	_ =	shalt  }
0x76: {  	_ =	shalt  }
0x77: {  	_ =	shalt  }
0x78: {  	_ =	shalt  }
0x79: {  	_ =	shalt  }
0x7a: {  	_ =	shalt  }
0x7b: {  	_ =	shalt  }
0x7c: {  	_ =	shalt  }
0x7d: {  	_ =	shalt  }
0x7e: {  	_ =	shalt  }
0x7f: {  	_ =	shalt  }
0x80: {  	_ =	shalt  }
0x81: {  	_ =	shalt  }
0x82: {  	_ =	shalt  }
0x83: {  	_ =	shalt  }
0x84: {  	_ =	shalt  }
0x85: {  	_ =	shalt  }
0x86: {  	_ =	shalt  }
0x87: {  	_ =	shalt  }
.Lfunc_end0:
.L_simem_size_0:
called_computation_lowered:
.L_overlay_start_0:
0x88: {  	s2 =	sld [smem:$0x3FD9]  }
0x89: {  	s3 =	sld [smem:$0x3FFE];
	_ =	sdelay $0x1  }
0x8a: {  	s1 =	srdreg.scid  }
0x8b: {  	s0 =	sand.u32 $0x1, s1  }
0x8c: {  	s14 =	sshll.u32 s0, $0xA;
	s2 =	sadd.s32 s3, s2  }
0x8d: {  	s2 =	sadd.s32 s2, s14  }
0x8e: {  	[smem:$0x3FC2] =	sst s2  }
0x8f: {  	_ = 	snop  }
0x90: {  	s2 =	sld [smem:$0x3FD0];
	_ =	sdelay $0x2  }
0x91: {  	s15 =	simm.s32 $0xA;
	s4 =	simm.s32 $0x10  }
0x92: {  	[smem:s4], [sflag:s15] =	dma.local [hbm:s2], $0x1  }
0x93: {  	_ =	swait.eq [sflag:s15], $0x1  }
0x94: {  	[sflag:s15] =	ssyncset.done $0x0  }
0x95: {  	[sflag:s15] =	ssyncadd.s32 $0xFFFFFFFF  }
0x96: {  	s16 =	sld [smem:$0x11];
	(tm) =	ssettm $0x1  }
0x97: {  	s17 =	sld [smem:$0x3FFB];
	_ =	sdelay $0x3  }
0x98: {  	_ =	strace s17  }
0x99: {  	s3 =	sld [smem:$0x3FFC];
	_ =	sdelay $0x3  }
0x9a: {  	_ =	strace s3  }
0x9b: {  	s3 =	sld [smem:$0x3FFD];
	_ =	sdelay $0x3  }
0x9c: {  	_ =	strace s3  }
0x9d: {  	_ =	strace $0x8FFFFFFF  }
0x9e: {  	s18 =	sld [smem:$0x3FDB];
	_ =	sdelay $0x1  }
0x9f: {  	s19 =	simm.s32 $_scs_section_size  }
0xa0: {  	s5 =	simm.s32 $_size__tile_overlayer_lowered;
	s6 =	simm.s32 $_tile_overlayer_lowered  }
0xa1: {  	s22 =	simm.s32 $0x1BFF;
	s21 =	sshll.u32 s6, $0x1;
	s3 =	sadd.s32 s19, s18  }
0xa2: {  	s7 =	simm.s32 $0x0;
	s20 =	sshll.u32 s5, $0x1;
	s5 =	sadd.s32 s21, s3  }
0xa3: {  	[timem:s7], [sflag:s22] =	dma.local [hbm:s5], s20  }
0xa4: {  	_ =	swait.ge [sflag:s22], s20  }
0xa5: {  	s4 =	ssub.s32 $0x0, s20;
	[sflag:s22] =	ssyncset.done $0x0  }
0xa6: {  	[sflag:s22] =	ssyncadd.s32 s4;
	_ =	sdelay $0x1  }
0xa7: {  	s23 =	simm.s32 $0x1B8B  }
0xa8: {  	_ =	swait.ge [sflag:s23], $0x1  }
0xa9: {  	[sflag:s23] =	ssyncset.done $0x0  }
0xaa: {  	s25 =	simm.s32 $0x1B8E;
	s24 =	sld [smem:$0x3FFE];
	[sflag:s23] =	ssyncadd.s32 $0xFFFFFFFF  }
0xab: {  	s26 =	simm.s32 $execute0_lowered;
	[smem:$0x3FD2] =	sst s25  }
0xac: {  	s5 =	sshll.u32 s26, $0x1;
	_ =	strace $0x80000046;
	[dreg:$0x1] =	wrdreg $0xFFFFFFFF  }
0xad: {  	s28 =	simm.s32 $_size_execute0_lowered;
	s3 =	sadd.s32 s3, s5;
	[dreg:$0x0] =	wrdreg $0x0  }
0xae: {  	s5 =	sshll.u32 s28, $0x1;
	[dreg:$0x2] =	wrdreg s3  }
0xaf: {  	[dreg:$0x3] =	wrdreg s5  }
0xb0: {  	[dreg:$0x4] =	wrdreg $0xC0  }
0xb1: {  	_ =	task [dreg:s7], $0x5FFFF  }
0xb2: {  	[dreg:$0x1] =	wrdreg $0xFFFFFFFF  }
0xb3: {  	[dreg:$0x0] =	wrdreg $0x60  }
0xb4: {  	[dreg:$0x2] =	wrdreg s24  }
0xb5: {  	[dreg:$0x3] =	wrdreg s16  }
0xb6: {  	[dreg:$0x4] =	wrdreg $0x9  }
0xb7: {  	_ =	task.clear_ibuf [dreg:s7], $0x5FFFF;
	_ =	strace $0x90000046  }
0xb8: {  	s29 =	simm.s32 $0x9;
	_ =	strace $0x80000048  }
0xb9: {  	_ =	swait.ge [sflag:s29], $0x1  }
0xba: {  	[sflag:s29] =	ssyncadd.s32 $0xFFFFFFFF  }
0xbb: {  	_ =	strace $0x90000048  }
0xbc: {  	_ =	sfence  }
0xbd: {  	s30 =	sld [smem:$0x0];
	_ =	sdelay $0x2  }
0xbe: {  	s31 =	sshll.u32 s1, $0xD;
	s1 =	sshrl.u32 s1, $0x2  }
0xbf: {  	s3 =	sand.u32 $0x4000, s31;
	s1 =	sadd.s32 s1, s30  }
0xc0: {  	s0 =	sor.u32 s3, s0;
	s1 =	sshll.u32 s1, $0x11  }
0xc1: {  	s0 =	sor.u32 s1, s0  }
0xc2: {  	s0 =	sadd.s32 $0x8F2B, s0  }
0xc3: {  	[sflag:s0] =	ssyncadd.remote.s32 $0x1  }
0xc4: {  	_ =	sfence.sel $0xFFFF  }
0xc5: {  	[dreg:$0x0] =	wrdreg $0xFFFFFFFF;
	(pc) =	sbr.abs _section_cstart, $3  }
0xc6: {  	[dreg:$0x1] =	wrdreg $0xFFFFFFFF  }
0xc7: {  	_ =	task.clear_ibuf [dreg:s7], $0x2FFFF;
	_ =	strace $0x9FFFFFFF  }
0xc8: {  	(tm) =	ssettm $0x7FFFFFFF  }
0xc9: {  	_ =	shalt  }
tec
execute0_lowered:
.L_overlay_start_1:
0x0: {  	(tag) =	ssettag $0x1  }
0x1: {  	s4 =	rddreg [dreg:$0x0]  }
0x2: {  	s3 =	srdreg.scid;
	s0 =	stileid.u32  }
0x3: {  	s6 =	rddreg [dreg:$0x1];
	s3 =	sand.u32 $0x1, s3;
	s5 =	sshll.u32 s0, $0x1  }
0x4: {  	s2 =	simm.s32 $0x0;
	s12 =	simm.s32 $0x0;
	s5 =	sor.u32 s3, s5  }
0x5: {  	[smem:$0x7FF] =	sst s2;
	s7 =	ssub.s32 $0x2, s3;
	s8 =	smul.u32 $0x640, s5  }
0x6: {  	s9 =	sadd.s32 $0xF43200, s4;
	s28 =	sshrl.u32 s7, $0x1;
	s5 =	smul.u32 $0x6400, s5  }
0x7: {  	_ =	strace $0x80000047;
	s3 =	sadd.s32 $0xE00, s4;
	s11 =	ssub.s32 s7, s28  }
0x8: {  	s10 =	sshrl.u32 s8, $0x3;
	s8 =	sadd.s32 $0x320, s8;
	s5 =	sadd.s32 s9, s5  }
0x9: {  	s29 =	sadd.s32 s6, s10;
	s30 =	sshrl.u32 s8, $0x3;
	s31 =	sshll.u32 s8, $0x4  }
0xa: {  	s8 =	smax.u32 s11, $0x1;
	s10 =	simm.s32 $0x1;
	[dreg:$0x3] =	wrdreg s29  }
0xb: {  	s6 =	sadd.s32 s6, s30;
	s7 =	sadd.s32 s9, s31;
	s9 =	simm.s32 $0x2  }
.LBB2_1:
0xc: {  	s0 =	rddreg [dreg:$0x3]  }
0xd: {  	[tilespmem:s2], [sflag:$0x2] =	stream.linear.gather [hbm4b:s0+s2], $0x320, $0x38;
	[tilespmem:$0x19380] =	vst v63  }
0xe: {  	_ =	swait.ge [sflag:s9], $0x320  }
0xf: {  	[sflag:s9] =	ssyncset.done $0x0  }
0x10: {  	[sflag:s9] =	ssyncadd.s32 $0xFFFFFCE0  }
0x11: {  	v0 =	vld [tilespmem:s2+$0x0];
	_ =	sdelay $0x4  }
0x12: {  	v0 =	vshll.u32 v0, $0x4  }
0x13: {  	(v2sf) =	vpush v0, $0x0  }
0x14: {  	(v2sf) =	vpush v0, $0x1  }
0x15: {  	(v2sf) =	vpush v0, $0x2;
	_ =	sdelay $0x1  }
0x16: {  	(v2sf) =	vpush v0, $0x3;
	_ =	sdelay $0x1  }
0x17: {  	(v2sf) =	vpush v0, $0x4;
	_ =	sdelay $0x1  }
0x18: {  	(v2sf) =	vpush v0, $0x5;
	_ =	sdelay $0x1  }
0x19: {  	(v2sf) =	vpush v0, $0x6  }
0x1a: {  	s15 =	simm.s32 $0x400;
	s16 =	simm.s32 $0x500;
	s17 =	simm.s32 $0x580  }
0x1b: {  	s18 =	simm.s32 $0x380;
	s19 =	simm.s32 $0x480;
	s20 =	simm.s32 $0x600;
	(v2sf) =	vpush v0, $0x7  }
0x1c: {  	p0 =	por $0x1, $0x1;
	s21 =	simm.s32 $0x800;
	s13 =	simm.s32 $0xA00  }
0x1d: {  	s22 =	simm.s32 $0x680;
	s23 =	simm.s32 $0x780;
	s14 =	simm.s32 $0x980;
	(v2sf) =	vpush v0, $0x8  }
0x1e: {  	s24 =	simm.s32 $0x700;
	s25 =	simm.s32 $0x900;
	s26 =	spop (v2sf)  }
0x1f: {  	s28 =	simm.s32 $0x880;
	(v2sf) =	vpush v0, $0x9;
	s26 =	sand.u32 $0x1FFFFFF0, s26;
	s29 =	spop (v2sf)  }
0x20: {  	s26 =	sadd.s32 s3, s26;
	s29 =	sand.u32 $0x1FFFFFF0, s29;
	s30 =	spop (v2sf)  }
0x21: {  	(v2sf) =	vpush v0, $0xA;
	[tilespmem:s18], [sflag:$0x1] =	stream.linear.gather [hbm4b:s26+s2], $0x80, $0x38;
	[tilespmem:$0x19380] =	vst v63  }
0x22: {  	s26 =	sadd.s32 s3, s29;
	s31 =	sand.u32 $0x1FFFFFF0, s30;
	s0 =	spop (v2sf)  }
0x23: {  	(v2sf) =	vpush v0, $0xB;
	[tilespmem:s15], [sflag:$0x1] =	stream.linear.gather [hbm4b:s26+s2], $0x80, $0x38;
	[tilespmem:$0x19380] =	vst v63  }
0x24: {  	s1 =	sadd.s32 s3, s31;
	s4 =	sand.u32 $0x1FFFFFF0, s0;
	s11 =	spop (v2sf)  }
0x25: {  	(v2sf) =	vpush v0, $0xC;
	[tilespmem:s19], [sflag:$0x1] =	stream.linear.gather [hbm4b:s1+s2], $0x80, $0x38;
	[tilespmem:$0x19380] =	vst v63  }
0x26: {  	s26 =	sand.u32 $0x1FFFFFF0, s11;
	s29 =	spop (v2sf);
	s19 =	sadd.s32 s3, s4  }
0x27: {  	(v2sf) =	vpush v0, $0xD;
	[tilespmem:s16], [sflag:$0x1] =	stream.linear.gather [hbm4b:s19+s2], $0x80, $0x38;
	[tilespmem:$0x19380] =	vst v63  }
0x28: {  	s30 =	sadd.s32 s3, s26;
	s31 =	sand.u32 $0x1FFFFFF0, s29;
	s0 =	spop (v2sf)  }
0x29: {  	(v2sf) =	vpush v0, $0xE;
	[tilespmem:s17], [sflag:$0x1] =	stream.linear.gather [hbm4b:s30+s2], $0x80, $0x38;
	[tilespmem:$0x19380] =	vst v63  }
0x2a: {  	s1 =	sadd.s32 s3, s31;
	s4 =	sand.u32 $0x1FFFFFF0, s0;
	s11 =	spop (v2sf)  }
0x2b: {  	(v2sf) =	vpush v0, $0xF;
	[tilespmem:s20], [sflag:$0x1] =	stream.linear.gather [hbm4b:s1+s2], $0x80, $0x38;
	[tilespmem:$0x19380] =	vst v63  }
0x2c: {  	s18 =	spop (v2sf);
	s16 =	sadd.s32 s3, s4;
	s17 =	sand.u32 $0x1FFFFFF0, s11  }
0x2d: {  	[tilespmem:s22], [sflag:$0x1] =	stream.linear.gather [hbm4b:s16+s2], $0x80, $0x38;
	[tilespmem:$0x19380] =	vst v63  }
0x2e: {  	s19 =	sadd.s32 s3, s17;
	s20 =	sand.u32 $0x1FFFFFF0, s18;
	s22 =	spop (v2sf)  }
0x2f: {  	[tilespmem:s24], [sflag:$0x1] =	stream.linear.gather [hbm4b:s19+s2], $0x80, $0x38;
	[tilespmem:$0x19380] =	vst v63  }
0x30: {  	s26 =	sand.u32 $0x1FFFFFF0, s22;
	s29 =	spop (v2sf);
	s24 =	sadd.s32 s3, s20  }
0x31: {  	[tilespmem:s23], [sflag:$0x1] =	stream.linear.gather [hbm4b:s24+s2], $0x80, $0x38;
	[tilespmem:$0x19380] =	vst v63  }
0x32: {  	s30 =	sadd.s32 s3, s26;
	s31 =	sand.u32 $0x1FFFFFF0, s29;
	s0 =	spop (v2sf)  }
0x33: {  	[tilespmem:s21], [sflag:$0x1] =	stream.linear.gather [hbm4b:s30+s2], $0x80, $0x38;
	[tilespmem:$0x19380] =	vst v63  }
0x34: {  	s1 =	sadd.s32 s3, s31;
	s4 =	sand.u32 $0x1FFFFFF0, s0;
	s11 =	spop (v2sf)  }
0x35: {  	[tilespmem:s28], [sflag:$0x1] =	stream.linear.gather [hbm4b:s1+s2], $0x80, $0x38;
	[tilespmem:$0x19380] =	vst v63  }
0x36: {  	s16 =	sadd.s32 s3, s4;
	s18 =	sand.u32 $0x1FFFFFF0, s11;
	s19 =	spop (v2sf)  }
0x37: {  	[tilespmem:s25], [sflag:$0x1] =	stream.linear.gather [hbm4b:s16+s2], $0x80, $0x38;
	[tilespmem:$0x19380] =	vst v63  }
0x38: {  	s20 =	sadd.s32 s3, s18;
	s22 =	spop (v2sf);
	s21 =	sand.u32 $0x1FFFFFF0, s19  }
0x39: {  	[tilespmem:s14], [sflag:$0x1] =	stream.linear.gather [hbm4b:s20+s2], $0x80, $0x38;
	[tilespmem:$0x19380] =	vst v63  }
0x3a: {  	s24 =	sand.u32 $0x1FFFFFF0, s22;
	s23 =	sadd.s32 s3, s21;
	s25 =	spop (v2sf)  }
0x3b: {  	[tilespmem:s13], [sflag:$0x1] =	stream.linear.gather [hbm4b:s23+s2], $0x80, $0x38;
	[tilespmem:$0x19380] =	vst v63  }
0x3c: {  	s26 =	simm.s32 $0xA80;
	s28 =	sadd.s32 s3, s24;
	s29 =	sand.u32 $0x1FFFFFF0, s25  }
0x3d: {  	[tilespmem:s26], [sflag:$0x1] =	stream.linear.gather [hbm4b:s28+s2], $0x80, $0x38;
	[tilespmem:$0x19380] =	vst v63  }
0x3e: {  	s30 =	simm.s32 $0xB00;
	s16 =	simm.s32 @!p0 $0x1;
	s31 =	sadd.s32 s3, s29  }
0x3f: {  	[tilespmem:s30], [sflag:$0x1] =	stream.linear.gather [hbm4b:s31+s2], $0x80, $0x38;
	[tilespmem:$0x19380] =	vst v63  }
0x40: {  	_ =	swait.ge @!p0 [sflag:s16], $0x80  }
0x41: {  	[sflag:s16] =	ssyncset.done @!p0 $0x0  }
0x42: {  	[sflag:s16] =	ssyncadd.s32 @!p0 $0xFFFFFF80  }
0x43: {  	_ =	swait.ge @!p0 [sflag:s16], $0x80  }
0x44: {  	[sflag:s16] =	ssyncset.done @!p0 $0x0  }
0x45: {  	[sflag:s16] =	ssyncadd.s32 @!p0 $0xFFFFFF80  }
0x46: {  	_ =	swait.ge @!p0 [sflag:s16], $0x80  }
0x47: {  	[sflag:s16] =	ssyncset.done @!p0 $0x0  }
0x48: {  	[sflag:s16] =	ssyncadd.s32 @!p0 $0xFFFFFF80  }
0x49: {  	_ =	swait.ge @!p0 [sflag:s16], $0x80  }
0x4a: {  	[sflag:s16] =	ssyncset.done @!p0 $0x0  }
0x4b: {  	[sflag:s16] =	ssyncadd.s32 @!p0 $0xFFFFFF80  }
0x4c: {  	_ =	swait.ge @!p0 [sflag:s16], $0x80  }
0x4d: {  	[sflag:s16] =	ssyncset.done @!p0 $0x0  }
0x4e: {  	[sflag:s16] =	ssyncadd.s32 @!p0 $0xFFFFFF80  }
0x4f: {  	_ =	swait.ge @!p0 [sflag:s16], $0x80  }
0x50: {  	[sflag:s16] =	ssyncset.done @!p0 $0x0  }
0x51: {  	[sflag:s16] =	ssyncadd.s32 @!p0 $0xFFFFFF80  }
0x52: {  	_ =	swait.ge @!p0 [sflag:s16], $0x80  }
0x53: {  	[sflag:s16] =	ssyncset.done @!p0 $0x0  }
0x54: {  	[sflag:s16] =	ssyncadd.s32 @!p0 $0xFFFFFF80  }
0x55: {  	_ =	swait.ge @!p0 [sflag:s16], $0x80  }
0x56: {  	[sflag:s16] =	ssyncset.done @!p0 $0x0  }
0x57: {  	[sflag:s16] =	ssyncadd.s32 @!p0 $0xFFFFFF80  }
0x58: {  	_ =	swait.ge @!p0 [sflag:s16], $0x80  }
0x59: {  	[sflag:s16] =	ssyncset.done @!p0 $0x0  }
0x5a: {  	[sflag:s16] =	ssyncadd.s32 @!p0 $0xFFFFFF80  }
0x5b: {  	_ =	swait.ge @!p0 [sflag:s16], $0x80  }
0x5c: {  	[sflag:s16] =	ssyncset.done @!p0 $0x0  }
0x5d: {  	[sflag:s16] =	ssyncadd.s32 @!p0 $0xFFFFFF80  }
0x5e: {  	_ =	swait.ge @!p0 [sflag:s16], $0x80  }
0x5f: {  	[sflag:s16] =	ssyncset.done @!p0 $0x0  }
0x60: {  	[sflag:s16] =	ssyncadd.s32 @!p0 $0xFFFFFF80  }
0x61: {  	_ =	swait.ge @!p0 [sflag:s16], $0x80  }
0x62: {  	[sflag:s16] =	ssyncset.done @!p0 $0x0  }
0x63: {  	[sflag:s16] =	ssyncadd.s32 @!p0 $0xFFFFFF80  }
0x64: {  	_ =	swait.ge @!p0 [sflag:s16], $0x80  }
0x65: {  	[sflag:s16] =	ssyncset.done @!p0 $0x0  }
0x66: {  	s15 =	simm.s32 $0x0;
	[sflag:s16] =	ssyncadd.s32 @!p0 $0xFFFFFF80  }
0x67: {  	s14 =	simm.s32 $0x10;
	s13 =	simm.s32 $0x2000;
	_ =	swait.ge @!p0 [sflag:s16], $0x80  }
.LBB2_2:
0x68: {  	[sflag:s16] =	ssyncset.done @!p0 $0x0  }
0x69: {  	s15 =	sadd.s32 $0x1, s15;
	s17 =	smov.u32 s13;
	s13 =	sadd.s32 $0x2000, s13  }
0x6a: {  	p1 =	sne.s32 s13, $0x64000;
	[sflag:s16] =	ssyncadd.s32 @!p0 $0xFFFFFF80  }
0x6b: {  	_ =	swait.ge @!p0 [sflag:s16], $0x80  }
0x6c: {  	[sflag:s16] =	ssyncset.done @!p0 $0x0  }
0x6d: {  	[sflag:s16] =	ssyncadd.s32 @!p0 $0xFFFFFF80  }
0x6e: {  	_ =	swait.ge @!p0 [sflag:s16], $0x80  }
0x6f: {  	[sflag:s16] =	ssyncset.done @!p0 $0x0  }
0x70: {  	[sflag:s16] =	ssyncadd.s32 @!p0 $0xFFFFFF80  }
0x71: {  	v0 =	vld [tilespmem:s14+$0x0];
	_ =	sdelay $0x4  }
0x72: {  	v0 =	vshll.u32 v0, $0x4  }
0x73: {  	(v2sf) =	vpush v0, $0x0  }
0x74: {  	(v2sf) =	vpush v0, $0x1  }
0x75: {  	(v2sf) =	vpush v0, $0x2;
	_ =	sdelay $0x1  }
0x76: {  	(v2sf) =	vpush v0, $0x3;
	_ =	sdelay $0x1  }
0x77: {  	(v2sf) =	vpush v0, $0x4;
	_ =	sdelay $0x1  }
0x78: {  	(v2sf) =	vpush v0, $0x5  }
0x79: {  	s16 =	sshra.s32 s17, $0x2  }
0x7a: {  	s24 =	sadd.s32 $0x400, s16;
	s25 =	sadd.s32 $0x500, s16;
	s26 =	sadd.s32 $0x580, s16;
	(v2sf) =	vpush v0, $0x6  }
0x7b: {  	s28 =	sadd.s32 $0x380, s16;
	s29 =	sadd.s32 $0x480, s16  }
0x7c: {  	p0 =	slt.u32 s15, $0x4;
	s30 =	sadd.s32 $0x600, s16;
	(v2sf) =	vpush v0, $0x7  }
0x7d: {  	s21 =	sadd.s32 $0x800, s16;
	s18 =	sadd.s32 $0xA00, s16;
	s17 =	sadd.s32 $0xB00, s16  }
0x7e: {  	s31 =	sadd.s32 $0x680, s16;
	s23 =	sadd.s32 $0x780, s16;
	s19 =	sadd.s32 $0x980, s16;
	(v2sf) =	vpush v0, $0x8  }
0x7f: {  	s0 =	sadd.s32 $0x700, s16;
	s20 =	sadd.s32 $0x900, s16;
	s22 =	spop (v2sf)  }
0x80: {  	s1 =	sand.u32 $0x1FFFFFF0, s22;
	s22 =	sadd.s32 $0x880, s16;
	s11 =	spop (v2sf);
	(v2sf) =	vpush v0, $0x9  }
0x81: {  	s1 =	sadd.s32 s3, s1;
	s11 =	sand.u32 $0x1FFFFFF0, s11;
	s4 =	spop (v2sf)  }
0x82: {  	[tilespmem:s28], [sflag:$0x1] =	stream.linear.gather [hbm4b:s1+s2], $0x80, $0x38;
	(v2sf) =	vpush v0, $0xA;
	[tilespmem:$0x19380] =	vst v63  }
0x83: {  	s1 =	sadd.s32 s3, s11;
	s4 =	sand.u32 $0x1FFFFFF0, s4;
	s11 =	spop (v2sf)  }
0x84: {  	[tilespmem:s24], [sflag:$0x1] =	stream.linear.gather [hbm4b:s1+s2], $0x80, $0x38;
	(v2sf) =	vpush v0, $0xB;
	[tilespmem:$0x19380] =	vst v63  }
0x85: {  	s1 =	sadd.s32 s3, s4;
	s4 =	sand.u32 $0x1FFFFFF0, s11;
	s11 =	spop (v2sf)  }
0x86: {  	[tilespmem:s29], [sflag:$0x1] =	stream.linear.gather [hbm4b:s1+s2], $0x80, $0x38;
	(v2sf) =	vpush v0, $0xC;
	[tilespmem:$0x19380] =	vst v63  }
0x87: {  	s1 =	sadd.s32 s3, s4;
	s4 =	sand.u32 $0x1FFFFFF0, s11;
	s11 =	spop (v2sf)  }
0x88: {  	[tilespmem:s25], [sflag:$0x1] =	stream.linear.gather [hbm4b:s1+s2], $0x80, $0x38;
	(v2sf) =	vpush v0, $0xD;
	[tilespmem:$0x19380] =	vst v63  }
0x89: {  	s1 =	sadd.s32 s3, s4;
	s4 =	sand.u32 $0x1FFFFFF0, s11;
	s11 =	spop (v2sf)  }
0x8a: {  	[tilespmem:s26], [sflag:$0x1] =	stream.linear.gather [hbm4b:s1+s2], $0x80, $0x38;
	(v2sf) =	vpush v0, $0xE;
	[tilespmem:$0x19380] =	vst v63  }
0x8b: {  	s1 =	sadd.s32 s3, s4;
	s4 =	sand.u32 $0x1FFFFFF0, s11;
	s11 =	spop (v2sf)  }
0x8c: {  	[tilespmem:s30], [sflag:$0x1] =	stream.linear.gather [hbm4b:s1+s2], $0x80, $0x38;
	(v2sf) =	vpush v0, $0xF;
	[tilespmem:$0x19380] =	vst v63  }
0x8d: {  	s1 =	sadd.s32 s3, s4;
	s4 =	sand.u32 $0x1FFFFFF0, s11;
	s11 =	spop (v2sf)  }
0x8e: {  	[tilespmem:s31], [sflag:$0x1] =	stream.linear.gather [hbm4b:s1+s2], $0x80, $0x38;
	[tilespmem:$0x19380] =	vst v63  }
0x8f: {  	s1 =	sadd.s32 s3, s4;
	s4 =	sand.u32 $0x1FFFFFF0, s11;
	s11 =	spop (v2sf)  }
0x90: {  	[tilespmem:s0], [sflag:$0x1] =	stream.linear.gather [hbm4b:s1+s2], $0x80, $0x38;
	[tilespmem:$0x19380] =	vst v63  }
0x91: {  	s0 =	sadd.s32 s3, s4;
	s1 =	sand.u32 $0x1FFFFFF0, s11;
	s4 =	spop (v2sf)  }
0x92: {  	[tilespmem:s23], [sflag:$0x1] =	stream.linear.gather [hbm4b:s0+s2], $0x80, $0x38;
	[tilespmem:$0x19380] =	vst v63  }
0x93: {  	s0 =	sadd.s32 s3, s1;
	s1 =	sand.u32 $0x1FFFFFF0, s4;
	s4 =	spop (v2sf)  }
0x94: {  	[tilespmem:s21], [sflag:$0x1] =	stream.linear.gather [hbm4b:s0+s2], $0x80, $0x38;
	[tilespmem:$0x19380] =	vst v63  }
0x95: {  	s0 =	sadd.s32 s3, s1;
	s1 =	sand.u32 $0x1FFFFFF0, s4;
	s4 =	spop (v2sf)  }
0x96: {  	[tilespmem:s22], [sflag:$0x1] =	stream.linear.gather [hbm4b:s0+s2], $0x80, $0x38;
	[tilespmem:$0x19380] =	vst v63  }
0x97: {  	s0 =	sadd.s32 s3, s1;
	s1 =	sand.u32 $0x1FFFFFF0, s4;
	s4 =	spop (v2sf)  }
0x98: {  	[tilespmem:s20], [sflag:$0x1] =	stream.linear.gather [hbm4b:s0+s2], $0x80, $0x38;
	[tilespmem:$0x19380] =	vst v63  }
0x99: {  	s0 =	sadd.s32 s3, s1;
	s1 =	sand.u32 $0x1FFFFFF0, s4;
	s4 =	spop (v2sf)  }
0x9a: {  	[tilespmem:s19], [sflag:$0x1] =	stream.linear.gather [hbm4b:s0+s2], $0x80, $0x38;
	[tilespmem:$0x19380] =	vst v63  }
0x9b: {  	s0 =	sadd.s32 s3, s1;
	s1 =	sand.u32 $0x1FFFFFF0, s4;
	s4 =	spop (v2sf)  }
0x9c: {  	[tilespmem:s18], [sflag:$0x1] =	stream.linear.gather [hbm4b:s0+s2], $0x80, $0x38;
	[tilespmem:$0x19380] =	vst v63  }
0x9d: {  	s1 =	sadd.s32 s3, s1;
	s0 =	sadd.s32 $0xA80, s16;
	s4 =	sand.u32 $0x1FFFFFF0, s4  }
0x9e: {  	[tilespmem:s0], [sflag:$0x1] =	stream.linear.gather [hbm4b:s1+s2], $0x80, $0x38;
	[tilespmem:$0x19380] =	vst v63  }
0x9f: {  	s16 =	simm.s32 @!p0 $0x1;
	s0 =	sadd.s32 s3, s4  }
0xa0: {  	[tilespmem:s17], [sflag:$0x1] =	stream.linear.gather [hbm4b:s0+s2], $0x80, $0x38;
	[tilespmem:$0x19380] =	vst v63  }
0xa1: {  	_ =	swait.ge @!p0 [sflag:s16], $0x80  }
0xa2: {  	[sflag:s16] =	ssyncset.done @!p0 $0x0  }
0xa3: {  	[sflag:s16] =	ssyncadd.s32 @!p0 $0xFFFFFF80  }
0xa4: {  	_ =	swait.ge @!p0 [sflag:s16], $0x80  }
0xa5: {  	[sflag:s16] =	ssyncset.done @!p0 $0x0  }
0xa6: {  	[sflag:s16] =	ssyncadd.s32 @!p0 $0xFFFFFF80  }
0xa7: {  	_ =	swait.ge @!p0 [sflag:s16], $0x80  }
0xa8: {  	[sflag:s16] =	ssyncset.done @!p0 $0x0  }
0xa9: {  	[sflag:s16] =	ssyncadd.s32 @!p0 $0xFFFFFF80  }
0xaa: {  	_ =	swait.ge @!p0 [sflag:s16], $0x80  }
0xab: {  	[sflag:s16] =	ssyncset.done @!p0 $0x0  }
0xac: {  	[sflag:s16] =	ssyncadd.s32 @!p0 $0xFFFFFF80  }
0xad: {  	_ =	swait.ge @!p0 [sflag:s16], $0x80  }
0xae: {  	[sflag:s16] =	ssyncset.done @!p0 $0x0  }
0xaf: {  	[sflag:s16] =	ssyncadd.s32 @!p0 $0xFFFFFF80  }
0xb0: {  	_ =	swait.ge @!p0 [sflag:s16], $0x80  }
0xb1: {  	[sflag:s16] =	ssyncset.done @!p0 $0x0  }
0xb2: {  	[sflag:s16] =	ssyncadd.s32 @!p0 $0xFFFFFF80  }
0xb3: {  	_ =	swait.ge @!p0 [sflag:s16], $0x80  }
0xb4: {  	[sflag:s16] =	ssyncset.done @!p0 $0x0  }
0xb5: {  	[sflag:s16] =	ssyncadd.s32 @!p0 $0xFFFFFF80  }
0xb6: {  	_ =	swait.ge @!p0 [sflag:s16], $0x80  }
0xb7: {  	[sflag:s16] =	ssyncset.done @!p0 $0x0  }
0xb8: {  	[sflag:s16] =	ssyncadd.s32 @!p0 $0xFFFFFF80  }
0xb9: {  	_ =	swait.ge @!p0 [sflag:s16], $0x80  }
0xba: {  	[sflag:s16] =	ssyncset.done @!p0 $0x0  }
0xbb: {  	[sflag:s16] =	ssyncadd.s32 @!p0 $0xFFFFFF80  }
0xbc: {  	_ =	swait.ge @!p0 [sflag:s16], $0x80  }
0xbd: {  	[sflag:s16] =	ssyncset.done @!p0 $0x0  }
0xbe: {  	[sflag:s16] =	ssyncadd.s32 @!p0 $0xFFFFFF80  }
0xbf: {  	_ =	swait.ge @!p0 [sflag:s16], $0x80  }
0xc0: {  	[sflag:s16] =	ssyncset.done @!p0 $0x0  }
0xc1: {  	[sflag:s16] =	ssyncadd.s32 @!p0 $0xFFFFFF80  }
0xc2: {  	_ =	swait.ge @!p0 [sflag:s16], $0x80  }
0xc3: {  	[sflag:s16] =	ssyncset.done @!p0 $0x0  }
.Ltmp0:
0xc4: {  	[sflag:s16] =	ssyncadd.s32 @!p0 $0xFFFFFF80;
	(pc) =	sbr.rel @p1 .LBB2_2-.Ltmp0, $4  }
0xc5: {  	_ =	swait.ge @!p0 [sflag:s16], $0x80  }
0xc6: {  	[sflag:s16] =	ssyncset.done @!p0 $0x0  }
0xc7: {  	[sflag:s16] =	ssyncadd.s32 @!p0 $0xFFFFFF80  }
0xc8: {  	s14 =	sadd.s32 $0x10, s14;
	_ =	swait.ge @!p0 [sflag:s16], $0x80  }
0xc9: {  	[sflag:s16] =	ssyncset.done @!p0 $0x0  }
0xca: {  	[sflag:s16] =	ssyncadd.s32 @!p0 $0xFFFFFF80  }
0xcb: {  	_ =	swait.ge @!p0 [sflag:s16], $0x80  }
0xcc: {  	[sflag:s16] =	ssyncset.done @!p0 $0x0  }
0xcd: {  	[sflag:s16] =	ssyncadd.s32 @!p0 $0xFFFFFF80  }
0xce: {  	_ =	swait.ge @!p0 [sflag:s16], $0x80  }
0xcf: {  	[sflag:s16] =	ssyncset.done @!p0 $0x0  }
0xd0: {  	[sflag:s16] =	ssyncadd.s32 @!p0 $0xFFFFFF80  }
0xd1: {  	_ =	swait.ge [sflag:s10], $0x80  }
0xd2: {  	[sflag:s10] =	ssyncset.done $0x0  }
0xd3: {  	[sflag:s10] =	ssyncadd.s32 $0xFFFFFF80  }
0xd4: {  	_ =	swait.ge [sflag:s10], $0x80  }
0xd5: {  	[sflag:s10] =	ssyncset.done $0x0  }
0xd6: {  	[sflag:s10] =	ssyncadd.s32 $0xFFFFFF80  }
0xd7: {  	_ =	swait.ge [sflag:s10], $0x80  }
0xd8: {  	[sflag:s10] =	ssyncset.done $0x0  }
0xd9: {  	[sflag:s10] =	ssyncadd.s32 $0xFFFFFF80  }
0xda: {  	_ =	swait.ge [sflag:s10], $0x80  }
0xdb: {  	[sflag:s10] =	ssyncset.done $0x0  }
0xdc: {  	[sflag:s10] =	ssyncadd.s32 $0xFFFFFF80  }
0xdd: {  	_ =	swait.ge [sflag:s10], $0x80  }
0xde: {  	[sflag:s10] =	ssyncset.done $0x0  }
0xdf: {  	[sflag:s10] =	ssyncadd.s32 $0xFFFFFF80  }
0xe0: {  	_ =	swait.ge [sflag:s10], $0x80  }
0xe1: {  	[sflag:s10] =	ssyncset.done $0x0  }
0xe2: {  	[sflag:s10] =	ssyncadd.s32 $0xFFFFFF80  }
0xe3: {  	_ =	swait.ge [sflag:s10], $0x80  }
0xe4: {  	[sflag:s10] =	ssyncset.done $0x0  }
0xe5: {  	[sflag:s10] =	ssyncadd.s32 $0xFFFFFF80  }
0xe6: {  	_ =	swait.ge [sflag:s10], $0x80  }
0xe7: {  	[sflag:s10] =	ssyncset.done $0x0  }
0xe8: {  	[sflag:s10] =	ssyncadd.s32 $0xFFFFFF80  }
0xe9: {  	_ =	swait.ge [sflag:s10], $0x80  }
0xea: {  	[sflag:s10] =	ssyncset.done $0x0  }
0xeb: {  	[sflag:s10] =	ssyncadd.s32 $0xFFFFFF80  }
0xec: {  	_ =	swait.ge [sflag:s10], $0x80  }
0xed: {  	[sflag:s10] =	ssyncset.done $0x0  }
0xee: {  	[sflag:s10] =	ssyncadd.s32 $0xFFFFFF80  }
0xef: {  	_ =	swait.ge [sflag:s10], $0x80  }
0xf0: {  	[sflag:s10] =	ssyncset.done $0x0  }
0xf1: {  	[sflag:s10] =	ssyncadd.s32 $0xFFFFFF80  }
0xf2: {  	_ =	swait.ge [sflag:s10], $0x80  }
0xf3: {  	[sflag:s10] =	ssyncset.done $0x0  }
0xf4: {  	[sflag:s10] =	ssyncadd.s32 $0xFFFFFF80  }
0xf5: {  	_ =	swait.ge [sflag:s10], $0x80  }
0xf6: {  	[sflag:s10] =	ssyncset.done $0x0  }
0xf7: {  	[sflag:s10] =	ssyncadd.s32 $0xFFFFFF80  }
0xf8: {  	_ =	swait.ge [sflag:s10], $0x80  }
0xf9: {  	[sflag:s10] =	ssyncset.done $0x0  }
0xfa: {  	[sflag:s10] =	ssyncadd.s32 $0xFFFFFF80  }
0xfb: {  	_ =	swait.ge [sflag:s10], $0x80  }
0xfc: {  	[sflag:s10] =	ssyncset.done $0x0  }
0xfd: {  	[sflag:s10] =	ssyncadd.s32 $0xFFFFFF80  }
0xfe: {  	_ =	swait.ge [sflag:s10], $0x80  }
0xff: {  	[sflag:s10] =	ssyncset.done $0x0  }
0x100: {  	[sflag:s10] =	ssyncadd.s32 $0xFFFFFF80  }
0x101: {  	_ =	swait.ge [sflag:s10], $0x80  }
0x102: {  	[sflag:s10] =	ssyncset.done $0x0  }
0x103: {  	[sflag:s10] =	ssyncadd.s32 $0xFFFFFF80  }
0x104: {  	_ =	swait.ge [sflag:s10], $0x80  }
0x105: {  	[sflag:s10] =	ssyncset.done $0x0  }
0x106: {  	[sflag:s10] =	ssyncadd.s32 $0xFFFFFF80  }
0x107: {  	_ =	swait.ge [sflag:s10], $0x80  }
0x108: {  	[sflag:s10] =	ssyncset.done $0x0  }
0x109: {  	[sflag:s10] =	ssyncadd.s32 $0xFFFFFF80  }
0x10a: {  	_ =	swait.ge [sflag:s10], $0x80  }
0x10b: {  	[sflag:s10] =	ssyncset.done $0x0  }
0x10c: {  	[sflag:s10] =	ssyncadd.s32 $0xFFFFFF80  }
0x10d: {  	_ =	swait.ge [sflag:s10], $0x80  }
0x10e: {  	[sflag:s10] =	ssyncset.done $0x0  }
0x10f: {  	[sflag:s10] =	ssyncadd.s32 $0xFFFFFF80  }
0x110: {  	_ =	swait.ge [sflag:s10], $0x80  }
0x111: {  	[sflag:s10] =	ssyncset.done $0x0  }
0x112: {  	[sflag:s10] =	ssyncadd.s32 $0xFFFFFF80  }
0x113: {  	_ =	swait.ge [sflag:s10], $0x80  }
0x114: {  	[sflag:s10] =	ssyncset.done $0x0  }
0x115: {  	[sflag:s10] =	ssyncadd.s32 $0xFFFFFF80  }
0x116: {  	_ =	swait.ge [sflag:s10], $0x80  }
0x117: {  	[sflag:s10] =	ssyncset.done $0x0  }
0x118: {  	[sflag:s10] =	ssyncadd.s32 $0xFFFFFF80  }
0x119: {  	_ =	swait.ge [sflag:s10], $0x80  }
0x11a: {  	[sflag:s10] =	ssyncset.done $0x0  }
0x11b: {  	[sflag:s10] =	ssyncadd.s32 $0xFFFFFF80  }
0x11c: {  	_ =	swait.ge [sflag:s10], $0x80  }
0x11d: {  	[sflag:s10] =	ssyncset.done $0x0  }
0x11e: {  	[sflag:s10] =	ssyncadd.s32 $0xFFFFFF80  }
0x11f: {  	_ =	swait.ge [sflag:s10], $0x80  }
0x120: {  	[sflag:s10] =	ssyncset.done $0x0  }
0x121: {  	[sflag:s10] =	ssyncadd.s32 $0xFFFFFF80  }
0x122: {  	_ =	swait.ge [sflag:s10], $0x80  }
0x123: {  	[sflag:s10] =	ssyncset.done $0x0  }
0x124: {  	[sflag:s10] =	ssyncadd.s32 $0xFFFFFF80  }
0x125: {  	_ =	swait.ge [sflag:s10], $0x80  }
0x126: {  	[sflag:s10] =	ssyncset.done $0x0  }
0x127: {  	[sflag:s10] =	ssyncadd.s32 $0xFFFFFF80  }
0x128: {  	_ =	swait.ge [sflag:s10], $0x80  }
0x129: {  	[sflag:s10] =	ssyncset.done $0x0  }
0x12a: {  	[sflag:s10] =	ssyncadd.s32 $0xFFFFFF80  }
0x12b: {  	_ =	swait.ge [sflag:s10], $0x80  }
0x12c: {  	[sflag:s10] =	ssyncset.done $0x0  }
0x12d: {  	[sflag:s10] =	ssyncadd.s32 $0xFFFFFF80  }
0x12e: {  	_ =	swait.ge [sflag:s10], $0x80  }
0x12f: {  	[sflag:s10] =	ssyncset.done $0x0  }
0x130: {  	[sflag:s10] =	ssyncadd.s32 $0xFFFFFF80  }
0x131: {  	_ =	swait.ge [sflag:s10], $0x80  }
0x132: {  	[sflag:s10] =	ssyncset.done $0x0  }
0x133: {  	[sflag:s10] =	ssyncadd.s32 $0xFFFFFF80  }
0x134: {  	_ =	swait.ge [sflag:s10], $0x80  }
0x135: {  	[sflag:s10] =	ssyncset.done $0x0  }
0x136: {  	[sflag:s10] =	ssyncadd.s32 $0xFFFFFF80  }
0x137: {  	_ =	swait.ge [sflag:s10], $0x80  }
0x138: {  	[sflag:s10] =	ssyncset.done $0x0  }
0x139: {  	[sflag:s10] =	ssyncadd.s32 $0xFFFFFF80  }
0x13a: {  	_ =	swait.ge [sflag:s10], $0x80  }
0x13b: {  	[sflag:s10] =	ssyncset.done $0x0  }
0x13c: {  	[sflag:s10] =	ssyncadd.s32 $0xFFFFFF80  }
0x13d: {  	_ =	swait.ge [sflag:s10], $0x80  }
0x13e: {  	[sflag:s10] =	ssyncset.done $0x0  }
0x13f: {  	[sflag:s10] =	ssyncadd.s32 $0xFFFFFF80  }
0x140: {  	_ =	swait.ge [sflag:s10], $0x80  }
0x141: {  	[sflag:s10] =	ssyncset.done $0x0  }
0x142: {  	[sflag:s10] =	ssyncadd.s32 $0xFFFFFF80  }
0x143: {  	_ =	swait.ge [sflag:s10], $0x80  }
0x144: {  	[sflag:s10] =	ssyncset.done $0x0  }
0x145: {  	[sflag:s10] =	ssyncadd.s32 $0xFFFFFF80  }
0x146: {  	_ =	swait.ge [sflag:s10], $0x80  }
0x147: {  	[sflag:s10] =	ssyncset.done $0x0  }
0x148: {  	[sflag:s10] =	ssyncadd.s32 $0xFFFFFF80  }
0x149: {  	_ =	swait.ge [sflag:s10], $0x80  }
0x14a: {  	[sflag:s10] =	ssyncset.done $0x0  }
0x14b: {  	[sflag:s10] =	ssyncadd.s32 $0xFFFFFF80  }
0x14c: {  	_ =	swait.ge [sflag:s10], $0x80  }
0x14d: {  	[sflag:s10] =	ssyncset.done $0x0  }
0x14e: {  	[sflag:s10] =	ssyncadd.s32 $0xFFFFFF80  }
0x14f: {  	_ =	swait.ge [sflag:s10], $0x80  }
0x150: {  	[sflag:s10] =	ssyncset.done $0x0  }
0x151: {  	[sflag:s10] =	ssyncadd.s32 $0xFFFFFF80  }
0x152: {  	_ =	swait.ge [sflag:s10], $0x80  }
0x153: {  	[sflag:s10] =	ssyncset.done $0x0  }
0x154: {  	[sflag:s10] =	ssyncadd.s32 $0xFFFFFF80  }
0x155: {  	_ =	swait.ge [sflag:s10], $0x80  }
0x156: {  	[sflag:s10] =	ssyncset.done $0x0  }
0x157: {  	[sflag:s10] =	ssyncadd.s32 $0xFFFFFF80  }
0x158: {  	_ =	swait.ge [sflag:s10], $0x80  }
0x159: {  	[sflag:s10] =	ssyncset.done $0x0  }
0x15a: {  	[sflag:s10] =	ssyncadd.s32 $0xFFFFFF80  }
0x15b: {  	_ =	swait.ge [sflag:s10], $0x80  }
0x15c: {  	[sflag:s10] =	ssyncset.done $0x0  }
0x15d: {  	[sflag:s10] =	ssyncadd.s32 $0xFFFFFF80  }
0x15e: {  	_ =	swait.ge [sflag:s10], $0x80  }
0x15f: {  	[sflag:s10] =	ssyncset.done $0x0  }
0x160: {  	[sflag:s10] =	ssyncadd.s32 $0xFFFFFF80  }
0x161: {  	_ =	swait.ge [sflag:s10], $0x80  }
0x162: {  	[sflag:s10] =	ssyncset.done $0x0  }
0x163: {  	[sflag:s10] =	ssyncadd.s32 $0xFFFFFF80  }
0x164: {  	_ =	swait.ge [sflag:s10], $0x80  }
0x165: {  	[sflag:s10] =	ssyncset.done $0x0  }
0x166: {  	[sflag:s10] =	ssyncadd.s32 $0xFFFFFF80  }
0x167: {  	_ =	swait.ge [sflag:s10], $0x80  }
0x168: {  	[sflag:s10] =	ssyncset.done $0x0  }
0x169: {  	[sflag:s10] =	ssyncadd.s32 $0xFFFFFF80  }
0x16a: {  	_ =	swait.ge [sflag:s10], $0x80  }
0x16b: {  	[sflag:s10] =	ssyncset.done $0x0  }
0x16c: {  	[sflag:s10] =	ssyncadd.s32 $0xFFFFFF80  }
0x16d: {  	_ =	swait.ge [sflag:s10], $0x80  }
0x16e: {  	[sflag:s10] =	ssyncset.done $0x0  }
0x16f: {  	[sflag:s10] =	ssyncadd.s32 $0xFFFFFF80  }
0x170: {  	_ =	swait.ge [sflag:s10], $0x80  }
0x171: {  	[sflag:s10] =	ssyncset.done $0x0  }
0x172: {  	[sflag:s10] =	ssyncadd.s32 $0xFFFFFF80  }
0x173: {  	_ =	swait.ge [sflag:s10], $0x80  }
0x174: {  	[sflag:s10] =	ssyncset.done $0x0  }
0x175: {  	[sflag:s10] =	ssyncadd.s32 $0xFFFFFF80  }
0x176: {  	_ =	swait.ge [sflag:s10], $0x80  }
0x177: {  	[sflag:s10] =	ssyncset.done $0x0  }
0x178: {  	[sflag:s10] =	ssyncadd.s32 $0xFFFFFF80  }
0x179: {  	_ =	swait.ge [sflag:s10], $0x80  }
0x17a: {  	[sflag:s10] =	ssyncset.done $0x0  }
0x17b: {  	[sflag:s10] =	ssyncadd.s32 $0xFFFFFF80  }
0x17c: {  	_ =	swait.ge [sflag:s10], $0x80  }
0x17d: {  	[sflag:s10] =	ssyncset.done $0x0  }
0x17e: {  	[sflag:s10] =	ssyncadd.s32 $0xFFFFFF80  }
0x17f: {  	_ =	swait.ge [sflag:s10], $0x80  }
0x180: {  	[sflag:s10] =	ssyncset.done $0x0  }
0x181: {  	[sflag:s10] =	ssyncadd.s32 $0xFFFFFF80  }
0x182: {  	_ =	swait.ge [sflag:s10], $0x80  }
0x183: {  	[sflag:s10] =	ssyncset.done $0x0  }
0x184: {  	[sflag:s10] =	ssyncadd.s32 $0xFFFFFF80  }
0x185: {  	_ =	swait.ge [sflag:s10], $0x80  }
0x186: {  	[sflag:s10] =	ssyncset.done $0x0  }
0x187: {  	[sflag:s10] =	ssyncadd.s32 $0xFFFFFF80  }
0x188: {  	_ =	swait.ge [sflag:s10], $0x80  }
0x189: {  	[sflag:s10] =	ssyncset.done $0x0  }
0x18a: {  	[sflag:s10] =	ssyncadd.s32 $0xFFFFFF80  }
0x18b: {  	_ =	swait.ge [sflag:s10], $0x80  }
0x18c: {  	[sflag:s10] =	ssyncset.done $0x0  }
0x18d: {  	[sflag:s10] =	ssyncadd.s32 $0xFFFFFF80  }
0x18e: {  	_ =	swait.ge [sflag:s10], $0x80  }
0x18f: {  	[sflag:s10] =	ssyncset.done $0x0  }
0x190: {  	s13 =	simm.s32 $0x0;
	s0 =	simm.s32 $0x380;
	[sflag:s10] =	ssyncadd.s32 $0xFFFFFF80  }
0x191: {  	[hbm4b:s5+s13] =	stream.linear.scatter [tilespmem:s0], [sflag:$0x2], $0x19000, $0x38;
	[tilespmem:$0x19380] =	vst v63  }
0x192: {  	_ =	swait.ge [sflag:s9], $0x19000  }
0x193: {  	[sflag:s9] =	ssyncset.done $0x0  }
0x194: {  	[sflag:s9] =	ssyncadd.s32 $0xFFFE7000  }
0x195: {  	[tilespmem:s13], [sflag:$0x2] =	stream.linear.gather [hbm4b:s6+s13], $0x320, $0x38;
	[tilespmem:$0x19380] =	vst v63  }
0x196: {  	_ =	swait.ge [sflag:s9], $0x320  }
0x197: {  	[sflag:s9] =	ssyncset.done $0x0  }
0x198: {  	[sflag:s9] =	ssyncadd.s32 $0xFFFFFCE0  }
0x199: {  	v0 =	vld [tilespmem:s13+$0x0];
	_ =	sdelay $0x4  }
0x19a: {  	v0 =	vshll.u32 v0, $0x4  }
0x19b: {  	(v2sf) =	vpush v0, $0x0  }
0x19c: {  	(v2sf) =	vpush v0, $0x1  }
0x19d: {  	(v2sf) =	vpush v0, $0x2;
	_ =	sdelay $0x2  }
0x19e: {  	(v2sf) =	vpush v0, $0x3;
	_ =	sdelay $0x1  }
0x19f: {  	(v2sf) =	vpush v0, $0x4;
	_ =	sdelay $0x1  }
0x1a0: {  	(v2sf) =	vpush v0, $0x5;
	_ =	sdelay $0x1  }
0x1a1: {  	(v2sf) =	vpush v0, $0x6;
	_ =	sdelay $0x2  }
0x1a2: {  	s4 =	simm.s32 $0x380;
	s14 =	simm.s32 $0x400;
	s18 =	simm.s32 $0x480  }
0x1a3: {  	s19 =	simm.s32 $0x500;
	s23 =	simm.s32 $0x580;
	s11 =	spop (v2sf);
	(v2sf) =	vpush v0, $0x7  }
0x1a4: {  	s24 =	simm.s32 $0x600;
	s0 =	sand.u32 $0x1FFFFFF0, s11;
	s1 =	spop (v2sf)  }
0x1a5: {  	(v2sf) =	vpush v0, $0x8;
	s0 =	sadd.s32 s3, s0;
	s1 =	sand.u32 $0x1FFFFFF0, s1;
	s15 =	spop (v2sf)  }
0x1a6: {  	(v2sf) =	vpush v0, $0x9;
	[tilespmem:s4], [sflag:$0x1] =	stream.linear.gather [hbm4b:s0+s2], $0x80, $0x38;
	[tilespmem:$0x19380] =	vst v63  }
0x1a7: {  	s29 =	simm.s32 $0x680;
	s30 =	simm.s32 $0x700;
	s1 =	sadd.s32 s3, s1  }
0x1a8: {  	s16 =	sand.u32 $0x1FFFFFF0, s15;
	s17 =	spop (v2sf);
	(v2sf) =	vpush v0, $0xA;
	s15 =	simm.s32 $0x800  }
0x1a9: {  	[tilespmem:s14], [sflag:$0x1] =	stream.linear.gather [hbm4b:s1+s2], $0x80, $0x38;
	[tilespmem:$0x19380] =	vst v63  }
0x1aa: {  	s0 =	sadd.s32 s3, s16;
	s20 =	spop (v2sf);
	(v2sf) =	vpush v0, $0xB;
	s1 =	sand.u32 $0x1FFFFFF0, s17  }
0x1ab: {  	[tilespmem:s18], [sflag:$0x1] =	stream.linear.gather [hbm4b:s0+s2], $0x80, $0x38;
	[tilespmem:$0x19380] =	vst v63  }
0x1ac: {  	s21 =	sand.u32 $0x1FFFFFF0, s20;
	s22 =	spop (v2sf);
	(v2sf) =	vpush v0, $0xC;
	s1 =	sadd.s32 s3, s1  }
0x1ad: {  	[tilespmem:s19], [sflag:$0x1] =	stream.linear.gather [hbm4b:s1+s2], $0x80, $0x38;
	[tilespmem:$0x19380] =	vst v63  }
0x1ae: {  	s25 =	spop (v2sf);
	(v2sf) =	vpush v0, $0xD;
	s0 =	sadd.s32 s3, s21;
	s1 =	sand.u32 $0x1FFFFFF0, s22  }
0x1af: {  	[tilespmem:s23], [sflag:$0x1] =	stream.linear.gather [hbm4b:s0+s2], $0x80, $0x38;
	[tilespmem:$0x19380] =	vst v63  }
0x1b0: {  	s14 =	simm.s32 $0x780;
	s26 =	sand.u32 $0x1FFFFFF0, s25;
	s1 =	sadd.s32 s3, s1  }
0x1b1: {  	[tilespmem:s24], [sflag:$0x1] =	stream.linear.gather [hbm4b:s1+s2], $0x80, $0x38;
	[tilespmem:$0x19380] =	vst v63  }
0x1b2: {  	s20 =	simm.s32 $0x900;
	s0 =	sadd.s32 s3, s26;
	s28 =	spop (v2sf);
	(v2sf) =	vpush v0, $0xE  }
0x1b3: {  	[tilespmem:s29], [sflag:$0x1] =	stream.linear.gather [hbm4b:s0+s2], $0x80, $0x38;
	[tilespmem:$0x19380] =	vst v63  }
0x1b4: {  	s19 =	simm.s32 $0x880;
	s1 =	sand.u32 $0x1FFFFFF0, s28;
	s31 =	spop (v2sf);
	(v2sf) =	vpush v0, $0xF  }
0x1b5: {  	s1 =	sadd.s32 s3, s1;
	s4 =	sand.u32 $0x1FFFFFF0, s31;
	s11 =	spop (v2sf)  }
0x1b6: {  	[tilespmem:s30], [sflag:$0x1] =	stream.linear.gather [hbm4b:s1+s2], $0x80, $0x38;
	[tilespmem:$0x19380] =	vst v63  }
0x1b7: {  	s0 =	sadd.s32 s3, s4;
	s1 =	sand.u32 $0x1FFFFFF0, s11;
	s16 =	spop (v2sf)  }
0x1b8: {  	[tilespmem:s14], [sflag:$0x1] =	stream.linear.gather [hbm4b:s0+s2], $0x80, $0x38;
	[tilespmem:$0x19380] =	vst v63  }
0x1b9: {  	s1 =	sadd.s32 s3, s1;
	s17 =	sand.u32 $0x1FFFFFF0, s16;
	s18 =	spop (v2sf)  }
0x1ba: {  	[tilespmem:s15], [sflag:$0x1] =	stream.linear.gather [hbm4b:s1+s2], $0x80, $0x38;
	[tilespmem:$0x19380] =	vst v63  }
0x1bb: {  	s0 =	sadd.s32 s3, s17;
	s21 =	spop (v2sf);
	s1 =	sand.u32 $0x1FFFFFF0, s18  }
0x1bc: {  	[tilespmem:s19], [sflag:$0x1] =	stream.linear.gather [hbm4b:s0+s2], $0x80, $0x38;
	[tilespmem:$0x19380] =	vst v63  }
0x1bd: {  	s22 =	sand.u32 $0x1FFFFFF0, s21;
	s23 =	spop (v2sf);
	s1 =	sadd.s32 s3, s1  }
0x1be: {  	[tilespmem:s20], [sflag:$0x1] =	stream.linear.gather [hbm4b:s1+s2], $0x80, $0x38;
	[tilespmem:$0x19380] =	vst v63  }
0x1bf: {  	s24 =	simm.s32 $0x980;
	s0 =	sadd.s32 s3, s22;
	s1 =	sand.u32 $0x1FFFFFF0, s23  }
0x1c0: {  	[tilespmem:s24], [sflag:$0x1] =	stream.linear.gather [hbm4b:s0+s2], $0x80, $0x38;
	[tilespmem:$0x19380] =	vst v63  }
0x1c1: {  	s25 =	simm.s32 $0xA00;
	s1 =	sadd.s32 s3, s1;
	s26 =	spop (v2sf)  }
0x1c2: {  	[tilespmem:s25], [sflag:$0x1] =	stream.linear.gather [hbm4b:s1+s2], $0x80, $0x38;
	[tilespmem:$0x19380] =	vst v63  }
0x1c3: {  	p0 =	por $0x1, $0x1;
	s28 =	sand.u32 $0x1FFFFFF0, s26;
	s29 =	spop (v2sf)  }
0x1c4: {  	s30 =	simm.s32 $0xA80;
	s0 =	sadd.s32 s3, s28;
	s1 =	sand.u32 $0x1FFFFFF0, s29  }
0x1c5: {  	[tilespmem:s30], [sflag:$0x1] =	stream.linear.gather [hbm4b:s0+s2], $0x80, $0x38;
	[tilespmem:$0x19380] =	vst v63  }
0x1c6: {  	s31 =	simm.s32 $0xB00;
	s16 =	simm.s32 @!p0 $0x1;
	s1 =	sadd.s32 s3, s1  }
0x1c7: {  	[tilespmem:s31], [sflag:$0x1] =	stream.linear.gather [hbm4b:s1+s2], $0x80, $0x38;
	[tilespmem:$0x19380] =	vst v63  }
0x1c8: {  	_ =	swait.ge @!p0 [sflag:s16], $0x80  }
0x1c9: {  	[sflag:s16] =	ssyncset.done @!p0 $0x0  }
0x1ca: {  	[sflag:s16] =	ssyncadd.s32 @!p0 $0xFFFFFF80  }
0x1cb: {  	_ =	swait.ge @!p0 [sflag:s16], $0x80  }
0x1cc: {  	[sflag:s16] =	ssyncset.done @!p0 $0x0  }
0x1cd: {  	[sflag:s16] =	ssyncadd.s32 @!p0 $0xFFFFFF80  }
0x1ce: {  	_ =	swait.ge @!p0 [sflag:s16], $0x80  }
0x1cf: {  	[sflag:s16] =	ssyncset.done @!p0 $0x0  }
0x1d0: {  	[sflag:s16] =	ssyncadd.s32 @!p0 $0xFFFFFF80  }
0x1d1: {  	_ =	swait.ge @!p0 [sflag:s16], $0x80  }
0x1d2: {  	[sflag:s16] =	ssyncset.done @!p0 $0x0  }
0x1d3: {  	[sflag:s16] =	ssyncadd.s32 @!p0 $0xFFFFFF80  }
0x1d4: {  	_ =	swait.ge @!p0 [sflag:s16], $0x80  }
0x1d5: {  	[sflag:s16] =	ssyncset.done @!p0 $0x0  }
0x1d6: {  	[sflag:s16] =	ssyncadd.s32 @!p0 $0xFFFFFF80  }
0x1d7: {  	_ =	swait.ge @!p0 [sflag:s16], $0x80  }
0x1d8: {  	[sflag:s16] =	ssyncset.done @!p0 $0x0  }
0x1d9: {  	[sflag:s16] =	ssyncadd.s32 @!p0 $0xFFFFFF80  }
0x1da: {  	_ =	swait.ge @!p0 [sflag:s16], $0x80  }
0x1db: {  	[sflag:s16] =	ssyncset.done @!p0 $0x0  }
0x1dc: {  	[sflag:s16] =	ssyncadd.s32 @!p0 $0xFFFFFF80  }
0x1dd: {  	_ =	swait.ge @!p0 [sflag:s16], $0x80  }
0x1de: {  	[sflag:s16] =	ssyncset.done @!p0 $0x0  }
0x1df: {  	[sflag:s16] =	ssyncadd.s32 @!p0 $0xFFFFFF80  }
0x1e0: {  	_ =	swait.ge @!p0 [sflag:s16], $0x80  }
0x1e1: {  	[sflag:s16] =	ssyncset.done @!p0 $0x0  }
0x1e2: {  	[sflag:s16] =	ssyncadd.s32 @!p0 $0xFFFFFF80  }
0x1e3: {  	_ =	swait.ge @!p0 [sflag:s16], $0x80  }
0x1e4: {  	[sflag:s16] =	ssyncset.done @!p0 $0x0  }
0x1e5: {  	[sflag:s16] =	ssyncadd.s32 @!p0 $0xFFFFFF80  }
0x1e6: {  	_ =	swait.ge @!p0 [sflag:s16], $0x80  }
0x1e7: {  	[sflag:s16] =	ssyncset.done @!p0 $0x0  }
0x1e8: {  	[sflag:s16] =	ssyncadd.s32 @!p0 $0xFFFFFF80  }
0x1e9: {  	_ =	swait.ge @!p0 [sflag:s16], $0x80  }
0x1ea: {  	[sflag:s16] =	ssyncset.done @!p0 $0x0  }
0x1eb: {  	[sflag:s16] =	ssyncadd.s32 @!p0 $0xFFFFFF80  }
0x1ec: {  	_ =	swait.ge @!p0 [sflag:s16], $0x80  }
0x1ed: {  	[sflag:s16] =	ssyncset.done @!p0 $0x0  }
0x1ee: {  	[sflag:s16] =	ssyncadd.s32 @!p0 $0xFFFFFF80  }
0x1ef: {  	s14 =	simm.s32 $0x2000;
	s15 =	simm.s32 $0x10;
	_ =	swait.ge @!p0 [sflag:s16], $0x80  }
.LBB2_4:
0x1f0: {  	[sflag:s16] =	ssyncset.done @!p0 $0x0  }
0x1f1: {  	s13 =	sadd.s32 $0x1, s13;
	s0 =	smov.u32 s14;
	s14 =	sadd.s32 $0x2000, s14  }
0x1f2: {  	p1 =	sne.s32 s14, $0x64000;
	[sflag:s16] =	ssyncadd.s32 @!p0 $0xFFFFFF80  }
0x1f3: {  	_ =	swait.ge @!p0 [sflag:s16], $0x80  }
0x1f4: {  	[sflag:s16] =	ssyncset.done @!p0 $0x0  }
0x1f5: {  	[sflag:s16] =	ssyncadd.s32 @!p0 $0xFFFFFF80  }
0x1f6: {  	_ =	swait.ge @!p0 [sflag:s16], $0x80  }
0x1f7: {  	[sflag:s16] =	ssyncset.done @!p0 $0x0  }
0x1f8: {  	[sflag:s16] =	ssyncadd.s32 @!p0 $0xFFFFFF80  }
0x1f9: {  	v0 =	vld [tilespmem:s15+$0x0];
	_ =	sdelay $0x4  }
0x1fa: {  	v0 =	vshll.u32 v0, $0x4  }
0x1fb: {  	(v2sf) =	vpush v0, $0x0  }
0x1fc: {  	(v2sf) =	vpush v0, $0x1  }
0x1fd: {  	(v2sf) =	vpush v0, $0x2;
	_ =	sdelay $0x1  }
0x1fe: {  	(v2sf) =	vpush v0, $0x3;
	_ =	sdelay $0x1  }
0x1ff: {  	(v2sf) =	vpush v0, $0x4;
	_ =	sdelay $0x1  }
0x200: {  	(v2sf) =	vpush v0, $0x5  }
0x201: {  	s16 =	sshra.s32 s0, $0x2  }
0x202: {  	s0 =	sadd.s32 $0x400, s16;
	s1 =	sadd.s32 $0x500, s16;
	s4 =	sadd.s32 $0x580, s16;
	(v2sf) =	vpush v0, $0x6  }
0x203: {  	s11 =	sadd.s32 $0x380, s16;
	s24 =	sadd.s32 $0x480, s16  }
0x204: {  	p0 =	slt.u32 s13, $0x4;
	s25 =	sadd.s32 $0x600, s16;
	(v2sf) =	vpush v0, $0x7  }
0x205: {  	s21 =	sadd.s32 $0x800, s16;
	s18 =	sadd.s32 $0xA00, s16;
	s17 =	sadd.s32 $0xB00, s16  }
0x206: {  	s26 =	sadd.s32 $0x680, s16;
	s23 =	sadd.s32 $0x780, s16;
	s19 =	sadd.s32 $0x980, s16;
	(v2sf) =	vpush v0, $0x8  }
0x207: {  	s28 =	sadd.s32 $0x700, s16;
	s20 =	sadd.s32 $0x900, s16;
	s22 =	spop (v2sf)  }
0x208: {  	s29 =	sand.u32 $0x1FFFFFF0, s22;
	s22 =	sadd.s32 $0x880, s16;
	s30 =	spop (v2sf);
	(v2sf) =	vpush v0, $0x9  }
0x209: {  	s29 =	sadd.s32 s3, s29;
	s30 =	sand.u32 $0x1FFFFFF0, s30;
	s31 =	spop (v2sf)  }
0x20a: {  	[tilespmem:s11], [sflag:$0x1] =	stream.linear.gather [hbm4b:s29+s2], $0x80, $0x38;
	(v2sf) =	vpush v0, $0xA;
	[tilespmem:$0x19380] =	vst v63  }
0x20b: {  	s11 =	sadd.s32 s3, s30;
	s29 =	sand.u32 $0x1FFFFFF0, s31;
	s30 =	spop (v2sf)  }
0x20c: {  	[tilespmem:s0], [sflag:$0x1] =	stream.linear.gather [hbm4b:s11+s2], $0x80, $0x38;
	(v2sf) =	vpush v0, $0xB;
	[tilespmem:$0x19380] =	vst v63  }
0x20d: {  	s0 =	sadd.s32 s3, s29;
	s11 =	sand.u32 $0x1FFFFFF0, s30;
	s29 =	spop (v2sf)  }
0x20e: {  	[tilespmem:s24], [sflag:$0x1] =	stream.linear.gather [hbm4b:s0+s2], $0x80, $0x38;
	(v2sf) =	vpush v0, $0xC;
	[tilespmem:$0x19380] =	vst v63  }
0x20f: {  	s0 =	sadd.s32 s3, s11;
	s11 =	sand.u32 $0x1FFFFFF0, s29;
	s24 =	spop (v2sf)  }
0x210: {  	[tilespmem:s1], [sflag:$0x1] =	stream.linear.gather [hbm4b:s0+s2], $0x80, $0x38;
	(v2sf) =	vpush v0, $0xD;
	[tilespmem:$0x19380] =	vst v63  }
0x211: {  	s0 =	sadd.s32 s3, s11;
	s1 =	sand.u32 $0x1FFFFFF0, s24;
	s11 =	spop (v2sf)  }
0x212: {  	[tilespmem:s4], [sflag:$0x1] =	stream.linear.gather [hbm4b:s0+s2], $0x80, $0x38;
	(v2sf) =	vpush v0, $0xE;
	[tilespmem:$0x19380] =	vst v63  }
0x213: {  	s0 =	sadd.s32 s3, s1;
	s1 =	sand.u32 $0x1FFFFFF0, s11;
	s4 =	spop (v2sf)  }
0x214: {  	[tilespmem:s25], [sflag:$0x1] =	stream.linear.gather [hbm4b:s0+s2], $0x80, $0x38;
	(v2sf) =	vpush v0, $0xF;
	[tilespmem:$0x19380] =	vst v63  }
0x215: {  	s0 =	sadd.s32 s3, s1;
	s1 =	sand.u32 $0x1FFFFFF0, s4;
	s4 =	spop (v2sf)  }
0x216: {  	[tilespmem:s26], [sflag:$0x1] =	stream.linear.gather [hbm4b:s0+s2], $0x80, $0x38;
	[tilespmem:$0x19380] =	vst v63  }
0x217: {  	s0 =	sadd.s32 s3, s1;
	s1 =	sand.u32 $0x1FFFFFF0, s4;
	s4 =	spop (v2sf)  }
0x218: {  	[tilespmem:s28], [sflag:$0x1] =	stream.linear.gather [hbm4b:s0+s2], $0x80, $0x38;
	[tilespmem:$0x19380] =	vst v63  }
0x219: {  	s0 =	sadd.s32 s3, s1;
	s1 =	sand.u32 $0x1FFFFFF0, s4;
	s4 =	spop (v2sf)  }
0x21a: {  	[tilespmem:s23], [sflag:$0x1] =	stream.linear.gather [hbm4b:s0+s2], $0x80, $0x38;
	[tilespmem:$0x19380] =	vst v63  }
0x21b: {  	s0 =	sadd.s32 s3, s1;
	s1 =	sand.u32 $0x1FFFFFF0, s4;
	s4 =	spop (v2sf)  }
0x21c: {  	[tilespmem:s21], [sflag:$0x1] =	stream.linear.gather [hbm4b:s0+s2], $0x80, $0x38;
	[tilespmem:$0x19380] =	vst v63  }
0x21d: {  	s0 =	sadd.s32 s3, s1;
	s1 =	sand.u32 $0x1FFFFFF0, s4;
	s4 =	spop (v2sf)  }
0x21e: {  	[tilespmem:s22], [sflag:$0x1] =	stream.linear.gather [hbm4b:s0+s2], $0x80, $0x38;
	[tilespmem:$0x19380] =	vst v63  }
0x21f: {  	s0 =	sadd.s32 s3, s1;
	s1 =	sand.u32 $0x1FFFFFF0, s4;
	s4 =	spop (v2sf)  }
0x220: {  	[tilespmem:s20], [sflag:$0x1] =	stream.linear.gather [hbm4b:s0+s2], $0x80, $0x38;
	[tilespmem:$0x19380] =	vst v63  }
0x221: {  	s0 =	sadd.s32 s3, s1;
	s1 =	sand.u32 $0x1FFFFFF0, s4;
	s4 =	spop (v2sf)  }
0x222: {  	[tilespmem:s19], [sflag:$0x1] =	stream.linear.gather [hbm4b:s0+s2], $0x80, $0x38;
	[tilespmem:$0x19380] =	vst v63  }
0x223: {  	s0 =	sadd.s32 s3, s1;
	s1 =	sand.u32 $0x1FFFFFF0, s4;
	s4 =	spop (v2sf)  }
0x224: {  	[tilespmem:s18], [sflag:$0x1] =	stream.linear.gather [hbm4b:s0+s2], $0x80, $0x38;
	[tilespmem:$0x19380] =	vst v63  }
0x225: {  	s1 =	sadd.s32 s3, s1;
	s0 =	sadd.s32 $0xA80, s16;
	s4 =	sand.u32 $0x1FFFFFF0, s4  }
0x226: {  	[tilespmem:s0], [sflag:$0x1] =	stream.linear.gather [hbm4b:s1+s2], $0x80, $0x38;
	[tilespmem:$0x19380] =	vst v63  }
0x227: {  	s16 =	simm.s32 @!p0 $0x1;
	s0 =	sadd.s32 s3, s4  }
0x228: {  	[tilespmem:s17], [sflag:$0x1] =	stream.linear.gather [hbm4b:s0+s2], $0x80, $0x38;
	[tilespmem:$0x19380] =	vst v63  }
0x229: {  	_ =	swait.ge @!p0 [sflag:s16], $0x80  }
0x22a: {  	[sflag:s16] =	ssyncset.done @!p0 $0x0  }
0x22b: {  	[sflag:s16] =	ssyncadd.s32 @!p0 $0xFFFFFF80  }
0x22c: {  	_ =	swait.ge @!p0 [sflag:s16], $0x80  }
0x22d: {  	[sflag:s16] =	ssyncset.done @!p0 $0x0  }
0x22e: {  	[sflag:s16] =	ssyncadd.s32 @!p0 $0xFFFFFF80  }
0x22f: {  	_ =	swait.ge @!p0 [sflag:s16], $0x80  }
0x230: {  	[sflag:s16] =	ssyncset.done @!p0 $0x0  }
0x231: {  	[sflag:s16] =	ssyncadd.s32 @!p0 $0xFFFFFF80  }
0x232: {  	_ =	swait.ge @!p0 [sflag:s16], $0x80  }
0x233: {  	[sflag:s16] =	ssyncset.done @!p0 $0x0  }
0x234: {  	[sflag:s16] =	ssyncadd.s32 @!p0 $0xFFFFFF80  }
0x235: {  	_ =	swait.ge @!p0 [sflag:s16], $0x80  }
0x236: {  	[sflag:s16] =	ssyncset.done @!p0 $0x0  }
0x237: {  	[sflag:s16] =	ssyncadd.s32 @!p0 $0xFFFFFF80  }
0x238: {  	_ =	swait.ge @!p0 [sflag:s16], $0x80  }
0x239: {  	[sflag:s16] =	ssyncset.done @!p0 $0x0  }
0x23a: {  	[sflag:s16] =	ssyncadd.s32 @!p0 $0xFFFFFF80  }
0x23b: {  	_ =	swait.ge @!p0 [sflag:s16], $0x80  }
0x23c: {  	[sflag:s16] =	ssyncset.done @!p0 $0x0  }
0x23d: {  	[sflag:s16] =	ssyncadd.s32 @!p0 $0xFFFFFF80  }
0x23e: {  	_ =	swait.ge @!p0 [sflag:s16], $0x80  }
0x23f: {  	[sflag:s16] =	ssyncset.done @!p0 $0x0  }
0x240: {  	[sflag:s16] =	ssyncadd.s32 @!p0 $0xFFFFFF80  }
0x241: {  	_ =	swait.ge @!p0 [sflag:s16], $0x80  }
0x242: {  	[sflag:s16] =	ssyncset.done @!p0 $0x0  }
0x243: {  	[sflag:s16] =	ssyncadd.s32 @!p0 $0xFFFFFF80  }
0x244: {  	_ =	swait.ge @!p0 [sflag:s16], $0x80  }
0x245: {  	[sflag:s16] =	ssyncset.done @!p0 $0x0  }
0x246: {  	[sflag:s16] =	ssyncadd.s32 @!p0 $0xFFFFFF80  }
0x247: {  	_ =	swait.ge @!p0 [sflag:s16], $0x80  }
0x248: {  	[sflag:s16] =	ssyncset.done @!p0 $0x0  }
0x249: {  	[sflag:s16] =	ssyncadd.s32 @!p0 $0xFFFFFF80  }
0x24a: {  	_ =	swait.ge @!p0 [sflag:s16], $0x80  }
0x24b: {  	[sflag:s16] =	ssyncset.done @!p0 $0x0  }
.Ltmp1:
0x24c: {  	[sflag:s16] =	ssyncadd.s32 @!p0 $0xFFFFFF80;
	(pc) =	sbr.rel @p1 .LBB2_4-.Ltmp1, $4  }
0x24d: {  	_ =	swait.ge @!p0 [sflag:s16], $0x80  }
0x24e: {  	[sflag:s16] =	ssyncset.done @!p0 $0x0  }
0x24f: {  	[sflag:s16] =	ssyncadd.s32 @!p0 $0xFFFFFF80  }
0x250: {  	s15 =	sadd.s32 $0x10, s15;
	_ =	swait.ge @!p0 [sflag:s16], $0x80  }
0x251: {  	[sflag:s16] =	ssyncset.done @!p0 $0x0  }
0x252: {  	[sflag:s16] =	ssyncadd.s32 @!p0 $0xFFFFFF80  }
0x253: {  	_ =	swait.ge @!p0 [sflag:s16], $0x80  }
0x254: {  	[sflag:s16] =	ssyncset.done @!p0 $0x0  }
0x255: {  	[sflag:s16] =	ssyncadd.s32 @!p0 $0xFFFFFF80  }
0x256: {  	_ =	swait.ge @!p0 [sflag:s16], $0x80  }
0x257: {  	[sflag:s16] =	ssyncset.done @!p0 $0x0  }
0x258: {  	[sflag:s16] =	ssyncadd.s32 @!p0 $0xFFFFFF80  }
0x259: {  	_ =	swait.ge [sflag:s10], $0x80  }
0x25a: {  	[sflag:s10] =	ssyncset.done $0x0  }
0x25b: {  	[sflag:s10] =	ssyncadd.s32 $0xFFFFFF80  }
0x25c: {  	_ =	swait.ge [sflag:s10], $0x80  }
0x25d: {  	[sflag:s10] =	ssyncset.done $0x0  }
0x25e: {  	[sflag:s10] =	ssyncadd.s32 $0xFFFFFF80  }
0x25f: {  	_ =	swait.ge [sflag:s10], $0x80  }
0x260: {  	[sflag:s10] =	ssyncset.done $0x0  }
0x261: {  	[sflag:s10] =	ssyncadd.s32 $0xFFFFFF80  }
0x262: {  	_ =	swait.ge [sflag:s10], $0x80  }
0x263: {  	[sflag:s10] =	ssyncset.done $0x0  }
0x264: {  	[sflag:s10] =	ssyncadd.s32 $0xFFFFFF80  }
0x265: {  	_ =	swait.ge [sflag:s10], $0x80  }
0x266: {  	[sflag:s10] =	ssyncset.done $0x0  }
0x267: {  	[sflag:s10] =	ssyncadd.s32 $0xFFFFFF80  }
0x268: {  	_ =	swait.ge [sflag:s10], $0x80  }
0x269: {  	[sflag:s10] =	ssyncset.done $0x0  }
0x26a: {  	[sflag:s10] =	ssyncadd.s32 $0xFFFFFF80  }
0x26b: {  	_ =	swait.ge [sflag:s10], $0x80  }
0x26c: {  	[sflag:s10] =	ssyncset.done $0x0  }
0x26d: {  	[sflag:s10] =	ssyncadd.s32 $0xFFFFFF80  }
0x26e: {  	_ =	swait.ge [sflag:s10], $0x80  }
0x26f: {  	[sflag:s10] =	ssyncset.done $0x0  }
0x270: {  	[sflag:s10] =	ssyncadd.s32 $0xFFFFFF80  }
0x271: {  	_ =	swait.ge [sflag:s10], $0x80  }
0x272: {  	[sflag:s10] =	ssyncset.done $0x0  }
0x273: {  	[sflag:s10] =	ssyncadd.s32 $0xFFFFFF80  }
0x274: {  	_ =	swait.ge [sflag:s10], $0x80  }
0x275: {  	[sflag:s10] =	ssyncset.done $0x0  }
0x276: {  	[sflag:s10] =	ssyncadd.s32 $0xFFFFFF80  }
0x277: {  	_ =	swait.ge [sflag:s10], $0x80  }
0x278: {  	[sflag:s10] =	ssyncset.done $0x0  }
0x279: {  	[sflag:s10] =	ssyncadd.s32 $0xFFFFFF80  }
0x27a: {  	_ =	swait.ge [sflag:s10], $0x80  }
0x27b: {  	[sflag:s10] =	ssyncset.done $0x0  }
0x27c: {  	[sflag:s10] =	ssyncadd.s32 $0xFFFFFF80  }
0x27d: {  	_ =	swait.ge [sflag:s10], $0x80  }
0x27e: {  	[sflag:s10] =	ssyncset.done $0x0  }
0x27f: {  	[sflag:s10] =	ssyncadd.s32 $0xFFFFFF80  }
0x280: {  	_ =	swait.ge [sflag:s10], $0x80  }
0x281: {  	[sflag:s10] =	ssyncset.done $0x0  }
0x282: {  	[sflag:s10] =	ssyncadd.s32 $0xFFFFFF80  }
0x283: {  	_ =	swait.ge [sflag:s10], $0x80  }
0x284: {  	[sflag:s10] =	ssyncset.done $0x0  }
0x285: {  	[sflag:s10] =	ssyncadd.s32 $0xFFFFFF80  }
0x286: {  	_ =	swait.ge [sflag:s10], $0x80  }
0x287: {  	[sflag:s10] =	ssyncset.done $0x0  }
0x288: {  	[sflag:s10] =	ssyncadd.s32 $0xFFFFFF80  }
0x289: {  	_ =	swait.ge [sflag:s10], $0x80  }
0x28a: {  	[sflag:s10] =	ssyncset.done $0x0  }
0x28b: {  	[sflag:s10] =	ssyncadd.s32 $0xFFFFFF80  }
0x28c: {  	_ =	swait.ge [sflag:s10], $0x80  }
0x28d: {  	[sflag:s10] =	ssyncset.done $0x0  }
0x28e: {  	[sflag:s10] =	ssyncadd.s32 $0xFFFFFF80  }
0x28f: {  	_ =	swait.ge [sflag:s10], $0x80  }
0x290: {  	[sflag:s10] =	ssyncset.done $0x0  }
0x291: {  	[sflag:s10] =	ssyncadd.s32 $0xFFFFFF80  }
0x292: {  	_ =	swait.ge [sflag:s10], $0x80  }
0x293: {  	[sflag:s10] =	ssyncset.done $0x0  }
0x294: {  	[sflag:s10] =	ssyncadd.s32 $0xFFFFFF80  }
0x295: {  	_ =	swait.ge [sflag:s10], $0x80  }
0x296: {  	[sflag:s10] =	ssyncset.done $0x0  }
0x297: {  	[sflag:s10] =	ssyncadd.s32 $0xFFFFFF80  }
0x298: {  	_ =	swait.ge [sflag:s10], $0x80  }
0x299: {  	[sflag:s10] =	ssyncset.done $0x0  }
0x29a: {  	[sflag:s10] =	ssyncadd.s32 $0xFFFFFF80  }
0x29b: {  	_ =	swait.ge [sflag:s10], $0x80  }
0x29c: {  	[sflag:s10] =	ssyncset.done $0x0  }
0x29d: {  	[sflag:s10] =	ssyncadd.s32 $0xFFFFFF80  }
0x29e: {  	_ =	swait.ge [sflag:s10], $0x80  }
0x29f: {  	[sflag:s10] =	ssyncset.done $0x0  }
0x2a0: {  	[sflag:s10] =	ssyncadd.s32 $0xFFFFFF80  }
0x2a1: {  	_ =	swait.ge [sflag:s10], $0x80  }
0x2a2: {  	[sflag:s10] =	ssyncset.done $0x0  }
0x2a3: {  	[sflag:s10] =	ssyncadd.s32 $0xFFFFFF80  }
0x2a4: {  	_ =	swait.ge [sflag:s10], $0x80  }
0x2a5: {  	[sflag:s10] =	ssyncset.done $0x0  }
0x2a6: {  	[sflag:s10] =	ssyncadd.s32 $0xFFFFFF80  }
0x2a7: {  	_ =	swait.ge [sflag:s10], $0x80  }
0x2a8: {  	[sflag:s10] =	ssyncset.done $0x0  }
0x2a9: {  	[sflag:s10] =	ssyncadd.s32 $0xFFFFFF80  }
0x2aa: {  	_ =	swait.ge [sflag:s10], $0x80  }
0x2ab: {  	[sflag:s10] =	ssyncset.done $0x0  }
0x2ac: {  	[sflag:s10] =	ssyncadd.s32 $0xFFFFFF80  }
0x2ad: {  	_ =	swait.ge [sflag:s10], $0x80  }
0x2ae: {  	[sflag:s10] =	ssyncset.done $0x0  }
0x2af: {  	[sflag:s10] =	ssyncadd.s32 $0xFFFFFF80  }
0x2b0: {  	_ =	swait.ge [sflag:s10], $0x80  }
0x2b1: {  	[sflag:s10] =	ssyncset.done $0x0  }
0x2b2: {  	[sflag:s10] =	ssyncadd.s32 $0xFFFFFF80  }
0x2b3: {  	_ =	swait.ge [sflag:s10], $0x80  }
0x2b4: {  	[sflag:s10] =	ssyncset.done $0x0  }
0x2b5: {  	[sflag:s10] =	ssyncadd.s32 $0xFFFFFF80  }
0x2b6: {  	_ =	swait.ge [sflag:s10], $0x80  }
0x2b7: {  	[sflag:s10] =	ssyncset.done $0x0  }
0x2b8: {  	[sflag:s10] =	ssyncadd.s32 $0xFFFFFF80  }
0x2b9: {  	_ =	swait.ge [sflag:s10], $0x80  }
0x2ba: {  	[sflag:s10] =	ssyncset.done $0x0  }
0x2bb: {  	[sflag:s10] =	ssyncadd.s32 $0xFFFFFF80  }
0x2bc: {  	_ =	swait.ge [sflag:s10], $0x80  }
0x2bd: {  	[sflag:s10] =	ssyncset.done $0x0  }
0x2be: {  	[sflag:s10] =	ssyncadd.s32 $0xFFFFFF80  }
0x2bf: {  	_ =	swait.ge [sflag:s10], $0x80  }
0x2c0: {  	[sflag:s10] =	ssyncset.done $0x0  }
0x2c1: {  	[sflag:s10] =	ssyncadd.s32 $0xFFFFFF80  }
0x2c2: {  	_ =	swait.ge [sflag:s10], $0x80  }
0x2c3: {  	[sflag:s10] =	ssyncset.done $0x0  }
0x2c4: {  	[sflag:s10] =	ssyncadd.s32 $0xFFFFFF80  }
0x2c5: {  	_ =	swait.ge [sflag:s10], $0x80  }
0x2c6: {  	[sflag:s10] =	ssyncset.done $0x0  }
0x2c7: {  	[sflag:s10] =	ssyncadd.s32 $0xFFFFFF80  }
0x2c8: {  	_ =	swait.ge [sflag:s10], $0x80  }
0x2c9: {  	[sflag:s10] =	ssyncset.done $0x0  }
0x2ca: {  	[sflag:s10] =	ssyncadd.s32 $0xFFFFFF80  }
0x2cb: {  	_ =	swait.ge [sflag:s10], $0x80  }
0x2cc: {  	[sflag:s10] =	ssyncset.done $0x0  }
0x2cd: {  	[sflag:s10] =	ssyncadd.s32 $0xFFFFFF80  }
0x2ce: {  	_ =	swait.ge [sflag:s10], $0x80  }
0x2cf: {  	[sflag:s10] =	ssyncset.done $0x0  }
0x2d0: {  	[sflag:s10] =	ssyncadd.s32 $0xFFFFFF80  }
0x2d1: {  	_ =	swait.ge [sflag:s10], $0x80  }
0x2d2: {  	[sflag:s10] =	ssyncset.done $0x0  }
0x2d3: {  	[sflag:s10] =	ssyncadd.s32 $0xFFFFFF80  }
0x2d4: {  	_ =	swait.ge [sflag:s10], $0x80  }
0x2d5: {  	[sflag:s10] =	ssyncset.done $0x0  }
0x2d6: {  	[sflag:s10] =	ssyncadd.s32 $0xFFFFFF80  }
0x2d7: {  	_ =	swait.ge [sflag:s10], $0x80  }
0x2d8: {  	[sflag:s10] =	ssyncset.done $0x0  }
0x2d9: {  	[sflag:s10] =	ssyncadd.s32 $0xFFFFFF80  }
0x2da: {  	_ =	swait.ge [sflag:s10], $0x80  }
0x2db: {  	[sflag:s10] =	ssyncset.done $0x0  }
0x2dc: {  	[sflag:s10] =	ssyncadd.s32 $0xFFFFFF80  }
0x2dd: {  	_ =	swait.ge [sflag:s10], $0x80  }
0x2de: {  	[sflag:s10] =	ssyncset.done $0x0  }
0x2df: {  	[sflag:s10] =	ssyncadd.s32 $0xFFFFFF80  }
0x2e0: {  	_ =	swait.ge [sflag:s10], $0x80  }
0x2e1: {  	[sflag:s10] =	ssyncset.done $0x0  }
0x2e2: {  	[sflag:s10] =	ssyncadd.s32 $0xFFFFFF80  }
0x2e3: {  	_ =	swait.ge [sflag:s10], $0x80  }
0x2e4: {  	[sflag:s10] =	ssyncset.done $0x0  }
0x2e5: {  	[sflag:s10] =	ssyncadd.s32 $0xFFFFFF80  }
0x2e6: {  	_ =	swait.ge [sflag:s10], $0x80  }
0x2e7: {  	[sflag:s10] =	ssyncset.done $0x0  }
0x2e8: {  	[sflag:s10] =	ssyncadd.s32 $0xFFFFFF80  }
0x2e9: {  	_ =	swait.ge [sflag:s10], $0x80  }
0x2ea: {  	[sflag:s10] =	ssyncset.done $0x0  }
0x2eb: {  	[sflag:s10] =	ssyncadd.s32 $0xFFFFFF80  }
0x2ec: {  	_ =	swait.ge [sflag:s10], $0x80  }
0x2ed: {  	[sflag:s10] =	ssyncset.done $0x0  }
0x2ee: {  	[sflag:s10] =	ssyncadd.s32 $0xFFFFFF80  }
0x2ef: {  	_ =	swait.ge [sflag:s10], $0x80  }
0x2f0: {  	[sflag:s10] =	ssyncset.done $0x0  }
0x2f1: {  	[sflag:s10] =	ssyncadd.s32 $0xFFFFFF80  }
0x2f2: {  	_ =	swait.ge [sflag:s10], $0x80  }
0x2f3: {  	[sflag:s10] =	ssyncset.done $0x0  }
0x2f4: {  	[sflag:s10] =	ssyncadd.s32 $0xFFFFFF80  }
0x2f5: {  	_ =	swait.ge [sflag:s10], $0x80  }
0x2f6: {  	[sflag:s10] =	ssyncset.done $0x0  }
0x2f7: {  	[sflag:s10] =	ssyncadd.s32 $0xFFFFFF80  }
0x2f8: {  	_ =	swait.ge [sflag:s10], $0x80  }
0x2f9: {  	[sflag:s10] =	ssyncset.done $0x0  }
0x2fa: {  	[sflag:s10] =	ssyncadd.s32 $0xFFFFFF80  }
0x2fb: {  	_ =	swait.ge [sflag:s10], $0x80  }
0x2fc: {  	[sflag:s10] =	ssyncset.done $0x0  }
0x2fd: {  	[sflag:s10] =	ssyncadd.s32 $0xFFFFFF80  }
0x2fe: {  	_ =	swait.ge [sflag:s10], $0x80  }
0x2ff: {  	[sflag:s10] =	ssyncset.done $0x0  }
0x300: {  	[sflag:s10] =	ssyncadd.s32 $0xFFFFFF80  }
0x301: {  	_ =	swait.ge [sflag:s10], $0x80  }
0x302: {  	[sflag:s10] =	ssyncset.done $0x0  }
0x303: {  	[sflag:s10] =	ssyncadd.s32 $0xFFFFFF80  }
0x304: {  	_ =	swait.ge [sflag:s10], $0x80  }
0x305: {  	[sflag:s10] =	ssyncset.done $0x0  }
0x306: {  	[sflag:s10] =	ssyncadd.s32 $0xFFFFFF80  }
0x307: {  	_ =	swait.ge [sflag:s10], $0x80  }
0x308: {  	[sflag:s10] =	ssyncset.done $0x0  }
0x309: {  	[sflag:s10] =	ssyncadd.s32 $0xFFFFFF80  }
0x30a: {  	_ =	swait.ge [sflag:s10], $0x80  }
0x30b: {  	[sflag:s10] =	ssyncset.done $0x0  }
0x30c: {  	[sflag:s10] =	ssyncadd.s32 $0xFFFFFF80  }
0x30d: {  	_ =	swait.ge [sflag:s10], $0x80  }
0x30e: {  	[sflag:s10] =	ssyncset.done $0x0  }
0x30f: {  	[sflag:s10] =	ssyncadd.s32 $0xFFFFFF80  }
0x310: {  	_ =	swait.ge [sflag:s10], $0x80  }
0x311: {  	[sflag:s10] =	ssyncset.done $0x0  }
0x312: {  	[sflag:s10] =	ssyncadd.s32 $0xFFFFFF80  }
0x313: {  	_ =	swait.ge [sflag:s10], $0x80  }
0x314: {  	[sflag:s10] =	ssyncset.done $0x0  }
0x315: {  	[sflag:s10] =	ssyncadd.s32 $0xFFFFFF80  }
0x316: {  	s12 =	sadd.s32 $0x1, s12;
	_ =	swait.ge [sflag:s10], $0x80  }
0x317: {  	p0 =	sne.s32 s12, s8;
	[sflag:s10] =	ssyncset.done $0x0  }
.Ltmp2:
0x318: {  	s0 =	simm.s32 $0x380;
	[sflag:s10] =	ssyncadd.s32 $0xFFFFFF80;
	(pc) =	sbr.rel @p0 .LBB2_1-.Ltmp2, $4  }
0x319: {  	[hbm4b:s7+s2] =	stream.linear.scatter [tilespmem:s0], [sflag:$0x2], $0x19000, $0x38;
	[tilespmem:$0x19380] =	vst v63  }
0x31a: {  	_ =	swait.ge [sflag:s9], $0x19000  }
0x31b: {  	[sflag:s9] =	ssyncset.done $0x0  }
0x31c: {  	[sflag:s9] =	ssyncadd.s32 $0xFFFE7000  }
0x31d: {  	_ =	sfence.sel $0x180000  }
0x31e: {  	[bflag:$0x0] =	sbarrier.arrive $0xFFFF  }
0x31f: {  	_ =	strace $0x90000047  }
0x320: {  	s0 =	stileid.u32;
	[bflag:$0x2] =	sbarrier.arrive $0xFFFF  }
0x321: {  	p0 =	sne.s32 s0, $0x0;
	s0 =	rddreg [dreg:$0x2]  }
0x322: {  	s0 =	sadd.s32 @!p0 $0x100000, s0  }
0x323: {  	[sflag:s0] =	ssyncadd.tile.s32 @!p0 $0x1;
	_ =	shalt  }
.Lfunc_end2:
_tile_overlayer_lowered:
.L_overlay_start_2:
0x324: {  	(tag) =	ssettag $0x2  }
0x325: {  	s0 =	rddreg [dreg:$0x0];
	s2 =	stileid.u32  }
0x326: {  	s1 =	rddreg [dreg:$0x1];
	p0 =	sne.s32 s2, $0x0  }
0x327: {  	s3 =	rddreg [dreg:$0x2];
	[bflag:$0x3] =	sbarrier.arrive $0xFFFF;
	s2 =	simm.s32 @!p0 $0x1C02  }
0x328: {  	[timem:s3], [sflag:s2] =	dma.local @!p0 [hbm:s0], s1  }
0x329: {  	s0 =	simm.s32 @!p0 $0x2  }
0x32a: {  	_ =	swait.ge @!p0 [sflag:s0], s1  }
0x32b: {  	s1 =	ssub.s32 @!p0 $0x0, s1;
	[sflag:s0] =	ssyncset.done @!p0 $0x0  }
0x32c: {  	[sflag:s0] =	ssyncadd.s32 @!p0 s1  }
0x32d: {  	[bflag:$0x3] =	sbarrier.arrive $0xFFFF  }
0x32e: {  	_ =	shalt  }

</sc_bundles>
